<compile_context>
chip_gen: v7x
topology: tpu7x:2x2x1
jax: 0.10.2.dev20260603
libtpu: 0.0.44.dev20260713+nightly
codegen_flags: <defaults>
</compile_context>

<pallas_src>
import functools

import jax
import jax.numpy as jnp
import numpy as np
from jax import lax
from jax.experimental import pallas as pl
from jax.experimental.pallas import tpu as pltpu
from jax.experimental.pallas import tpu_sc as plsc

EPS = 1e-06
N_HEADS = 8
B = 8
N = 1177
E = 40000
D = 64
NP = 1280
N2 = 1184
W = 80
N_TILES = 16
CHUNK = 128
N_CHUNKS = 20
E_TILE = CHUNK * N_CHUNKS
E_PAD = E_TILE * N_TILES
WAVE = 4
NEG = -1e30


def _pre_body(nf_ref, pos_ref, nw_ref, nb_ref,
              a1_ref, a1b_ref, b1_ref, b1b_ref,
              a2_ref, a2b_ref, b2_ref, b2b_ref,
              zx_ref, hn_ref):
    nf = nf_ref[0]
    h = jnp.tanh(nf @ nw_ref[...] + nb_ref[...]) + pos_ref[0]
    hn_ref[0] = h
    rowmask = lax.broadcasted_iota(jnp.int32, (N2, W), 0) < N
    widen = [jnp.ones((N2, 16), jnp.float32)]
    if W > D + 16:
        widen.append(jnp.zeros((N2, W - D - 16), jnp.float32))
    z1 = jnp.tanh(jnp.tanh(h @ a1_ref[...] + a1b_ref[...]) @ b1_ref[...] + b1b_ref[...])
    z2 = jnp.tanh(jnp.tanh(h @ a2_ref[...] + a2b_ref[...]) @ b2_ref[...] + b2b_ref[...])
    pad = jnp.zeros((NP - N2, W), jnp.float32)
    zx_ref[0, 0, :N2, :] = jnp.where(
        rowmask, jnp.concatenate([z1] + widen, axis=-1), 0.0)
    zx_ref[0, 0, N2:, :] = pad
    zx_ref[0, 1, :N2, :] = jnp.where(
        rowmask, jnp.concatenate([z2] + widen, axis=-1), 0.0)
    zx_ref[0, 1, N2:, :] = pad


def _run_pre(nf_pad, pos_pad, node_enc, fc1, fc2):
    full = lambda shape: pl.BlockSpec(shape, lambda b: tuple(0 for _ in shape))
    return pl.pallas_call(
        _pre_body,
        grid=(B,),
        in_specs=[
            pl.BlockSpec((1, N2, 32), lambda b: (b, 0, 0)),
            pl.BlockSpec((1, N2, D), lambda b: (0, 0, 0)),
            full((32, D)), full((D,)),
            full((D, D)), full((D,)), full((D, D)), full((D,)),
            full((D, D)), full((D,)), full((D, D)), full((D,)),
        ],
        out_specs=[
            pl.BlockSpec((1, 2, NP, W), lambda b: (b, 0, 0, 0)),
            pl.BlockSpec((1, N2, D), lambda b: (b, 0, 0)),
        ],
        out_shape=[
            jax.ShapeDtypeStruct((B, 2, NP, W), jnp.float32),
            jax.ShapeDtypeStruct((B, N2, D), jnp.float32),
        ],
    )(nf_pad, pos_pad, node_enc['W'], node_enc['b'],
      fc1[0]['W'], fc1[0]['b'], fc1[1]['W'], fc1[1]['b'],
      fc2[0]['W'], fc2[0]['b'], fc2[1]['W'], fc2[1]['b'])


def _sc_body(zx_hbm, i0_hbm, i1_hbm, s0_hbm, s1_hbm, zz_hbm, out_hbm,
             g0_v, g1_v, l0_v, l1_v, r0x, r1x, r0y, r1y, acc_sh,
             sgx0, sgx1, sgy0, sgy1, ssx0, ssx1, ssy0, ssy1):
    c = lax.axis_index("c")
    t = lax.axis_index("s")

    def wait_gather(idx_row, dst, sem):
        pltpu.make_async_copy(zx_hbm.at[idx_row], dst, sem).wait()

    def wait_scatter(dst, sem):
        pltpu.make_async_copy(zx_hbm.at[pl.ds(0, CHUNK)], dst, sem).wait()

    def do_pair(q):
        pltpu.sync_copy(i0_hbm.at[c, q, t], g0_v)
        pltpu.sync_copy(i1_hbm.at[c, q, t], g1_v)
        pltpu.sync_copy(s0_hbm.at[c, q, t], l0_v)
        pltpu.sync_copy(s1_hbm.at[c, q, t], l1_v)

        pltpu.async_copy(zx_hbm.at[g0_v.at[0]], r0x, sgx0)
        pltpu.async_copy(zx_hbm.at[g1_v.at[0]], r1x, sgx1)

        @pl.loop(0, N_CHUNKS // 2)
        def _k(k):
            ch0 = 2 * k
            ch1 = 2 * k + 1
            wait_gather(g0_v.at[ch0], r0x, sgx0)
            wait_gather(g1_v.at[ch0], r1x, sgx1)
            pltpu.async_copy(r1x, acc_sh.at[l0_v.at[ch0]], ssx0, add=True)
            pltpu.async_copy(r0x, acc_sh.at[l1_v.at[ch0]], ssx1, add=True)

            @pl.when(k > 0)
            def _():
                wait_scatter(r0y, ssy0)
                wait_scatter(r1y, ssy1)

            pltpu.async_copy(zx_hbm.at[g0_v.at[ch1]], r0y, sgy0)
            pltpu.async_copy(zx_hbm.at[g1_v.at[ch1]], r1y, sgy1)
            wait_gather(g0_v.at[ch1], r0y, sgy0)
            wait_gather(g1_v.at[ch1], r1y, sgy1)
            pltpu.async_copy(r1y, acc_sh.at[l0_v.at[ch1]], ssy0, add=True)
            pltpu.async_copy(r0y, acc_sh.at[l1_v.at[ch1]], ssy1, add=True)
            wait_scatter(r0x, ssx0)
            wait_scatter(r1x, ssx1)

            @pl.when(k < N_CHUNKS // 2 - 1)
            def _():
                pltpu.async_copy(zx_hbm.at[g0_v.at[ch0 + 2]], r0x, sgx0)
                pltpu.async_copy(zx_hbm.at[g1_v.at[ch0 + 2]], r1x, sgx1)

        wait_scatter(r0y, ssy0)
        wait_scatter(r1y, ssy1)

    for wave in range(2):
        for q in range(WAVE):
            base = q * NP + t * 80
            pltpu.sync_copy(zz_hbm, acc_sh.at[pl.ds(base, 80)])
        plsc.subcore_barrier()
        for q in range(WAVE):
            do_pair(wave * WAVE + q)
        plsc.subcore_barrier()
        for q in range(WAVE):
            base = q * NP + t * 80
            pltpu.sync_copy(acc_sh.at[pl.ds(base, 80)],
                            out_hbm.at[wave * WAVE + q, c, pl.ds(t * 80, 80)])


@functools.lru_cache(maxsize=1)
def _get_sc_call():
    return functools.partial(
        pl.kernel,
        out_type=jax.ShapeDtypeStruct((B, 2, NP, W), jnp.float32),
        mesh=plsc.VectorSubcoreMesh(core_axis_name="c", subcore_axis_name="s"),
        compiler_params=pltpu.CompilerParams(use_tc_tiling_on_sc=False),
        scratch_types=[
            pltpu.VMEM((N_CHUNKS, CHUNK), jnp.int32),
            pltpu.VMEM((N_CHUNKS, CHUNK), jnp.int32),
            pltpu.VMEM((N_CHUNKS, CHUNK), jnp.int32),
            pltpu.VMEM((N_CHUNKS, CHUNK), jnp.int32),
            pltpu.VMEM((CHUNK, W), jnp.float32),
            pltpu.VMEM((CHUNK, W), jnp.float32),
            pltpu.VMEM((CHUNK, W), jnp.float32),
            pltpu.VMEM((CHUNK, W), jnp.float32),
            pltpu.VMEM_SHARED((WAVE * NP, W), jnp.float32),
            pltpu.SemaphoreType.DMA,
            pltpu.SemaphoreType.DMA,
            pltpu.SemaphoreType.DMA,
            pltpu.SemaphoreType.DMA,
            pltpu.SemaphoreType.DMA,
            pltpu.SemaphoreType.DMA,
            pltpu.SemaphoreType.DMA,
            pltpu.SemaphoreType.DMA,
        ],
    )(_sc_body)


def _prep_edges(edge_index_dis, edge_index_od):
    def one(ei, s):
        pad = jnp.full((B, E_PAD - E, 2), N, jnp.int32)
        eip = jnp.concatenate([ei.astype(jnp.int32), pad], axis=1)
        gbase = ((2 * jnp.arange(B, dtype=jnp.int32) + s) * NP)[:, None]
        lbase = ((jnp.arange(B, dtype=jnp.int32) % WAVE) * NP)[:, None]
        shp = (B, N_TILES, N_CHUNKS, CHUNK)
        return ((eip[:, :, 0] + gbase).reshape(shp),
                (eip[:, :, 1] + gbase).reshape(shp),
                (eip[:, :, 0] + lbase).reshape(shp),
                (eip[:, :, 1] + lbase).reshape(shp))
    d = one(edge_index_dis, 0)
    o = one(edge_index_od, 1)
    return tuple(jnp.stack([d[k], o[k]], axis=0) for k in range(4))


def _post_body(sc_ref, hn_ref, num_ref, stage_ref, mc_ref,
               gw_ref, gb_ref, uw_ref, ub_ref,
               qw_ref, qb_ref, kw_ref, kb_ref, vw_ref, vb_ref,
               mqw_ref, mqb_ref, mkw_ref, mkb_ref, mvw_ref, mvb_ref,
               mow_ref, mob_ref, lg_ref, lb_ref,
               n1w_ref, n1b_ref, n2w_ref, n2b_ref,
               hatt_ref, sv_ref):
    hnum = jnp.tanh(num_ref[0] @ n1w_ref[...] + n1b_ref[...])
    hnum = jnp.tanh(hnum @ n2w_ref[...] + n2b_ref[...])
    cur = hn_ref[0]

    hs = []
    for s in range(2):
        acc = sc_ref[0, s]
        comb = acc[:, :D] / (acc[:, D:D + 1] + EPS)
        cat = jnp.concatenate([cur, comb], axis=-1)
        gate = jnp.tanh(cat @ gw_ref[...] + gb_ref[...])
        upd = jnp.tanh(cat @ uw_ref[...] + ub_ref[...])
        hs.append(gate * upd + (1.0 - gate) * cur)
    hcat = jnp.concatenate(hs, axis=-1)

    q = hcat @ qw_ref[...] + qb_ref[...]
    k = hcat @ kw_ref[...] + kb_ref[...]
    v = hcat @ vw_ref[...] + vb_ref[...]
    qp = q @ mqw_ref[...] + mqb_ref[...]
    kp = k @ mkw_ref[...] + mkb_ref[...]
    vp = v @ mvw_ref[...] + mvb_ref[...]

    keymaskT = (mc_ref[...] > 0.0)
    dh = D // N_HEADS
    scale = 1.0 / float(np.sqrt(dh))
    outsT = []
    for h in range(N_HEADS):
        sl = slice(h * dh, (h + 1) * dh)
        sT = lax.dot_general(kp[:, sl], qp[:, sl],
                             (((1,), (1,)), ((), ()))) * scale
        sT = jnp.where(keymaskT, sT, NEG)
        m = jnp.max(sT, axis=0, keepdims=True)
        e = jnp.exp(sT - m)
        a = e / jnp.sum(e, axis=0, keepdims=True)
        outsT.append(lax.dot_general(vp[:, sl], a,
                                     (((0,), (0,)), ((), ()))))
    att = lax.dot_general(jnp.concatenate(outsT, axis=0), mow_ref[...],
                          (((0,), (0,)), ((), ()))) + mob_ref[...]

    mu = att.mean(axis=-1, keepdims=True)
    var = ((att - mu) ** 2).mean(axis=-1, keepdims=True)
    h_att = (att - mu) / jnp.sqrt(var + 1e-05) * lg_ref[...] + lb_ref[...]
    hatt_ref[0] = h_att

    rmask = lax.broadcasted_iota(jnp.int32, (N2, D), 0) < N
    hmean = jnp.sum(jnp.where(rmask, h_att, 0.0), axis=0, keepdims=True) / float(N)
    sv_ref[0, 0, :D] = hnum[0]
    sv_ref[0, 0, D:2 * D] = hmean[0]
    sv_ref[0, 0, 2 * D:] = stage_ref[0, 0]


def _run_post(sc_out, hn, numerical, stage, maskcol, params):
    full = lambda shape: pl.BlockSpec(shape, lambda b: tuple(0 for _ in shape))
    g = params['gated']
    m = params['mha1']
    ne = params['num_enc']
    return pl.pallas_call(
        _post_body,
        grid=(B,),
        in_specs=[
            pl.BlockSpec((1, 2, N2, W), lambda b: (b, 0, 0, 0)),
            pl.BlockSpec((1, N2, D), lambda b: (b, 0, 0)),
            pl.BlockSpec((1, 1, 64), lambda b: (b, 0, 0)),
            pl.BlockSpec((1, 1, 2), lambda b: (b, 0, 0)),
            full((N2, 1)),
            full((2 * D, D)), full((D,)), full((2 * D, D)), full((D,)),
            full((2 * D, D)), full((D,)), full((2 * D, D)), full((D,)),
            full((2 * D, D)), full((D,)),
            full((D, D)), full((D,)), full((D, D)), full((D,)),
            full((D, D)), full((D,)), full((D, D)), full((D,)),
            full((D,)), full((D,)),
            full((64, 128)), full((128,)), full((128, 64)), full((64,)),
        ],
        out_specs=[
            pl.BlockSpec((1, N2, D), lambda b: (b, 0, 0)),
            pl.BlockSpec((1, 1, 2 * D + 2), lambda b: (b, 0, 0)),
        ],
        out_shape=[
            jax.ShapeDtypeStruct((B, N2, D), jnp.float32),
            jax.ShapeDtypeStruct((B, 1, 2 * D + 2), jnp.float32),
        ],
    )(sc_out, hn, numerical.reshape(B, 1, -1), stage.reshape(B, 1, 2), maskcol,
      g['gate_W'], g['gate_b'], g['update_W'], g['update_b'],
      params['attn_q']['W'], params['attn_q']['b'],
      params['attn_k']['W'], params['attn_k']['b'],
      params['attn_v']['W'], params['attn_v']['b'],
      m['Wq'], m['bq'], m['Wk'], m['bk'], m['Wv'], m['bv'], m['Wo'], m['bo'],
      params['ln1']['g'], params['ln1']['b'],
      ne[0]['W'], ne[0]['b'], ne[1]['W'], ne[1]['b'])


def kernel(numerical, node_feature, edge_index_dis, edge_index_od, node_mask, stage, params):
    nf_pad = jnp.pad(node_feature, ((0, 0), (0, N2 - N), (0, 0)))
    pos_pad = jnp.pad(params['pos_enc'][:, :N, :], ((0, 0), (0, N2 - N), (0, 0)))
    zx, hn = _run_pre(nf_pad, pos_pad, params['node_enc'],
                      params['edge_fc1'][-1], params['edge_fc2'][-1])
    i0, i1, s0, s1 = _prep_edges(edge_index_dis, edge_index_od)
    zeros_in = jnp.zeros((80, W), jnp.float32)
    sc_out = _get_sc_call()(zx.reshape(2 * B * NP, W), i0, i1, s0, s1, zeros_in)
    maskcol = nf_pad[0, :, -5].reshape(N2, 1)
    h_att, sv = _run_post(sc_out[:, :, :N2, :], hn,
                          numerical.reshape(B, -1), stage, maskcol, params)
    return (h_att[:, :N, :], sv[:, 0, :], node_mask, stage)

# --- scband reference (transcript-rebuilt; emitter-appended) ---
"""Pipeline reference for scband-gagstate-encoder-54941221650673 (READ-ONLY COPY).

The authoritative reference and input builder live on the scoring server;
editing this copy changes nothing except your own understanding.
"""

import jax, jax.numpy as jnp
import numpy as np

EPS = 1e-06
NUM_HEADS = 8


def _linear(x, p):
    return x @ p['W'] + p['b']


def _layer_norm(x, p, eps=1e-05):
    m = x.mean(axis=-1, keepdims=True)
    v = ((x - m) ** 2).mean(axis=-1, keepdims=True)
    return (x - m) / jnp.sqrt(v + eps) * p['g'] + p['b']


def _mha(q, k, v, p, n_heads, key_mask=None):
    B, Nq, d = q.shape
    Nk = k.shape[1]
    dh = d // n_heads
    qp = (q @ p['Wq'] + p['bq']).reshape(B, Nq, n_heads, dh).transpose(0, 2, 1, 3)
    kp = (k @ p['Wk'] + p['bk']).reshape(B, Nk, n_heads, dh).transpose(0, 2, 1, 3)
    vp = (v @ p['Wv'] + p['bv']).reshape(B, Nk, n_heads, dh).transpose(0, 2, 1, 3)
    s = qp @ kp.transpose(0, 1, 3, 2) / float(np.sqrt(dh))
    if key_mask is not None:
        s = jnp.where(key_mask[None, None, None, :], s, -jnp.inf)
    a = jax.nn.softmax(s, axis=-1)
    o = (a @ vp).transpose(0, 2, 1, 3).reshape(B, Nq, d)
    return o @ p['Wo'] + p['bo']


def _edge_fc(x, layers):
    for p in layers:
        x = jnp.tanh(x @ p['W'] + p['b'])
    return x


def _gather_to_edges(h_nodes, edge_index, layers):
    e12 = jnp.take_along_axis(h_nodes, edge_index[:, :, 0][:, :, None], axis=1)
    e12 = _edge_fc(e12, layers)
    e21 = jnp.take_along_axis(h_nodes, edge_index[:, :, 1][:, :, None], axis=1)
    e21 = _edge_fc(e21, layers)
    return ((e12 + e21) / 2.0, e12, e21)


def _scatter_count(h_edges, idx, n_nodes):
    def per(e, i):
        s = jax.ops.segment_sum(e, i, num_segments=n_nodes)
        c = jax.ops.segment_sum(jnp.ones_like(e), i, num_segments=n_nodes)
        return s, c
    return jax.vmap(per)(h_edges, idx)


def _gated_update(cur, inc, p):
    comb = jnp.concatenate([cur, inc], axis=-1)
    gate = jnp.tanh(comb @ p['gate_W'] + p['gate_b'])
    upd = jnp.tanh(comb @ p['update_W'] + p['update_b'])
    return gate * upd + (1.0 - gate) * cur


def _scatter_to_nodes(h_nodes, h_edges_tuple, edge_index, n_nodes, gated_p):
    _, e12, e21 = h_edges_tuple
    h1, c1 = _scatter_count(e21, edge_index[:, :, 0], n_nodes)
    h2, c2 = _scatter_count(e12, edge_index[:, :, 1], n_nodes)
    comb = (h1 + h2) / (c1 + c2 + EPS)
    return _gated_update(h_nodes, comb, gated_p)


def _forward(numerical, node_feature, stage, params, edge_index_dis, edge_index_od, build_mask):
    h_num = numerical.reshape(numerical.shape[0], -1)
    for p in params['num_enc']:
        h_num = jnp.tanh(h_num @ p['W'] + p['b'])
    h_nodes = jnp.tanh(node_feature @ params['node_enc']['W'] + params['node_enc']['b'])
    h_nodes = h_nodes + params['pos_enc'][:, :h_nodes.shape[1], :]
    n = node_feature.shape[1]
    h1 = jnp.zeros_like(h_nodes)
    h2 = jnp.zeros_like(h_nodes)
    for layers in params['edge_fc1']:
        he = _gather_to_edges(h_nodes, edge_index_dis, layers)
        h1 = _scatter_to_nodes(h_nodes, he, edge_index_dis, n, params['gated'])
    for layers in params['edge_fc2']:
        he = _gather_to_edges(h_nodes, edge_index_od, layers)
        h2 = _scatter_to_nodes(h_nodes, he, edge_index_od, n, params['gated'])
    h_cat = jnp.concatenate([h1, h2], axis=-1)
    build = h_cat
    q = h_cat @ params['attn_q']['W'] + params['attn_q']['b']
    k = build @ params['attn_k']['W'] + params['attn_k']['b']
    v = build @ params['attn_v']['W'] + params['attn_v']['b']
    att = _mha(q, k, v, params['mha1'], NUM_HEADS, key_mask=build_mask)
    h_att = _layer_norm(att, params['ln1'])
    h_mean = h_att.mean(axis=1)
    state_value = jnp.concatenate([h_num, h_mean, stage], axis=-1)
    return h_att, state_value


def setup_inputs(seed: int = 0):
    key = jax.random.key(seed)
    ks = jax.random.split(key, 32)
    B, N, E, D, NF, ND = 8, 1177, 40000, 64, 64, 32

    def lin(k, fin, fout):
        k1, _ = jax.random.split(k)
        return {'W': (jax.random.normal(k1, (fin, fout), jnp.float32) / np.sqrt(fin)).astype(jnp.float32),
                'b': jnp.zeros((fout,), jnp.float32)}

    params = {
        'num_enc': [lin(ks[0], NF, 128), lin(ks[1], 128, 64)],
        'node_enc': lin(ks[2], ND, D),
        'pos_enc': jax.random.normal(ks[3], (1, 1177, D), jnp.float32) * 0.02,
        'edge_fc1': [[lin(jax.random.fold_in(ks[4], i * 10 + j), D, D) for j in range(2)] for i in range(3)],
        'edge_fc2': [[lin(jax.random.fold_in(ks[5], i * 10 + j), D, D) for j in range(2)] for i in range(3)],
        'gated': {'gate_W': jax.random.normal(ks[6], (2 * D, D), jnp.float32) / np.sqrt(2 * D),
                  'gate_b': jnp.zeros((D,), jnp.float32),
                  'update_W': jax.random.normal(ks[7], (2 * D, D), jnp.float32) / np.sqrt(2 * D),
                  'update_b': jnp.zeros((D,), jnp.float32)},
        'attn_q': lin(ks[8], 2 * D, D),
        'attn_k': lin(ks[9], 2 * D, D),
        'attn_v': lin(ks[10], 2 * D, D),
        'mha1': {'Wq': jax.random.normal(ks[11], (D, D), jnp.float32) / np.sqrt(D), 'bq': jnp.zeros((D,), jnp.float32),
                 'Wk': jax.random.normal(ks[12], (D, D), jnp.float32) / np.sqrt(D), 'bk': jnp.zeros((D,), jnp.float32),
                 'Wv': jax.random.normal(ks[13], (D, D), jnp.float32) / np.sqrt(D), 'bv': jnp.zeros((D,), jnp.float32),
                 'Wo': jax.random.normal(ks[14], (D, D), jnp.float32) / np.sqrt(D), 'bo': jnp.zeros((D,), jnp.float32)},
        'ln1': {'g': jnp.ones((D,), jnp.float32), 'b': jnp.zeros((D,), jnp.float32)},
    }
    return {
        'numerical': jax.random.normal(ks[20], (B, NF), jnp.float32),
        'node_feature': jax.random.normal(ks[21], (B, N, ND), jnp.float32),
        'edge_index_dis': jax.random.randint(ks[22], (B, E, 2), 0, N, jnp.int32),
        'edge_index_od': jax.random.randint(ks[23], (B, E, 2), 0, N, jnp.int32),
        'node_mask': jnp.ones((B, N), jnp.bool_),
        'stage': jax.random.uniform(ks[24], (B, 2), jnp.float32),
        'params': params,
    }


def reference(numerical, node_feature, edge_index_dis, edge_index_od, node_mask, stage, params):
    build_mask = node_feature[0, :, -5] > 0
    state_policy, state_value = _forward(numerical, node_feature, stage, params, edge_index_dis, edge_index_od, build_mask)
    return (state_policy, state_value, node_mask, stage)

if __name__ == "__main__":
    import jax
    _d = setup_inputs()
    print(jax.jit(kernel)(*tuple(_d.values())))

</pallas_src>

<mosaic_0001>
#map = affine_map<(d0, d1) -> (0, 0)>
#map1 = affine_map<(d0, d1) -> (0, 0, 0, 0, 0)>
#map2 = affine_map<(d0, d1) -> (0, 0, 0, 0)>
module attributes {stable_mosaic.version = 14 : i64} {
  func.func @_sc_body(%arg0: i32, %arg1: i32, %arg2: memref<20480x80xf32, #tpu.memory_space<hbm>>, %arg3: memref<2x8x16x20x128xi32, #tpu.memory_space<hbm>>, %arg4: memref<2x8x16x20x128xi32, #tpu.memory_space<hbm>>, %arg5: memref<2x8x16x20x128xi32, #tpu.memory_space<hbm>>, %arg6: memref<2x8x16x20x128xi32, #tpu.memory_space<hbm>>, %arg7: memref<80x80xf32, #tpu.memory_space<hbm>>, %arg8: memref<8x2x1280x80xf32, #tpu.memory_space<hbm>>, %arg9: memref<20x128xi32, #tpu.memory_space<vmem>>, %arg10: memref<20x128xi32, #tpu.memory_space<vmem>>, %arg11: memref<20x128xi32, #tpu.memory_space<vmem>>, %arg12: memref<20x128xi32, #tpu.memory_space<vmem>>, %arg13: memref<128x80xf32, #tpu.memory_space<vmem>>, %arg14: memref<128x80xf32, #tpu.memory_space<vmem>>, %arg15: memref<128x80xf32, #tpu.memory_space<vmem>>, %arg16: memref<128x80xf32, #tpu.memory_space<vmem>>, %arg17: memref<5120x80xf32, #tpu.memory_space<vmem_shared>>, %arg18: memref<!tpu.dma_semaphore, #tpu.memory_space<semaphore_mem>>, %arg19: memref<!tpu.dma_semaphore, #tpu.memory_space<semaphore_mem>>, %arg20: memref<!tpu.dma_semaphore, #tpu.memory_space<semaphore_mem>>, %arg21: memref<!tpu.dma_semaphore, #tpu.memory_space<semaphore_mem>>, %arg22: memref<!tpu.dma_semaphore, #tpu.memory_space<semaphore_mem>>, %arg23: memref<!tpu.dma_semaphore, #tpu.memory_space<semaphore_mem>>, %arg24: memref<!tpu.dma_semaphore, #tpu.memory_space<semaphore_mem>>, %arg25: memref<!tpu.dma_semaphore, #tpu.memory_space<semaphore_mem>>) attributes {dimension_semantics = [#tpu.dimension_semantics<core_parallel>, #tpu.dimension_semantics<subcore_parallel>], iteration_bounds = array<i64: 2, 16>, scalar_prefetch = 0 : i64, scratch_operands = 17 : i64, tpu.core_type = #tpu.core_type<sc_vector_subcore>, window_params = [{transform_indices = #map}, {transform_indices = #map1}, {transform_indices = #map1}, {transform_indices = #map1}, {transform_indices = #map1}, {transform_indices = #map}, {transform_indices = #map2}]} {
    %mul3A = arith.constant 80 : i32
    %mul3A_0 = arith.muli %arg1, %mul3A : i32
    %add3A = arith.constant 0 : i32
    %add3A_1 = arith.addi %add3A, %mul3A_0 : i32
    "tpu.region"() ({
      %run_scoped3A_365 = tpu.sem_alloc : memref<!tpu.dma_semaphore, #tpu.memory_space<semaphore_mem>>
      %dma_start3A_366 = arith.constant 0 : i32
      %dma_start3A_367 = tpu.memref_slice %arg17[%add3A_1, %dma_start3A_366] : memref<5120x80xf32, #tpu.memory_space<vmem_shared>> -> memref<80x80xf32, #tpu.memory_space<vmem_shared>>
      tpu.enqueue_dma source(%arg7 : memref<80x80xf32, #tpu.memory_space<hbm>>) target(%dma_start3A_367 : memref<80x80xf32, #tpu.memory_space<vmem_shared>>) target_semaphore(%run_scoped3A_365 : memref<!tpu.dma_semaphore, #tpu.memory_space<semaphore_mem>>)
      %dma_wait3A_368 = arith.constant 0 : i32
      %dma_wait3A_369 = tpu.memref_slice %arg17[%add3A_1, %dma_wait3A_368] : memref<5120x80xf32, #tpu.memory_space<vmem_shared>> -> memref<80x80xf32, #tpu.memory_space<vmem_shared>>
      tpu.wait_dma2 semaphore(%run_scoped3A_365 : memref<!tpu.dma_semaphore, #tpu.memory_space<semaphore_mem>>) src(%arg7 : memref<80x80xf32, #tpu.memory_space<hbm>>) dst(%dma_wait3A_369 : memref<80x80xf32, #tpu.memory_space<vmem_shared>>)
      tpu.yield
    }) : () -> ()
    %mul3A_2 = arith.constant 80 : i32
    %mul3A_3 = arith.muli %arg1, %mul3A_2 : i32
    %add3A_4 = arith.constant 1280 : i32
    %add3A_5 = arith.addi %add3A_4, %mul3A_3 : i32
    "tpu.region"() ({
      %run_scoped3A_365 = tpu.sem_alloc : memref<!tpu.dma_semaphore, #tpu.memory_space<semaphore_mem>>
      %dma_start3A_366 = arith.constant 0 : i32
      %dma_start3A_367 = tpu.memref_slice %arg17[%add3A_5, %dma_start3A_366] : memref<5120x80xf32, #tpu.memory_space<vmem_shared>> -> memref<80x80xf32, #tpu.memory_space<vmem_shared>>
      tpu.enqueue_dma source(%arg7 : memref<80x80xf32, #tpu.memory_space<hbm>>) target(%dma_start3A_367 : memref<80x80xf32, #tpu.memory_space<vmem_shared>>) target_semaphore(%run_scoped3A_365 : memref<!tpu.dma_semaphore, #tpu.memory_space<semaphore_mem>>)
      %dma_wait3A_368 = arith.constant 0 : i32
      %dma_wait3A_369 = tpu.memref_slice %arg17[%add3A_5, %dma_wait3A_368] : memref<5120x80xf32, #tpu.memory_space<vmem_shared>> -> memref<80x80xf32, #tpu.memory_space<vmem_shared>>
      tpu.wait_dma2 semaphore(%run_scoped3A_365 : memref<!tpu.dma_semaphore, #tpu.memory_space<semaphore_mem>>) src(%arg7 : memref<80x80xf32, #tpu.memory_space<hbm>>) dst(%dma_wait3A_369 : memref<80x80xf32, #tpu.memory_space<vmem_shared>>)
      tpu.yield
    }) : () -> ()
    %mul3A_6 = arith.constant 80 : i32
    %mul3A_7 = arith.muli %arg1, %mul3A_6 : i32
    %add3A_8 = arith.constant 2560 : i32
    %add3A_9 = arith.addi %add3A_8, %mul3A_7 : i32
    "tpu.region"() ({
      %run_scoped3A_365 = tpu.sem_alloc : memref<!tpu.dma_semaphore, #tpu.memory_space<semaphore_mem>>
      %dma_start3A_366 = arith.constant 0 : i32
      %dma_start3A_367 = tpu.memref_slice %arg17[%add3A_9, %dma_start3A_366] : memref<5120x80xf32, #tpu.memory_space<vmem_shared>> -> memref<80x80xf32, #tpu.memory_space<vmem_shared>>
      tpu.enqueue_dma source(%arg7 : memref<80x80xf32, #tpu.memory_space<hbm>>) target(%dma_start3A_367 : memref<80x80xf32, #tpu.memory_space<vmem_shared>>) target_semaphore(%run_scoped3A_365 : memref<!tpu.dma_semaphore, #tpu.memory_space<semaphore_mem>>)
      %dma_wait3A_368 = arith.constant 0 : i32
      %dma_wait3A_369 = tpu.memref_slice %arg17[%add3A_9, %dma_wait3A_368] : memref<5120x80xf32, #tpu.memory_space<vmem_shared>> -> memref<80x80xf32, #tpu.memory_space<vmem_shared>>
      tpu.wait_dma2 semaphore(%run_scoped3A_365 : memref<!tpu.dma_semaphore, #tpu.memory_space<semaphore_mem>>) src(%arg7 : memref<80x80xf32, #tpu.memory_space<hbm>>) dst(%dma_wait3A_369 : memref<80x80xf32, #tpu.memory_space<vmem_shared>>)
      tpu.yield
    }) : () -> ()
    %mul3A_10 = arith.constant 80 : i32
    %mul3A_11 = arith.muli %arg1, %mul3A_10 : i32
    %add3A_12 = arith.constant 3840 : i32
    %add3A_13 = arith.addi %add3A_12, %mul3A_11 : i32
    "tpu.region"() ({
      %run_scoped3A_365 = tpu.sem_alloc : memref<!tpu.dma_semaphore, #tpu.memory_space<semaphore_mem>>
      %dma_start3A_366 = arith.constant 0 : i32
      %dma_start3A_367 = tpu.memref_slice %arg17[%add3A_13, %dma_start3A_366] : memref<5120x80xf32, #tpu.memory_space<vmem_shared>> -> memref<80x80xf32, #tpu.memory_space<vmem_shared>>
      tpu.enqueue_dma source(%arg7 : memref<80x80xf32, #tpu.memory_space<hbm>>) target(%dma_start3A_367 : memref<80x80xf32, #tpu.memory_space<vmem_shared>>) target_semaphore(%run_scoped3A_365 : memref<!tpu.dma_semaphore, #tpu.memory_space<semaphore_mem>>)
      %dma_wait3A_368 = arith.constant 0 : i32
      %dma_wait3A_369 = tpu.memref_slice %arg17[%add3A_13, %dma_wait3A_368] : memref<5120x80xf32, #tpu.memory_space<vmem_shared>> -> memref<80x80xf32, #tpu.memory_space<vmem_shared>>
      tpu.wait_dma2 semaphore(%run_scoped3A_365 : memref<!tpu.dma_semaphore, #tpu.memory_space<semaphore_mem>>) src(%arg7 : memref<80x80xf32, #tpu.memory_space<hbm>>) dst(%dma_wait3A_369 : memref<80x80xf32, #tpu.memory_space<vmem_shared>>)
      tpu.yield
    }) : () -> ()
    %barrier3A = arith.constant 0 : index
    tpu.barrier barrier_id(%barrier3A)
    %run_scoped3A = arith.constant 0 : i32
    "tpu.region"() ({
      %run_scoped3A_365 = tpu.sem_alloc : memref<!tpu.dma_semaphore, #tpu.memory_space<semaphore_mem>>
      %dma_start3A_366 = arith.constant 0 : i32
      %dma_start3A_367 = arith.constant 0 : i32
      %dma_start3A_368 = tpu.memref_slice %arg3[%arg0, %run_scoped3A, %arg1, %dma_start3A_366, %dma_start3A_367] : memref<2x8x16x20x128xi32, #tpu.memory_space<hbm>> -> memref<1x1x1x20x128xi32, #tpu.memory_space<hbm>>
      %dma_start3A_369 = tpu.memref_squeeze %dma_start3A_368 : memref<1x1x1x20x128xi32, #tpu.memory_space<hbm>> -> memref<20x128xi32, #tpu.memory_space<hbm>>
      %dma_start3A_370 = arith.constant 0 : i32
      %dma_start3A_371 = arith.constant 0 : i32
      %dma_start3A_372 = tpu.memref_slice %arg3[%arg0, %run_scoped3A, %arg1, %dma_start3A_370, %dma_start3A_371] : memref<2x8x16x20x128xi32, #tpu.memory_space<hbm>> -> memref<1x1x1x20x128xi32, #tpu.memory_space<hbm>>
      %dma_start3A_373 = tpu.memref_squeeze %dma_start3A_372 : memref<1x1x1x20x128xi32, #tpu.memory_space<hbm>> -> memref<20x128xi32, #tpu.memory_space<hbm>>
      tpu.enqueue_dma source(%dma_start3A_373 : memref<20x128xi32, #tpu.memory_space<hbm>>) target(%arg9 : memref<20x128xi32, #tpu.memory_space<vmem>>) target_semaphore(%run_scoped3A_365 : memref<!tpu.dma_semaphore, #tpu.memory_space<semaphore_mem>>)
      %dma_wait3A_374 = arith.constant 0 : i32
      %dma_wait3A_375 = arith.constant 0 : i32
      %dma_wait3A_376 = tpu.memref_slice %arg3[%arg0, %run_scoped3A, %arg1, %dma_wait3A_374, %dma_wait3A_375] : memref<2x8x16x20x128xi32, #tpu.memory_space<hbm>> -> memref<1x1x1x20x128xi32, #tpu.memory_space<hbm>>
      %dma_wait3A_377 = tpu.memref_squeeze %dma_wait3A_376 : memref<1x1x1x20x128xi32, #tpu.memory_space<hbm>> -> memref<20x128xi32, #tpu.memory_space<hbm>>
      %dma_wait3A_378 = arith.constant 0 : i32
      %dma_wait3A_379 = arith.constant 0 : i32
      %dma_wait3A_380 = tpu.memref_slice %arg3[%arg0, %run_scoped3A, %arg1, %dma_wait3A_378, %dma_wait3A_379] : memref<2x8x16x20x128xi32, #tpu.memory_space<hbm>> -> memref<1x1x1x20x128xi32, #tpu.memory_space<hbm>>
      %dma_wait3A_381 = tpu.memref_squeeze %dma_wait3A_380 : memref<1x1x1x20x128xi32, #tpu.memory_space<hbm>> -> memref<20x128xi32, #tpu.memory_space<hbm>>
      tpu.wait_dma2 semaphore(%run_scoped3A_365 : memref<!tpu.dma_semaphore, #tpu.memory_space<semaphore_mem>>) src(%dma_wait3A_381 : memref<20x128xi32, #tpu.memory_space<hbm>>) dst(%arg9 : memref<20x128xi32, #tpu.memory_space<vmem>>)
      tpu.yield
    }) : () -> ()
    %run_scoped3A_14 = arith.constant 0 : i32
    "tpu.region"() ({
      %run_scoped3A_365 = tpu.sem_alloc : memref<!tpu.dma_semaphore, #tpu.memory_space<semaphore_mem>>
      %dma_start3A_366 = arith.constant 0 : i32
      %dma_start3A_367 = arith.constant 0 : i32
      %dma_start3A_368 = tpu.memref_slice %arg4[%arg0, %run_scoped3A_14, %arg1, %dma_start3A_366, %dma_start3A_367] : memref<2x8x16x20x128xi32, #tpu.memory_space<hbm>> -> memref<1x1x1x20x128xi32, #tpu.memory_space<hbm>>
      %dma_start3A_369 = tpu.memref_squeeze %dma_start3A_368 : memref<1x1x1x20x128xi32, #tpu.memory_space<hbm>> -> memref<20x128xi32, #tpu.memory_space<hbm>>
      %dma_start3A_370 = arith.constant 0 : i32
      %dma_start3A_371 = arith.constant 0 : i32
      %dma_start3A_372 = tpu.memref_slice %arg4[%arg0, %run_scoped3A_14, %arg1, %dma_start3A_370, %dma_start3A_371] : memref<2x8x16x20x128xi32, #tpu.memory_space<hbm>> -> memref<1x1x1x20x128xi32, #tpu.memory_space<hbm>>
      %dma_start3A_373 = tpu.memref_squeeze %dma_start3A_372 : memref<1x1x1x20x128xi32, #tpu.memory_space<hbm>> -> memref<20x128xi32, #tpu.memory_space<hbm>>
      tpu.enqueue_dma source(%dma_start3A_373 : memref<20x128xi32, #tpu.memory_space<hbm>>) target(%arg10 : memref<20x128xi32, #tpu.memory_space<vmem>>) target_semaphore(%run_scoped3A_365 : memref<!tpu.dma_semaphore, #tpu.memory_space<semaphore_mem>>)
      %dma_wait3A_374 = arith.constant 0 : i32
      %dma_wait3A_375 = arith.constant 0 : i32
      %dma_wait3A_376 = tpu.memref_slice %arg4[%arg0, %run_scoped3A_14, %arg1, %dma_wait3A_374, %dma_wait3A_375] : memref<2x8x16x20x128xi32, #tpu.memory_space<hbm>> -> memref<1x1x1x20x128xi32, #tpu.memory_space<hbm>>
      %dma_wait3A_377 = tpu.memref_squeeze %dma_wait3A_376 : memref<1x1x1x20x128xi32, #tpu.memory_space<hbm>> -> memref<20x128xi32, #tpu.memory_space<hbm>>
      %dma_wait3A_378 = arith.constant 0 : i32
      %dma_wait3A_379 = arith.constant 0 : i32
      %dma_wait3A_380 = tpu.memref_slice %arg4[%arg0, %run_scoped3A_14, %arg1, %dma_wait3A_378, %dma_wait3A_379] : memref<2x8x16x20x128xi32, #tpu.memory_space<hbm>> -> memref<1x1x1x20x128xi32, #tpu.memory_space<hbm>>
      %dma_wait3A_381 = tpu.memref_squeeze %dma_wait3A_380 : memref<1x1x1x20x128xi32, #tpu.memory_space<hbm>> -> memref<20x128xi32, #tpu.memory_space<hbm>>
      tpu.wait_dma2 semaphore(%run_scoped3A_365 : memref<!tpu.dma_semaphore, #tpu.memory_space<semaphore_mem>>) src(%dma_wait3A_381 : memref<20x128xi32, #tpu.memory_space<hbm>>) dst(%arg10 : memref<20x128xi32, #tpu.memory_space<vmem>>)
      tpu.yield
    }) : () -> ()
    %run_scoped3A_15 = arith.constant 0 : i32
    "tpu.region"() ({
      %run_scoped3A_365 = tpu.sem_alloc : memref<!tpu.dma_semaphore, #tpu.memory_space<semaphore_mem>>
      %dma_start3A_366 = arith.constant 0 : i32
      %dma_start3A_367 = arith.constant 0 : i32
      %dma_start3A_368 = tpu.memref_slice %arg5[%arg0, %run_scoped3A_15, %arg1, %dma_start3A_366, %dma_start3A_367] : memref<2x8x16x20x128xi32, #tpu.memory_space<hbm>> -> memref<1x1x1x20x128xi32, #tpu.memory_space<hbm>>
      %dma_start3A_369 = tpu.memref_squeeze %dma_start3A_368 : memref<1x1x1x20x128xi32, #tpu.memory_space<hbm>> -> memref<20x128xi32, #tpu.memory_space<hbm>>
      %dma_start3A_370 = arith.constant 0 : i32
      %dma_start3A_371 = arith.constant 0 : i32
      %dma_start3A_372 = tpu.memref_slice %arg5[%arg0, %run_scoped3A_15, %arg1, %dma_start3A_370, %dma_start3A_371] : memref<2x8x16x20x128xi32, #tpu.memory_space<hbm>> -> memref<1x1x1x20x128xi32, #tpu.memory_space<hbm>>
      %dma_start3A_373 = tpu.memref_squeeze %dma_start3A_372 : memref<1x1x1x20x128xi32, #tpu.memory_space<hbm>> -> memref<20x128xi32, #tpu.memory_space<hbm>>
      tpu.enqueue_dma source(%dma_start3A_373 : memref<20x128xi32, #tpu.memory_space<hbm>>) target(%arg11 : memref<20x128xi32, #tpu.memory_space<vmem>>) target_semaphore(%run_scoped3A_365 : memref<!tpu.dma_semaphore, #tpu.memory_space<semaphore_mem>>)
      %dma_wait3A_374 = arith.constant 0 : i32
      %dma_wait3A_375 = arith.constant 0 : i32
      %dma_wait3A_376 = tpu.memref_slice %arg5[%arg0, %run_scoped3A_15, %arg1, %dma_wait3A_374, %dma_wait3A_375] : memref<2x8x16x20x128xi32, #tpu.memory_space<hbm>> -> memref<1x1x1x20x128xi32, #tpu.memory_space<hbm>>
      %dma_wait3A_377 = tpu.memref_squeeze %dma_wait3A_376 : memref<1x1x1x20x128xi32, #tpu.memory_space<hbm>> -> memref<20x128xi32, #tpu.memory_space<hbm>>
      %dma_wait3A_378 = arith.constant 0 : i32
      %dma_wait3A_379 = arith.constant 0 : i32
      %dma_wait3A_380 = tpu.memref_slice %arg5[%arg0, %run_scoped3A_15, %arg1, %dma_wait3A_378, %dma_wait3A_379] : memref<2x8x16x20x128xi32, #tpu.memory_space<hbm>> -> memref<1x1x1x20x128xi32, #tpu.memory_space<hbm>>
      %dma_wait3A_381 = tpu.memref_squeeze %dma_wait3A_380 : memref<1x1x1x20x128xi32, #tpu.memory_space<hbm>> -> memref<20x128xi32, #tpu.memory_space<hbm>>
      tpu.wait_dma2 semaphore(%run_scoped3A_365 : memref<!tpu.dma_semaphore, #tpu.memory_space<semaphore_mem>>) src(%dma_wait3A_381 : memref<20x128xi32, #tpu.memory_space<hbm>>) dst(%arg11 : memref<20x128xi32, #tpu.memory_space<vmem>>)
      tpu.yield
    }) : () -> ()
    %run_scoped3A_16 = arith.constant 0 : i32
    "tpu.region"() ({
      %run_scoped3A_365 = tpu.sem_alloc : memref<!tpu.dma_semaphore, #tpu.memory_space<semaphore_mem>>
      %dma_start3A_366 = arith.constant 0 : i32
      %dma_start3A_367 = arith.constant 0 : i32
      %dma_start3A_368 = tpu.memref_slice %arg6[%arg0, %run_scoped3A_16, %arg1, %dma_start3A_366, %dma_start3A_367] : memref<2x8x16x20x128xi32, #tpu.memory_space<hbm>> -> memref<1x1x1x20x128xi32, #tpu.memory_space<hbm>>
      %dma_start3A_369 = tpu.memref_squeeze %dma_start3A_368 : memref<1x1x1x20x128xi32, #tpu.memory_space<hbm>> -> memref<20x128xi32, #tpu.memory_space<hbm>>
      %dma_start3A_370 = arith.constant 0 : i32
      %dma_start3A_371 = arith.constant 0 : i32
      %dma_start3A_372 = tpu.memref_slice %arg6[%arg0, %run_scoped3A_16, %arg1, %dma_start3A_370, %dma_start3A_371] : memref<2x8x16x20x128xi32, #tpu.memory_space<hbm>> -> memref<1x1x1x20x128xi32, #tpu.memory_space<hbm>>
      %dma_start3A_373 = tpu.memref_squeeze %dma_start3A_372 : memref<1x1x1x20x128xi32, #tpu.memory_space<hbm>> -> memref<20x128xi32, #tpu.memory_space<hbm>>
      tpu.enqueue_dma source(%dma_start3A_373 : memref<20x128xi32, #tpu.memory_space<hbm>>) target(%arg12 : memref<20x128xi32, #tpu.memory_space<vmem>>) target_semaphore(%run_scoped3A_365 : memref<!tpu.dma_semaphore, #tpu.memory_space<semaphore_mem>>)
      %dma_wait3A_374 = arith.constant 0 : i32
      %dma_wait3A_375 = arith.constant 0 : i32
      %dma_wait3A_376 = tpu.memref_slice %arg6[%arg0, %run_scoped3A_16, %arg1, %dma_wait3A_374, %dma_wait3A_375] : memref<2x8x16x20x128xi32, #tpu.memory_space<hbm>> -> memref<1x1x1x20x128xi32, #tpu.memory_space<hbm>>
      %dma_wait3A_377 = tpu.memref_squeeze %dma_wait3A_376 : memref<1x1x1x20x128xi32, #tpu.memory_space<hbm>> -> memref<20x128xi32, #tpu.memory_space<hbm>>
      %dma_wait3A_378 = arith.constant 0 : i32
      %dma_wait3A_379 = arith.constant 0 : i32
      %dma_wait3A_380 = tpu.memref_slice %arg6[%arg0, %run_scoped3A_16, %arg1, %dma_wait3A_378, %dma_wait3A_379] : memref<2x8x16x20x128xi32, #tpu.memory_space<hbm>> -> memref<1x1x1x20x128xi32, #tpu.memory_space<hbm>>
      %dma_wait3A_381 = tpu.memref_squeeze %dma_wait3A_380 : memref<1x1x1x20x128xi32, #tpu.memory_space<hbm>> -> memref<20x128xi32, #tpu.memory_space<hbm>>
      tpu.wait_dma2 semaphore(%run_scoped3A_365 : memref<!tpu.dma_semaphore, #tpu.memory_space<semaphore_mem>>) src(%dma_wait3A_381 : memref<20x128xi32, #tpu.memory_space<hbm>>) dst(%arg12 : memref<20x128xi32, #tpu.memory_space<vmem>>)
      tpu.yield
    }) : () -> ()
    %dma_start3A = arith.constant 0 : i32
    %dma_start3A_17 = arith.constant 0 : i32
    %dma_start3A_18 = tpu.memref_slice %arg9[%dma_start3A, %dma_start3A_17] : memref<20x128xi32, #tpu.memory_space<vmem>> -> memref<1x128xi32, #tpu.memory_space<vmem>>
    %dma_start3A_19 = tpu.memref_squeeze %dma_start3A_18 : memref<1x128xi32, #tpu.memory_space<vmem>> -> memref<128xi32, #tpu.memory_space<vmem>>
    %dma_start3A_20 = arith.constant 0 : i32
    %dma_start3A_21 = arith.constant 0 : i32
    %dma_start3A_22 = tpu.memref_slice %arg2[%dma_start3A_20, %dma_start3A_21] : memref<20480x80xf32, #tpu.memory_space<hbm>> -> memref<20480x80xf32, #tpu.memory_space<hbm>>
    tpu.enqueue_indirect_dma source(%dma_start3A_22 : memref<20480x80xf32, #tpu.memory_space<hbm>>) target(%arg13 : memref<128x80xf32, #tpu.memory_space<vmem>>) offsets(%dma_start3A_19 : memref<128xi32, #tpu.memory_space<vmem>>) semaphore(%arg18 : memref<!tpu.dma_semaphore, #tpu.memory_space<semaphore_mem>>)
    %dma_start3A_23 = arith.constant 0 : i32
    %dma_start3A_24 = arith.constant 0 : i32
    %dma_start3A_25 = tpu.memref_slice %arg10[%dma_start3A_23, %dma_start3A_24] : memref<20x128xi32, #tpu.memory_space<vmem>> -> memref<1x128xi32, #tpu.memory_space<vmem>>
    %dma_start3A_26 = tpu.memref_squeeze %dma_start3A_25 : memref<1x128xi32, #tpu.memory_space<vmem>> -> memref<128xi32, #tpu.memory_space<vmem>>
    %dma_start3A_27 = arith.constant 0 : i32
    %dma_start3A_28 = arith.constant 0 : i32
    %dma_start3A_29 = tpu.memref_slice %arg2[%dma_start3A_27, %dma_start3A_28] : memref<20480x80xf32, #tpu.memory_space<hbm>> -> memref<20480x80xf32, #tpu.memory_space<hbm>>
    tpu.enqueue_indirect_dma source(%dma_start3A_29 : memref<20480x80xf32, #tpu.memory_space<hbm>>) target(%arg14 : memref<128x80xf32, #tpu.memory_space<vmem>>) offsets(%dma_start3A_26 : memref<128xi32, #tpu.memory_space<vmem>>) semaphore(%arg19 : memref<!tpu.dma_semaphore, #tpu.memory_space<semaphore_mem>>)
    %scan3A = arith.constant 0 : i32
    %scan3A_30 = arith.constant 10 : i32
    %scan3A_31 = arith.addi %scan3A, %scan3A_30 : i32
    %scan3A_32 = arith.constant 1 : i32
    scf.for %scan3A_365 = %scan3A to %scan3A_31 step %scan3A_32  : i32 {
      %mul3A_366 = arith.constant 1 : i32
      %mul3A_367 = arith.muli %scan3A_365, %mul3A_366 : i32
      %add3A_368 = arith.constant 0 : i32
      %add3A_369 = arith.addi %add3A_368, %mul3A_367 : i32
      %mul3A_370 = arith.constant 2 : i32
      %mul3A_371 = arith.muli %mul3A_370, %add3A_369 : i32
      %mul3A_372 = arith.constant 2 : i32
      %mul3A_373 = arith.muli %mul3A_372, %add3A_369 : i32
      %add3A_374 = arith.constant 1 : i32
      %add3A_375 = arith.addi %mul3A_373, %add3A_374 : i32
      %dma_wait3A_376 = arith.constant 0 : i32
      %dma_wait3A_377 = tpu.memref_slice %arg9[%mul3A_371, %dma_wait3A_376] : memref<20x128xi32, #tpu.memory_space<vmem>> -> memref<1x128xi32, #tpu.memory_space<vmem>>
      %dma_wait3A_378 = tpu.memref_squeeze %dma_wait3A_377 : memref<1x128xi32, #tpu.memory_space<vmem>> -> memref<128xi32, #tpu.memory_space<vmem>>
      %dma_wait3A_379 = arith.constant 0 : i32
      %dma_wait3A_380 = arith.constant 0 : i32
      %dma_wait3A_381 = tpu.memref_slice %arg2[%dma_wait3A_379, %dma_wait3A_380] : memref<20480x80xf32, #tpu.memory_space<hbm>> -> memref<20480x80xf32, #tpu.memory_space<hbm>>
      tpu.wait_indirect_dma semaphore(%arg18 : memref<!tpu.dma_semaphore, #tpu.memory_space<semaphore_mem>>) src(%dma_wait3A_381 : memref<20480x80xf32, #tpu.memory_space<hbm>>) dst(%arg13 : memref<128x80xf32, #tpu.memory_space<vmem>>)
      %dma_wait3A_382 = arith.constant 0 : i32
      %dma_wait3A_383 = tpu.memref_slice %arg10[%mul3A_371, %dma_wait3A_382] : memref<20x128xi32, #tpu.memory_space<vmem>> -> memref<1x128xi32, #tpu.memory_space<vmem>>
      %dma_wait3A_384 = tpu.memref_squeeze %dma_wait3A_383 : memref<1x128xi32, #tpu.memory_space<vmem>> -> memref<128xi32, #tpu.memory_space<vmem>>
      %dma_wait3A_385 = arith.constant 0 : i32
      %dma_wait3A_386 = arith.constant 0 : i32
      %dma_wait3A_387 = tpu.memref_slice %arg2[%dma_wait3A_385, %dma_wait3A_386] : memref<20480x80xf32, #tpu.memory_space<hbm>> -> memref<20480x80xf32, #tpu.memory_space<hbm>>
      tpu.wait_indirect_dma semaphore(%arg19 : memref<!tpu.dma_semaphore, #tpu.memory_space<semaphore_mem>>) src(%dma_wait3A_387 : memref<20480x80xf32, #tpu.memory_space<hbm>>) dst(%arg14 : memref<128x80xf32, #tpu.memory_space<vmem>>)
      %dma_start3A_388 = arith.constant 0 : i32
      %dma_start3A_389 = tpu.memref_slice %arg11[%mul3A_371, %dma_start3A_388] : memref<20x128xi32, #tpu.memory_space<vmem>> -> memref<1x128xi32, #tpu.memory_space<vmem>>
      %dma_start3A_390 = tpu.memref_squeeze %dma_start3A_389 : memref<1x128xi32, #tpu.memory_space<vmem>> -> memref<128xi32, #tpu.memory_space<vmem>>
      %dma_start3A_391 = arith.constant 0 : i32
      %dma_start3A_392 = arith.constant 0 : i32
      %dma_start3A_393 = tpu.memref_slice %arg17[%dma_start3A_391, %dma_start3A_392] : memref<5120x80xf32, #tpu.memory_space<vmem_shared>> -> memref<5120x80xf32, #tpu.memory_space<vmem_shared>>
      tpu.enqueue_indirect_dma source(%arg14 : memref<128x80xf32, #tpu.memory_space<vmem>>) target(%dma_start3A_393 : memref<5120x80xf32, #tpu.memory_space<vmem_shared>>) offsets(%dma_start3A_390 : memref<128xi32, #tpu.memory_space<vmem>>) semaphore(%arg22 : memref<!tpu.dma_semaphore, #tpu.memory_space<semaphore_mem>>) {add = true}
      %dma_start3A_394 = arith.constant 0 : i32
      %dma_start3A_395 = tpu.memref_slice %arg12[%mul3A_371, %dma_start3A_394] : memref<20x128xi32, #tpu.memory_space<vmem>> -> memref<1x128xi32, #tpu.memory_space<vmem>>
      %dma_start3A_396 = tpu.memref_squeeze %dma_start3A_395 : memref<1x128xi32, #tpu.memory_space<vmem>> -> memref<128xi32, #tpu.memory_space<vmem>>
      %dma_start3A_397 = arith.constant 0 : i32
      %dma_start3A_398 = arith.constant 0 : i32
      %dma_start3A_399 = tpu.memref_slice %arg17[%dma_start3A_397, %dma_start3A_398] : memref<5120x80xf32, #tpu.memory_space<vmem_shared>> -> memref<5120x80xf32, #tpu.memory_space<vmem_shared>>
      tpu.enqueue_indirect_dma source(%arg13 : memref<128x80xf32, #tpu.memory_space<vmem>>) target(%dma_start3A_399 : memref<5120x80xf32, #tpu.memory_space<vmem_shared>>) offsets(%dma_start3A_396 : memref<128xi32, #tpu.memory_space<vmem>>) semaphore(%arg23 : memref<!tpu.dma_semaphore, #tpu.memory_space<semaphore_mem>>) {add = true}
      %gt3A = arith.constant 0 : i32
      %gt3A_400 = arith.cmpi sgt, %add3A_369, %gt3A : i32
      %convert_element_type3A = arith.extui %gt3A_400 : i1 to i32
      %cond3A = arith.constant 0 : i32
      %cond3A_401 = arith.cmpi ne, %convert_element_type3A, %cond3A : i32
      scf.if %cond3A_401 {
        %dma_wait3A_454 = arith.constant 0 : i32
        %dma_wait3A_455 = arith.constant 0 : i32
        %dma_wait3A_456 = tpu.memref_slice %arg2[%dma_wait3A_454, %dma_wait3A_455] : memref<20480x80xf32, #tpu.memory_space<hbm>> -> memref<128x80xf32, #tpu.memory_space<hbm>>
        %dma_wait3A_457 = arith.constant 0 : i32
        %dma_wait3A_458 = arith.constant 0 : i32
        %dma_wait3A_459 = tpu.memref_slice %arg2[%dma_wait3A_457, %dma_wait3A_458] : memref<20480x80xf32, #tpu.memory_space<hbm>> -> memref<128x80xf32, #tpu.memory_space<hbm>>
        tpu.wait_dma2 semaphore(%arg24 : memref<!tpu.dma_semaphore, #tpu.memory_space<semaphore_mem>>) src(%dma_wait3A_459 : memref<128x80xf32, #tpu.memory_space<hbm>>) dst(%arg15 : memref<128x80xf32, #tpu.memory_space<vmem>>)
        %dma_wait3A_460 = arith.constant 0 : i32
        %dma_wait3A_461 = arith.constant 0 : i32
        %dma_wait3A_462 = tpu.memref_slice %arg2[%dma_wait3A_460, %dma_wait3A_461] : memref<20480x80xf32, #tpu.memory_space<hbm>> -> memref<128x80xf32, #tpu.memory_space<hbm>>
        %dma_wait3A_463 = arith.constant 0 : i32
        %dma_wait3A_464 = arith.constant 0 : i32
        %dma_wait3A_465 = tpu.memref_slice %arg2[%dma_wait3A_463, %dma_wait3A_464] : memref<20480x80xf32, #tpu.memory_space<hbm>> -> memref<128x80xf32, #tpu.memory_space<hbm>>
        tpu.wait_dma2 semaphore(%arg25 : memref<!tpu.dma_semaphore, #tpu.memory_space<semaphore_mem>>) src(%dma_wait3A_465 : memref<128x80xf32, #tpu.memory_space<hbm>>) dst(%arg16 : memref<128x80xf32, #tpu.memory_space<vmem>>)
      } else {
      }
      %dma_start3A_402 = arith.constant 0 : i32
      %dma_start3A_403 = tpu.memref_slice %arg9[%add3A_375, %dma_start3A_402] : memref<20x128xi32, #tpu.memory_space<vmem>> -> memref<1x128xi32, #tpu.memory_space<vmem>>
      %dma_start3A_404 = tpu.memref_squeeze %dma_start3A_403 : memref<1x128xi32, #tpu.memory_space<vmem>> -> memref<128xi32, #tpu.memory_space<vmem>>
      %dma_start3A_405 = arith.constant 0 : i32
      %dma_start3A_406 = arith.constant 0 : i32
      %dma_start3A_407 = tpu.memref_slice %arg2[%dma_start3A_405, %dma_start3A_406] : memref<20480x80xf32, #tpu.memory_space<hbm>> -> memref<20480x80xf32, #tpu.memory_space<hbm>>
      tpu.enqueue_indirect_dma source(%dma_start3A_407 : memref<20480x80xf32, #tpu.memory_space<hbm>>) target(%arg15 : memref<128x80xf32, #tpu.memory_space<vmem>>) offsets(%dma_start3A_404 : memref<128xi32, #tpu.memory_space<vmem>>) semaphore(%arg20 : memref<!tpu.dma_semaphore, #tpu.memory_space<semaphore_mem>>)
      %dma_start3A_408 = arith.constant 0 : i32
      %dma_start3A_409 = tpu.memref_slice %arg10[%add3A_375, %dma_start3A_408] : memref<20x128xi32, #tpu.memory_space<vmem>> -> memref<1x128xi32, #tpu.memory_space<vmem>>
      %dma_start3A_410 = tpu.memref_squeeze %dma_start3A_409 : memref<1x128xi32, #tpu.memory_space<vmem>> -> memref<128xi32, #tpu.memory_space<vmem>>
      %dma_start3A_411 = arith.constant 0 : i32
      %dma_start3A_412 = arith.constant 0 : i32
      %dma_start3A_413 = tpu.memref_slice %arg2[%dma_start3A_411, %dma_start3A_412] : memref<20480x80xf32, #tpu.memory_space<hbm>> -> memref<20480x80xf32, #tpu.memory_space<hbm>>
      tpu.enqueue_indirect_dma source(%dma_start3A_413 : memref<20480x80xf32, #tpu.memory_space<hbm>>) target(%arg16 : memref<128x80xf32, #tpu.memory_space<vmem>>) offsets(%dma_start3A_410 : memref<128xi32, #tpu.memory_space<vmem>>) semaphore(%arg21 : memref<!tpu.dma_semaphore, #tpu.memory_space<semaphore_mem>>)
      %dma_wait3A_414 = arith.constant 0 : i32
      %dma_wait3A_415 = tpu.memref_slice %arg9[%add3A_375, %dma_wait3A_414] : memref<20x128xi32, #tpu.memory_space<vmem>> -> memref<1x128xi32, #tpu.memory_space<vmem>>
      %dma_wait3A_416 = tpu.memref_squeeze %dma_wait3A_415 : memref<1x128xi32, #tpu.memory_space<vmem>> -> memref<128xi32, #tpu.memory_space<vmem>>
      %dma_wait3A_417 = arith.constant 0 : i32
      %dma_wait3A_418 = arith.constant 0 : i32
      %dma_wait3A_419 = tpu.memref_slice %arg2[%dma_wait3A_417, %dma_wait3A_418] : memref<20480x80xf32, #tpu.memory_space<hbm>> -> memref<20480x80xf32, #tpu.memory_space<hbm>>
      tpu.wait_indirect_dma semaphore(%arg20 : memref<!tpu.dma_semaphore, #tpu.memory_space<semaphore_mem>>) src(%dma_wait3A_419 : memref<20480x80xf32, #tpu.memory_space<hbm>>) dst(%arg15 : memref<128x80xf32, #tpu.memory_space<vmem>>)
      %dma_wait3A_420 = arith.constant 0 : i32
      %dma_wait3A_421 = tpu.memref_slice %arg10[%add3A_375, %dma_wait3A_420] : memref<20x128xi32, #tpu.memory_space<vmem>> -> memref<1x128xi32, #tpu.memory_space<vmem>>
      %dma_wait3A_422 = tpu.memref_squeeze %dma_wait3A_421 : memref<1x128xi32, #tpu.memory_space<vmem>> -> memref<128xi32, #tpu.memory_space<vmem>>
      %dma_wait3A_423 = arith.constant 0 : i32
      %dma_wait3A_424 = arith.constant 0 : i32
      %dma_wait3A_425 = tpu.memref_slice %arg2[%dma_wait3A_423, %dma_wait3A_424] : memref<20480x80xf32, #tpu.memory_space<hbm>> -> memref<20480x80xf32, #tpu.memory_space<hbm>>
      tpu.wait_indirect_dma semaphore(%arg21 : memref<!tpu.dma_semaphore, #tpu.memory_space<semaphore_mem>>) src(%dma_wait3A_425 : memref<20480x80xf32, #tpu.memory_space<hbm>>) dst(%arg16 : memref<128x80xf32, #tpu.memory_space<vmem>>)
      %dma_start3A_426 = arith.constant 0 : i32
      %dma_start3A_427 = tpu.memref_slice %arg11[%add3A_375, %dma_start3A_426] : memref<20x128xi32, #tpu.memory_space<vmem>> -> memref<1x128xi32, #tpu.memory_space<vmem>>
      %dma_start3A_428 = tpu.memref_squeeze %dma_start3A_427 : memref<1x128xi32, #tpu.memory_space<vmem>> -> memref<128xi32, #tpu.memory_space<vmem>>
      %dma_start3A_429 = arith.constant 0 : i32
      %dma_start3A_430 = arith.constant 0 : i32
      %dma_start3A_431 = tpu.memref_slice %arg17[%dma_start3A_429, %dma_start3A_430] : memref<5120x80xf32, #tpu.memory_space<vmem_shared>> -> memref<5120x80xf32, #tpu.memory_space<vmem_shared>>
      tpu.enqueue_indirect_dma source(%arg16 : memref<128x80xf32, #tpu.memory_space<vmem>>) target(%dma_start3A_431 : memref<5120x80xf32, #tpu.memory_space<vmem_shared>>) offsets(%dma_start3A_428 : memref<128xi32, #tpu.memory_space<vmem>>) semaphore(%arg24 : memref<!tpu.dma_semaphore, #tpu.memory_space<semaphore_mem>>) {add = true}
      %dma_start3A_432 = arith.constant 0 : i32
      %dma_start3A_433 = tpu.memref_slice %arg12[%add3A_375, %dma_start3A_432] : memref<20x128xi32, #tpu.memory_space<vmem>> -> memref<1x128xi32, #tpu.memory_space<vmem>>
      %dma_start3A_434 = tpu.memref_squeeze %dma_start3A_433 : memref<1x128xi32, #tpu.memory_space<vmem>> -> memref<128xi32, #tpu.memory_space<vmem>>
      %dma_start3A_435 = arith.constant 0 : i32
      %dma_start3A_436 = arith.constant 0 : i32
      %dma_start3A_437 = tpu.memref_slice %arg17[%dma_start3A_435, %dma_start3A_436] : memref<5120x80xf32, #tpu.memory_space<vmem_shared>> -> memref<5120x80xf32, #tpu.memory_space<vmem_shared>>
      tpu.enqueue_indirect_dma source(%arg15 : memref<128x80xf32, #tpu.memory_space<vmem>>) target(%dma_start3A_437 : memref<5120x80xf32, #tpu.memory_space<vmem_shared>>) offsets(%dma_start3A_434 : memref<128xi32, #tpu.memory_space<vmem>>) semaphore(%arg25 : memref<!tpu.dma_semaphore, #tpu.memory_space<semaphore_mem>>) {add = true}
      %dma_wait3A_438 = arith.constant 0 : i32
      %dma_wait3A_439 = arith.constant 0 : i32
      %dma_wait3A_440 = tpu.memref_slice %arg2[%dma_wait3A_438, %dma_wait3A_439] : memref<20480x80xf32, #tpu.memory_space<hbm>> -> memref<128x80xf32, #tpu.memory_space<hbm>>
      %dma_wait3A_441 = arith.constant 0 : i32
      %dma_wait3A_442 = arith.constant 0 : i32
      %dma_wait3A_443 = tpu.memref_slice %arg2[%dma_wait3A_441, %dma_wait3A_442] : memref<20480x80xf32, #tpu.memory_space<hbm>> -> memref<128x80xf32, #tpu.memory_space<hbm>>
      tpu.wait_dma2 semaphore(%arg22 : memref<!tpu.dma_semaphore, #tpu.memory_space<semaphore_mem>>) src(%dma_wait3A_443 : memref<128x80xf32, #tpu.memory_space<hbm>>) dst(%arg13 : memref<128x80xf32, #tpu.memory_space<vmem>>)
      %dma_wait3A_444 = arith.constant 0 : i32
      %dma_wait3A_445 = arith.constant 0 : i32
      %dma_wait3A_446 = tpu.memref_slice %arg2[%dma_wait3A_444, %dma_wait3A_445] : memref<20480x80xf32, #tpu.memory_space<hbm>> -> memref<128x80xf32, #tpu.memory_space<hbm>>
      %dma_wait3A_447 = arith.constant 0 : i32
      %dma_wait3A_448 = arith.constant 0 : i32
      %dma_wait3A_449 = tpu.memref_slice %arg2[%dma_wait3A_447, %dma_wait3A_448] : memref<20480x80xf32, #tpu.memory_space<hbm>> -> memref<128x80xf32, #tpu.memory_space<hbm>>
      tpu.wait_dma2 semaphore(%arg23 : memref<!tpu.dma_semaphore, #tpu.memory_space<semaphore_mem>>) src(%dma_wait3A_449 : memref<128x80xf32, #tpu.memory_space<hbm>>) dst(%arg14 : memref<128x80xf32, #tpu.memory_space<vmem>>)
      %lt3A = arith.constant 9 : i32
      %lt3A_450 = arith.cmpi slt, %add3A_369, %lt3A : i32
      %convert_element_type3A_451 = arith.extui %lt3A_450 : i1 to i32
      %cond3A_452 = arith.constant 0 : i32
      %cond3A_453 = arith.cmpi ne, %convert_element_type3A_451, %cond3A_452 : i32
      scf.if %cond3A_453 {
        %add3A_454 = arith.constant 2 : i32
        %add3A_455 = arith.addi %mul3A_371, %add3A_454 : i32
        %dma_start3A_456 = arith.constant 0 : i32
        %dma_start3A_457 = tpu.memref_slice %arg9[%add3A_455, %dma_start3A_456] : memref<20x128xi32, #tpu.memory_space<vmem>> -> memref<1x128xi32, #tpu.memory_space<vmem>>
        %dma_start3A_458 = tpu.memref_squeeze %dma_start3A_457 : memref<1x128xi32, #tpu.memory_space<vmem>> -> memref<128xi32, #tpu.memory_space<vmem>>
        %dma_start3A_459 = arith.constant 0 : i32
        %dma_start3A_460 = arith.constant 0 : i32
        %dma_start3A_461 = tpu.memref_slice %arg2[%dma_start3A_459, %dma_start3A_460] : memref<20480x80xf32, #tpu.memory_space<hbm>> -> memref<20480x80xf32, #tpu.memory_space<hbm>>
        tpu.enqueue_indirect_dma source(%dma_start3A_461 : memref<20480x80xf32, #tpu.memory_space<hbm>>) target(%arg13 : memref<128x80xf32, #tpu.memory_space<vmem>>) offsets(%dma_start3A_458 : memref<128xi32, #tpu.memory_space<vmem>>) semaphore(%arg18 : memref<!tpu.dma_semaphore, #tpu.memory_space<semaphore_mem>>)
        %add3A_462 = arith.constant 2 : i32
        %add3A_463 = arith.addi %mul3A_371, %add3A_462 : i32
        %dma_start3A_464 = arith.constant 0 : i32
        %dma_start3A_465 = tpu.memref_slice %arg10[%add3A_463, %dma_start3A_464] : memref<20x128xi32, #tpu.memory_space<vmem>> -> memref<1x128xi32, #tpu.memory_space<vmem>>
        %dma_start3A_466 = tpu.memref_squeeze %dma_start3A_465 : memref<1x128xi32, #tpu.memory_space<vmem>> -> memref<128xi32, #tpu.memory_space<vmem>>
        %dma_start3A_467 = arith.constant 0 : i32
        %dma_start3A_468 = arith.constant 0 : i32
        %dma_start3A_469 = tpu.memref_slice %arg2[%dma_start3A_467, %dma_start3A_468] : memref<20480x80xf32, #tpu.memory_space<hbm>> -> memref<20480x80xf32, #tpu.memory_space<hbm>>
        tpu.enqueue_indirect_dma source(%dma_start3A_469 : memref<20480x80xf32, #tpu.memory_space<hbm>>) target(%arg14 : memref<128x80xf32, #tpu.memory_space<vmem>>) offsets(%dma_start3A_466 : memref<128xi32, #tpu.memory_space<vmem>>) semaphore(%arg19 : memref<!tpu.dma_semaphore, #tpu.memory_space<semaphore_mem>>)
      } else {
      }
    }
    %scan3A_33 = arith.constant 10 : i32
    %dma_wait3A = arith.constant 0 : i32
    %dma_wait3A_34 = arith.constant 0 : i32
    %dma_wait3A_35 = tpu.memref_slice %arg2[%dma_wait3A, %dma_wait3A_34] : memref<20480x80xf32, #tpu.memory_space<hbm>> -> memref<128x80xf32, #tpu.memory_space<hbm>>
    %dma_wait3A_36 = arith.constant 0 : i32
    %dma_wait3A_37 = arith.constant 0 : i32
    %dma_wait3A_38 = tpu.memref_slice %arg2[%dma_wait3A_36, %dma_wait3A_37] : memref<20480x80xf32, #tpu.memory_space<hbm>> -> memref<128x80xf32, #tpu.memory_space<hbm>>
    tpu.wait_dma2 semaphore(%arg24 : memref<!tpu.dma_semaphore, #tpu.memory_space<semaphore_mem>>) src(%dma_wait3A_38 : memref<128x80xf32, #tpu.memory_space<hbm>>) dst(%arg15 : memref<128x80xf32, #tpu.memory_space<vmem>>)
    %dma_wait3A_39 = arith.constant 0 : i32
    %dma_wait3A_40 = arith.constant 0 : i32
    %dma_wait3A_41 = tpu.memref_slice %arg2[%dma_wait3A_39, %dma_wait3A_40] : memref<20480x80xf32, #tpu.memory_space<hbm>> -> memref<128x80xf32, #tpu.memory_space<hbm>>
    %dma_wait3A_42 = arith.constant 0 : i32
    %dma_wait3A_43 = arith.constant 0 : i32
    %dma_wait3A_44 = tpu.memref_slice %arg2[%dma_wait3A_42, %dma_wait3A_43] : memref<20480x80xf32, #tpu.memory_space<hbm>> -> memref<128x80xf32, #tpu.memory_space<hbm>>
    tpu.wait_dma2 semaphore(%arg25 : memref<!tpu.dma_semaphore, #tpu.memory_space<semaphore_mem>>) src(%dma_wait3A_44 : memref<128x80xf32, #tpu.memory_space<hbm>>) dst(%arg16 : memref<128x80xf32, #tpu.memory_space<vmem>>)
    %run_scoped3A_45 = arith.constant 1 : i32
    "tpu.region"() ({
      %run_scoped3A_365 = tpu.sem_alloc : memref<!tpu.dma_semaphore, #tpu.memory_space<semaphore_mem>>
      %dma_start3A_366 = arith.constant 0 : i32
      %dma_start3A_367 = arith.constant 0 : i32
      %dma_start3A_368 = tpu.memref_slice %arg3[%arg0, %run_scoped3A_45, %arg1, %dma_start3A_366, %dma_start3A_367] : memref<2x8x16x20x128xi32, #tpu.memory_space<hbm>> -> memref<1x1x1x20x128xi32, #tpu.memory_space<hbm>>
      %dma_start3A_369 = tpu.memref_squeeze %dma_start3A_368 : memref<1x1x1x20x128xi32, #tpu.memory_space<hbm>> -> memref<20x128xi32, #tpu.memory_space<hbm>>
      %dma_start3A_370 = arith.constant 0 : i32
      %dma_start3A_371 = arith.constant 0 : i32
      %dma_start3A_372 = tpu.memref_slice %arg3[%arg0, %run_scoped3A_45, %arg1, %dma_start3A_370, %dma_start3A_371] : memref<2x8x16x20x128xi32, #tpu.memory_space<hbm>> -> memref<1x1x1x20x128xi32, #tpu.memory_space<hbm>>
      %dma_start3A_373 = tpu.memref_squeeze %dma_start3A_372 : memref<1x1x1x20x128xi32, #tpu.memory_space<hbm>> -> memref<20x128xi32, #tpu.memory_space<hbm>>
      tpu.enqueue_dma source(%dma_start3A_373 : memref<20x128xi32, #tpu.memory_space<hbm>>) target(%arg9 : memref<20x128xi32, #tpu.memory_space<vmem>>) target_semaphore(%run_scoped3A_365 : memref<!tpu.dma_semaphore, #tpu.memory_space<semaphore_mem>>)
      %dma_wait3A_374 = arith.constant 0 : i32
      %dma_wait3A_375 = arith.constant 0 : i32
      %dma_wait3A_376 = tpu.memref_slice %arg3[%arg0, %run_scoped3A_45, %arg1, %dma_wait3A_374, %dma_wait3A_375] : memref<2x8x16x20x128xi32, #tpu.memory_space<hbm>> -> memref<1x1x1x20x128xi32, #tpu.memory_space<hbm>>
      %dma_wait3A_377 = tpu.memref_squeeze %dma_wait3A_376 : memref<1x1x1x20x128xi32, #tpu.memory_space<hbm>> -> memref<20x128xi32, #tpu.memory_space<hbm>>
      %dma_wait3A_378 = arith.constant 0 : i32
      %dma_wait3A_379 = arith.constant 0 : i32
      %dma_wait3A_380 = tpu.memref_slice %arg3[%arg0, %run_scoped3A_45, %arg1, %dma_wait3A_378, %dma_wait3A_379] : memref<2x8x16x20x128xi32, #tpu.memory_space<hbm>> -> memref<1x1x1x20x128xi32, #tpu.memory_space<hbm>>
      %dma_wait3A_381 = tpu.memref_squeeze %dma_wait3A_380 : memref<1x1x1x20x128xi32, #tpu.memory_space<hbm>> -> memref<20x128xi32, #tpu.memory_space<hbm>>
      tpu.wait_dma2 semaphore(%run_scoped3A_365 : memref<!tpu.dma_semaphore, #tpu.memory_space<semaphore_mem>>) src(%dma_wait3A_381 : memref<20x128xi32, #tpu.memory_space<hbm>>) dst(%arg9 : memref<20x128xi32, #tpu.memory_space<vmem>>)
      tpu.yield
    }) : () -> ()
    %run_scoped3A_46 = arith.constant 1 : i32
    "tpu.region"() ({
      %run_scoped3A_365 = tpu.sem_alloc : memref<!tpu.dma_semaphore, #tpu.memory_space<semaphore_mem>>
      %dma_start3A_366 = arith.constant 0 : i32
      %dma_start3A_367 = arith.constant 0 : i32
      %dma_start3A_368 = tpu.memref_slice %arg4[%arg0, %run_scoped3A_46, %arg1, %dma_start3A_366, %dma_start3A_367] : memref<2x8x16x20x128xi32, #tpu.memory_space<hbm>> -> memref<1x1x1x20x128xi32, #tpu.memory_space<hbm>>
      %dma_start3A_369 = tpu.memref_squeeze %dma_start3A_368 : memref<1x1x1x20x128xi32, #tpu.memory_space<hbm>> -> memref<20x128xi32, #tpu.memory_space<hbm>>
      %dma_start3A_370 = arith.constant 0 : i32
      %dma_start3A_371 = arith.constant 0 : i32
      %dma_start3A_372 = tpu.memref_slice %arg4[%arg0, %run_scoped3A_46, %arg1, %dma_start3A_370, %dma_start3A_371] : memref<2x8x16x20x128xi32, #tpu.memory_space<hbm>> -> memref<1x1x1x20x128xi32, #tpu.memory_space<hbm>>
      %dma_start3A_373 = tpu.memref_squeeze %dma_start3A_372 : memref<1x1x1x20x128xi32, #tpu.memory_space<hbm>> -> memref<20x128xi32, #tpu.memory_space<hbm>>
      tpu.enqueue_dma source(%dma_start3A_373 : memref<20x128xi32, #tpu.memory_space<hbm>>) target(%arg10 : memref<20x128xi32, #tpu.memory_space<vmem>>) target_semaphore(%run_scoped3A_365 : memref<!tpu.dma_semaphore, #tpu.memory_space<semaphore_mem>>)
      %dma_wait3A_374 = arith.constant 0 : i32
      %dma_wait3A_375 = arith.constant 0 : i32
      %dma_wait3A_376 = tpu.memref_slice %arg4[%arg0, %run_scoped3A_46, %arg1, %dma_wait3A_374, %dma_wait3A_375] : memref<2x8x16x20x128xi32, #tpu.memory_space<hbm>> -> memref<1x1x1x20x128xi32, #tpu.memory_space<hbm>>
      %dma_wait3A_377 = tpu.memref_squeeze %dma_wait3A_376 : memref<1x1x1x20x128xi32, #tpu.memory_space<hbm>> -> memref<20x128xi32, #tpu.memory_space<hbm>>
      %dma_wait3A_378 = arith.constant 0 : i32
      %dma_wait3A_379 = arith.constant 0 : i32
      %dma_wait3A_380 = tpu.memref_slice %arg4[%arg0, %run_scoped3A_46, %arg1, %dma_wait3A_378, %dma_wait3A_379] : memref<2x8x16x20x128xi32, #tpu.memory_space<hbm>> -> memref<1x1x1x20x128xi32, #tpu.memory_space<hbm>>
      %dma_wait3A_381 = tpu.memref_squeeze %dma_wait3A_380 : memref<1x1x1x20x128xi32, #tpu.memory_space<hbm>> -> memref<20x128xi32, #tpu.memory_space<hbm>>
      tpu.wait_dma2 semaphore(%run_scoped3A_365 : memref<!tpu.dma_semaphore, #tpu.memory_space<semaphore_mem>>) src(%dma_wait3A_381 : memref<20x128xi32, #tpu.memory_space<hbm>>) dst(%arg10 : memref<20x128xi32, #tpu.memory_space<vmem>>)
      tpu.yield
    }) : () -> ()
    %run_scoped3A_47 = arith.constant 1 : i32
    "tpu.region"() ({
      %run_scoped3A_365 = tpu.sem_alloc : memref<!tpu.dma_semaphore, #tpu.memory_space<semaphore_mem>>
      %dma_start3A_366 = arith.constant 0 : i32
      %dma_start3A_367 = arith.constant 0 : i32
      %dma_start3A_368 = tpu.memref_slice %arg5[%arg0, %run_scoped3A_47, %arg1, %dma_start3A_366, %dma_start3A_367] : memref<2x8x16x20x128xi32, #tpu.memory_space<hbm>> -> memref<1x1x1x20x128xi32, #tpu.memory_space<hbm>>
      %dma_start3A_369 = tpu.memref_squeeze %dma_start3A_368 : memref<1x1x1x20x128xi32, #tpu.memory_space<hbm>> -> memref<20x128xi32, #tpu.memory_space<hbm>>
      %dma_start3A_370 = arith.constant 0 : i32
      %dma_start3A_371 = arith.constant 0 : i32
      %dma_start3A_372 = tpu.memref_slice %arg5[%arg0, %run_scoped3A_47, %arg1, %dma_start3A_370, %dma_start3A_371] : memref<2x8x16x20x128xi32, #tpu.memory_space<hbm>> -> memref<1x1x1x20x128xi32, #tpu.memory_space<hbm>>
      %dma_start3A_373 = tpu.memref_squeeze %dma_start3A_372 : memref<1x1x1x20x128xi32, #tpu.memory_space<hbm>> -> memref<20x128xi32, #tpu.memory_space<hbm>>
      tpu.enqueue_dma source(%dma_start3A_373 : memref<20x128xi32, #tpu.memory_space<hbm>>) target(%arg11 : memref<20x128xi32, #tpu.memory_space<vmem>>) target_semaphore(%run_scoped3A_365 : memref<!tpu.dma_semaphore, #tpu.memory_space<semaphore_mem>>)
      %dma_wait3A_374 = arith.constant 0 : i32
      %dma_wait3A_375 = arith.constant 0 : i32
      %dma_wait3A_376 = tpu.memref_slice %arg5[%arg0, %run_scoped3A_47, %arg1, %dma_wait3A_374, %dma_wait3A_375] : memref<2x8x16x20x128xi32, #tpu.memory_space<hbm>> -> memref<1x1x1x20x128xi32, #tpu.memory_space<hbm>>
      %dma_wait3A_377 = tpu.memref_squeeze %dma_wait3A_376 : memref<1x1x1x20x128xi32, #tpu.memory_space<hbm>> -> memref<20x128xi32, #tpu.memory_space<hbm>>
      %dma_wait3A_378 = arith.constant 0 : i32
      %dma_wait3A_379 = arith.constant 0 : i32
      %dma_wait3A_380 = tpu.memref_slice %arg5[%arg0, %run_scoped3A_47, %arg1, %dma_wait3A_378, %dma_wait3A_379] : memref<2x8x16x20x128xi32, #tpu.memory_space<hbm>> -> memref<1x1x1x20x128xi32, #tpu.memory_space<hbm>>
      %dma_wait3A_381 = tpu.memref_squeeze %dma_wait3A_380 : memref<1x1x1x20x128xi32, #tpu.memory_space<hbm>> -> memref<20x128xi32, #tpu.memory_space<hbm>>
      tpu.wait_dma2 semaphore(%run_scoped3A_365 : memref<!tpu.dma_semaphore, #tpu.memory_space<semaphore_mem>>) src(%dma_wait3A_381 : memref<20x128xi32, #tpu.memory_space<hbm>>) dst(%arg11 : memref<20x128xi32, #tpu.memory_space<vmem>>)
      tpu.yield
    }) : () -> ()
    %run_scoped3A_48 = arith.constant 1 : i32
    "tpu.region"() ({
      %run_scoped3A_365 = tpu.sem_alloc : memref<!tpu.dma_semaphore, #tpu.memory_space<semaphore_mem>>
      %dma_start3A_366 = arith.constant 0 : i32
      %dma_start3A_367 = arith.constant 0 : i32
      %dma_start3A_368 = tpu.memref_slice %arg6[%arg0, %run_scoped3A_48, %arg1, %dma_start3A_366, %dma_start3A_367] : memref<2x8x16x20x128xi32, #tpu.memory_space<hbm>> -> memref<1x1x1x20x128xi32, #tpu.memory_space<hbm>>
      %dma_start3A_369 = tpu.memref_squeeze %dma_start3A_368 : memref<1x1x1x20x128xi32, #tpu.memory_space<hbm>> -> memref<20x128xi32, #tpu.memory_space<hbm>>
      %dma_start3A_370 = arith.constant 0 : i32
      %dma_start3A_371 = arith.constant 0 : i32
      %dma_start3A_372 = tpu.memref_slice %arg6[%arg0, %run_scoped3A_48, %arg1, %dma_start3A_370, %dma_start3A_371] : memref<2x8x16x20x128xi32, #tpu.memory_space<hbm>> -> memref<1x1x1x20x128xi32, #tpu.memory_space<hbm>>
      %dma_start3A_373 = tpu.memref_squeeze %dma_start3A_372 : memref<1x1x1x20x128xi32, #tpu.memory_space<hbm>> -> memref<20x128xi32, #tpu.memory_space<hbm>>
      tpu.enqueue_dma source(%dma_start3A_373 : memref<20x128xi32, #tpu.memory_space<hbm>>) target(%arg12 : memref<20x128xi32, #tpu.memory_space<vmem>>) target_semaphore(%run_scoped3A_365 : memref<!tpu.dma_semaphore, #tpu.memory_space<semaphore_mem>>)
      %dma_wait3A_374 = arith.constant 0 : i32
      %dma_wait3A_375 = arith.constant 0 : i32
      %dma_wait3A_376 = tpu.memref_slice %arg6[%arg0, %run_scoped3A_48, %arg1, %dma_wait3A_374, %dma_wait3A_375] : memref<2x8x16x20x128xi32, #tpu.memory_space<hbm>> -> memref<1x1x1x20x128xi32, #tpu.memory_space<hbm>>
      %dma_wait3A_377 = tpu.memref_squeeze %dma_wait3A_376 : memref<1x1x1x20x128xi32, #tpu.memory_space<hbm>> -> memref<20x128xi32, #tpu.memory_space<hbm>>
      %dma_wait3A_378 = arith.constant 0 : i32
      %dma_wait3A_379 = arith.constant 0 : i32
      %dma_wait3A_380 = tpu.memref_slice %arg6[%arg0, %run_scoped3A_48, %arg1, %dma_wait3A_378, %dma_wait3A_379] : memref<2x8x16x20x128xi32, #tpu.memory_space<hbm>> -> memref<1x1x1x20x128xi32, #tpu.memory_space<hbm>>
      %dma_wait3A_381 = tpu.memref_squeeze %dma_wait3A_380 : memref<1x1x1x20x128xi32, #tpu.memory_space<hbm>> -> memref<20x128xi32, #tpu.memory_space<hbm>>
      tpu.wait_dma2 semaphore(%run_scoped3A_365 : memref<!tpu.dma_semaphore, #tpu.memory_space<semaphore_mem>>) src(%dma_wait3A_381 : memref<20x128xi32, #tpu.memory_space<hbm>>) dst(%arg12 : memref<20x128xi32, #tpu.memory_space<vmem>>)
      tpu.yield
    }) : () -> ()
    %dma_start3A_49 = arith.constant 0 : i32
    %dma_start3A_50 = arith.constant 0 : i32
    %dma_start3A_51 = tpu.memref_slice %arg9[%dma_start3A_49, %dma_start3A_50] : memref<20x128xi32, #tpu.memory_space<vmem>> -> memref<1x128xi32, #tpu.memory_space<vmem>>
    %dma_start3A_52 = tpu.memref_squeeze %dma_start3A_51 : memref<1x128xi32, #tpu.memory_space<vmem>> -> memref<128xi32, #tpu.memory_space<vmem>>
    %dma_start3A_53 = arith.constant 0 : i32
    %dma_start3A_54 = arith.constant 0 : i32
    %dma_start3A_55 = tpu.memref_slice %arg2[%dma_start3A_53, %dma_start3A_54] : memref<20480x80xf32, #tpu.memory_space<hbm>> -> memref<20480x80xf32, #tpu.memory_space<hbm>>
    tpu.enqueue_indirect_dma source(%dma_start3A_55 : memref<20480x80xf32, #tpu.memory_space<hbm>>) target(%arg13 : memref<128x80xf32, #tpu.memory_space<vmem>>) offsets(%dma_start3A_52 : memref<128xi32, #tpu.memory_space<vmem>>) semaphore(%arg18 : memref<!tpu.dma_semaphore, #tpu.memory_space<semaphore_mem>>)
    %dma_start3A_56 = arith.constant 0 : i32
    %dma_start3A_57 = arith.constant 0 : i32
    %dma_start3A_58 = tpu.memref_slice %arg10[%dma_start3A_56, %dma_start3A_57] : memref<20x128xi32, #tpu.memory_space<vmem>> -> memref<1x128xi32, #tpu.memory_space<vmem>>
    %dma_start3A_59 = tpu.memref_squeeze %dma_start3A_58 : memref<1x128xi32, #tpu.memory_space<vmem>> -> memref<128xi32, #tpu.memory_space<vmem>>
    %dma_start3A_60 = arith.constant 0 : i32
    %dma_start3A_61 = arith.constant 0 : i32
    %dma_start3A_62 = tpu.memref_slice %arg2[%dma_start3A_60, %dma_start3A_61] : memref<20480x80xf32, #tpu.memory_space<hbm>> -> memref<20480x80xf32, #tpu.memory_space<hbm>>
    tpu.enqueue_indirect_dma source(%dma_start3A_62 : memref<20480x80xf32, #tpu.memory_space<hbm>>) target(%arg14 : memref<128x80xf32, #tpu.memory_space<vmem>>) offsets(%dma_start3A_59 : memref<128xi32, #tpu.memory_space<vmem>>) semaphore(%arg19 : memref<!tpu.dma_semaphore, #tpu.memory_space<semaphore_mem>>)
    %scan3A_63 = arith.constant 0 : i32
    %scan3A_64 = arith.constant 10 : i32
    %scan3A_65 = arith.addi %scan3A_63, %scan3A_64 : i32
    %scan3A_66 = arith.constant 1 : i32
    scf.for %scan3A_365 = %scan3A_63 to %scan3A_65 step %scan3A_66  : i32 {
      %mul3A_366 = arith.constant 1 : i32
      %mul3A_367 = arith.muli %scan3A_365, %mul3A_366 : i32
      %add3A_368 = arith.constant 0 : i32
      %add3A_369 = arith.addi %add3A_368, %mul3A_367 : i32
      %mul3A_370 = arith.constant 2 : i32
      %mul3A_371 = arith.muli %mul3A_370, %add3A_369 : i32
      %mul3A_372 = arith.constant 2 : i32
      %mul3A_373 = arith.muli %mul3A_372, %add3A_369 : i32
      %add3A_374 = arith.constant 1 : i32
      %add3A_375 = arith.addi %mul3A_373, %add3A_374 : i32
      %dma_wait3A_376 = arith.constant 0 : i32
      %dma_wait3A_377 = tpu.memref_slice %arg9[%mul3A_371, %dma_wait3A_376] : memref<20x128xi32, #tpu.memory_space<vmem>> -> memref<1x128xi32, #tpu.memory_space<vmem>>
      %dma_wait3A_378 = tpu.memref_squeeze %dma_wait3A_377 : memref<1x128xi32, #tpu.memory_space<vmem>> -> memref<128xi32, #tpu.memory_space<vmem>>
      %dma_wait3A_379 = arith.constant 0 : i32
      %dma_wait3A_380 = arith.constant 0 : i32
      %dma_wait3A_381 = tpu.memref_slice %arg2[%dma_wait3A_379, %dma_wait3A_380] : memref<20480x80xf32, #tpu.memory_space<hbm>> -> memref<20480x80xf32, #tpu.memory_space<hbm>>
      tpu.wait_indirect_dma semaphore(%arg18 : memref<!tpu.dma_semaphore, #tpu.memory_space<semaphore_mem>>) src(%dma_wait3A_381 : memref<20480x80xf32, #tpu.memory_space<hbm>>) dst(%arg13 : memref<128x80xf32, #tpu.memory_space<vmem>>)
      %dma_wait3A_382 = arith.constant 0 : i32
      %dma_wait3A_383 = tpu.memref_slice %arg10[%mul3A_371, %dma_wait3A_382] : memref<20x128xi32, #tpu.memory_space<vmem>> -> memref<1x128xi32, #tpu.memory_space<vmem>>
      %dma_wait3A_384 = tpu.memref_squeeze %dma_wait3A_383 : memref<1x128xi32, #tpu.memory_space<vmem>> -> memref<128xi32, #tpu.memory_space<vmem>>
      %dma_wait3A_385 = arith.constant 0 : i32
      %dma_wait3A_386 = arith.constant 0 : i32
      %dma_wait3A_387 = tpu.memref_slice %arg2[%dma_wait3A_385, %dma_wait3A_386] : memref<20480x80xf32, #tpu.memory_space<hbm>> -> memref<20480x80xf32, #tpu.memory_space<hbm>>
      tpu.wait_indirect_dma semaphore(%arg19 : memref<!tpu.dma_semaphore, #tpu.memory_space<semaphore_mem>>) src(%dma_wait3A_387 : memref<20480x80xf32, #tpu.memory_space<hbm>>) dst(%arg14 : memref<128x80xf32, #tpu.memory_space<vmem>>)
      %dma_start3A_388 = arith.constant 0 : i32
      %dma_start3A_389 = tpu.memref_slice %arg11[%mul3A_371, %dma_start3A_388] : memref<20x128xi32, #tpu.memory_space<vmem>> -> memref<1x128xi32, #tpu.memory_space<vmem>>
      %dma_start3A_390 = tpu.memref_squeeze %dma_start3A_389 : memref<1x128xi32, #tpu.memory_space<vmem>> -> memref<128xi32, #tpu.memory_space<vmem>>
      %dma_start3A_391 = arith.constant 0 : i32
      %dma_start3A_392 = arith.constant 0 : i32
      %dma_start3A_393 = tpu.memref_slice %arg17[%dma_start3A_391, %dma_start3A_392] : memref<5120x80xf32, #tpu.memory_space<vmem_shared>> -> memref<5120x80xf32, #tpu.memory_space<vmem_shared>>
      tpu.enqueue_indirect_dma source(%arg14 : memref<128x80xf32, #tpu.memory_space<vmem>>) target(%dma_start3A_393 : memref<5120x80xf32, #tpu.memory_space<vmem_shared>>) offsets(%dma_start3A_390 : memref<128xi32, #tpu.memory_space<vmem>>) semaphore(%arg22 : memref<!tpu.dma_semaphore, #tpu.memory_space<semaphore_mem>>) {add = true}
      %dma_start3A_394 = arith.constant 0 : i32
      %dma_start3A_395 = tpu.memref_slice %arg12[%mul3A_371, %dma_start3A_394] : memref<20x128xi32, #tpu.memory_space<vmem>> -> memref<1x128xi32, #tpu.memory_space<vmem>>
      %dma_start3A_396 = tpu.memref_squeeze %dma_start3A_395 : memref<1x128xi32, #tpu.memory_space<vmem>> -> memref<128xi32, #tpu.memory_space<vmem>>
      %dma_start3A_397 = arith.constant 0 : i32
      %dma_start3A_398 = arith.constant 0 : i32
      %dma_start3A_399 = tpu.memref_slice %arg17[%dma_start3A_397, %dma_start3A_398] : memref<5120x80xf32, #tpu.memory_space<vmem_shared>> -> memref<5120x80xf32, #tpu.memory_space<vmem_shared>>
      tpu.enqueue_indirect_dma source(%arg13 : memref<128x80xf32, #tpu.memory_space<vmem>>) target(%dma_start3A_399 : memref<5120x80xf32, #tpu.memory_space<vmem_shared>>) offsets(%dma_start3A_396 : memref<128xi32, #tpu.memory_space<vmem>>) semaphore(%arg23 : memref<!tpu.dma_semaphore, #tpu.memory_space<semaphore_mem>>) {add = true}
      %gt3A = arith.constant 0 : i32
      %gt3A_400 = arith.cmpi sgt, %add3A_369, %gt3A : i32
      %convert_element_type3A = arith.extui %gt3A_400 : i1 to i32
      %cond3A = arith.constant 0 : i32
      %cond3A_401 = arith.cmpi ne, %convert_element_type3A, %cond3A : i32
      scf.if %cond3A_401 {
        %dma_wait3A_454 = arith.constant 0 : i32
        %dma_wait3A_455 = arith.constant 0 : i32
        %dma_wait3A_456 = tpu.memref_slice %arg2[%dma_wait3A_454, %dma_wait3A_455] : memref<20480x80xf32, #tpu.memory_space<hbm>> -> memref<128x80xf32, #tpu.memory_space<hbm>>
        %dma_wait3A_457 = arith.constant 0 : i32
        %dma_wait3A_458 = arith.constant 0 : i32
        %dma_wait3A_459 = tpu.memref_slice %arg2[%dma_wait3A_457, %dma_wait3A_458] : memref<20480x80xf32, #tpu.memory_space<hbm>> -> memref<128x80xf32, #tpu.memory_space<hbm>>
        tpu.wait_dma2 semaphore(%arg24 : memref<!tpu.dma_semaphore, #tpu.memory_space<semaphore_mem>>) src(%dma_wait3A_459 : memref<128x80xf32, #tpu.memory_space<hbm>>) dst(%arg15 : memref<128x80xf32, #tpu.memory_space<vmem>>)
        %dma_wait3A_460 = arith.constant 0 : i32
        %dma_wait3A_461 = arith.constant 0 : i32
        %dma_wait3A_462 = tpu.memref_slice %arg2[%dma_wait3A_460, %dma_wait3A_461] : memref<20480x80xf32, #tpu.memory_space<hbm>> -> memref<128x80xf32, #tpu.memory_space<hbm>>
        %dma_wait3A_463 = arith.constant 0 : i32
        %dma_wait3A_464 = arith.constant 0 : i32
        %dma_wait3A_465 = tpu.memref_slice %arg2[%dma_wait3A_463, %dma_wait3A_464] : memref<20480x80xf32, #tpu.memory_space<hbm>> -> memref<128x80xf32, #tpu.memory_space<hbm>>
        tpu.wait_dma2 semaphore(%arg25 : memref<!tpu.dma_semaphore, #tpu.memory_space<semaphore_mem>>) src(%dma_wait3A_465 : memref<128x80xf32, #tpu.memory_space<hbm>>) dst(%arg16 : memref<128x80xf32, #tpu.memory_space<vmem>>)
      } else {
      }
      %dma_start3A_402 = arith.constant 0 : i32
      %dma_start3A_403 = tpu.memref_slice %arg9[%add3A_375, %dma_start3A_402] : memref<20x128xi32, #tpu.memory_space<vmem>> -> memref<1x128xi32, #tpu.memory_space<vmem>>
      %dma_start3A_404 = tpu.memref_squeeze %dma_start3A_403 : memref<1x128xi32, #tpu.memory_space<vmem>> -> memref<128xi32, #tpu.memory_space<vmem>>
      %dma_start3A_405 = arith.constant 0 : i32
      %dma_start3A_406 = arith.constant 0 : i32
      %dma_start3A_407 = tpu.memref_slice %arg2[%dma_start3A_405, %dma_start3A_406] : memref<20480x80xf32, #tpu.memory_space<hbm>> -> memref<20480x80xf32, #tpu.memory_space<hbm>>
      tpu.enqueue_indirect_dma source(%dma_start3A_407 : memref<20480x80xf32, #tpu.memory_space<hbm>>) target(%arg15 : memref<128x80xf32, #tpu.memory_space<vmem>>) offsets(%dma_start3A_404 : memref<128xi32, #tpu.memory_space<vmem>>) semaphore(%arg20 : memref<!tpu.dma_semaphore, #tpu.memory_space<semaphore_mem>>)
      %dma_start3A_408 = arith.constant 0 : i32
      %dma_start3A_409 = tpu.memref_slice %arg10[%add3A_375, %dma_start3A_408] : memref<20x128xi32, #tpu.memory_space<vmem>> -> memref<1x128xi32, #tpu.memory_space<vmem>>
      %dma_start3A_410 = tpu.memref_squeeze %dma_start3A_409 : memref<1x128xi32, #tpu.memory_space<vmem>> -> memref<128xi32, #tpu.memory_space<vmem>>
      %dma_start3A_411 = arith.constant 0 : i32
      %dma_start3A_412 = arith.constant 0 : i32
      %dma_start3A_413 = tpu.memref_slice %arg2[%dma_start3A_411, %dma_start3A_412] : memref<20480x80xf32, #tpu.memory_space<hbm>> -> memref<20480x80xf32, #tpu.memory_space<hbm>>
      tpu.enqueue_indirect_dma source(%dma_start3A_413 : memref<20480x80xf32, #tpu.memory_space<hbm>>) target(%arg16 : memref<128x80xf32, #tpu.memory_space<vmem>>) offsets(%dma_start3A_410 : memref<128xi32, #tpu.memory_space<vmem>>) semaphore(%arg21 : memref<!tpu.dma_semaphore, #tpu.memory_space<semaphore_mem>>)
      %dma_wait3A_414 = arith.constant 0 : i32
      %dma_wait3A_415 = tpu.memref_slice %arg9[%add3A_375, %dma_wait3A_414] : memref<20x128xi32, #tpu.memory_space<vmem>> -> memref<1x128xi32, #tpu.memory_space<vmem>>
      %dma_wait3A_416 = tpu.memref_squeeze %dma_wait3A_415 : memref<1x128xi32, #tpu.memory_space<vmem>> -> memref<128xi32, #tpu.memory_space<vmem>>
      %dma_wait3A_417 = arith.constant 0 : i32
      %dma_wait3A_418 = arith.constant 0 : i32
      %dma_wait3A_419 = tpu.memref_slice %arg2[%dma_wait3A_417, %dma_wait3A_418] : memref<20480x80xf32, #tpu.memory_space<hbm>> -> memref<20480x80xf32, #tpu.memory_space<hbm>>
      tpu.wait_indirect_dma semaphore(%arg20 : memref<!tpu.dma_semaphore, #tpu.memory_space<semaphore_mem>>) src(%dma_wait3A_419 : memref<20480x80xf32, #tpu.memory_space<hbm>>) dst(%arg15 : memref<128x80xf32, #tpu.memory_space<vmem>>)
      %dma_wait3A_420 = arith.constant 0 : i32
      %dma_wait3A_421 = tpu.memref_slice %arg10[%add3A_375, %dma_wait3A_420] : memref<20x128xi32, #tpu.memory_space<vmem>> -> memref<1x128xi32, #tpu.memory_space<vmem>>
      %dma_wait3A_422 = tpu.memref_squeeze %dma_wait3A_421 : memref<1x128xi32, #tpu.memory_space<vmem>> -> memref<128xi32, #tpu.memory_space<vmem>>
      %dma_wait3A_423 = arith.constant 0 : i32
      %dma_wait3A_424 = arith.constant 0 : i32
      %dma_wait3A_425 = tpu.memref_slice %arg2[%dma_wait3A_423, %dma_wait3A_424] : memref<20480x80xf32, #tpu.memory_space<hbm>> -> memref<20480x80xf32, #tpu.memory_space<hbm>>
      tpu.wait_indirect_dma semaphore(%arg21 : memref<!tpu.dma_semaphore, #tpu.memory_space<semaphore_mem>>) src(%dma_wait3A_425 : memref<20480x80xf32, #tpu.memory_space<hbm>>) dst(%arg16 : memref<128x80xf32, #tpu.memory_space<vmem>>)
      %dma_start3A_426 = arith.constant 0 : i32
      %dma_start3A_427 = tpu.memref_slice %arg11[%add3A_375, %dma_start3A_426] : memref<20x128xi32, #tpu.memory_space<vmem>> -> memref<1x128xi32, #tpu.memory_space<vmem>>
      %dma_start3A_428 = tpu.memref_squeeze %dma_start3A_427 : memref<1x128xi32, #tpu.memory_space<vmem>> -> memref<128xi32, #tpu.memory_space<vmem>>
      %dma_start3A_429 = arith.constant 0 : i32
      %dma_start3A_430 = arith.constant 0 : i32
      %dma_start3A_431 = tpu.memref_slice %arg17[%dma_start3A_429, %dma_start3A_430] : memref<5120x80xf32, #tpu.memory_space<vmem_shared>> -> memref<5120x80xf32, #tpu.memory_space<vmem_shared>>
      tpu.enqueue_indirect_dma source(%arg16 : memref<128x80xf32, #tpu.memory_space<vmem>>) target(%dma_start3A_431 : memref<5120x80xf32, #tpu.memory_space<vmem_shared>>) offsets(%dma_start3A_428 : memref<128xi32, #tpu.memory_space<vmem>>) semaphore(%arg24 : memref<!tpu.dma_semaphore, #tpu.memory_space<semaphore_mem>>) {add = true}
      %dma_start3A_432 = arith.constant 0 : i32
      %dma_start3A_433 = tpu.memref_slice %arg12[%add3A_375, %dma_start3A_432] : memref<20x128xi32, #tpu.memory_space<vmem>> -> memref<1x128xi32, #tpu.memory_space<vmem>>
      %dma_start3A_434 = tpu.memref_squeeze %dma_start3A_433 : memref<1x128xi32, #tpu.memory_space<vmem>> -> memref<128xi32, #tpu.memory_space<vmem>>
      %dma_start3A_435 = arith.constant 0 : i32
      %dma_start3A_436 = arith.constant 0 : i32
      %dma_start3A_437 = tpu.memref_slice %arg17[%dma_start3A_435, %dma_start3A_436] : memref<5120x80xf32, #tpu.memory_space<vmem_shared>> -> memref<5120x80xf32, #tpu.memory_space<vmem_shared>>
      tpu.enqueue_indirect_dma source(%arg15 : memref<128x80xf32, #tpu.memory_space<vmem>>) target(%dma_start3A_437 : memref<5120x80xf32, #tpu.memory_space<vmem_shared>>) offsets(%dma_start3A_434 : memref<128xi32, #tpu.memory_space<vmem>>) semaphore(%arg25 : memref<!tpu.dma_semaphore, #tpu.memory_space<semaphore_mem>>) {add = true}
      %dma_wait3A_438 = arith.constant 0 : i32
      %dma_wait3A_439 = arith.constant 0 : i32
      %dma_wait3A_440 = tpu.memref_slice %arg2[%dma_wait3A_438, %dma_wait3A_439] : memref<20480x80xf32, #tpu.memory_space<hbm>> -> memref<128x80xf32, #tpu.memory_space<hbm>>
      %dma_wait3A_441 = arith.constant 0 : i32
      %dma_wait3A_442 = arith.constant 0 : i32
      %dma_wait3A_443 = tpu.memref_slice %arg2[%dma_wait3A_441, %dma_wait3A_442] : memref<20480x80xf32, #tpu.memory_space<hbm>> -> memref<128x80xf32, #tpu.memory_space<hbm>>
      tpu.wait_dma2 semaphore(%arg22 : memref<!tpu.dma_semaphore, #tpu.memory_space<semaphore_mem>>) src(%dma_wait3A_443 : memref<128x80xf32, #tpu.memory_space<hbm>>) dst(%arg13 : memref<128x80xf32, #tpu.memory_space<vmem>>)
      %dma_wait3A_444 = arith.constant 0 : i32
      %dma_wait3A_445 = arith.constant 0 : i32
      %dma_wait3A_446 = tpu.memref_slice %arg2[%dma_wait3A_444, %dma_wait3A_445] : memref<20480x80xf32, #tpu.memory_space<hbm>> -> memref<128x80xf32, #tpu.memory_space<hbm>>
      %dma_wait3A_447 = arith.constant 0 : i32
      %dma_wait3A_448 = arith.constant 0 : i32
      %dma_wait3A_449 = tpu.memref_slice %arg2[%dma_wait3A_447, %dma_wait3A_448] : memref<20480x80xf32, #tpu.memory_space<hbm>> -> memref<128x80xf32, #tpu.memory_space<hbm>>
      tpu.wait_dma2 semaphore(%arg23 : memref<!tpu.dma_semaphore, #tpu.memory_space<semaphore_mem>>) src(%dma_wait3A_449 : memref<128x80xf32, #tpu.memory_space<hbm>>) dst(%arg14 : memref<128x80xf32, #tpu.memory_space<vmem>>)
      %lt3A = arith.constant 9 : i32
      %lt3A_450 = arith.cmpi slt, %add3A_369, %lt3A : i32
      %convert_element_type3A_451 = arith.extui %lt3A_450 : i1 to i32
      %cond3A_452 = arith.constant 0 : i32
      %cond3A_453 = arith.cmpi ne, %convert_element_type3A_451, %cond3A_452 : i32
      scf.if %cond3A_453 {
        %add3A_454 = arith.constant 2 : i32
        %add3A_455 = arith.addi %mul3A_371, %add3A_454 : i32
        %dma_start3A_456 = arith.constant 0 : i32
        %dma_start3A_457 = tpu.memref_slice %arg9[%add3A_455, %dma_start3A_456] : memref<20x128xi32, #tpu.memory_space<vmem>> -> memref<1x128xi32, #tpu.memory_space<vmem>>
        %dma_start3A_458 = tpu.memref_squeeze %dma_start3A_457 : memref<1x128xi32, #tpu.memory_space<vmem>> -> memref<128xi32, #tpu.memory_space<vmem>>
        %dma_start3A_459 = arith.constant 0 : i32
        %dma_start3A_460 = arith.constant 0 : i32
        %dma_start3A_461 = tpu.memref_slice %arg2[%dma_start3A_459, %dma_start3A_460] : memref<20480x80xf32, #tpu.memory_space<hbm>> -> memref<20480x80xf32, #tpu.memory_space<hbm>>
        tpu.enqueue_indirect_dma source(%dma_start3A_461 : memref<20480x80xf32, #tpu.memory_space<hbm>>) target(%arg13 : memref<128x80xf32, #tpu.memory_space<vmem>>) offsets(%dma_start3A_458 : memref<128xi32, #tpu.memory_space<vmem>>) semaphore(%arg18 : memref<!tpu.dma_semaphore, #tpu.memory_space<semaphore_mem>>)
        %add3A_462 = arith.constant 2 : i32
        %add3A_463 = arith.addi %mul3A_371, %add3A_462 : i32
        %dma_start3A_464 = arith.constant 0 : i32
        %dma_start3A_465 = tpu.memref_slice %arg10[%add3A_463, %dma_start3A_464] : memref<20x128xi32, #tpu.memory_space<vmem>> -> memref<1x128xi32, #tpu.memory_space<vmem>>
        %dma_start3A_466 = tpu.memref_squeeze %dma_start3A_465 : memref<1x128xi32, #tpu.memory_space<vmem>> -> memref<128xi32, #tpu.memory_space<vmem>>
        %dma_start3A_467 = arith.constant 0 : i32
        %dma_start3A_468 = arith.constant 0 : i32
        %dma_start3A_469 = tpu.memref_slice %arg2[%dma_start3A_467, %dma_start3A_468] : memref<20480x80xf32, #tpu.memory_space<hbm>> -> memref<20480x80xf32, #tpu.memory_space<hbm>>
        tpu.enqueue_indirect_dma source(%dma_start3A_469 : memref<20480x80xf32, #tpu.memory_space<hbm>>) target(%arg14 : memref<128x80xf32, #tpu.memory_space<vmem>>) offsets(%dma_start3A_466 : memref<128xi32, #tpu.memory_space<vmem>>) semaphore(%arg19 : memref<!tpu.dma_semaphore, #tpu.memory_space<semaphore_mem>>)
      } else {
      }
    }
    %scan3A_67 = arith.constant 10 : i32
    %dma_wait3A_68 = arith.constant 0 : i32
    %dma_wait3A_69 = arith.constant 0 : i32
    %dma_wait3A_70 = tpu.memref_slice %arg2[%dma_wait3A_68, %dma_wait3A_69] : memref<20480x80xf32, #tpu.memory_space<hbm>> -> memref<128x80xf32, #tpu.memory_space<hbm>>
    %dma_wait3A_71 = arith.constant 0 : i32
    %dma_wait3A_72 = arith.constant 0 : i32
    %dma_wait3A_73 = tpu.memref_slice %arg2[%dma_wait3A_71, %dma_wait3A_72] : memref<20480x80xf32, #tpu.memory_space<hbm>> -> memref<128x80xf32, #tpu.memory_space<hbm>>
    tpu.wait_dma2 semaphore(%arg24 : memref<!tpu.dma_semaphore, #tpu.memory_space<semaphore_mem>>) src(%dma_wait3A_73 : memref<128x80xf32, #tpu.memory_space<hbm>>) dst(%arg15 : memref<128x80xf32, #tpu.memory_space<vmem>>)
    %dma_wait3A_74 = arith.constant 0 : i32
    %dma_wait3A_75 = arith.constant 0 : i32
    %dma_wait3A_76 = tpu.memref_slice %arg2[%dma_wait3A_74, %dma_wait3A_75] : memref<20480x80xf32, #tpu.memory_space<hbm>> -> memref<128x80xf32, #tpu.memory_space<hbm>>
    %dma_wait3A_77 = arith.constant 0 : i32
    %dma_wait3A_78 = arith.constant 0 : i32
    %dma_wait3A_79 = tpu.memref_slice %arg2[%dma_wait3A_77, %dma_wait3A_78] : memref<20480x80xf32, #tpu.memory_space<hbm>> -> memref<128x80xf32, #tpu.memory_space<hbm>>
    tpu.wait_dma2 semaphore(%arg25 : memref<!tpu.dma_semaphore, #tpu.memory_space<semaphore_mem>>) src(%dma_wait3A_79 : memref<128x80xf32, #tpu.memory_space<hbm>>) dst(%arg16 : memref<128x80xf32, #tpu.memory_space<vmem>>)
    %run_scoped3A_80 = arith.constant 2 : i32
    "tpu.region"() ({
      %run_scoped3A_365 = tpu.sem_alloc : memref<!tpu.dma_semaphore, #tpu.memory_space<semaphore_mem>>
      %dma_start3A_366 = arith.constant 0 : i32
      %dma_start3A_367 = arith.constant 0 : i32
      %dma_start3A_368 = tpu.memref_slice %arg3[%arg0, %run_scoped3A_80, %arg1, %dma_start3A_366, %dma_start3A_367] : memref<2x8x16x20x128xi32, #tpu.memory_space<hbm>> -> memref<1x1x1x20x128xi32, #tpu.memory_space<hbm>>
      %dma_start3A_369 = tpu.memref_squeeze %dma_start3A_368 : memref<1x1x1x20x128xi32, #tpu.memory_space<hbm>> -> memref<20x128xi32, #tpu.memory_space<hbm>>
      %dma_start3A_370 = arith.constant 0 : i32
      %dma_start3A_371 = arith.constant 0 : i32
      %dma_start3A_372 = tpu.memref_slice %arg3[%arg0, %run_scoped3A_80, %arg1, %dma_start3A_370, %dma_start3A_371] : memref<2x8x16x20x128xi32, #tpu.memory_space<hbm>> -> memref<1x1x1x20x128xi32, #tpu.memory_space<hbm>>
      %dma_start3A_373 = tpu.memref_squeeze %dma_start3A_372 : memref<1x1x1x20x128xi32, #tpu.memory_space<hbm>> -> memref<20x128xi32, #tpu.memory_space<hbm>>
      tpu.enqueue_dma source(%dma_start3A_373 : memref<20x128xi32, #tpu.memory_space<hbm>>) target(%arg9 : memref<20x128xi32, #tpu.memory_space<vmem>>) target_semaphore(%run_scoped3A_365 : memref<!tpu.dma_semaphore, #tpu.memory_space<semaphore_mem>>)
      %dma_wait3A_374 = arith.constant 0 : i32
      %dma_wait3A_375 = arith.constant 0 : i32
      %dma_wait3A_376 = tpu.memref_slice %arg3[%arg0, %run_scoped3A_80, %arg1, %dma_wait3A_374, %dma_wait3A_375] : memref<2x8x16x20x128xi32, #tpu.memory_space<hbm>> -> memref<1x1x1x20x128xi32, #tpu.memory_space<hbm>>
      %dma_wait3A_377 = tpu.memref_squeeze %dma_wait3A_376 : memref<1x1x1x20x128xi32, #tpu.memory_space<hbm>> -> memref<20x128xi32, #tpu.memory_space<hbm>>
      %dma_wait3A_378 = arith.constant 0 : i32
      %dma_wait3A_379 = arith.constant 0 : i32
      %dma_wait3A_380 = tpu.memref_slice %arg3[%arg0, %run_scoped3A_80, %arg1, %dma_wait3A_378, %dma_wait3A_379] : memref<2x8x16x20x128xi32, #tpu.memory_space<hbm>> -> memref<1x1x1x20x128xi32, #tpu.memory_space<hbm>>
      %dma_wait3A_381 = tpu.memref_squeeze %dma_wait3A_380 : memref<1x1x1x20x128xi32, #tpu.memory_space<hbm>> -> memref<20x128xi32, #tpu.memory_space<hbm>>
      tpu.wait_dma2 semaphore(%run_scoped3A_365 : memref<!tpu.dma_semaphore, #tpu.memory_space<semaphore_mem>>) src(%dma_wait3A_381 : memref<20x128xi32, #tpu.memory_space<hbm>>) dst(%arg9 : memref<20x128xi32, #tpu.memory_space<vmem>>)
      tpu.yield
    }) : () -> ()
    %run_scoped3A_81 = arith.constant 2 : i32
    "tpu.region"() ({
      %run_scoped3A_365 = tpu.sem_alloc : memref<!tpu.dma_semaphore, #tpu.memory_space<semaphore_mem>>
      %dma_start3A_366 = arith.constant 0 : i32
      %dma_start3A_367 = arith.constant 0 : i32
      %dma_start3A_368 = tpu.memref_slice %arg4[%arg0, %run_scoped3A_81, %arg1, %dma_start3A_366, %dma_start3A_367] : memref<2x8x16x20x128xi32, #tpu.memory_space<hbm>> -> memref<1x1x1x20x128xi32, #tpu.memory_space<hbm>>
      %dma_start3A_369 = tpu.memref_squeeze %dma_start3A_368 : memref<1x1x1x20x128xi32, #tpu.memory_space<hbm>> -> memref<20x128xi32, #tpu.memory_space<hbm>>
      %dma_start3A_370 = arith.constant 0 : i32
      %dma_start3A_371 = arith.constant 0 : i32
      %dma_start3A_372 = tpu.memref_slice %arg4[%arg0, %run_scoped3A_81, %arg1, %dma_start3A_370, %dma_start3A_371] : memref<2x8x16x20x128xi32, #tpu.memory_space<hbm>> -> memref<1x1x1x20x128xi32, #tpu.memory_space<hbm>>
      %dma_start3A_373 = tpu.memref_squeeze %dma_start3A_372 : memref<1x1x1x20x128xi32, #tpu.memory_space<hbm>> -> memref<20x128xi32, #tpu.memory_space<hbm>>
      tpu.enqueue_dma source(%dma_start3A_373 : memref<20x128xi32, #tpu.memory_space<hbm>>) target(%arg10 : memref<20x128xi32, #tpu.memory_space<vmem>>) target_semaphore(%run_scoped3A_365 : memref<!tpu.dma_semaphore, #tpu.memory_space<semaphore_mem>>)
      %dma_wait3A_374 = arith.constant 0 : i32
      %dma_wait3A_375 = arith.constant 0 : i32
      %dma_wait3A_376 = tpu.memref_slice %arg4[%arg0, %run_scoped3A_81, %arg1, %dma_wait3A_374, %dma_wait3A_375] : memref<2x8x16x20x128xi32, #tpu.memory_space<hbm>> -> memref<1x1x1x20x128xi32, #tpu.memory_space<hbm>>
      %dma_wait3A_377 = tpu.memref_squeeze %dma_wait3A_376 : memref<1x1x1x20x128xi32, #tpu.memory_space<hbm>> -> memref<20x128xi32, #tpu.memory_space<hbm>>
      %dma_wait3A_378 = arith.constant 0 : i32
      %dma_wait3A_379 = arith.constant 0 : i32
      %dma_wait3A_380 = tpu.memref_slice %arg4[%arg0, %run_scoped3A_81, %arg1, %dma_wait3A_378, %dma_wait3A_379] : memref<2x8x16x20x128xi32, #tpu.memory_space<hbm>> -> memref<1x1x1x20x128xi32, #tpu.memory_space<hbm>>
      %dma_wait3A_381 = tpu.memref_squeeze %dma_wait3A_380 : memref<1x1x1x20x128xi32, #tpu.memory_space<hbm>> -> memref<20x128xi32, #tpu.memory_space<hbm>>
      tpu.wait_dma2 semaphore(%run_scoped3A_365 : memref<!tpu.dma_semaphore, #tpu.memory_space<semaphore_mem>>) src(%dma_wait3A_381 : memref<20x128xi32, #tpu.memory_space<hbm>>) dst(%arg10 : memref<20x128xi32, #tpu.memory_space<vmem>>)
      tpu.yield
    }) : () -> ()
    %run_scoped3A_82 = arith.constant 2 : i32
    "tpu.region"() ({
      %run_scoped3A_365 = tpu.sem_alloc : memref<!tpu.dma_semaphore, #tpu.memory_space<semaphore_mem>>
      %dma_start3A_366 = arith.constant 0 : i32
      %dma_start3A_367 = arith.constant 0 : i32
      %dma_start3A_368 = tpu.memref_slice %arg5[%arg0, %run_scoped3A_82, %arg1, %dma_start3A_366, %dma_start3A_367] : memref<2x8x16x20x128xi32, #tpu.memory_space<hbm>> -> memref<1x1x1x20x128xi32, #tpu.memory_space<hbm>>
      %dma_start3A_369 = tpu.memref_squeeze %dma_start3A_368 : memref<1x1x1x20x128xi32, #tpu.memory_space<hbm>> -> memref<20x128xi32, #tpu.memory_space<hbm>>
      %dma_start3A_370 = arith.constant 0 : i32
      %dma_start3A_371 = arith.constant 0 : i32
      %dma_start3A_372 = tpu.memref_slice %arg5[%arg0, %run_scoped3A_82, %arg1, %dma_start3A_370, %dma_start3A_371] : memref<2x8x16x20x128xi32, #tpu.memory_space<hbm>> -> memref<1x1x1x20x128xi32, #tpu.memory_space<hbm>>
      %dma_start3A_373 = tpu.memref_squeeze %dma_start3A_372 : memref<1x1x1x20x128xi32, #tpu.memory_space<hbm>> -> memref<20x128xi32, #tpu.memory_space<hbm>>
      tpu.enqueue_dma source(%dma_start3A_373 : memref<20x128xi32, #tpu.memory_space<hbm>>) target(%arg11 : memref<20x128xi32, #tpu.memory_space<vmem>>) target_semaphore(%run_scoped3A_365 : memref<!tpu.dma_semaphore, #tpu.memory_space<semaphore_mem>>)
      %dma_wait3A_374 = arith.constant 0 : i32
      %dma_wait3A_375 = arith.constant 0 : i32
      %dma_wait3A_376 = tpu.memref_slice %arg5[%arg0, %run_scoped3A_82, %arg1, %dma_wait3A_374, %dma_wait3A_375] : memref<2x8x16x20x128xi32, #tpu.memory_space<hbm>> -> memref<1x1x1x20x128xi32, #tpu.memory_space<hbm>>
      %dma_wait3A_377 = tpu.memref_squeeze %dma_wait3A_376 : memref<1x1x1x20x128xi32, #tpu.memory_space<hbm>> -> memref<20x128xi32, #tpu.memory_space<hbm>>
      %dma_wait3A_378 = arith.constant 0 : i32
      %dma_wait3A_379 = arith.constant 0 : i32
      %dma_wait3A_380 = tpu.memref_slice %arg5[%arg0, %run_scoped3A_82, %arg1, %dma_wait3A_378, %dma_wait3A_379] : memref<2x8x16x20x128xi32, #tpu.memory_space<hbm>> -> memref<1x1x1x20x128xi32, #tpu.memory_space<hbm>>
      %dma_wait3A_381 = tpu.memref_squeeze %dma_wait3A_380 : memref<1x1x1x20x128xi32, #tpu.memory_space<hbm>> -> memref<20x128xi32, #tpu.memory_space<hbm>>
      tpu.wait_dma2 semaphore(%run_scoped3A_365 : memref<!tpu.dma_semaphore, #tpu.memory_space<semaphore_mem>>) src(%dma_wait3A_381 : memref<20x128xi32, #tpu.memory_space<hbm>>) dst(%arg11 : memref<20x128xi32, #tpu.memory_space<vmem>>)
      tpu.yield
    }) : () -> ()
    %run_scoped3A_83 = arith.constant 2 : i32
    "tpu.region"() ({
      %run_scoped3A_365 = tpu.sem_alloc : memref<!tpu.dma_semaphore, #tpu.memory_space<semaphore_mem>>
      %dma_start3A_366 = arith.constant 0 : i32
      %dma_start3A_367 = arith.constant 0 : i32
      %dma_start3A_368 = tpu.memref_slice %arg6[%arg0, %run_scoped3A_83, %arg1, %dma_start3A_366, %dma_start3A_367] : memref<2x8x16x20x128xi32, #tpu.memory_space<hbm>> -> memref<1x1x1x20x128xi32, #tpu.memory_space<hbm>>
      %dma_start3A_369 = tpu.memref_squeeze %dma_start3A_368 : memref<1x1x1x20x128xi32, #tpu.memory_space<hbm>> -> memref<20x128xi32, #tpu.memory_space<hbm>>
      %dma_start3A_370 = arith.constant 0 : i32
      %dma_start3A_371 = arith.constant 0 : i32
      %dma_start3A_372 = tpu.memref_slice %arg6[%arg0, %run_scoped3A_83, %arg1, %dma_start3A_370, %dma_start3A_371] : memref<2x8x16x20x128xi32, #tpu.memory_space<hbm>> -> memref<1x1x1x20x128xi32, #tpu.memory_space<hbm>>
      %dma_start3A_373 = tpu.memref_squeeze %dma_start3A_372 : memref<1x1x1x20x128xi32, #tpu.memory_space<hbm>> -> memref<20x128xi32, #tpu.memory_space<hbm>>
      tpu.enqueue_dma source(%dma_start3A_373 : memref<20x128xi32, #tpu.memory_space<hbm>>) target(%arg12 : memref<20x128xi32, #tpu.memory_space<vmem>>) target_semaphore(%run_scoped3A_365 : memref<!tpu.dma_semaphore, #tpu.memory_space<semaphore_mem>>)
      %dma_wait3A_374 = arith.constant 0 : i32
      %dma_wait3A_375 = arith.constant 0 : i32
      %dma_wait3A_376 = tpu.memref_slice %arg6[%arg0, %run_scoped3A_83, %arg1, %dma_wait3A_374, %dma_wait3A_375] : memref<2x8x16x20x128xi32, #tpu.memory_space<hbm>> -> memref<1x1x1x20x128xi32, #tpu.memory_space<hbm>>
      %dma_wait3A_377 = tpu.memref_squeeze %dma_wait3A_376 : memref<1x1x1x20x128xi32, #tpu.memory_space<hbm>> -> memref<20x128xi32, #tpu.memory_space<hbm>>
      %dma_wait3A_378 = arith.constant 0 : i32
      %dma_wait3A_379 = arith.constant 0 : i32
      %dma_wait3A_380 = tpu.memref_slice %arg6[%arg0, %run_scoped3A_83, %arg1, %dma_wait3A_378, %dma_wait3A_379] : memref<2x8x16x20x128xi32, #tpu.memory_space<hbm>> -> memref<1x1x1x20x128xi32, #tpu.memory_space<hbm>>
      %dma_wait3A_381 = tpu.memref_squeeze %dma_wait3A_380 : memref<1x1x1x20x128xi32, #tpu.memory_space<hbm>> -> memref<20x128xi32, #tpu.memory_space<hbm>>
      tpu.wait_dma2 semaphore(%run_scoped3A_365 : memref<!tpu.dma_semaphore, #tpu.memory_space<semaphore_mem>>) src(%dma_wait3A_381 : memref<20x128xi32, #tpu.memory_space<hbm>>) dst(%arg12 : memref<20x128xi32, #tpu.memory_space<vmem>>)
      tpu.yield
    }) : () -> ()
    %dma_start3A_84 = arith.constant 0 : i32
    %dma_start3A_85 = arith.constant 0 : i32
    %dma_start3A_86 = tpu.memref_slice %arg9[%dma_start3A_84, %dma_start3A_85] : memref<20x128xi32, #tpu.memory_space<vmem>> -> memref<1x128xi32, #tpu.memory_space<vmem>>
    %dma_start3A_87 = tpu.memref_squeeze %dma_start3A_86 : memref<1x128xi32, #tpu.memory_space<vmem>> -> memref<128xi32, #tpu.memory_space<vmem>>
    %dma_start3A_88 = arith.constant 0 : i32
    %dma_start3A_89 = arith.constant 0 : i32
    %dma_start3A_90 = tpu.memref_slice %arg2[%dma_start3A_88, %dma_start3A_89] : memref<20480x80xf32, #tpu.memory_space<hbm>> -> memref<20480x80xf32, #tpu.memory_space<hbm>>
    tpu.enqueue_indirect_dma source(%dma_start3A_90 : memref<20480x80xf32, #tpu.memory_space<hbm>>) target(%arg13 : memref<128x80xf32, #tpu.memory_space<vmem>>) offsets(%dma_start3A_87 : memref<128xi32, #tpu.memory_space<vmem>>) semaphore(%arg18 : memref<!tpu.dma_semaphore, #tpu.memory_space<semaphore_mem>>)
    %dma_start3A_91 = arith.constant 0 : i32
    %dma_start3A_92 = arith.constant 0 : i32
    %dma_start3A_93 = tpu.memref_slice %arg10[%dma_start3A_91, %dma_start3A_92] : memref<20x128xi32, #tpu.memory_space<vmem>> -> memref<1x128xi32, #tpu.memory_space<vmem>>
    %dma_start3A_94 = tpu.memref_squeeze %dma_start3A_93 : memref<1x128xi32, #tpu.memory_space<vmem>> -> memref<128xi32, #tpu.memory_space<vmem>>
    %dma_start3A_95 = arith.constant 0 : i32
    %dma_start3A_96 = arith.constant 0 : i32
    %dma_start3A_97 = tpu.memref_slice %arg2[%dma_start3A_95, %dma_start3A_96] : memref<20480x80xf32, #tpu.memory_space<hbm>> -> memref<20480x80xf32, #tpu.memory_space<hbm>>
    tpu.enqueue_indirect_dma source(%dma_start3A_97 : memref<20480x80xf32, #tpu.memory_space<hbm>>) target(%arg14 : memref<128x80xf32, #tpu.memory_space<vmem>>) offsets(%dma_start3A_94 : memref<128xi32, #tpu.memory_space<vmem>>) semaphore(%arg19 : memref<!tpu.dma_semaphore, #tpu.memory_space<semaphore_mem>>)
    %scan3A_98 = arith.constant 0 : i32
    %scan3A_99 = arith.constant 10 : i32
    %scan3A_100 = arith.addi %scan3A_98, %scan3A_99 : i32
    %scan3A_101 = arith.constant 1 : i32
    scf.for %scan3A_365 = %scan3A_98 to %scan3A_100 step %scan3A_101  : i32 {
      %mul3A_366 = arith.constant 1 : i32
      %mul3A_367 = arith.muli %scan3A_365, %mul3A_366 : i32
      %add3A_368 = arith.constant 0 : i32
      %add3A_369 = arith.addi %add3A_368, %mul3A_367 : i32
      %mul3A_370 = arith.constant 2 : i32
      %mul3A_371 = arith.muli %mul3A_370, %add3A_369 : i32
      %mul3A_372 = arith.constant 2 : i32
      %mul3A_373 = arith.muli %mul3A_372, %add3A_369 : i32
      %add3A_374 = arith.constant 1 : i32
      %add3A_375 = arith.addi %mul3A_373, %add3A_374 : i32
      %dma_wait3A_376 = arith.constant 0 : i32
      %dma_wait3A_377 = tpu.memref_slice %arg9[%mul3A_371, %dma_wait3A_376] : memref<20x128xi32, #tpu.memory_space<vmem>> -> memref<1x128xi32, #tpu.memory_space<vmem>>
      %dma_wait3A_378 = tpu.memref_squeeze %dma_wait3A_377 : memref<1x128xi32, #tpu.memory_space<vmem>> -> memref<128xi32, #tpu.memory_space<vmem>>
      %dma_wait3A_379 = arith.constant 0 : i32
      %dma_wait3A_380 = arith.constant 0 : i32
      %dma_wait3A_381 = tpu.memref_slice %arg2[%dma_wait3A_379, %dma_wait3A_380] : memref<20480x80xf32, #tpu.memory_space<hbm>> -> memref<20480x80xf32, #tpu.memory_space<hbm>>
      tpu.wait_indirect_dma semaphore(%arg18 : memref<!tpu.dma_semaphore, #tpu.memory_space<semaphore_mem>>) src(%dma_wait3A_381 : memref<20480x80xf32, #tpu.memory_space<hbm>>) dst(%arg13 : memref<128x80xf32, #tpu.memory_space<vmem>>)
      %dma_wait3A_382 = arith.constant 0 : i32
      %dma_wait3A_383 = tpu.memref_slice %arg10[%mul3A_371, %dma_wait3A_382] : memref<20x128xi32, #tpu.memory_space<vmem>> -> memref<1x128xi32, #tpu.memory_space<vmem>>
      %dma_wait3A_384 = tpu.memref_squeeze %dma_wait3A_383 : memref<1x128xi32, #tpu.memory_space<vmem>> -> memref<128xi32, #tpu.memory_space<vmem>>
      %dma_wait3A_385 = arith.constant 0 : i32
      %dma_wait3A_386 = arith.constant 0 : i32
      %dma_wait3A_387 = tpu.memref_slice %arg2[%dma_wait3A_385, %dma_wait3A_386] : memref<20480x80xf32, #tpu.memory_space<hbm>> -> memref<20480x80xf32, #tpu.memory_space<hbm>>
      tpu.wait_indirect_dma semaphore(%arg19 : memref<!tpu.dma_semaphore, #tpu.memory_space<semaphore_mem>>) src(%dma_wait3A_387 : memref<20480x80xf32, #tpu.memory_space<hbm>>) dst(%arg14 : memref<128x80xf32, #tpu.memory_space<vmem>>)
      %dma_start3A_388 = arith.constant 0 : i32
      %dma_start3A_389 = tpu.memref_slice %arg11[%mul3A_371, %dma_start3A_388] : memref<20x128xi32, #tpu.memory_space<vmem>> -> memref<1x128xi32, #tpu.memory_space<vmem>>
      %dma_start3A_390 = tpu.memref_squeeze %dma_start3A_389 : memref<1x128xi32, #tpu.memory_space<vmem>> -> memref<128xi32, #tpu.memory_space<vmem>>
      %dma_start3A_391 = arith.constant 0 : i32
      %dma_start3A_392 = arith.constant 0 : i32
      %dma_start3A_393 = tpu.memref_slice %arg17[%dma_start3A_391, %dma_start3A_392] : memref<5120x80xf32, #tpu.memory_space<vmem_shared>> -> memref<5120x80xf32, #tpu.memory_space<vmem_shared>>
      tpu.enqueue_indirect_dma source(%arg14 : memref<128x80xf32, #tpu.memory_space<vmem>>) target(%dma_start3A_393 : memref<5120x80xf32, #tpu.memory_space<vmem_shared>>) offsets(%dma_start3A_390 : memref<128xi32, #tpu.memory_space<vmem>>) semaphore(%arg22 : memref<!tpu.dma_semaphore, #tpu.memory_space<semaphore_mem>>) {add = true}
      %dma_start3A_394 = arith.constant 0 : i32
      %dma_start3A_395 = tpu.memref_slice %arg12[%mul3A_371, %dma_start3A_394] : memref<20x128xi32, #tpu.memory_space<vmem>> -> memref<1x128xi32, #tpu.memory_space<vmem>>
      %dma_start3A_396 = tpu.memref_squeeze %dma_start3A_395 : memref<1x128xi32, #tpu.memory_space<vmem>> -> memref<128xi32, #tpu.memory_space<vmem>>
      %dma_start3A_397 = arith.constant 0 : i32
      %dma_start3A_398 = arith.constant 0 : i32
      %dma_start3A_399 = tpu.memref_slice %arg17[%dma_start3A_397, %dma_start3A_398] : memref<5120x80xf32, #tpu.memory_space<vmem_shared>> -> memref<5120x80xf32, #tpu.memory_space<vmem_shared>>
      tpu.enqueue_indirect_dma source(%arg13 : memref<128x80xf32, #tpu.memory_space<vmem>>) target(%dma_start3A_399 : memref<5120x80xf32, #tpu.memory_space<vmem_shared>>) offsets(%dma_start3A_396 : memref<128xi32, #tpu.memory_space<vmem>>) semaphore(%arg23 : memref<!tpu.dma_semaphore, #tpu.memory_space<semaphore_mem>>) {add = true}
      %gt3A = arith.constant 0 : i32
      %gt3A_400 = arith.cmpi sgt, %add3A_369, %gt3A : i32
      %convert_element_type3A = arith.extui %gt3A_400 : i1 to i32
      %cond3A = arith.constant 0 : i32
      %cond3A_401 = arith.cmpi ne, %convert_element_type3A, %cond3A : i32
      scf.if %cond3A_401 {
        %dma_wait3A_454 = arith.constant 0 : i32
        %dma_wait3A_455 = arith.constant 0 : i32
        %dma_wait3A_456 = tpu.memref_slice %arg2[%dma_wait3A_454, %dma_wait3A_455] : memref<20480x80xf32, #tpu.memory_space<hbm>> -> memref<128x80xf32, #tpu.memory_space<hbm>>
        %dma_wait3A_457 = arith.constant 0 : i32
        %dma_wait3A_458 = arith.constant 0 : i32
        %dma_wait3A_459 = tpu.memref_slice %arg2[%dma_wait3A_457, %dma_wait3A_458] : memref<20480x80xf32, #tpu.memory_space<hbm>> -> memref<128x80xf32, #tpu.memory_space<hbm>>
        tpu.wait_dma2 semaphore(%arg24 : memref<!tpu.dma_semaphore, #tpu.memory_space<semaphore_mem>>) src(%dma_wait3A_459 : memref<128x80xf32, #tpu.memory_space<hbm>>) dst(%arg15 : memref<128x80xf32, #tpu.memory_space<vmem>>)
        %dma_wait3A_460 = arith.constant 0 : i32
        %dma_wait3A_461 = arith.constant 0 : i32
        %dma_wait3A_462 = tpu.memref_slice %arg2[%dma_wait3A_460, %dma_wait3A_461] : memref<20480x80xf32, #tpu.memory_space<hbm>> -> memref<128x80xf32, #tpu.memory_space<hbm>>
        %dma_wait3A_463 = arith.constant 0 : i32
        %dma_wait3A_464 = arith.constant 0 : i32
        %dma_wait3A_465 = tpu.memref_slice %arg2[%dma_wait3A_463, %dma_wait3A_464] : memref<20480x80xf32, #tpu.memory_space<hbm>> -> memref<128x80xf32, #tpu.memory_space<hbm>>
        tpu.wait_dma2 semaphore(%arg25 : memref<!tpu.dma_semaphore, #tpu.memory_space<semaphore_mem>>) src(%dma_wait3A_465 : memref<128x80xf32, #tpu.memory_space<hbm>>) dst(%arg16 : memref<128x80xf32, #tpu.memory_space<vmem>>)
      } else {
      }
      %dma_start3A_402 = arith.constant 0 : i32
      %dma_start3A_403 = tpu.memref_slice %arg9[%add3A_375, %dma_start3A_402] : memref<20x128xi32, #tpu.memory_space<vmem>> -> memref<1x128xi32, #tpu.memory_space<vmem>>
      %dma_start3A_404 = tpu.memref_squeeze %dma_start3A_403 : memref<1x128xi32, #tpu.memory_space<vmem>> -> memref<128xi32, #tpu.memory_space<vmem>>
      %dma_start3A_405 = arith.constant 0 : i32
      %dma_start3A_406 = arith.constant 0 : i32
      %dma_start3A_407 = tpu.memref_slice %arg2[%dma_start3A_405, %dma_start3A_406] : memref<20480x80xf32, #tpu.memory_space<hbm>> -> memref<20480x80xf32, #tpu.memory_space<hbm>>
      tpu.enqueue_indirect_dma source(%dma_start3A_407 : memref<20480x80xf32, #tpu.memory_space<hbm>>) target(%arg15 : memref<128x80xf32, #tpu.memory_space<vmem>>) offsets(%dma_start3A_404 : memref<128xi32, #tpu.memory_space<vmem>>) semaphore(%arg20 : memref<!tpu.dma_semaphore, #tpu.memory_space<semaphore_mem>>)
      %dma_start3A_408 = arith.constant 0 : i32
      %dma_start3A_409 = tpu.memref_slice %arg10[%add3A_375, %dma_start3A_408] : memref<20x128xi32, #tpu.memory_space<vmem>> -> memref<1x128xi32, #tpu.memory_space<vmem>>
      %dma_start3A_410 = tpu.memref_squeeze %dma_start3A_409 : memref<1x128xi32, #tpu.memory_space<vmem>> -> memref<128xi32, #tpu.memory_space<vmem>>
      %dma_start3A_411 = arith.constant 0 : i32
      %dma_start3A_412 = arith.constant 0 : i32
      %dma_start3A_413 = tpu.memref_slice %arg2[%dma_start3A_411, %dma_start3A_412] : memref<20480x80xf32, #tpu.memory_space<hbm>> -> memref<20480x80xf32, #tpu.memory_space<hbm>>
      tpu.enqueue_indirect_dma source(%dma_start3A_413 : memref<20480x80xf32, #tpu.memory_space<hbm>>) target(%arg16 : memref<128x80xf32, #tpu.memory_space<vmem>>) offsets(%dma_start3A_410 : memref<128xi32, #tpu.memory_space<vmem>>) semaphore(%arg21 : memref<!tpu.dma_semaphore, #tpu.memory_space<semaphore_mem>>)
      %dma_wait3A_414 = arith.constant 0 : i32
      %dma_wait3A_415 = tpu.memref_slice %arg9[%add3A_375, %dma_wait3A_414] : memref<20x128xi32, #tpu.memory_space<vmem>> -> memref<1x128xi32, #tpu.memory_space<vmem>>
      %dma_wait3A_416 = tpu.memref_squeeze %dma_wait3A_415 : memref<1x128xi32, #tpu.memory_space<vmem>> -> memref<128xi32, #tpu.memory_space<vmem>>
      %dma_wait3A_417 = arith.constant 0 : i32
      %dma_wait3A_418 = arith.constant 0 : i32
      %dma_wait3A_419 = tpu.memref_slice %arg2[%dma_wait3A_417, %dma_wait3A_418] : memref<20480x80xf32, #tpu.memory_space<hbm>> -> memref<20480x80xf32, #tpu.memory_space<hbm>>
      tpu.wait_indirect_dma semaphore(%arg20 : memref<!tpu.dma_semaphore, #tpu.memory_space<semaphore_mem>>) src(%dma_wait3A_419 : memref<20480x80xf32, #tpu.memory_space<hbm>>) dst(%arg15 : memref<128x80xf32, #tpu.memory_space<vmem>>)
      %dma_wait3A_420 = arith.constant 0 : i32
      %dma_wait3A_421 = tpu.memref_slice %arg10[%add3A_375, %dma_wait3A_420] : memref<20x128xi32, #tpu.memory_space<vmem>> -> memref<1x128xi32, #tpu.memory_space<vmem>>
      %dma_wait3A_422 = tpu.memref_squeeze %dma_wait3A_421 : memref<1x128xi32, #tpu.memory_space<vmem>> -> memref<128xi32, #tpu.memory_space<vmem>>
      %dma_wait3A_423 = arith.constant 0 : i32
      %dma_wait3A_424 = arith.constant 0 : i32
      %dma_wait3A_425 = tpu.memref_slice %arg2[%dma_wait3A_423, %dma_wait3A_424] : memref<20480x80xf32, #tpu.memory_space<hbm>> -> memref<20480x80xf32, #tpu.memory_space<hbm>>
      tpu.wait_indirect_dma semaphore(%arg21 : memref<!tpu.dma_semaphore, #tpu.memory_space<semaphore_mem>>) src(%dma_wait3A_425 : memref<20480x80xf32, #tpu.memory_space<hbm>>) dst(%arg16 : memref<128x80xf32, #tpu.memory_space<vmem>>)
      %dma_start3A_426 = arith.constant 0 : i32
      %dma_start3A_427 = tpu.memref_slice %arg11[%add3A_375, %dma_start3A_426] : memref<20x128xi32, #tpu.memory_space<vmem>> -> memref<1x128xi32, #tpu.memory_space<vmem>>
      %dma_start3A_428 = tpu.memref_squeeze %dma_start3A_427 : memref<1x128xi32, #tpu.memory_space<vmem>> -> memref<128xi32, #tpu.memory_space<vmem>>
      %dma_start3A_429 = arith.constant 0 : i32
      %dma_start3A_430 = arith.constant 0 : i32
      %dma_start3A_431 = tpu.memref_slice %arg17[%dma_start3A_429, %dma_start3A_430] : memref<5120x80xf32, #tpu.memory_space<vmem_shared>> -> memref<5120x80xf32, #tpu.memory_space<vmem_shared>>
      tpu.enqueue_indirect_dma source(%arg16 : memref<128x80xf32, #tpu.memory_space<vmem>>) target(%dma_start3A_431 : memref<5120x80xf32, #tpu.memory_space<vmem_shared>>) offsets(%dma_start3A_428 : memref<128xi32, #tpu.memory_space<vmem>>) semaphore(%arg24 : memref<!tpu.dma_semaphore, #tpu.memory_space<semaphore_mem>>) {add = true}
      %dma_start3A_432 = arith.constant 0 : i32
      %dma_start3A_433 = tpu.memref_slice %arg12[%add3A_375, %dma_start3A_432] : memref<20x128xi32, #tpu.memory_space<vmem>> -> memref<1x128xi32, #tpu.memory_space<vmem>>
      %dma_start3A_434 = tpu.memref_squeeze %dma_start3A_433 : memref<1x128xi32, #tpu.memory_space<vmem>> -> memref<128xi32, #tpu.memory_space<vmem>>
      %dma_start3A_435 = arith.constant 0 : i32
      %dma_start3A_436 = arith.constant 0 : i32
      %dma_start3A_437 = tpu.memref_slice %arg17[%dma_start3A_435, %dma_start3A_436] : memref<5120x80xf32, #tpu.memory_space<vmem_shared>> -> memref<5120x80xf32, #tpu.memory_space<vmem_shared>>
      tpu.enqueue_indirect_dma source(%arg15 : memref<128x80xf32, #tpu.memory_space<vmem>>) target(%dma_start3A_437 : memref<5120x80xf32, #tpu.memory_space<vmem_shared>>) offsets(%dma_start3A_434 : memref<128xi32, #tpu.memory_space<vmem>>) semaphore(%arg25 : memref<!tpu.dma_semaphore, #tpu.memory_space<semaphore_mem>>) {add = true}
      %dma_wait3A_438 = arith.constant 0 : i32
      %dma_wait3A_439 = arith.constant 0 : i32
      %dma_wait3A_440 = tpu.memref_slice %arg2[%dma_wait3A_438, %dma_wait3A_439] : memref<20480x80xf32, #tpu.memory_space<hbm>> -> memref<128x80xf32, #tpu.memory_space<hbm>>
      %dma_wait3A_441 = arith.constant 0 : i32
      %dma_wait3A_442 = arith.constant 0 : i32
      %dma_wait3A_443 = tpu.memref_slice %arg2[%dma_wait3A_441, %dma_wait3A_442] : memref<20480x80xf32, #tpu.memory_space<hbm>> -> memref<128x80xf32, #tpu.memory_space<hbm>>
      tpu.wait_dma2 semaphore(%arg22 : memref<!tpu.dma_semaphore, #tpu.memory_space<semaphore_mem>>) src(%dma_wait3A_443 : memref<128x80xf32, #tpu.memory_space<hbm>>) dst(%arg13 : memref<128x80xf32, #tpu.memory_space<vmem>>)
      %dma_wait3A_444 = arith.constant 0 : i32
      %dma_wait3A_445 = arith.constant 0 : i32
      %dma_wait3A_446 = tpu.memref_slice %arg2[%dma_wait3A_444, %dma_wait3A_445] : memref<20480x80xf32, #tpu.memory_space<hbm>> -> memref<128x80xf32, #tpu.memory_space<hbm>>
      %dma_wait3A_447 = arith.constant 0 : i32
      %dma_wait3A_448 = arith.constant 0 : i32
      %dma_wait3A_449 = tpu.memref_slice %arg2[%dma_wait3A_447, %dma_wait3A_448] : memref<20480x80xf32, #tpu.memory_space<hbm>> -> memref<128x80xf32, #tpu.memory_space<hbm>>
      tpu.wait_dma2 semaphore(%arg23 : memref<!tpu.dma_semaphore, #tpu.memory_space<semaphore_mem>>) src(%dma_wait3A_449 : memref<128x80xf32, #tpu.memory_space<hbm>>) dst(%arg14 : memref<128x80xf32, #tpu.memory_space<vmem>>)
      %lt3A = arith.constant 9 : i32
      %lt3A_450 = arith.cmpi slt, %add3A_369, %lt3A : i32
      %convert_element_type3A_451 = arith.extui %lt3A_450 : i1 to i32
      %cond3A_452 = arith.constant 0 : i32
      %cond3A_453 = arith.cmpi ne, %convert_element_type3A_451, %cond3A_452 : i32
      scf.if %cond3A_453 {
        %add3A_454 = arith.constant 2 : i32
        %add3A_455 = arith.addi %mul3A_371, %add3A_454 : i32
        %dma_start3A_456 = arith.constant 0 : i32
        %dma_start3A_457 = tpu.memref_slice %arg9[%add3A_455, %dma_start3A_456] : memref<20x128xi32, #tpu.memory_space<vmem>> -> memref<1x128xi32, #tpu.memory_space<vmem>>
        %dma_start3A_458 = tpu.memref_squeeze %dma_start3A_457 : memref<1x128xi32, #tpu.memory_space<vmem>> -> memref<128xi32, #tpu.memory_space<vmem>>
        %dma_start3A_459 = arith.constant 0 : i32
        %dma_start3A_460 = arith.constant 0 : i32
        %dma_start3A_461 = tpu.memref_slice %arg2[%dma_start3A_459, %dma_start3A_460] : memref<20480x80xf32, #tpu.memory_space<hbm>> -> memref<20480x80xf32, #tpu.memory_space<hbm>>
        tpu.enqueue_indirect_dma source(%dma_start3A_461 : memref<20480x80xf32, #tpu.memory_space<hbm>>) target(%arg13 : memref<128x80xf32, #tpu.memory_space<vmem>>) offsets(%dma_start3A_458 : memref<128xi32, #tpu.memory_space<vmem>>) semaphore(%arg18 : memref<!tpu.dma_semaphore, #tpu.memory_space<semaphore_mem>>)
        %add3A_462 = arith.constant 2 : i32
        %add3A_463 = arith.addi %mul3A_371, %add3A_462 : i32
        %dma_start3A_464 = arith.constant 0 : i32
        %dma_start3A_465 = tpu.memref_slice %arg10[%add3A_463, %dma_start3A_464] : memref<20x128xi32, #tpu.memory_space<vmem>> -> memref<1x128xi32, #tpu.memory_space<vmem>>
        %dma_start3A_466 = tpu.memref_squeeze %dma_start3A_465 : memref<1x128xi32, #tpu.memory_space<vmem>> -> memref<128xi32, #tpu.memory_space<vmem>>
        %dma_start3A_467 = arith.constant 0 : i32
        %dma_start3A_468 = arith.constant 0 : i32
        %dma_start3A_469 = tpu.memref_slice %arg2[%dma_start3A_467, %dma_start3A_468] : memref<20480x80xf32, #tpu.memory_space<hbm>> -> memref<20480x80xf32, #tpu.memory_space<hbm>>
        tpu.enqueue_indirect_dma source(%dma_start3A_469 : memref<20480x80xf32, #tpu.memory_space<hbm>>) target(%arg14 : memref<128x80xf32, #tpu.memory_space<vmem>>) offsets(%dma_start3A_466 : memref<128xi32, #tpu.memory_space<vmem>>) semaphore(%arg19 : memref<!tpu.dma_semaphore, #tpu.memory_space<semaphore_mem>>)
      } else {
      }
    }
    %scan3A_102 = arith.constant 10 : i32
    %dma_wait3A_103 = arith.constant 0 : i32
    %dma_wait3A_104 = arith.constant 0 : i32
    %dma_wait3A_105 = tpu.memref_slice %arg2[%dma_wait3A_103, %dma_wait3A_104] : memref<20480x80xf32, #tpu.memory_space<hbm>> -> memref<128x80xf32, #tpu.memory_space<hbm>>
    %dma_wait3A_106 = arith.constant 0 : i32
    %dma_wait3A_107 = arith.constant 0 : i32
    %dma_wait3A_108 = tpu.memref_slice %arg2[%dma_wait3A_106, %dma_wait3A_107] : memref<20480x80xf32, #tpu.memory_space<hbm>> -> memref<128x80xf32, #tpu.memory_space<hbm>>
    tpu.wait_dma2 semaphore(%arg24 : memref<!tpu.dma_semaphore, #tpu.memory_space<semaphore_mem>>) src(%dma_wait3A_108 : memref<128x80xf32, #tpu.memory_space<hbm>>) dst(%arg15 : memref<128x80xf32, #tpu.memory_space<vmem>>)
    %dma_wait3A_109 = arith.constant 0 : i32
    %dma_wait3A_110 = arith.constant 0 : i32
    %dma_wait3A_111 = tpu.memref_slice %arg2[%dma_wait3A_109, %dma_wait3A_110] : memref<20480x80xf32, #tpu.memory_space<hbm>> -> memref<128x80xf32, #tpu.memory_space<hbm>>
    %dma_wait3A_112 = arith.constant 0 : i32
    %dma_wait3A_113 = arith.constant 0 : i32
    %dma_wait3A_114 = tpu.memref_slice %arg2[%dma_wait3A_112, %dma_wait3A_113] : memref<20480x80xf32, #tpu.memory_space<hbm>> -> memref<128x80xf32, #tpu.memory_space<hbm>>
    tpu.wait_dma2 semaphore(%arg25 : memref<!tpu.dma_semaphore, #tpu.memory_space<semaphore_mem>>) src(%dma_wait3A_114 : memref<128x80xf32, #tpu.memory_space<hbm>>) dst(%arg16 : memref<128x80xf32, #tpu.memory_space<vmem>>)
    %run_scoped3A_115 = arith.constant 3 : i32
    "tpu.region"() ({
      %run_scoped3A_365 = tpu.sem_alloc : memref<!tpu.dma_semaphore, #tpu.memory_space<semaphore_mem>>
      %dma_start3A_366 = arith.constant 0 : i32
      %dma_start3A_367 = arith.constant 0 : i32
      %dma_start3A_368 = tpu.memref_slice %arg3[%arg0, %run_scoped3A_115, %arg1, %dma_start3A_366, %dma_start3A_367] : memref<2x8x16x20x128xi32, #tpu.memory_space<hbm>> -> memref<1x1x1x20x128xi32, #tpu.memory_space<hbm>>
      %dma_start3A_369 = tpu.memref_squeeze %dma_start3A_368 : memref<1x1x1x20x128xi32, #tpu.memory_space<hbm>> -> memref<20x128xi32, #tpu.memory_space<hbm>>
      %dma_start3A_370 = arith.constant 0 : i32
      %dma_start3A_371 = arith.constant 0 : i32
      %dma_start3A_372 = tpu.memref_slice %arg3[%arg0, %run_scoped3A_115, %arg1, %dma_start3A_370, %dma_start3A_371] : memref<2x8x16x20x128xi32, #tpu.memory_space<hbm>> -> memref<1x1x1x20x128xi32, #tpu.memory_space<hbm>>
      %dma_start3A_373 = tpu.memref_squeeze %dma_start3A_372 : memref<1x1x1x20x128xi32, #tpu.memory_space<hbm>> -> memref<20x128xi32, #tpu.memory_space<hbm>>
      tpu.enqueue_dma source(%dma_start3A_373 : memref<20x128xi32, #tpu.memory_space<hbm>>) target(%arg9 : memref<20x128xi32, #tpu.memory_space<vmem>>) target_semaphore(%run_scoped3A_365 : memref<!tpu.dma_semaphore, #tpu.memory_space<semaphore_mem>>)
      %dma_wait3A_374 = arith.constant 0 : i32
      %dma_wait3A_375 = arith.constant 0 : i32
      %dma_wait3A_376 = tpu.memref_slice %arg3[%arg0, %run_scoped3A_115, %arg1, %dma_wait3A_374, %dma_wait3A_375] : memref<2x8x16x20x128xi32, #tpu.memory_space<hbm>> -> memref<1x1x1x20x128xi32, #tpu.memory_space<hbm>>
      %dma_wait3A_377 = tpu.memref_squeeze %dma_wait3A_376 : memref<1x1x1x20x128xi32, #tpu.memory_space<hbm>> -> memref<20x128xi32, #tpu.memory_space<hbm>>
      %dma_wait3A_378 = arith.constant 0 : i32
      %dma_wait3A_379 = arith.constant 0 : i32
      %dma_wait3A_380 = tpu.memref_slice %arg3[%arg0, %run_scoped3A_115, %arg1, %dma_wait3A_378, %dma_wait3A_379] : memref<2x8x16x20x128xi32, #tpu.memory_space<hbm>> -> memref<1x1x1x20x128xi32, #tpu.memory_space<hbm>>
      %dma_wait3A_381 = tpu.memref_squeeze %dma_wait3A_380 : memref<1x1x1x20x128xi32, #tpu.memory_space<hbm>> -> memref<20x128xi32, #tpu.memory_space<hbm>>
      tpu.wait_dma2 semaphore(%run_scoped3A_365 : memref<!tpu.dma_semaphore, #tpu.memory_space<semaphore_mem>>) src(%dma_wait3A_381 : memref<20x128xi32, #tpu.memory_space<hbm>>) dst(%arg9 : memref<20x128xi32, #tpu.memory_space<vmem>>)
      tpu.yield
    }) : () -> ()
    %run_scoped3A_116 = arith.constant 3 : i32
    "tpu.region"() ({
      %run_scoped3A_365 = tpu.sem_alloc : memref<!tpu.dma_semaphore, #tpu.memory_space<semaphore_mem>>
      %dma_start3A_366 = arith.constant 0 : i32
      %dma_start3A_367 = arith.constant 0 : i32
      %dma_start3A_368 = tpu.memref_slice %arg4[%arg0, %run_scoped3A_116, %arg1, %dma_start3A_366, %dma_start3A_367] : memref<2x8x16x20x128xi32, #tpu.memory_space<hbm>> -> memref<1x1x1x20x128xi32, #tpu.memory_space<hbm>>
      %dma_start3A_369 = tpu.memref_squeeze %dma_start3A_368 : memref<1x1x1x20x128xi32, #tpu.memory_space<hbm>> -> memref<20x128xi32, #tpu.memory_space<hbm>>
      %dma_start3A_370 = arith.constant 0 : i32
      %dma_start3A_371 = arith.constant 0 : i32
      %dma_start3A_372 = tpu.memref_slice %arg4[%arg0, %run_scoped3A_116, %arg1, %dma_start3A_370, %dma_start3A_371] : memref<2x8x16x20x128xi32, #tpu.memory_space<hbm>> -> memref<1x1x1x20x128xi32, #tpu.memory_space<hbm>>
      %dma_start3A_373 = tpu.memref_squeeze %dma_start3A_372 : memref<1x1x1x20x128xi32, #tpu.memory_space<hbm>> -> memref<20x128xi32, #tpu.memory_space<hbm>>
      tpu.enqueue_dma source(%dma_start3A_373 : memref<20x128xi32, #tpu.memory_space<hbm>>) target(%arg10 : memref<20x128xi32, #tpu.memory_space<vmem>>) target_semaphore(%run_scoped3A_365 : memref<!tpu.dma_semaphore, #tpu.memory_space<semaphore_mem>>)
      %dma_wait3A_374 = arith.constant 0 : i32
      %dma_wait3A_375 = arith.constant 0 : i32
      %dma_wait3A_376 = tpu.memref_slice %arg4[%arg0, %run_scoped3A_116, %arg1, %dma_wait3A_374, %dma_wait3A_375] : memref<2x8x16x20x128xi32, #tpu.memory_space<hbm>> -> memref<1x1x1x20x128xi32, #tpu.memory_space<hbm>>
      %dma_wait3A_377 = tpu.memref_squeeze %dma_wait3A_376 : memref<1x1x1x20x128xi32, #tpu.memory_space<hbm>> -> memref<20x128xi32, #tpu.memory_space<hbm>>
      %dma_wait3A_378 = arith.constant 0 : i32
      %dma_wait3A_379 = arith.constant 0 : i32
      %dma_wait3A_380 = tpu.memref_slice %arg4[%arg0, %run_scoped3A_116, %arg1, %dma_wait3A_378, %dma_wait3A_379] : memref<2x8x16x20x128xi32, #tpu.memory_space<hbm>> -> memref<1x1x1x20x128xi32, #tpu.memory_space<hbm>>
      %dma_wait3A_381 = tpu.memref_squeeze %dma_wait3A_380 : memref<1x1x1x20x128xi32, #tpu.memory_space<hbm>> -> memref<20x128xi32, #tpu.memory_space<hbm>>
      tpu.wait_dma2 semaphore(%run_scoped3A_365 : memref<!tpu.dma_semaphore, #tpu.memory_space<semaphore_mem>>) src(%dma_wait3A_381 : memref<20x128xi32, #tpu.memory_space<hbm>>) dst(%arg10 : memref<20x128xi32, #tpu.memory_space<vmem>>)
      tpu.yield
    }) : () -> ()
    %run_scoped3A_117 = arith.constant 3 : i32
    "tpu.region"() ({
      %run_scoped3A_365 = tpu.sem_alloc : memref<!tpu.dma_semaphore, #tpu.memory_space<semaphore_mem>>
      %dma_start3A_366 = arith.constant 0 : i32
      %dma_start3A_367 = arith.constant 0 : i32
      %dma_start3A_368 = tpu.memref_slice %arg5[%arg0, %run_scoped3A_117, %arg1, %dma_start3A_366, %dma_start3A_367] : memref<2x8x16x20x128xi32, #tpu.memory_space<hbm>> -> memref<1x1x1x20x128xi32, #tpu.memory_space<hbm>>
      %dma_start3A_369 = tpu.memref_squeeze %dma_start3A_368 : memref<1x1x1x20x128xi32, #tpu.memory_space<hbm>> -> memref<20x128xi32, #tpu.memory_space<hbm>>
      %dma_start3A_370 = arith.constant 0 : i32
      %dma_start3A_371 = arith.constant 0 : i32
      %dma_start3A_372 = tpu.memref_slice %arg5[%arg0, %run_scoped3A_117, %arg1, %dma_start3A_370, %dma_start3A_371] : memref<2x8x16x20x128xi32, #tpu.memory_space<hbm>> -> memref<1x1x1x20x128xi32, #tpu.memory_space<hbm>>
      %dma_start3A_373 = tpu.memref_squeeze %dma_start3A_372 : memref<1x1x1x20x128xi32, #tpu.memory_space<hbm>> -> memref<20x128xi32, #tpu.memory_space<hbm>>
      tpu.enqueue_dma source(%dma_start3A_373 : memref<20x128xi32, #tpu.memory_space<hbm>>) target(%arg11 : memref<20x128xi32, #tpu.memory_space<vmem>>) target_semaphore(%run_scoped3A_365 : memref<!tpu.dma_semaphore, #tpu.memory_space<semaphore_mem>>)
      %dma_wait3A_374 = arith.constant 0 : i32
      %dma_wait3A_375 = arith.constant 0 : i32
      %dma_wait3A_376 = tpu.memref_slice %arg5[%arg0, %run_scoped3A_117, %arg1, %dma_wait3A_374, %dma_wait3A_375] : memref<2x8x16x20x128xi32, #tpu.memory_space<hbm>> -> memref<1x1x1x20x128xi32, #tpu.memory_space<hbm>>
      %dma_wait3A_377 = tpu.memref_squeeze %dma_wait3A_376 : memref<1x1x1x20x128xi32, #tpu.memory_space<hbm>> -> memref<20x128xi32, #tpu.memory_space<hbm>>
      %dma_wait3A_378 = arith.constant 0 : i32
      %dma_wait3A_379 = arith.constant 0 : i32
      %dma_wait3A_380 = tpu.memref_slice %arg5[%arg0, %run_scoped3A_117, %arg1, %dma_wait3A_378, %dma_wait3A_379] : memref<2x8x16x20x128xi32, #tpu.memory_space<hbm>> -> memref<1x1x1x20x128xi32, #tpu.memory_space<hbm>>
      %dma_wait3A_381 = tpu.memref_squeeze %dma_wait3A_380 : memref<1x1x1x20x128xi32, #tpu.memory_space<hbm>> -> memref<20x128xi32, #tpu.memory_space<hbm>>
      tpu.wait_dma2 semaphore(%run_scoped3A_365 : memref<!tpu.dma_semaphore, #tpu.memory_space<semaphore_mem>>) src(%dma_wait3A_381 : memref<20x128xi32, #tpu.memory_space<hbm>>) dst(%arg11 : memref<20x128xi32, #tpu.memory_space<vmem>>)
      tpu.yield
    }) : () -> ()
    %run_scoped3A_118 = arith.constant 3 : i32
    "tpu.region"() ({
      %run_scoped3A_365 = tpu.sem_alloc : memref<!tpu.dma_semaphore, #tpu.memory_space<semaphore_mem>>
      %dma_start3A_366 = arith.constant 0 : i32
      %dma_start3A_367 = arith.constant 0 : i32
      %dma_start3A_368 = tpu.memref_slice %arg6[%arg0, %run_scoped3A_118, %arg1, %dma_start3A_366, %dma_start3A_367] : memref<2x8x16x20x128xi32, #tpu.memory_space<hbm>> -> memref<1x1x1x20x128xi32, #tpu.memory_space<hbm>>
      %dma_start3A_369 = tpu.memref_squeeze %dma_start3A_368 : memref<1x1x1x20x128xi32, #tpu.memory_space<hbm>> -> memref<20x128xi32, #tpu.memory_space<hbm>>
      %dma_start3A_370 = arith.constant 0 : i32
      %dma_start3A_371 = arith.constant 0 : i32
      %dma_start3A_372 = tpu.memref_slice %arg6[%arg0, %run_scoped3A_118, %arg1, %dma_start3A_370, %dma_start3A_371] : memref<2x8x16x20x128xi32, #tpu.memory_space<hbm>> -> memref<1x1x1x20x128xi32, #tpu.memory_space<hbm>>
      %dma_start3A_373 = tpu.memref_squeeze %dma_start3A_372 : memref<1x1x1x20x128xi32, #tpu.memory_space<hbm>> -> memref<20x128xi32, #tpu.memory_space<hbm>>
      tpu.enqueue_dma source(%dma_start3A_373 : memref<20x128xi32, #tpu.memory_space<hbm>>) target(%arg12 : memref<20x128xi32, #tpu.memory_space<vmem>>) target_semaphore(%run_scoped3A_365 : memref<!tpu.dma_semaphore, #tpu.memory_space<semaphore_mem>>)
      %dma_wait3A_374 = arith.constant 0 : i32
      %dma_wait3A_375 = arith.constant 0 : i32
      %dma_wait3A_376 = tpu.memref_slice %arg6[%arg0, %run_scoped3A_118, %arg1, %dma_wait3A_374, %dma_wait3A_375] : memref<2x8x16x20x128xi32, #tpu.memory_space<hbm>> -> memref<1x1x1x20x128xi32, #tpu.memory_space<hbm>>
      %dma_wait3A_377 = tpu.memref_squeeze %dma_wait3A_376 : memref<1x1x1x20x128xi32, #tpu.memory_space<hbm>> -> memref<20x128xi32, #tpu.memory_space<hbm>>
      %dma_wait3A_378 = arith.constant 0 : i32
      %dma_wait3A_379 = arith.constant 0 : i32
      %dma_wait3A_380 = tpu.memref_slice %arg6[%arg0, %run_scoped3A_118, %arg1, %dma_wait3A_378, %dma_wait3A_379] : memref<2x8x16x20x128xi32, #tpu.memory_space<hbm>> -> memref<1x1x1x20x128xi32, #tpu.memory_space<hbm>>
      %dma_wait3A_381 = tpu.memref_squeeze %dma_wait3A_380 : memref<1x1x1x20x128xi32, #tpu.memory_space<hbm>> -> memref<20x128xi32, #tpu.memory_space<hbm>>
      tpu.wait_dma2 semaphore(%run_scoped3A_365 : memref<!tpu.dma_semaphore, #tpu.memory_space<semaphore_mem>>) src(%dma_wait3A_381 : memref<20x128xi32, #tpu.memory_space<hbm>>) dst(%arg12 : memref<20x128xi32, #tpu.memory_space<vmem>>)
      tpu.yield
    }) : () -> ()
    %dma_start3A_119 = arith.constant 0 : i32
    %dma_start3A_120 = arith.constant 0 : i32
    %dma_start3A_121 = tpu.memref_slice %arg9[%dma_start3A_119, %dma_start3A_120] : memref<20x128xi32, #tpu.memory_space<vmem>> -> memref<1x128xi32, #tpu.memory_space<vmem>>
    %dma_start3A_122 = tpu.memref_squeeze %dma_start3A_121 : memref<1x128xi32, #tpu.memory_space<vmem>> -> memref<128xi32, #tpu.memory_space<vmem>>
    %dma_start3A_123 = arith.constant 0 : i32
    %dma_start3A_124 = arith.constant 0 : i32
    %dma_start3A_125 = tpu.memref_slice %arg2[%dma_start3A_123, %dma_start3A_124] : memref<20480x80xf32, #tpu.memory_space<hbm>> -> memref<20480x80xf32, #tpu.memory_space<hbm>>
    tpu.enqueue_indirect_dma source(%dma_start3A_125 : memref<20480x80xf32, #tpu.memory_space<hbm>>) target(%arg13 : memref<128x80xf32, #tpu.memory_space<vmem>>) offsets(%dma_start3A_122 : memref<128xi32, #tpu.memory_space<vmem>>) semaphore(%arg18 : memref<!tpu.dma_semaphore, #tpu.memory_space<semaphore_mem>>)
    %dma_start3A_126 = arith.constant 0 : i32
    %dma_start3A_127 = arith.constant 0 : i32
    %dma_start3A_128 = tpu.memref_slice %arg10[%dma_start3A_126, %dma_start3A_127] : memref<20x128xi32, #tpu.memory_space<vmem>> -> memref<1x128xi32, #tpu.memory_space<vmem>>
    %dma_start3A_129 = tpu.memref_squeeze %dma_start3A_128 : memref<1x128xi32, #tpu.memory_space<vmem>> -> memref<128xi32, #tpu.memory_space<vmem>>
    %dma_start3A_130 = arith.constant 0 : i32
    %dma_start3A_131 = arith.constant 0 : i32
    %dma_start3A_132 = tpu.memref_slice %arg2[%dma_start3A_130, %dma_start3A_131] : memref<20480x80xf32, #tpu.memory_space<hbm>> -> memref<20480x80xf32, #tpu.memory_space<hbm>>
    tpu.enqueue_indirect_dma source(%dma_start3A_132 : memref<20480x80xf32, #tpu.memory_space<hbm>>) target(%arg14 : memref<128x80xf32, #tpu.memory_space<vmem>>) offsets(%dma_start3A_129 : memref<128xi32, #tpu.memory_space<vmem>>) semaphore(%arg19 : memref<!tpu.dma_semaphore, #tpu.memory_space<semaphore_mem>>)
    %scan3A_133 = arith.constant 0 : i32
    %scan3A_134 = arith.constant 10 : i32
    %scan3A_135 = arith.addi %scan3A_133, %scan3A_134 : i32
    %scan3A_136 = arith.constant 1 : i32
    scf.for %scan3A_365 = %scan3A_133 to %scan3A_135 step %scan3A_136  : i32 {
      %mul3A_366 = arith.constant 1 : i32
      %mul3A_367 = arith.muli %scan3A_365, %mul3A_366 : i32
      %add3A_368 = arith.constant 0 : i32
      %add3A_369 = arith.addi %add3A_368, %mul3A_367 : i32
      %mul3A_370 = arith.constant 2 : i32
      %mul3A_371 = arith.muli %mul3A_370, %add3A_369 : i32
      %mul3A_372 = arith.constant 2 : i32
      %mul3A_373 = arith.muli %mul3A_372, %add3A_369 : i32
      %add3A_374 = arith.constant 1 : i32
      %add3A_375 = arith.addi %mul3A_373, %add3A_374 : i32
      %dma_wait3A_376 = arith.constant 0 : i32
      %dma_wait3A_377 = tpu.memref_slice %arg9[%mul3A_371, %dma_wait3A_376] : memref<20x128xi32, #tpu.memory_space<vmem>> -> memref<1x128xi32, #tpu.memory_space<vmem>>
      %dma_wait3A_378 = tpu.memref_squeeze %dma_wait3A_377 : memref<1x128xi32, #tpu.memory_space<vmem>> -> memref<128xi32, #tpu.memory_space<vmem>>
      %dma_wait3A_379 = arith.constant 0 : i32
      %dma_wait3A_380 = arith.constant 0 : i32
      %dma_wait3A_381 = tpu.memref_slice %arg2[%dma_wait3A_379, %dma_wait3A_380] : memref<20480x80xf32, #tpu.memory_space<hbm>> -> memref<20480x80xf32, #tpu.memory_space<hbm>>
      tpu.wait_indirect_dma semaphore(%arg18 : memref<!tpu.dma_semaphore, #tpu.memory_space<semaphore_mem>>) src(%dma_wait3A_381 : memref<20480x80xf32, #tpu.memory_space<hbm>>) dst(%arg13 : memref<128x80xf32, #tpu.memory_space<vmem>>)
      %dma_wait3A_382 = arith.constant 0 : i32
      %dma_wait3A_383 = tpu.memref_slice %arg10[%mul3A_371, %dma_wait3A_382] : memref<20x128xi32, #tpu.memory_space<vmem>> -> memref<1x128xi32, #tpu.memory_space<vmem>>
      %dma_wait3A_384 = tpu.memref_squeeze %dma_wait3A_383 : memref<1x128xi32, #tpu.memory_space<vmem>> -> memref<128xi32, #tpu.memory_space<vmem>>
      %dma_wait3A_385 = arith.constant 0 : i32
      %dma_wait3A_386 = arith.constant 0 : i32
      %dma_wait3A_387 = tpu.memref_slice %arg2[%dma_wait3A_385, %dma_wait3A_386] : memref<20480x80xf32, #tpu.memory_space<hbm>> -> memref<20480x80xf32, #tpu.memory_space<hbm>>
      tpu.wait_indirect_dma semaphore(%arg19 : memref<!tpu.dma_semaphore, #tpu.memory_space<semaphore_mem>>) src(%dma_wait3A_387 : memref<20480x80xf32, #tpu.memory_space<hbm>>) dst(%arg14 : memref<128x80xf32, #tpu.memory_space<vmem>>)
      %dma_start3A_388 = arith.constant 0 : i32
      %dma_start3A_389 = tpu.memref_slice %arg11[%mul3A_371, %dma_start3A_388] : memref<20x128xi32, #tpu.memory_space<vmem>> -> memref<1x128xi32, #tpu.memory_space<vmem>>
      %dma_start3A_390 = tpu.memref_squeeze %dma_start3A_389 : memref<1x128xi32, #tpu.memory_space<vmem>> -> memref<128xi32, #tpu.memory_space<vmem>>
      %dma_start3A_391 = arith.constant 0 : i32
      %dma_start3A_392 = arith.constant 0 : i32
      %dma_start3A_393 = tpu.memref_slice %arg17[%dma_start3A_391, %dma_start3A_392] : memref<5120x80xf32, #tpu.memory_space<vmem_shared>> -> memref<5120x80xf32, #tpu.memory_space<vmem_shared>>
      tpu.enqueue_indirect_dma source(%arg14 : memref<128x80xf32, #tpu.memory_space<vmem>>) target(%dma_start3A_393 : memref<5120x80xf32, #tpu.memory_space<vmem_shared>>) offsets(%dma_start3A_390 : memref<128xi32, #tpu.memory_space<vmem>>) semaphore(%arg22 : memref<!tpu.dma_semaphore, #tpu.memory_space<semaphore_mem>>) {add = true}
      %dma_start3A_394 = arith.constant 0 : i32
      %dma_start3A_395 = tpu.memref_slice %arg12[%mul3A_371, %dma_start3A_394] : memref<20x128xi32, #tpu.memory_space<vmem>> -> memref<1x128xi32, #tpu.memory_space<vmem>>
      %dma_start3A_396 = tpu.memref_squeeze %dma_start3A_395 : memref<1x128xi32, #tpu.memory_space<vmem>> -> memref<128xi32, #tpu.memory_space<vmem>>
      %dma_start3A_397 = arith.constant 0 : i32
      %dma_start3A_398 = arith.constant 0 : i32
      %dma_start3A_399 = tpu.memref_slice %arg17[%dma_start3A_397, %dma_start3A_398] : memref<5120x80xf32, #tpu.memory_space<vmem_shared>> -> memref<5120x80xf32, #tpu.memory_space<vmem_shared>>
      tpu.enqueue_indirect_dma source(%arg13 : memref<128x80xf32, #tpu.memory_space<vmem>>) target(%dma_start3A_399 : memref<5120x80xf32, #tpu.memory_space<vmem_shared>>) offsets(%dma_start3A_396 : memref<128xi32, #tpu.memory_space<vmem>>) semaphore(%arg23 : memref<!tpu.dma_semaphore, #tpu.memory_space<semaphore_mem>>) {add = true}
      %gt3A = arith.constant 0 : i32
      %gt3A_400 = arith.cmpi sgt, %add3A_369, %gt3A : i32
      %convert_element_type3A = arith.extui %gt3A_400 : i1 to i32
      %cond3A = arith.constant 0 : i32
      %cond3A_401 = arith.cmpi ne, %convert_element_type3A, %cond3A : i32
      scf.if %cond3A_401 {
        %dma_wait3A_454 = arith.constant 0 : i32
        %dma_wait3A_455 = arith.constant 0 : i32
        %dma_wait3A_456 = tpu.memref_slice %arg2[%dma_wait3A_454, %dma_wait3A_455] : memref<20480x80xf32, #tpu.memory_space<hbm>> -> memref<128x80xf32, #tpu.memory_space<hbm>>
        %dma_wait3A_457 = arith.constant 0 : i32
        %dma_wait3A_458 = arith.constant 0 : i32
        %dma_wait3A_459 = tpu.memref_slice %arg2[%dma_wait3A_457, %dma_wait3A_458] : memref<20480x80xf32, #tpu.memory_space<hbm>> -> memref<128x80xf32, #tpu.memory_space<hbm>>
        tpu.wait_dma2 semaphore(%arg24 : memref<!tpu.dma_semaphore, #tpu.memory_space<semaphore_mem>>) src(%dma_wait3A_459 : memref<128x80xf32, #tpu.memory_space<hbm>>) dst(%arg15 : memref<128x80xf32, #tpu.memory_space<vmem>>)
        %dma_wait3A_460 = arith.constant 0 : i32
        %dma_wait3A_461 = arith.constant 0 : i32
        %dma_wait3A_462 = tpu.memref_slice %arg2[%dma_wait3A_460, %dma_wait3A_461] : memref<20480x80xf32, #tpu.memory_space<hbm>> -> memref<128x80xf32, #tpu.memory_space<hbm>>
        %dma_wait3A_463 = arith.constant 0 : i32
        %dma_wait3A_464 = arith.constant 0 : i32
        %dma_wait3A_465 = tpu.memref_slice %arg2[%dma_wait3A_463, %dma_wait3A_464] : memref<20480x80xf32, #tpu.memory_space<hbm>> -> memref<128x80xf32, #tpu.memory_space<hbm>>
        tpu.wait_dma2 semaphore(%arg25 : memref<!tpu.dma_semaphore, #tpu.memory_space<semaphore_mem>>) src(%dma_wait3A_465 : memref<128x80xf32, #tpu.memory_space<hbm>>) dst(%arg16 : memref<128x80xf32, #tpu.memory_space<vmem>>)
      } else {
      }
      %dma_start3A_402 = arith.constant 0 : i32
      %dma_start3A_403 = tpu.memref_slice %arg9[%add3A_375, %dma_start3A_402] : memref<20x128xi32, #tpu.memory_space<vmem>> -> memref<1x128xi32, #tpu.memory_space<vmem>>
      %dma_start3A_404 = tpu.memref_squeeze %dma_start3A_403 : memref<1x128xi32, #tpu.memory_space<vmem>> -> memref<128xi32, #tpu.memory_space<vmem>>
      %dma_start3A_405 = arith.constant 0 : i32
      %dma_start3A_406 = arith.constant 0 : i32
      %dma_start3A_407 = tpu.memref_slice %arg2[%dma_start3A_405, %dma_start3A_406] : memref<20480x80xf32, #tpu.memory_space<hbm>> -> memref<20480x80xf32, #tpu.memory_space<hbm>>
      tpu.enqueue_indirect_dma source(%dma_start3A_407 : memref<20480x80xf32, #tpu.memory_space<hbm>>) target(%arg15 : memref<128x80xf32, #tpu.memory_space<vmem>>) offsets(%dma_start3A_404 : memref<128xi32, #tpu.memory_space<vmem>>) semaphore(%arg20 : memref<!tpu.dma_semaphore, #tpu.memory_space<semaphore_mem>>)
      %dma_start3A_408 = arith.constant 0 : i32
      %dma_start3A_409 = tpu.memref_slice %arg10[%add3A_375, %dma_start3A_408] : memref<20x128xi32, #tpu.memory_space<vmem>> -> memref<1x128xi32, #tpu.memory_space<vmem>>
      %dma_start3A_410 = tpu.memref_squeeze %dma_start3A_409 : memref<1x128xi32, #tpu.memory_space<vmem>> -> memref<128xi32, #tpu.memory_space<vmem>>
      %dma_start3A_411 = arith.constant 0 : i32
      %dma_start3A_412 = arith.constant 0 : i32
      %dma_start3A_413 = tpu.memref_slice %arg2[%dma_start3A_411, %dma_start3A_412] : memref<20480x80xf32, #tpu.memory_space<hbm>> -> memref<20480x80xf32, #tpu.memory_space<hbm>>
      tpu.enqueue_indirect_dma source(%dma_start3A_413 : memref<20480x80xf32, #tpu.memory_space<hbm>>) target(%arg16 : memref<128x80xf32, #tpu.memory_space<vmem>>) offsets(%dma_start3A_410 : memref<128xi32, #tpu.memory_space<vmem>>) semaphore(%arg21 : memref<!tpu.dma_semaphore, #tpu.memory_space<semaphore_mem>>)
      %dma_wait3A_414 = arith.constant 0 : i32
      %dma_wait3A_415 = tpu.memref_slice %arg9[%add3A_375, %dma_wait3A_414] : memref<20x128xi32, #tpu.memory_space<vmem>> -> memref<1x128xi32, #tpu.memory_space<vmem>>
      %dma_wait3A_416 = tpu.memref_squeeze %dma_wait3A_415 : memref<1x128xi32, #tpu.memory_space<vmem>> -> memref<128xi32, #tpu.memory_space<vmem>>
      %dma_wait3A_417 = arith.constant 0 : i32
      %dma_wait3A_418 = arith.constant 0 : i32
      %dma_wait3A_419 = tpu.memref_slice %arg2[%dma_wait3A_417, %dma_wait3A_418] : memref<20480x80xf32, #tpu.memory_space<hbm>> -> memref<20480x80xf32, #tpu.memory_space<hbm>>
      tpu.wait_indirect_dma semaphore(%arg20 : memref<!tpu.dma_semaphore, #tpu.memory_space<semaphore_mem>>) src(%dma_wait3A_419 : memref<20480x80xf32, #tpu.memory_space<hbm>>) dst(%arg15 : memref<128x80xf32, #tpu.memory_space<vmem>>)
      %dma_wait3A_420 = arith.constant 0 : i32
      %dma_wait3A_421 = tpu.memref_slice %arg10[%add3A_375, %dma_wait3A_420] : memref<20x128xi32, #tpu.memory_space<vmem>> -> memref<1x128xi32, #tpu.memory_space<vmem>>
      %dma_wait3A_422 = tpu.memref_squeeze %dma_wait3A_421 : memref<1x128xi32, #tpu.memory_space<vmem>> -> memref<128xi32, #tpu.memory_space<vmem>>
      %dma_wait3A_423 = arith.constant 0 : i32
      %dma_wait3A_424 = arith.constant 0 : i32
      %dma_wait3A_425 = tpu.memref_slice %arg2[%dma_wait3A_423, %dma_wait3A_424] : memref<20480x80xf32, #tpu.memory_space<hbm>> -> memref<20480x80xf32, #tpu.memory_space<hbm>>
      tpu.wait_indirect_dma semaphore(%arg21 : memref<!tpu.dma_semaphore, #tpu.memory_space<semaphore_mem>>) src(%dma_wait3A_425 : memref<20480x80xf32, #tpu.memory_space<hbm>>) dst(%arg16 : memref<128x80xf32, #tpu.memory_space<vmem>>)
      %dma_start3A_426 = arith.constant 0 : i32
      %dma_start3A_427 = tpu.memref_slice %arg11[%add3A_375, %dma_start3A_426] : memref<20x128xi32, #tpu.memory_space<vmem>> -> memref<1x128xi32, #tpu.memory_space<vmem>>
      %dma_start3A_428 = tpu.memref_squeeze %dma_start3A_427 : memref<1x128xi32, #tpu.memory_space<vmem>> -> memref<128xi32, #tpu.memory_space<vmem>>
      %dma_start3A_429 = arith.constant 0 : i32
      %dma_start3A_430 = arith.constant 0 : i32
      %dma_start3A_431 = tpu.memref_slice %arg17[%dma_start3A_429, %dma_start3A_430] : memref<5120x80xf32, #tpu.memory_space<vmem_shared>> -> memref<5120x80xf32, #tpu.memory_space<vmem_shared>>
      tpu.enqueue_indirect_dma source(%arg16 : memref<128x80xf32, #tpu.memory_space<vmem>>) target(%dma_start3A_431 : memref<5120x80xf32, #tpu.memory_space<vmem_shared>>) offsets(%dma_start3A_428 : memref<128xi32, #tpu.memory_space<vmem>>) semaphore(%arg24 : memref<!tpu.dma_semaphore, #tpu.memory_space<semaphore_mem>>) {add = true}
      %dma_start3A_432 = arith.constant 0 : i32
      %dma_start3A_433 = tpu.memref_slice %arg12[%add3A_375, %dma_start3A_432] : memref<20x128xi32, #tpu.memory_space<vmem>> -> memref<1x128xi32, #tpu.memory_space<vmem>>
      %dma_start3A_434 = tpu.memref_squeeze %dma_start3A_433 : memref<1x128xi32, #tpu.memory_space<vmem>> -> memref<128xi32, #tpu.memory_space<vmem>>
      %dma_start3A_435 = arith.constant 0 : i32
      %dma_start3A_436 = arith.constant 0 : i32
      %dma_start3A_437 = tpu.memref_slice %arg17[%dma_start3A_435, %dma_start3A_436] : memref<5120x80xf32, #tpu.memory_space<vmem_shared>> -> memref<5120x80xf32, #tpu.memory_space<vmem_shared>>
      tpu.enqueue_indirect_dma source(%arg15 : memref<128x80xf32, #tpu.memory_space<vmem>>) target(%dma_start3A_437 : memref<5120x80xf32, #tpu.memory_space<vmem_shared>>) offsets(%dma_start3A_434 : memref<128xi32, #tpu.memory_space<vmem>>) semaphore(%arg25 : memref<!tpu.dma_semaphore, #tpu.memory_space<semaphore_mem>>) {add = true}
      %dma_wait3A_438 = arith.constant 0 : i32
      %dma_wait3A_439 = arith.constant 0 : i32
      %dma_wait3A_440 = tpu.memref_slice %arg2[%dma_wait3A_438, %dma_wait3A_439] : memref<20480x80xf32, #tpu.memory_space<hbm>> -> memref<128x80xf32, #tpu.memory_space<hbm>>
      %dma_wait3A_441 = arith.constant 0 : i32
      %dma_wait3A_442 = arith.constant 0 : i32
      %dma_wait3A_443 = tpu.memref_slice %arg2[%dma_wait3A_441, %dma_wait3A_442] : memref<20480x80xf32, #tpu.memory_space<hbm>> -> memref<128x80xf32, #tpu.memory_space<hbm>>
      tpu.wait_dma2 semaphore(%arg22 : memref<!tpu.dma_semaphore, #tpu.memory_space<semaphore_mem>>) src(%dma_wait3A_443 : memref<128x80xf32, #tpu.memory_space<hbm>>) dst(%arg13 : memref<128x80xf32, #tpu.memory_space<vmem>>)
      %dma_wait3A_444 = arith.constant 0 : i32
      %dma_wait3A_445 = arith.constant 0 : i32
      %dma_wait3A_446 = tpu.memref_slice %arg2[%dma_wait3A_444, %dma_wait3A_445] : memref<20480x80xf32, #tpu.memory_space<hbm>> -> memref<128x80xf32, #tpu.memory_space<hbm>>
      %dma_wait3A_447 = arith.constant 0 : i32
      %dma_wait3A_448 = arith.constant 0 : i32
      %dma_wait3A_449 = tpu.memref_slice %arg2[%dma_wait3A_447, %dma_wait3A_448] : memref<20480x80xf32, #tpu.memory_space<hbm>> -> memref<128x80xf32, #tpu.memory_space<hbm>>
      tpu.wait_dma2 semaphore(%arg23 : memref<!tpu.dma_semaphore, #tpu.memory_space<semaphore_mem>>) src(%dma_wait3A_449 : memref<128x80xf32, #tpu.memory_space<hbm>>) dst(%arg14 : memref<128x80xf32, #tpu.memory_space<vmem>>)
      %lt3A = arith.constant 9 : i32
      %lt3A_450 = arith.cmpi slt, %add3A_369, %lt3A : i32
      %convert_element_type3A_451 = arith.extui %lt3A_450 : i1 to i32
      %cond3A_452 = arith.constant 0 : i32
      %cond3A_453 = arith.cmpi ne, %convert_element_type3A_451, %cond3A_452 : i32
      scf.if %cond3A_453 {
        %add3A_454 = arith.constant 2 : i32
        %add3A_455 = arith.addi %mul3A_371, %add3A_454 : i32
        %dma_start3A_456 = arith.constant 0 : i32
        %dma_start3A_457 = tpu.memref_slice %arg9[%add3A_455, %dma_start3A_456] : memref<20x128xi32, #tpu.memory_space<vmem>> -> memref<1x128xi32, #tpu.memory_space<vmem>>
        %dma_start3A_458 = tpu.memref_squeeze %dma_start3A_457 : memref<1x128xi32, #tpu.memory_space<vmem>> -> memref<128xi32, #tpu.memory_space<vmem>>
        %dma_start3A_459 = arith.constant 0 : i32
        %dma_start3A_460 = arith.constant 0 : i32
        %dma_start3A_461 = tpu.memref_slice %arg2[%dma_start3A_459, %dma_start3A_460] : memref<20480x80xf32, #tpu.memory_space<hbm>> -> memref<20480x80xf32, #tpu.memory_space<hbm>>
        tpu.enqueue_indirect_dma source(%dma_start3A_461 : memref<20480x80xf32, #tpu.memory_space<hbm>>) target(%arg13 : memref<128x80xf32, #tpu.memory_space<vmem>>) offsets(%dma_start3A_458 : memref<128xi32, #tpu.memory_space<vmem>>) semaphore(%arg18 : memref<!tpu.dma_semaphore, #tpu.memory_space<semaphore_mem>>)
        %add3A_462 = arith.constant 2 : i32
        %add3A_463 = arith.addi %mul3A_371, %add3A_462 : i32
        %dma_start3A_464 = arith.constant 0 : i32
        %dma_start3A_465 = tpu.memref_slice %arg10[%add3A_463, %dma_start3A_464] : memref<20x128xi32, #tpu.memory_space<vmem>> -> memref<1x128xi32, #tpu.memory_space<vmem>>
        %dma_start3A_466 = tpu.memref_squeeze %dma_start3A_465 : memref<1x128xi32, #tpu.memory_space<vmem>> -> memref<128xi32, #tpu.memory_space<vmem>>
        %dma_start3A_467 = arith.constant 0 : i32
        %dma_start3A_468 = arith.constant 0 : i32
        %dma_start3A_469 = tpu.memref_slice %arg2[%dma_start3A_467, %dma_start3A_468] : memref<20480x80xf32, #tpu.memory_space<hbm>> -> memref<20480x80xf32, #tpu.memory_space<hbm>>
        tpu.enqueue_indirect_dma source(%dma_start3A_469 : memref<20480x80xf32, #tpu.memory_space<hbm>>) target(%arg14 : memref<128x80xf32, #tpu.memory_space<vmem>>) offsets(%dma_start3A_466 : memref<128xi32, #tpu.memory_space<vmem>>) semaphore(%arg19 : memref<!tpu.dma_semaphore, #tpu.memory_space<semaphore_mem>>)
      } else {
      }
    }
    %scan3A_137 = arith.constant 10 : i32
    %dma_wait3A_138 = arith.constant 0 : i32
    %dma_wait3A_139 = arith.constant 0 : i32
    %dma_wait3A_140 = tpu.memref_slice %arg2[%dma_wait3A_138, %dma_wait3A_139] : memref<20480x80xf32, #tpu.memory_space<hbm>> -> memref<128x80xf32, #tpu.memory_space<hbm>>
    %dma_wait3A_141 = arith.constant 0 : i32
    %dma_wait3A_142 = arith.constant 0 : i32
    %dma_wait3A_143 = tpu.memref_slice %arg2[%dma_wait3A_141, %dma_wait3A_142] : memref<20480x80xf32, #tpu.memory_space<hbm>> -> memref<128x80xf32, #tpu.memory_space<hbm>>
    tpu.wait_dma2 semaphore(%arg24 : memref<!tpu.dma_semaphore, #tpu.memory_space<semaphore_mem>>) src(%dma_wait3A_143 : memref<128x80xf32, #tpu.memory_space<hbm>>) dst(%arg15 : memref<128x80xf32, #tpu.memory_space<vmem>>)
    %dma_wait3A_144 = arith.constant 0 : i32
    %dma_wait3A_145 = arith.constant 0 : i32
    %dma_wait3A_146 = tpu.memref_slice %arg2[%dma_wait3A_144, %dma_wait3A_145] : memref<20480x80xf32, #tpu.memory_space<hbm>> -> memref<128x80xf32, #tpu.memory_space<hbm>>
    %dma_wait3A_147 = arith.constant 0 : i32
    %dma_wait3A_148 = arith.constant 0 : i32
    %dma_wait3A_149 = tpu.memref_slice %arg2[%dma_wait3A_147, %dma_wait3A_148] : memref<20480x80xf32, #tpu.memory_space<hbm>> -> memref<128x80xf32, #tpu.memory_space<hbm>>
    tpu.wait_dma2 semaphore(%arg25 : memref<!tpu.dma_semaphore, #tpu.memory_space<semaphore_mem>>) src(%dma_wait3A_149 : memref<128x80xf32, #tpu.memory_space<hbm>>) dst(%arg16 : memref<128x80xf32, #tpu.memory_space<vmem>>)
    %barrier3A_150 = arith.constant 0 : index
    tpu.barrier barrier_id(%barrier3A_150)
    %mul3A_151 = arith.constant 80 : i32
    %mul3A_152 = arith.muli %arg1, %mul3A_151 : i32
    %add3A_153 = arith.constant 0 : i32
    %add3A_154 = arith.addi %add3A_153, %mul3A_152 : i32
    %mul3A_155 = arith.constant 80 : i32
    %mul3A_156 = arith.muli %arg1, %mul3A_155 : i32
    %run_scoped3A_157 = arith.constant 0 : i32
    "tpu.region"() ({
      %run_scoped3A_365 = tpu.sem_alloc : memref<!tpu.dma_semaphore, #tpu.memory_space<semaphore_mem>>
      %dma_start3A_366 = arith.constant 0 : i32
      %dma_start3A_367 = tpu.memref_slice %arg8[%run_scoped3A_157, %arg0, %mul3A_156, %dma_start3A_366] : memref<8x2x1280x80xf32, #tpu.memory_space<hbm>> -> memref<1x1x80x80xf32, #tpu.memory_space<hbm>>
      %dma_start3A_368 = tpu.memref_squeeze %dma_start3A_367 : memref<1x1x80x80xf32, #tpu.memory_space<hbm>> -> memref<80x80xf32, #tpu.memory_space<hbm>>
      %dma_start3A_369 = arith.constant 0 : i32
      %dma_start3A_370 = tpu.memref_slice %arg17[%add3A_154, %dma_start3A_369] : memref<5120x80xf32, #tpu.memory_space<vmem_shared>> -> memref<80x80xf32, #tpu.memory_space<vmem_shared>>
      tpu.enqueue_dma source(%dma_start3A_370 : memref<80x80xf32, #tpu.memory_space<vmem_shared>>) target(%dma_start3A_368 : memref<80x80xf32, #tpu.memory_space<hbm>>) target_semaphore(%run_scoped3A_365 : memref<!tpu.dma_semaphore, #tpu.memory_space<semaphore_mem>>)
      %dma_wait3A_371 = arith.constant 0 : i32
      %dma_wait3A_372 = tpu.memref_slice %arg8[%run_scoped3A_157, %arg0, %mul3A_156, %dma_wait3A_371] : memref<8x2x1280x80xf32, #tpu.memory_space<hbm>> -> memref<1x1x80x80xf32, #tpu.memory_space<hbm>>
      %dma_wait3A_373 = tpu.memref_squeeze %dma_wait3A_372 : memref<1x1x80x80xf32, #tpu.memory_space<hbm>> -> memref<80x80xf32, #tpu.memory_space<hbm>>
      %dma_wait3A_374 = arith.constant 0 : i32
      %dma_wait3A_375 = tpu.memref_slice %arg17[%add3A_154, %dma_wait3A_374] : memref<5120x80xf32, #tpu.memory_space<vmem_shared>> -> memref<80x80xf32, #tpu.memory_space<vmem_shared>>
      tpu.wait_dma2 semaphore(%run_scoped3A_365 : memref<!tpu.dma_semaphore, #tpu.memory_space<semaphore_mem>>) src(%dma_wait3A_375 : memref<80x80xf32, #tpu.memory_space<vmem_shared>>) dst(%dma_wait3A_373 : memref<80x80xf32, #tpu.memory_space<hbm>>)
      tpu.yield
    }) : () -> ()
    %mul3A_158 = arith.constant 80 : i32
    %mul3A_159 = arith.muli %arg1, %mul3A_158 : i32
    %add3A_160 = arith.constant 1280 : i32
    %add3A_161 = arith.addi %add3A_160, %mul3A_159 : i32
    %mul3A_162 = arith.constant 80 : i32
    %mul3A_163 = arith.muli %arg1, %mul3A_162 : i32
    %run_scoped3A_164 = arith.constant 1 : i32
    "tpu.region"() ({
      %run_scoped3A_365 = tpu.sem_alloc : memref<!tpu.dma_semaphore, #tpu.memory_space<semaphore_mem>>
      %dma_start3A_366 = arith.constant 0 : i32
      %dma_start3A_367 = tpu.memref_slice %arg8[%run_scoped3A_164, %arg0, %mul3A_163, %dma_start3A_366] : memref<8x2x1280x80xf32, #tpu.memory_space<hbm>> -> memref<1x1x80x80xf32, #tpu.memory_space<hbm>>
      %dma_start3A_368 = tpu.memref_squeeze %dma_start3A_367 : memref<1x1x80x80xf32, #tpu.memory_space<hbm>> -> memref<80x80xf32, #tpu.memory_space<hbm>>
      %dma_start3A_369 = arith.constant 0 : i32
      %dma_start3A_370 = tpu.memref_slice %arg17[%add3A_161, %dma_start3A_369] : memref<5120x80xf32, #tpu.memory_space<vmem_shared>> -> memref<80x80xf32, #tpu.memory_space<vmem_shared>>
      tpu.enqueue_dma source(%dma_start3A_370 : memref<80x80xf32, #tpu.memory_space<vmem_shared>>) target(%dma_start3A_368 : memref<80x80xf32, #tpu.memory_space<hbm>>) target_semaphore(%run_scoped3A_365 : memref<!tpu.dma_semaphore, #tpu.memory_space<semaphore_mem>>)
      %dma_wait3A_371 = arith.constant 0 : i32
      %dma_wait3A_372 = tpu.memref_slice %arg8[%run_scoped3A_164, %arg0, %mul3A_163, %dma_wait3A_371] : memref<8x2x1280x80xf32, #tpu.memory_space<hbm>> -> memref<1x1x80x80xf32, #tpu.memory_space<hbm>>
      %dma_wait3A_373 = tpu.memref_squeeze %dma_wait3A_372 : memref<1x1x80x80xf32, #tpu.memory_space<hbm>> -> memref<80x80xf32, #tpu.memory_space<hbm>>
      %dma_wait3A_374 = arith.constant 0 : i32
      %dma_wait3A_375 = tpu.memref_slice %arg17[%add3A_161, %dma_wait3A_374] : memref<5120x80xf32, #tpu.memory_space<vmem_shared>> -> memref<80x80xf32, #tpu.memory_space<vmem_shared>>
      tpu.wait_dma2 semaphore(%run_scoped3A_365 : memref<!tpu.dma_semaphore, #tpu.memory_space<semaphore_mem>>) src(%dma_wait3A_375 : memref<80x80xf32, #tpu.memory_space<vmem_shared>>) dst(%dma_wait3A_373 : memref<80x80xf32, #tpu.memory_space<hbm>>)
      tpu.yield
    }) : () -> ()
    %mul3A_165 = arith.constant 80 : i32
    %mul3A_166 = arith.muli %arg1, %mul3A_165 : i32
    %add3A_167 = arith.constant 2560 : i32
    %add3A_168 = arith.addi %add3A_167, %mul3A_166 : i32
    %mul3A_169 = arith.constant 80 : i32
    %mul3A_170 = arith.muli %arg1, %mul3A_169 : i32
    %run_scoped3A_171 = arith.constant 2 : i32
    "tpu.region"() ({
      %run_scoped3A_365 = tpu.sem_alloc : memref<!tpu.dma_semaphore, #tpu.memory_space<semaphore_mem>>
      %dma_start3A_366 = arith.constant 0 : i32
      %dma_start3A_367 = tpu.memref_slice %arg8[%run_scoped3A_171, %arg0, %mul3A_170, %dma_start3A_366] : memref<8x2x1280x80xf32, #tpu.memory_space<hbm>> -> memref<1x1x80x80xf32, #tpu.memory_space<hbm>>
      %dma_start3A_368 = tpu.memref_squeeze %dma_start3A_367 : memref<1x1x80x80xf32, #tpu.memory_space<hbm>> -> memref<80x80xf32, #tpu.memory_space<hbm>>
      %dma_start3A_369 = arith.constant 0 : i32
      %dma_start3A_370 = tpu.memref_slice %arg17[%add3A_168, %dma_start3A_369] : memref<5120x80xf32, #tpu.memory_space<vmem_shared>> -> memref<80x80xf32, #tpu.memory_space<vmem_shared>>
      tpu.enqueue_dma source(%dma_start3A_370 : memref<80x80xf32, #tpu.memory_space<vmem_shared>>) target(%dma_start3A_368 : memref<80x80xf32, #tpu.memory_space<hbm>>) target_semaphore(%run_scoped3A_365 : memref<!tpu.dma_semaphore, #tpu.memory_space<semaphore_mem>>)
      %dma_wait3A_371 = arith.constant 0 : i32
      %dma_wait3A_372 = tpu.memref_slice %arg8[%run_scoped3A_171, %arg0, %mul3A_170, %dma_wait3A_371] : memref<8x2x1280x80xf32, #tpu.memory_space<hbm>> -> memref<1x1x80x80xf32, #tpu.memory_space<hbm>>
      %dma_wait3A_373 = tpu.memref_squeeze %dma_wait3A_372 : memref<1x1x80x80xf32, #tpu.memory_space<hbm>> -> memref<80x80xf32, #tpu.memory_space<hbm>>
      %dma_wait3A_374 = arith.constant 0 : i32
      %dma_wait3A_375 = tpu.memref_slice %arg17[%add3A_168, %dma_wait3A_374] : memref<5120x80xf32, #tpu.memory_space<vmem_shared>> -> memref<80x80xf32, #tpu.memory_space<vmem_shared>>
      tpu.wait_dma2 semaphore(%run_scoped3A_365 : memref<!tpu.dma_semaphore, #tpu.memory_space<semaphore_mem>>) src(%dma_wait3A_375 : memref<80x80xf32, #tpu.memory_space<vmem_shared>>) dst(%dma_wait3A_373 : memref<80x80xf32, #tpu.memory_space<hbm>>)
      tpu.yield
    }) : () -> ()
    %mul3A_172 = arith.constant 80 : i32
    %mul3A_173 = arith.muli %arg1, %mul3A_172 : i32
    %add3A_174 = arith.constant 3840 : i32
    %add3A_175 = arith.addi %add3A_174, %mul3A_173 : i32
    %mul3A_176 = arith.constant 80 : i32
    %mul3A_177 = arith.muli %arg1, %mul3A_176 : i32
    %run_scoped3A_178 = arith.constant 3 : i32
    "tpu.region"() ({
      %run_scoped3A_365 = tpu.sem_alloc : memref<!tpu.dma_semaphore, #tpu.memory_space<semaphore_mem>>
      %dma_start3A_366 = arith.constant 0 : i32
      %dma_start3A_367 = tpu.memref_slice %arg8[%run_scoped3A_178, %arg0, %mul3A_177, %dma_start3A_366] : memref<8x2x1280x80xf32, #tpu.memory_space<hbm>> -> memref<1x1x80x80xf32, #tpu.memory_space<hbm>>
      %dma_start3A_368 = tpu.memref_squeeze %dma_start3A_367 : memref<1x1x80x80xf32, #tpu.memory_space<hbm>> -> memref<80x80xf32, #tpu.memory_space<hbm>>
      %dma_start3A_369 = arith.constant 0 : i32
      %dma_start3A_370 = tpu.memref_slice %arg17[%add3A_175, %dma_start3A_369] : memref<5120x80xf32, #tpu.memory_space<vmem_shared>> -> memref<80x80xf32, #tpu.memory_space<vmem_shared>>
      tpu.enqueue_dma source(%dma_start3A_370 : memref<80x80xf32, #tpu.memory_space<vmem_shared>>) target(%dma_start3A_368 : memref<80x80xf32, #tpu.memory_space<hbm>>) target_semaphore(%run_scoped3A_365 : memref<!tpu.dma_semaphore, #tpu.memory_space<semaphore_mem>>)
      %dma_wait3A_371 = arith.constant 0 : i32
      %dma_wait3A_372 = tpu.memref_slice %arg8[%run_scoped3A_178, %arg0, %mul3A_177, %dma_wait3A_371] : memref<8x2x1280x80xf32, #tpu.memory_space<hbm>> -> memref<1x1x80x80xf32, #tpu.memory_space<hbm>>
      %dma_wait3A_373 = tpu.memref_squeeze %dma_wait3A_372 : memref<1x1x80x80xf32, #tpu.memory_space<hbm>> -> memref<80x80xf32, #tpu.memory_space<hbm>>
      %dma_wait3A_374 = arith.constant 0 : i32
      %dma_wait3A_375 = tpu.memref_slice %arg17[%add3A_175, %dma_wait3A_374] : memref<5120x80xf32, #tpu.memory_space<vmem_shared>> -> memref<80x80xf32, #tpu.memory_space<vmem_shared>>
      tpu.wait_dma2 semaphore(%run_scoped3A_365 : memref<!tpu.dma_semaphore, #tpu.memory_space<semaphore_mem>>) src(%dma_wait3A_375 : memref<80x80xf32, #tpu.memory_space<vmem_shared>>) dst(%dma_wait3A_373 : memref<80x80xf32, #tpu.memory_space<hbm>>)
      tpu.yield
    }) : () -> ()
    %mul3A_179 = arith.constant 80 : i32
    %mul3A_180 = arith.muli %arg1, %mul3A_179 : i32
    %add3A_181 = arith.constant 0 : i32
    %add3A_182 = arith.addi %add3A_181, %mul3A_180 : i32
    "tpu.region"() ({
      %run_scoped3A_365 = tpu.sem_alloc : memref<!tpu.dma_semaphore, #tpu.memory_space<semaphore_mem>>
      %dma_start3A_366 = arith.constant 0 : i32
      %dma_start3A_367 = tpu.memref_slice %arg17[%add3A_182, %dma_start3A_366] : memref<5120x80xf32, #tpu.memory_space<vmem_shared>> -> memref<80x80xf32, #tpu.memory_space<vmem_shared>>
      tpu.enqueue_dma source(%arg7 : memref<80x80xf32, #tpu.memory_space<hbm>>) target(%dma_start3A_367 : memref<80x80xf32, #tpu.memory_space<vmem_shared>>) target_semaphore(%run_scoped3A_365 : memref<!tpu.dma_semaphore, #tpu.memory_space<semaphore_mem>>)
      %dma_wait3A_368 = arith.constant 0 : i32
      %dma_wait3A_369 = tpu.memref_slice %arg17[%add3A_182, %dma_wait3A_368] : memref<5120x80xf32, #tpu.memory_space<vmem_shared>> -> memref<80x80xf32, #tpu.memory_space<vmem_shared>>
      tpu.wait_dma2 semaphore(%run_scoped3A_365 : memref<!tpu.dma_semaphore, #tpu.memory_space<semaphore_mem>>) src(%arg7 : memref<80x80xf32, #tpu.memory_space<hbm>>) dst(%dma_wait3A_369 : memref<80x80xf32, #tpu.memory_space<vmem_shared>>)
      tpu.yield
    }) : () -> ()
    %mul3A_183 = arith.constant 80 : i32
    %mul3A_184 = arith.muli %arg1, %mul3A_183 : i32
    %add3A_185 = arith.constant 1280 : i32
    %add3A_186 = arith.addi %add3A_185, %mul3A_184 : i32
    "tpu.region"() ({
      %run_scoped3A_365 = tpu.sem_alloc : memref<!tpu.dma_semaphore, #tpu.memory_space<semaphore_mem>>
      %dma_start3A_366 = arith.constant 0 : i32
      %dma_start3A_367 = tpu.memref_slice %arg17[%add3A_186, %dma_start3A_366] : memref<5120x80xf32, #tpu.memory_space<vmem_shared>> -> memref<80x80xf32, #tpu.memory_space<vmem_shared>>
      tpu.enqueue_dma source(%arg7 : memref<80x80xf32, #tpu.memory_space<hbm>>) target(%dma_start3A_367 : memref<80x80xf32, #tpu.memory_space<vmem_shared>>) target_semaphore(%run_scoped3A_365 : memref<!tpu.dma_semaphore, #tpu.memory_space<semaphore_mem>>)
      %dma_wait3A_368 = arith.constant 0 : i32
      %dma_wait3A_369 = tpu.memref_slice %arg17[%add3A_186, %dma_wait3A_368] : memref<5120x80xf32, #tpu.memory_space<vmem_shared>> -> memref<80x80xf32, #tpu.memory_space<vmem_shared>>
      tpu.wait_dma2 semaphore(%run_scoped3A_365 : memref<!tpu.dma_semaphore, #tpu.memory_space<semaphore_mem>>) src(%arg7 : memref<80x80xf32, #tpu.memory_space<hbm>>) dst(%dma_wait3A_369 : memref<80x80xf32, #tpu.memory_space<vmem_shared>>)
      tpu.yield
    }) : () -> ()
    %mul3A_187 = arith.constant 80 : i32
    %mul3A_188 = arith.muli %arg1, %mul3A_187 : i32
    %add3A_189 = arith.constant 2560 : i32
    %add3A_190 = arith.addi %add3A_189, %mul3A_188 : i32
    "tpu.region"() ({
      %run_scoped3A_365 = tpu.sem_alloc : memref<!tpu.dma_semaphore, #tpu.memory_space<semaphore_mem>>
      %dma_start3A_366 = arith.constant 0 : i32
      %dma_start3A_367 = tpu.memref_slice %arg17[%add3A_190, %dma_start3A_366] : memref<5120x80xf32, #tpu.memory_space<vmem_shared>> -> memref<80x80xf32, #tpu.memory_space<vmem_shared>>
      tpu.enqueue_dma source(%arg7 : memref<80x80xf32, #tpu.memory_space<hbm>>) target(%dma_start3A_367 : memref<80x80xf32, #tpu.memory_space<vmem_shared>>) target_semaphore(%run_scoped3A_365 : memref<!tpu.dma_semaphore, #tpu.memory_space<semaphore_mem>>)
      %dma_wait3A_368 = arith.constant 0 : i32
      %dma_wait3A_369 = tpu.memref_slice %arg17[%add3A_190, %dma_wait3A_368] : memref<5120x80xf32, #tpu.memory_space<vmem_shared>> -> memref<80x80xf32, #tpu.memory_space<vmem_shared>>
      tpu.wait_dma2 semaphore(%run_scoped3A_365 : memref<!tpu.dma_semaphore, #tpu.memory_space<semaphore_mem>>) src(%arg7 : memref<80x80xf32, #tpu.memory_space<hbm>>) dst(%dma_wait3A_369 : memref<80x80xf32, #tpu.memory_space<vmem_shared>>)
      tpu.yield
    }) : () -> ()
    %mul3A_191 = arith.constant 80 : i32
    %mul3A_192 = arith.muli %arg1, %mul3A_191 : i32
    %add3A_193 = arith.constant 3840 : i32
    %add3A_194 = arith.addi %add3A_193, %mul3A_192 : i32
    "tpu.region"() ({
      %run_scoped3A_365 = tpu.sem_alloc : memref<!tpu.dma_semaphore, #tpu.memory_space<semaphore_mem>>
      %dma_start3A_366 = arith.constant 0 : i32
      %dma_start3A_367 = tpu.memref_slice %arg17[%add3A_194, %dma_start3A_366] : memref<5120x80xf32, #tpu.memory_space<vmem_shared>> -> memref<80x80xf32, #tpu.memory_space<vmem_shared>>
      tpu.enqueue_dma source(%arg7 : memref<80x80xf32, #tpu.memory_space<hbm>>) target(%dma_start3A_367 : memref<80x80xf32, #tpu.memory_space<vmem_shared>>) target_semaphore(%run_scoped3A_365 : memref<!tpu.dma_semaphore, #tpu.memory_space<semaphore_mem>>)
      %dma_wait3A_368 = arith.constant 0 : i32
      %dma_wait3A_369 = tpu.memref_slice %arg17[%add3A_194, %dma_wait3A_368] : memref<5120x80xf32, #tpu.memory_space<vmem_shared>> -> memref<80x80xf32, #tpu.memory_space<vmem_shared>>
      tpu.wait_dma2 semaphore(%run_scoped3A_365 : memref<!tpu.dma_semaphore, #tpu.memory_space<semaphore_mem>>) src(%arg7 : memref<80x80xf32, #tpu.memory_space<hbm>>) dst(%dma_wait3A_369 : memref<80x80xf32, #tpu.memory_space<vmem_shared>>)
      tpu.yield
    }) : () -> ()
    %barrier3A_195 = arith.constant 0 : index
    tpu.barrier barrier_id(%barrier3A_195)
    %run_scoped3A_196 = arith.constant 4 : i32
    "tpu.region"() ({
      %run_scoped3A_365 = tpu.sem_alloc : memref<!tpu.dma_semaphore, #tpu.memory_space<semaphore_mem>>
      %dma_start3A_366 = arith.constant 0 : i32
      %dma_start3A_367 = arith.constant 0 : i32
      %dma_start3A_368 = tpu.memref_slice %arg3[%arg0, %run_scoped3A_196, %arg1, %dma_start3A_366, %dma_start3A_367] : memref<2x8x16x20x128xi32, #tpu.memory_space<hbm>> -> memref<1x1x1x20x128xi32, #tpu.memory_space<hbm>>
      %dma_start3A_369 = tpu.memref_squeeze %dma_start3A_368 : memref<1x1x1x20x128xi32, #tpu.memory_space<hbm>> -> memref<20x128xi32, #tpu.memory_space<hbm>>
      %dma_start3A_370 = arith.constant 0 : i32
      %dma_start3A_371 = arith.constant 0 : i32
      %dma_start3A_372 = tpu.memref_slice %arg3[%arg0, %run_scoped3A_196, %arg1, %dma_start3A_370, %dma_start3A_371] : memref<2x8x16x20x128xi32, #tpu.memory_space<hbm>> -> memref<1x1x1x20x128xi32, #tpu.memory_space<hbm>>
      %dma_start3A_373 = tpu.memref_squeeze %dma_start3A_372 : memref<1x1x1x20x128xi32, #tpu.memory_space<hbm>> -> memref<20x128xi32, #tpu.memory_space<hbm>>
      tpu.enqueue_dma source(%dma_start3A_373 : memref<20x128xi32, #tpu.memory_space<hbm>>) target(%arg9 : memref<20x128xi32, #tpu.memory_space<vmem>>) target_semaphore(%run_scoped3A_365 : memref<!tpu.dma_semaphore, #tpu.memory_space<semaphore_mem>>)
      %dma_wait3A_374 = arith.constant 0 : i32
      %dma_wait3A_375 = arith.constant 0 : i32
      %dma_wait3A_376 = tpu.memref_slice %arg3[%arg0, %run_scoped3A_196, %arg1, %dma_wait3A_374, %dma_wait3A_375] : memref<2x8x16x20x128xi32, #tpu.memory_space<hbm>> -> memref<1x1x1x20x128xi32, #tpu.memory_space<hbm>>
      %dma_wait3A_377 = tpu.memref_squeeze %dma_wait3A_376 : memref<1x1x1x20x128xi32, #tpu.memory_space<hbm>> -> memref<20x128xi32, #tpu.memory_space<hbm>>
      %dma_wait3A_378 = arith.constant 0 : i32
      %dma_wait3A_379 = arith.constant 0 : i32
      %dma_wait3A_380 = tpu.memref_slice %arg3[%arg0, %run_scoped3A_196, %arg1, %dma_wait3A_378, %dma_wait3A_379] : memref<2x8x16x20x128xi32, #tpu.memory_space<hbm>> -> memref<1x1x1x20x128xi32, #tpu.memory_space<hbm>>
      %dma_wait3A_381 = tpu.memref_squeeze %dma_wait3A_380 : memref<1x1x1x20x128xi32, #tpu.memory_space<hbm>> -> memref<20x128xi32, #tpu.memory_space<hbm>>
      tpu.wait_dma2 semaphore(%run_scoped3A_365 : memref<!tpu.dma_semaphore, #tpu.memory_space<semaphore_mem>>) src(%dma_wait3A_381 : memref<20x128xi32, #tpu.memory_space<hbm>>) dst(%arg9 : memref<20x128xi32, #tpu.memory_space<vmem>>)
      tpu.yield
    }) : () -> ()
    %run_scoped3A_197 = arith.constant 4 : i32
    "tpu.region"() ({
      %run_scoped3A_365 = tpu.sem_alloc : memref<!tpu.dma_semaphore, #tpu.memory_space<semaphore_mem>>
      %dma_start3A_366 = arith.constant 0 : i32
      %dma_start3A_367 = arith.constant 0 : i32
      %dma_start3A_368 = tpu.memref_slice %arg4[%arg0, %run_scoped3A_197, %arg1, %dma_start3A_366, %dma_start3A_367] : memref<2x8x16x20x128xi32, #tpu.memory_space<hbm>> -> memref<1x1x1x20x128xi32, #tpu.memory_space<hbm>>
      %dma_start3A_369 = tpu.memref_squeeze %dma_start3A_368 : memref<1x1x1x20x128xi32, #tpu.memory_space<hbm>> -> memref<20x128xi32, #tpu.memory_space<hbm>>
      %dma_start3A_370 = arith.constant 0 : i32
      %dma_start3A_371 = arith.constant 0 : i32
      %dma_start3A_372 = tpu.memref_slice %arg4[%arg0, %run_scoped3A_197, %arg1, %dma_start3A_370, %dma_start3A_371] : memref<2x8x16x20x128xi32, #tpu.memory_space<hbm>> -> memref<1x1x1x20x128xi32, #tpu.memory_space<hbm>>
      %dma_start3A_373 = tpu.memref_squeeze %dma_start3A_372 : memref<1x1x1x20x128xi32, #tpu.memory_space<hbm>> -> memref<20x128xi32, #tpu.memory_space<hbm>>
      tpu.enqueue_dma source(%dma_start3A_373 : memref<20x128xi32, #tpu.memory_space<hbm>>) target(%arg10 : memref<20x128xi32, #tpu.memory_space<vmem>>) target_semaphore(%run_scoped3A_365 : memref<!tpu.dma_semaphore, #tpu.memory_space<semaphore_mem>>)
      %dma_wait3A_374 = arith.constant 0 : i32
      %dma_wait3A_375 = arith.constant 0 : i32
      %dma_wait3A_376 = tpu.memref_slice %arg4[%arg0, %run_scoped3A_197, %arg1, %dma_wait3A_374, %dma_wait3A_375] : memref<2x8x16x20x128xi32, #tpu.memory_space<hbm>> -> memref<1x1x1x20x128xi32, #tpu.memory_space<hbm>>
      %dma_wait3A_377 = tpu.memref_squeeze %dma_wait3A_376 : memref<1x1x1x20x128xi32, #tpu.memory_space<hbm>> -> memref<20x128xi32, #tpu.memory_space<hbm>>
      %dma_wait3A_378 = arith.constant 0 : i32
      %dma_wait3A_379 = arith.constant 0 : i32
      %dma_wait3A_380 = tpu.memref_slice %arg4[%arg0, %run_scoped3A_197, %arg1, %dma_wait3A_378, %dma_wait3A_379] : memref<2x8x16x20x128xi32, #tpu.memory_space<hbm>> -> memref<1x1x1x20x128xi32, #tpu.memory_space<hbm>>
      %dma_wait3A_381 = tpu.memref_squeeze %dma_wait3A_380 : memref<1x1x1x20x128xi32, #tpu.memory_space<hbm>> -> memref<20x128xi32, #tpu.memory_space<hbm>>
      tpu.wait_dma2 semaphore(%run_scoped3A_365 : memref<!tpu.dma_semaphore, #tpu.memory_space<semaphore_mem>>) src(%dma_wait3A_381 : memref<20x128xi32, #tpu.memory_space<hbm>>) dst(%arg10 : memref<20x128xi32, #tpu.memory_space<vmem>>)
      tpu.yield
    }) : () -> ()
    %run_scoped3A_198 = arith.constant 4 : i32
    "tpu.region"() ({
      %run_scoped3A_365 = tpu.sem_alloc : memref<!tpu.dma_semaphore, #tpu.memory_space<semaphore_mem>>
      %dma_start3A_366 = arith.constant 0 : i32
      %dma_start3A_367 = arith.constant 0 : i32
      %dma_start3A_368 = tpu.memref_slice %arg5[%arg0, %run_scoped3A_198, %arg1, %dma_start3A_366, %dma_start3A_367] : memref<2x8x16x20x128xi32, #tpu.memory_space<hbm>> -> memref<1x1x1x20x128xi32, #tpu.memory_space<hbm>>
      %dma_start3A_369 = tpu.memref_squeeze %dma_start3A_368 : memref<1x1x1x20x128xi32, #tpu.memory_space<hbm>> -> memref<20x128xi32, #tpu.memory_space<hbm>>
      %dma_start3A_370 = arith.constant 0 : i32
      %dma_start3A_371 = arith.constant 0 : i32
      %dma_start3A_372 = tpu.memref_slice %arg5[%arg0, %run_scoped3A_198, %arg1, %dma_start3A_370, %dma_start3A_371] : memref<2x8x16x20x128xi32, #tpu.memory_space<hbm>> -> memref<1x1x1x20x128xi32, #tpu.memory_space<hbm>>
      %dma_start3A_373 = tpu.memref_squeeze %dma_start3A_372 : memref<1x1x1x20x128xi32, #tpu.memory_space<hbm>> -> memref<20x128xi32, #tpu.memory_space<hbm>>
      tpu.enqueue_dma source(%dma_start3A_373 : memref<20x128xi32, #tpu.memory_space<hbm>>) target(%arg11 : memref<20x128xi32, #tpu.memory_space<vmem>>) target_semaphore(%run_scoped3A_365 : memref<!tpu.dma_semaphore, #tpu.memory_space<semaphore_mem>>)
      %dma_wait3A_374 = arith.constant 0 : i32
      %dma_wait3A_375 = arith.constant 0 : i32
      %dma_wait3A_376 = tpu.memref_slice %arg5[%arg0, %run_scoped3A_198, %arg1, %dma_wait3A_374, %dma_wait3A_375] : memref<2x8x16x20x128xi32, #tpu.memory_space<hbm>> -> memref<1x1x1x20x128xi32, #tpu.memory_space<hbm>>
      %dma_wait3A_377 = tpu.memref_squeeze %dma_wait3A_376 : memref<1x1x1x20x128xi32, #tpu.memory_space<hbm>> -> memref<20x128xi32, #tpu.memory_space<hbm>>
      %dma_wait3A_378 = arith.constant 0 : i32
      %dma_wait3A_379 = arith.constant 0 : i32
      %dma_wait3A_380 = tpu.memref_slice %arg5[%arg0, %run_scoped3A_198, %arg1, %dma_wait3A_378, %dma_wait3A_379] : memref<2x8x16x20x128xi32, #tpu.memory_space<hbm>> -> memref<1x1x1x20x128xi32, #tpu.memory_space<hbm>>
      %dma_wait3A_381 = tpu.memref_squeeze %dma_wait3A_380 : memref<1x1x1x20x128xi32, #tpu.memory_space<hbm>> -> memref<20x128xi32, #tpu.memory_space<hbm>>
      tpu.wait_dma2 semaphore(%run_scoped3A_365 : memref<!tpu.dma_semaphore, #tpu.memory_space<semaphore_mem>>) src(%dma_wait3A_381 : memref<20x128xi32, #tpu.memory_space<hbm>>) dst(%arg11 : memref<20x128xi32, #tpu.memory_space<vmem>>)
      tpu.yield
    }) : () -> ()
    %run_scoped3A_199 = arith.constant 4 : i32
    "tpu.region"() ({
      %run_scoped3A_365 = tpu.sem_alloc : memref<!tpu.dma_semaphore, #tpu.memory_space<semaphore_mem>>
      %dma_start3A_366 = arith.constant 0 : i32
      %dma_start3A_367 = arith.constant 0 : i32
      %dma_start3A_368 = tpu.memref_slice %arg6[%arg0, %run_scoped3A_199, %arg1, %dma_start3A_366, %dma_start3A_367] : memref<2x8x16x20x128xi32, #tpu.memory_space<hbm>> -> memref<1x1x1x20x128xi32, #tpu.memory_space<hbm>>
      %dma_start3A_369 = tpu.memref_squeeze %dma_start3A_368 : memref<1x1x1x20x128xi32, #tpu.memory_space<hbm>> -> memref<20x128xi32, #tpu.memory_space<hbm>>
      %dma_start3A_370 = arith.constant 0 : i32
      %dma_start3A_371 = arith.constant 0 : i32
      %dma_start3A_372 = tpu.memref_slice %arg6[%arg0, %run_scoped3A_199, %arg1, %dma_start3A_370, %dma_start3A_371] : memref<2x8x16x20x128xi32, #tpu.memory_space<hbm>> -> memref<1x1x1x20x128xi32, #tpu.memory_space<hbm>>
      %dma_start3A_373 = tpu.memref_squeeze %dma_start3A_372 : memref<1x1x1x20x128xi32, #tpu.memory_space<hbm>> -> memref<20x128xi32, #tpu.memory_space<hbm>>
      tpu.enqueue_dma source(%dma_start3A_373 : memref<20x128xi32, #tpu.memory_space<hbm>>) target(%arg12 : memref<20x128xi32, #tpu.memory_space<vmem>>) target_semaphore(%run_scoped3A_365 : memref<!tpu.dma_semaphore, #tpu.memory_space<semaphore_mem>>)
      %dma_wait3A_374 = arith.constant 0 : i32
      %dma_wait3A_375 = arith.constant 0 : i32
      %dma_wait3A_376 = tpu.memref_slice %arg6[%arg0, %run_scoped3A_199, %arg1, %dma_wait3A_374, %dma_wait3A_375] : memref<2x8x16x20x128xi32, #tpu.memory_space<hbm>> -> memref<1x1x1x20x128xi32, #tpu.memory_space<hbm>>
      %dma_wait3A_377 = tpu.memref_squeeze %dma_wait3A_376 : memref<1x1x1x20x128xi32, #tpu.memory_space<hbm>> -> memref<20x128xi32, #tpu.memory_space<hbm>>
      %dma_wait3A_378 = arith.constant 0 : i32
      %dma_wait3A_379 = arith.constant 0 : i32
      %dma_wait3A_380 = tpu.memref_slice %arg6[%arg0, %run_scoped3A_199, %arg1, %dma_wait3A_378, %dma_wait3A_379] : memref<2x8x16x20x128xi32, #tpu.memory_space<hbm>> -> memref<1x1x1x20x128xi32, #tpu.memory_space<hbm>>
      %dma_wait3A_381 = tpu.memref_squeeze %dma_wait3A_380 : memref<1x1x1x20x128xi32, #tpu.memory_space<hbm>> -> memref<20x128xi32, #tpu.memory_space<hbm>>
      tpu.wait_dma2 semaphore(%run_scoped3A_365 : memref<!tpu.dma_semaphore, #tpu.memory_space<semaphore_mem>>) src(%dma_wait3A_381 : memref<20x128xi32, #tpu.memory_space<hbm>>) dst(%arg12 : memref<20x128xi32, #tpu.memory_space<vmem>>)
      tpu.yield
    }) : () -> ()
    %dma_start3A_200 = arith.constant 0 : i32
    %dma_start3A_201 = arith.constant 0 : i32
    %dma_start3A_202 = tpu.memref_slice %arg9[%dma_start3A_200, %dma_start3A_201] : memref<20x128xi32, #tpu.memory_space<vmem>> -> memref<1x128xi32, #tpu.memory_space<vmem>>
    %dma_start3A_203 = tpu.memref_squeeze %dma_start3A_202 : memref<1x128xi32, #tpu.memory_space<vmem>> -> memref<128xi32, #tpu.memory_space<vmem>>
    %dma_start3A_204 = arith.constant 0 : i32
    %dma_start3A_205 = arith.constant 0 : i32
    %dma_start3A_206 = tpu.memref_slice %arg2[%dma_start3A_204, %dma_start3A_205] : memref<20480x80xf32, #tpu.memory_space<hbm>> -> memref<20480x80xf32, #tpu.memory_space<hbm>>
    tpu.enqueue_indirect_dma source(%dma_start3A_206 : memref<20480x80xf32, #tpu.memory_space<hbm>>) target(%arg13 : memref<128x80xf32, #tpu.memory_space<vmem>>) offsets(%dma_start3A_203 : memref<128xi32, #tpu.memory_space<vmem>>) semaphore(%arg18 : memref<!tpu.dma_semaphore, #tpu.memory_space<semaphore_mem>>)
    %dma_start3A_207 = arith.constant 0 : i32
    %dma_start3A_208 = arith.constant 0 : i32
    %dma_start3A_209 = tpu.memref_slice %arg10[%dma_start3A_207, %dma_start3A_208] : memref<20x128xi32, #tpu.memory_space<vmem>> -> memref<1x128xi32, #tpu.memory_space<vmem>>
    %dma_start3A_210 = tpu.memref_squeeze %dma_start3A_209 : memref<1x128xi32, #tpu.memory_space<vmem>> -> memref<128xi32, #tpu.memory_space<vmem>>
    %dma_start3A_211 = arith.constant 0 : i32
    %dma_start3A_212 = arith.constant 0 : i32
    %dma_start3A_213 = tpu.memref_slice %arg2[%dma_start3A_211, %dma_start3A_212] : memref<20480x80xf32, #tpu.memory_space<hbm>> -> memref<20480x80xf32, #tpu.memory_space<hbm>>
    tpu.enqueue_indirect_dma source(%dma_start3A_213 : memref<20480x80xf32, #tpu.memory_space<hbm>>) target(%arg14 : memref<128x80xf32, #tpu.memory_space<vmem>>) offsets(%dma_start3A_210 : memref<128xi32, #tpu.memory_space<vmem>>) semaphore(%arg19 : memref<!tpu.dma_semaphore, #tpu.memory_space<semaphore_mem>>)
    %scan3A_214 = arith.constant 0 : i32
    %scan3A_215 = arith.constant 10 : i32
    %scan3A_216 = arith.addi %scan3A_214, %scan3A_215 : i32
    %scan3A_217 = arith.constant 1 : i32
    scf.for %scan3A_365 = %scan3A_214 to %scan3A_216 step %scan3A_217  : i32 {
      %mul3A_366 = arith.constant 1 : i32
      %mul3A_367 = arith.muli %scan3A_365, %mul3A_366 : i32
      %add3A_368 = arith.constant 0 : i32
      %add3A_369 = arith.addi %add3A_368, %mul3A_367 : i32
      %mul3A_370 = arith.constant 2 : i32
      %mul3A_371 = arith.muli %mul3A_370, %add3A_369 : i32
      %mul3A_372 = arith.constant 2 : i32
      %mul3A_373 = arith.muli %mul3A_372, %add3A_369 : i32
      %add3A_374 = arith.constant 1 : i32
      %add3A_375 = arith.addi %mul3A_373, %add3A_374 : i32
      %dma_wait3A_376 = arith.constant 0 : i32
      %dma_wait3A_377 = tpu.memref_slice %arg9[%mul3A_371, %dma_wait3A_376] : memref<20x128xi32, #tpu.memory_space<vmem>> -> memref<1x128xi32, #tpu.memory_space<vmem>>
      %dma_wait3A_378 = tpu.memref_squeeze %dma_wait3A_377 : memref<1x128xi32, #tpu.memory_space<vmem>> -> memref<128xi32, #tpu.memory_space<vmem>>
      %dma_wait3A_379 = arith.constant 0 : i32
      %dma_wait3A_380 = arith.constant 0 : i32
      %dma_wait3A_381 = tpu.memref_slice %arg2[%dma_wait3A_379, %dma_wait3A_380] : memref<20480x80xf32, #tpu.memory_space<hbm>> -> memref<20480x80xf32, #tpu.memory_space<hbm>>
      tpu.wait_indirect_dma semaphore(%arg18 : memref<!tpu.dma_semaphore, #tpu.memory_space<semaphore_mem>>) src(%dma_wait3A_381 : memref<20480x80xf32, #tpu.memory_space<hbm>>) dst(%arg13 : memref<128x80xf32, #tpu.memory_space<vmem>>)
      %dma_wait3A_382 = arith.constant 0 : i32
      %dma_wait3A_383 = tpu.memref_slice %arg10[%mul3A_371, %dma_wait3A_382] : memref<20x128xi32, #tpu.memory_space<vmem>> -> memref<1x128xi32, #tpu.memory_space<vmem>>
      %dma_wait3A_384 = tpu.memref_squeeze %dma_wait3A_383 : memref<1x128xi32, #tpu.memory_space<vmem>> -> memref<128xi32, #tpu.memory_space<vmem>>
      %dma_wait3A_385 = arith.constant 0 : i32
      %dma_wait3A_386 = arith.constant 0 : i32
      %dma_wait3A_387 = tpu.memref_slice %arg2[%dma_wait3A_385, %dma_wait3A_386] : memref<20480x80xf32, #tpu.memory_space<hbm>> -> memref<20480x80xf32, #tpu.memory_space<hbm>>
      tpu.wait_indirect_dma semaphore(%arg19 : memref<!tpu.dma_semaphore, #tpu.memory_space<semaphore_mem>>) src(%dma_wait3A_387 : memref<20480x80xf32, #tpu.memory_space<hbm>>) dst(%arg14 : memref<128x80xf32, #tpu.memory_space<vmem>>)
      %dma_start3A_388 = arith.constant 0 : i32
      %dma_start3A_389 = tpu.memref_slice %arg11[%mul3A_371, %dma_start3A_388] : memref<20x128xi32, #tpu.memory_space<vmem>> -> memref<1x128xi32, #tpu.memory_space<vmem>>
      %dma_start3A_390 = tpu.memref_squeeze %dma_start3A_389 : memref<1x128xi32, #tpu.memory_space<vmem>> -> memref<128xi32, #tpu.memory_space<vmem>>
      %dma_start3A_391 = arith.constant 0 : i32
      %dma_start3A_392 = arith.constant 0 : i32
      %dma_start3A_393 = tpu.memref_slice %arg17[%dma_start3A_391, %dma_start3A_392] : memref<5120x80xf32, #tpu.memory_space<vmem_shared>> -> memref<5120x80xf32, #tpu.memory_space<vmem_shared>>
      tpu.enqueue_indirect_dma source(%arg14 : memref<128x80xf32, #tpu.memory_space<vmem>>) target(%dma_start3A_393 : memref<5120x80xf32, #tpu.memory_space<vmem_shared>>) offsets(%dma_start3A_390 : memref<128xi32, #tpu.memory_space<vmem>>) semaphore(%arg22 : memref<!tpu.dma_semaphore, #tpu.memory_space<semaphore_mem>>) {add = true}
      %dma_start3A_394 = arith.constant 0 : i32
      %dma_start3A_395 = tpu.memref_slice %arg12[%mul3A_371, %dma_start3A_394] : memref<20x128xi32, #tpu.memory_space<vmem>> -> memref<1x128xi32, #tpu.memory_space<vmem>>
      %dma_start3A_396 = tpu.memref_squeeze %dma_start3A_395 : memref<1x128xi32, #tpu.memory_space<vmem>> -> memref<128xi32, #tpu.memory_space<vmem>>
      %dma_start3A_397 = arith.constant 0 : i32
      %dma_start3A_398 = arith.constant 0 : i32
      %dma_start3A_399 = tpu.memref_slice %arg17[%dma_start3A_397, %dma_start3A_398] : memref<5120x80xf32, #tpu.memory_space<vmem_shared>> -> memref<5120x80xf32, #tpu.memory_space<vmem_shared>>
      tpu.enqueue_indirect_dma source(%arg13 : memref<128x80xf32, #tpu.memory_space<vmem>>) target(%dma_start3A_399 : memref<5120x80xf32, #tpu.memory_space<vmem_shared>>) offsets(%dma_start3A_396 : memref<128xi32, #tpu.memory_space<vmem>>) semaphore(%arg23 : memref<!tpu.dma_semaphore, #tpu.memory_space<semaphore_mem>>) {add = true}
      %gt3A = arith.constant 0 : i32
      %gt3A_400 = arith.cmpi sgt, %add3A_369, %gt3A : i32
      %convert_element_type3A = arith.extui %gt3A_400 : i1 to i32
      %cond3A = arith.constant 0 : i32
      %cond3A_401 = arith.cmpi ne, %convert_element_type3A, %cond3A : i32
      scf.if %cond3A_401 {
        %dma_wait3A_454 = arith.constant 0 : i32
        %dma_wait3A_455 = arith.constant 0 : i32
        %dma_wait3A_456 = tpu.memref_slice %arg2[%dma_wait3A_454, %dma_wait3A_455] : memref<20480x80xf32, #tpu.memory_space<hbm>> -> memref<128x80xf32, #tpu.memory_space<hbm>>
        %dma_wait3A_457 = arith.constant 0 : i32
        %dma_wait3A_458 = arith.constant 0 : i32
        %dma_wait3A_459 = tpu.memref_slice %arg2[%dma_wait3A_457, %dma_wait3A_458] : memref<20480x80xf32, #tpu.memory_space<hbm>> -> memref<128x80xf32, #tpu.memory_space<hbm>>
        tpu.wait_dma2 semaphore(%arg24 : memref<!tpu.dma_semaphore, #tpu.memory_space<semaphore_mem>>) src(%dma_wait3A_459 : memref<128x80xf32, #tpu.memory_space<hbm>>) dst(%arg15 : memref<128x80xf32, #tpu.memory_space<vmem>>)
        %dma_wait3A_460 = arith.constant 0 : i32
        %dma_wait3A_461 = arith.constant 0 : i32
        %dma_wait3A_462 = tpu.memref_slice %arg2[%dma_wait3A_460, %dma_wait3A_461] : memref<20480x80xf32, #tpu.memory_space<hbm>> -> memref<128x80xf32, #tpu.memory_space<hbm>>
        %dma_wait3A_463 = arith.constant 0 : i32
        %dma_wait3A_464 = arith.constant 0 : i32
        %dma_wait3A_465 = tpu.memref_slice %arg2[%dma_wait3A_463, %dma_wait3A_464] : memref<20480x80xf32, #tpu.memory_space<hbm>> -> memref<128x80xf32, #tpu.memory_space<hbm>>
        tpu.wait_dma2 semaphore(%arg25 : memref<!tpu.dma_semaphore, #tpu.memory_space<semaphore_mem>>) src(%dma_wait3A_465 : memref<128x80xf32, #tpu.memory_space<hbm>>) dst(%arg16 : memref<128x80xf32, #tpu.memory_space<vmem>>)
      } else {
      }
      %dma_start3A_402 = arith.constant 0 : i32
      %dma_start3A_403 = tpu.memref_slice %arg9[%add3A_375, %dma_start3A_402] : memref<20x128xi32, #tpu.memory_space<vmem>> -> memref<1x128xi32, #tpu.memory_space<vmem>>
      %dma_start3A_404 = tpu.memref_squeeze %dma_start3A_403 : memref<1x128xi32, #tpu.memory_space<vmem>> -> memref<128xi32, #tpu.memory_space<vmem>>
      %dma_start3A_405 = arith.constant 0 : i32
      %dma_start3A_406 = arith.constant 0 : i32
      %dma_start3A_407 = tpu.memref_slice %arg2[%dma_start3A_405, %dma_start3A_406] : memref<20480x80xf32, #tpu.memory_space<hbm>> -> memref<20480x80xf32, #tpu.memory_space<hbm>>
      tpu.enqueue_indirect_dma source(%dma_start3A_407 : memref<20480x80xf32, #tpu.memory_space<hbm>>) target(%arg15 : memref<128x80xf32, #tpu.memory_space<vmem>>) offsets(%dma_start3A_404 : memref<128xi32, #tpu.memory_space<vmem>>) semaphore(%arg20 : memref<!tpu.dma_semaphore, #tpu.memory_space<semaphore_mem>>)
      %dma_start3A_408 = arith.constant 0 : i32
      %dma_start3A_409 = tpu.memref_slice %arg10[%add3A_375, %dma_start3A_408] : memref<20x128xi32, #tpu.memory_space<vmem>> -> memref<1x128xi32, #tpu.memory_space<vmem>>
      %dma_start3A_410 = tpu.memref_squeeze %dma_start3A_409 : memref<1x128xi32, #tpu.memory_space<vmem>> -> memref<128xi32, #tpu.memory_space<vmem>>
      %dma_start3A_411 = arith.constant 0 : i32
      %dma_start3A_412 = arith.constant 0 : i32
      %dma_start3A_413 = tpu.memref_slice %arg2[%dma_start3A_411, %dma_start3A_412] : memref<20480x80xf32, #tpu.memory_space<hbm>> -> memref<20480x80xf32, #tpu.memory_space<hbm>>
      tpu.enqueue_indirect_dma source(%dma_start3A_413 : memref<20480x80xf32, #tpu.memory_space<hbm>>) target(%arg16 : memref<128x80xf32, #tpu.memory_space<vmem>>) offsets(%dma_start3A_410 : memref<128xi32, #tpu.memory_space<vmem>>) semaphore(%arg21 : memref<!tpu.dma_semaphore, #tpu.memory_space<semaphore_mem>>)
      %dma_wait3A_414 = arith.constant 0 : i32
      %dma_wait3A_415 = tpu.memref_slice %arg9[%add3A_375, %dma_wait3A_414] : memref<20x128xi32, #tpu.memory_space<vmem>> -> memref<1x128xi32, #tpu.memory_space<vmem>>
      %dma_wait3A_416 = tpu.memref_squeeze %dma_wait3A_415 : memref<1x128xi32, #tpu.memory_space<vmem>> -> memref<128xi32, #tpu.memory_space<vmem>>
      %dma_wait3A_417 = arith.constant 0 : i32
      %dma_wait3A_418 = arith.constant 0 : i32
      %dma_wait3A_419 = tpu.memref_slice %arg2[%dma_wait3A_417, %dma_wait3A_418] : memref<20480x80xf32, #tpu.memory_space<hbm>> -> memref<20480x80xf32, #tpu.memory_space<hbm>>
      tpu.wait_indirect_dma semaphore(%arg20 : memref<!tpu.dma_semaphore, #tpu.memory_space<semaphore_mem>>) src(%dma_wait3A_419 : memref<20480x80xf32, #tpu.memory_space<hbm>>) dst(%arg15 : memref<128x80xf32, #tpu.memory_space<vmem>>)
      %dma_wait3A_420 = arith.constant 0 : i32
      %dma_wait3A_421 = tpu.memref_slice %arg10[%add3A_375, %dma_wait3A_420] : memref<20x128xi32, #tpu.memory_space<vmem>> -> memref<1x128xi32, #tpu.memory_space<vmem>>
      %dma_wait3A_422 = tpu.memref_squeeze %dma_wait3A_421 : memref<1x128xi32, #tpu.memory_space<vmem>> -> memref<128xi32, #tpu.memory_space<vmem>>
      %dma_wait3A_423 = arith.constant 0 : i32
      %dma_wait3A_424 = arith.constant 0 : i32
      %dma_wait3A_425 = tpu.memref_slice %arg2[%dma_wait3A_423, %dma_wait3A_424] : memref<20480x80xf32, #tpu.memory_space<hbm>> -> memref<20480x80xf32, #tpu.memory_space<hbm>>
      tpu.wait_indirect_dma semaphore(%arg21 : memref<!tpu.dma_semaphore, #tpu.memory_space<semaphore_mem>>) src(%dma_wait3A_425 : memref<20480x80xf32, #tpu.memory_space<hbm>>) dst(%arg16 : memref<128x80xf32, #tpu.memory_space<vmem>>)
      %dma_start3A_426 = arith.constant 0 : i32
      %dma_start3A_427 = tpu.memref_slice %arg11[%add3A_375, %dma_start3A_426] : memref<20x128xi32, #tpu.memory_space<vmem>> -> memref<1x128xi32, #tpu.memory_space<vmem>>
      %dma_start3A_428 = tpu.memref_squeeze %dma_start3A_427 : memref<1x128xi32, #tpu.memory_space<vmem>> -> memref<128xi32, #tpu.memory_space<vmem>>
      %dma_start3A_429 = arith.constant 0 : i32
      %dma_start3A_430 = arith.constant 0 : i32
      %dma_start3A_431 = tpu.memref_slice %arg17[%dma_start3A_429, %dma_start3A_430] : memref<5120x80xf32, #tpu.memory_space<vmem_shared>> -> memref<5120x80xf32, #tpu.memory_space<vmem_shared>>
      tpu.enqueue_indirect_dma source(%arg16 : memref<128x80xf32, #tpu.memory_space<vmem>>) target(%dma_start3A_431 : memref<5120x80xf32, #tpu.memory_space<vmem_shared>>) offsets(%dma_start3A_428 : memref<128xi32, #tpu.memory_space<vmem>>) semaphore(%arg24 : memref<!tpu.dma_semaphore, #tpu.memory_space<semaphore_mem>>) {add = true}
      %dma_start3A_432 = arith.constant 0 : i32
      %dma_start3A_433 = tpu.memref_slice %arg12[%add3A_375, %dma_start3A_432] : memref<20x128xi32, #tpu.memory_space<vmem>> -> memref<1x128xi32, #tpu.memory_space<vmem>>
      %dma_start3A_434 = tpu.memref_squeeze %dma_start3A_433 : memref<1x128xi32, #tpu.memory_space<vmem>> -> memref<128xi32, #tpu.memory_space<vmem>>
      %dma_start3A_435 = arith.constant 0 : i32
      %dma_start3A_436 = arith.constant 0 : i32
      %dma_start3A_437 = tpu.memref_slice %arg17[%dma_start3A_435, %dma_start3A_436] : memref<5120x80xf32, #tpu.memory_space<vmem_shared>> -> memref<5120x80xf32, #tpu.memory_space<vmem_shared>>
      tpu.enqueue_indirect_dma source(%arg15 : memref<128x80xf32, #tpu.memory_space<vmem>>) target(%dma_start3A_437 : memref<5120x80xf32, #tpu.memory_space<vmem_shared>>) offsets(%dma_start3A_434 : memref<128xi32, #tpu.memory_space<vmem>>) semaphore(%arg25 : memref<!tpu.dma_semaphore, #tpu.memory_space<semaphore_mem>>) {add = true}
      %dma_wait3A_438 = arith.constant 0 : i32
      %dma_wait3A_439 = arith.constant 0 : i32
      %dma_wait3A_440 = tpu.memref_slice %arg2[%dma_wait3A_438, %dma_wait3A_439] : memref<20480x80xf32, #tpu.memory_space<hbm>> -> memref<128x80xf32, #tpu.memory_space<hbm>>
      %dma_wait3A_441 = arith.constant 0 : i32
      %dma_wait3A_442 = arith.constant 0 : i32
      %dma_wait3A_443 = tpu.memref_slice %arg2[%dma_wait3A_441, %dma_wait3A_442] : memref<20480x80xf32, #tpu.memory_space<hbm>> -> memref<128x80xf32, #tpu.memory_space<hbm>>
      tpu.wait_dma2 semaphore(%arg22 : memref<!tpu.dma_semaphore, #tpu.memory_space<semaphore_mem>>) src(%dma_wait3A_443 : memref<128x80xf32, #tpu.memory_space<hbm>>) dst(%arg13 : memref<128x80xf32, #tpu.memory_space<vmem>>)
      %dma_wait3A_444 = arith.constant 0 : i32
      %dma_wait3A_445 = arith.constant 0 : i32
      %dma_wait3A_446 = tpu.memref_slice %arg2[%dma_wait3A_444, %dma_wait3A_445] : memref<20480x80xf32, #tpu.memory_space<hbm>> -> memref<128x80xf32, #tpu.memory_space<hbm>>
      %dma_wait3A_447 = arith.constant 0 : i32
      %dma_wait3A_448 = arith.constant 0 : i32
      %dma_wait3A_449 = tpu.memref_slice %arg2[%dma_wait3A_447, %dma_wait3A_448] : memref<20480x80xf32, #tpu.memory_space<hbm>> -> memref<128x80xf32, #tpu.memory_space<hbm>>
      tpu.wait_dma2 semaphore(%arg23 : memref<!tpu.dma_semaphore, #tpu.memory_space<semaphore_mem>>) src(%dma_wait3A_449 : memref<128x80xf32, #tpu.memory_space<hbm>>) dst(%arg14 : memref<128x80xf32, #tpu.memory_space<vmem>>)
      %lt3A = arith.constant 9 : i32
      %lt3A_450 = arith.cmpi slt, %add3A_369, %lt3A : i32
      %convert_element_type3A_451 = arith.extui %lt3A_450 : i1 to i32
      %cond3A_452 = arith.constant 0 : i32
      %cond3A_453 = arith.cmpi ne, %convert_element_type3A_451, %cond3A_452 : i32
      scf.if %cond3A_453 {
        %add3A_454 = arith.constant 2 : i32
        %add3A_455 = arith.addi %mul3A_371, %add3A_454 : i32
        %dma_start3A_456 = arith.constant 0 : i32
        %dma_start3A_457 = tpu.memref_slice %arg9[%add3A_455, %dma_start3A_456] : memref<20x128xi32, #tpu.memory_space<vmem>> -> memref<1x128xi32, #tpu.memory_space<vmem>>
        %dma_start3A_458 = tpu.memref_squeeze %dma_start3A_457 : memref<1x128xi32, #tpu.memory_space<vmem>> -> memref<128xi32, #tpu.memory_space<vmem>>
        %dma_start3A_459 = arith.constant 0 : i32
        %dma_start3A_460 = arith.constant 0 : i32
        %dma_start3A_461 = tpu.memref_slice %arg2[%dma_start3A_459, %dma_start3A_460] : memref<20480x80xf32, #tpu.memory_space<hbm>> -> memref<20480x80xf32, #tpu.memory_space<hbm>>
        tpu.enqueue_indirect_dma source(%dma_start3A_461 : memref<20480x80xf32, #tpu.memory_space<hbm>>) target(%arg13 : memref<128x80xf32, #tpu.memory_space<vmem>>) offsets(%dma_start3A_458 : memref<128xi32, #tpu.memory_space<vmem>>) semaphore(%arg18 : memref<!tpu.dma_semaphore, #tpu.memory_space<semaphore_mem>>)
        %add3A_462 = arith.constant 2 : i32
        %add3A_463 = arith.addi %mul3A_371, %add3A_462 : i32
        %dma_start3A_464 = arith.constant 0 : i32
        %dma_start3A_465 = tpu.memref_slice %arg10[%add3A_463, %dma_start3A_464] : memref<20x128xi32, #tpu.memory_space<vmem>> -> memref<1x128xi32, #tpu.memory_space<vmem>>
        %dma_start3A_466 = tpu.memref_squeeze %dma_start3A_465 : memref<1x128xi32, #tpu.memory_space<vmem>> -> memref<128xi32, #tpu.memory_space<vmem>>
        %dma_start3A_467 = arith.constant 0 : i32
        %dma_start3A_468 = arith.constant 0 : i32
        %dma_start3A_469 = tpu.memref_slice %arg2[%dma_start3A_467, %dma_start3A_468] : memref<20480x80xf32, #tpu.memory_space<hbm>> -> memref<20480x80xf32, #tpu.memory_space<hbm>>
        tpu.enqueue_indirect_dma source(%dma_start3A_469 : memref<20480x80xf32, #tpu.memory_space<hbm>>) target(%arg14 : memref<128x80xf32, #tpu.memory_space<vmem>>) offsets(%dma_start3A_466 : memref<128xi32, #tpu.memory_space<vmem>>) semaphore(%arg19 : memref<!tpu.dma_semaphore, #tpu.memory_space<semaphore_mem>>)
      } else {
      }
    }
    %scan3A_218 = arith.constant 10 : i32
    %dma_wait3A_219 = arith.constant 0 : i32
    %dma_wait3A_220 = arith.constant 0 : i32
    %dma_wait3A_221 = tpu.memref_slice %arg2[%dma_wait3A_219, %dma_wait3A_220] : memref<20480x80xf32, #tpu.memory_space<hbm>> -> memref<128x80xf32, #tpu.memory_space<hbm>>
    %dma_wait3A_222 = arith.constant 0 : i32
    %dma_wait3A_223 = arith.constant 0 : i32
    %dma_wait3A_224 = tpu.memref_slice %arg2[%dma_wait3A_222, %dma_wait3A_223] : memref<20480x80xf32, #tpu.memory_space<hbm>> -> memref<128x80xf32, #tpu.memory_space<hbm>>
    tpu.wait_dma2 semaphore(%arg24 : memref<!tpu.dma_semaphore, #tpu.memory_space<semaphore_mem>>) src(%dma_wait3A_224 : memref<128x80xf32, #tpu.memory_space<hbm>>) dst(%arg15 : memref<128x80xf32, #tpu.memory_space<vmem>>)
    %dma_wait3A_225 = arith.constant 0 : i32
    %dma_wait3A_226 = arith.constant 0 : i32
    %dma_wait3A_227 = tpu.memref_slice %arg2[%dma_wait3A_225, %dma_wait3A_226] : memref<20480x80xf32, #tpu.memory_space<hbm>> -> memref<128x80xf32, #tpu.memory_space<hbm>>
    %dma_wait3A_228 = arith.constant 0 : i32
    %dma_wait3A_229 = arith.constant 0 : i32
    %dma_wait3A_230 = tpu.memref_slice %arg2[%dma_wait3A_228, %dma_wait3A_229] : memref<20480x80xf32, #tpu.memory_space<hbm>> -> memref<128x80xf32, #tpu.memory_space<hbm>>
    tpu.wait_dma2 semaphore(%arg25 : memref<!tpu.dma_semaphore, #tpu.memory_space<semaphore_mem>>) src(%dma_wait3A_230 : memref<128x80xf32, #tpu.memory_space<hbm>>) dst(%arg16 : memref<128x80xf32, #tpu.memory_space<vmem>>)
    %run_scoped3A_231 = arith.constant 5 : i32
    "tpu.region"() ({
      %run_scoped3A_365 = tpu.sem_alloc : memref<!tpu.dma_semaphore, #tpu.memory_space<semaphore_mem>>
      %dma_start3A_366 = arith.constant 0 : i32
      %dma_start3A_367 = arith.constant 0 : i32
      %dma_start3A_368 = tpu.memref_slice %arg3[%arg0, %run_scoped3A_231, %arg1, %dma_start3A_366, %dma_start3A_367] : memref<2x8x16x20x128xi32, #tpu.memory_space<hbm>> -> memref<1x1x1x20x128xi32, #tpu.memory_space<hbm>>
      %dma_start3A_369 = tpu.memref_squeeze %dma_start3A_368 : memref<1x1x1x20x128xi32, #tpu.memory_space<hbm>> -> memref<20x128xi32, #tpu.memory_space<hbm>>
      %dma_start3A_370 = arith.constant 0 : i32
      %dma_start3A_371 = arith.constant 0 : i32
      %dma_start3A_372 = tpu.memref_slice %arg3[%arg0, %run_scoped3A_231, %arg1, %dma_start3A_370, %dma_start3A_371] : memref<2x8x16x20x128xi32, #tpu.memory_space<hbm>> -> memref<1x1x1x20x128xi32, #tpu.memory_space<hbm>>
      %dma_start3A_373 = tpu.memref_squeeze %dma_start3A_372 : memref<1x1x1x20x128xi32, #tpu.memory_space<hbm>> -> memref<20x128xi32, #tpu.memory_space<hbm>>
      tpu.enqueue_dma source(%dma_start3A_373 : memref<20x128xi32, #tpu.memory_space<hbm>>) target(%arg9 : memref<20x128xi32, #tpu.memory_space<vmem>>) target_semaphore(%run_scoped3A_365 : memref<!tpu.dma_semaphore, #tpu.memory_space<semaphore_mem>>)
      %dma_wait3A_374 = arith.constant 0 : i32
      %dma_wait3A_375 = arith.constant 0 : i32
      %dma_wait3A_376 = tpu.memref_slice %arg3[%arg0, %run_scoped3A_231, %arg1, %dma_wait3A_374, %dma_wait3A_375] : memref<2x8x16x20x128xi32, #tpu.memory_space<hbm>> -> memref<1x1x1x20x128xi32, #tpu.memory_space<hbm>>
      %dma_wait3A_377 = tpu.memref_squeeze %dma_wait3A_376 : memref<1x1x1x20x128xi32, #tpu.memory_space<hbm>> -> memref<20x128xi32, #tpu.memory_space<hbm>>
      %dma_wait3A_378 = arith.constant 0 : i32
      %dma_wait3A_379 = arith.constant 0 : i32
      %dma_wait3A_380 = tpu.memref_slice %arg3[%arg0, %run_scoped3A_231, %arg1, %dma_wait3A_378, %dma_wait3A_379] : memref<2x8x16x20x128xi32, #tpu.memory_space<hbm>> -> memref<1x1x1x20x128xi32, #tpu.memory_space<hbm>>
      %dma_wait3A_381 = tpu.memref_squeeze %dma_wait3A_380 : memref<1x1x1x20x128xi32, #tpu.memory_space<hbm>> -> memref<20x128xi32, #tpu.memory_space<hbm>>
      tpu.wait_dma2 semaphore(%run_scoped3A_365 : memref<!tpu.dma_semaphore, #tpu.memory_space<semaphore_mem>>) src(%dma_wait3A_381 : memref<20x128xi32, #tpu.memory_space<hbm>>) dst(%arg9 : memref<20x128xi32, #tpu.memory_space<vmem>>)
      tpu.yield
    }) : () -> ()
    %run_scoped3A_232 = arith.constant 5 : i32
    "tpu.region"() ({
      %run_scoped3A_365 = tpu.sem_alloc : memref<!tpu.dma_semaphore, #tpu.memory_space<semaphore_mem>>
      %dma_start3A_366 = arith.constant 0 : i32
      %dma_start3A_367 = arith.constant 0 : i32
      %dma_start3A_368 = tpu.memref_slice %arg4[%arg0, %run_scoped3A_232, %arg1, %dma_start3A_366, %dma_start3A_367] : memref<2x8x16x20x128xi32, #tpu.memory_space<hbm>> -> memref<1x1x1x20x128xi32, #tpu.memory_space<hbm>>
      %dma_start3A_369 = tpu.memref_squeeze %dma_start3A_368 : memref<1x1x1x20x128xi32, #tpu.memory_space<hbm>> -> memref<20x128xi32, #tpu.memory_space<hbm>>
      %dma_start3A_370 = arith.constant 0 : i32
      %dma_start3A_371 = arith.constant 0 : i32
      %dma_start3A_372 = tpu.memref_slice %arg4[%arg0, %run_scoped3A_232, %arg1, %dma_start3A_370, %dma_start3A_371] : memref<2x8x16x20x128xi32, #tpu.memory_space<hbm>> -> memref<1x1x1x20x128xi32, #tpu.memory_space<hbm>>
      %dma_start3A_373 = tpu.memref_squeeze %dma_start3A_372 : memref<1x1x1x20x128xi32, #tpu.memory_space<hbm>> -> memref<20x128xi32, #tpu.memory_space<hbm>>
      tpu.enqueue_dma source(%dma_start3A_373 : memref<20x128xi32, #tpu.memory_space<hbm>>) target(%arg10 : memref<20x128xi32, #tpu.memory_space<vmem>>) target_semaphore(%run_scoped3A_365 : memref<!tpu.dma_semaphore, #tpu.memory_space<semaphore_mem>>)
      %dma_wait3A_374 = arith.constant 0 : i32
      %dma_wait3A_375 = arith.constant 0 : i32
      %dma_wait3A_376 = tpu.memref_slice %arg4[%arg0, %run_scoped3A_232, %arg1, %dma_wait3A_374, %dma_wait3A_375] : memref<2x8x16x20x128xi32, #tpu.memory_space<hbm>> -> memref<1x1x1x20x128xi32, #tpu.memory_space<hbm>>
      %dma_wait3A_377 = tpu.memref_squeeze %dma_wait3A_376 : memref<1x1x1x20x128xi32, #tpu.memory_space<hbm>> -> memref<20x128xi32, #tpu.memory_space<hbm>>
      %dma_wait3A_378 = arith.constant 0 : i32
      %dma_wait3A_379 = arith.constant 0 : i32
      %dma_wait3A_380 = tpu.memref_slice %arg4[%arg0, %run_scoped3A_232, %arg1, %dma_wait3A_378, %dma_wait3A_379] : memref<2x8x16x20x128xi32, #tpu.memory_space<hbm>> -> memref<1x1x1x20x128xi32, #tpu.memory_space<hbm>>
      %dma_wait3A_381 = tpu.memref_squeeze %dma_wait3A_380 : memref<1x1x1x20x128xi32, #tpu.memory_space<hbm>> -> memref<20x128xi32, #tpu.memory_space<hbm>>
      tpu.wait_dma2 semaphore(%run_scoped3A_365 : memref<!tpu.dma_semaphore, #tpu.memory_space<semaphore_mem>>) src(%dma_wait3A_381 : memref<20x128xi32, #tpu.memory_space<hbm>>) dst(%arg10 : memref<20x128xi32, #tpu.memory_space<vmem>>)
      tpu.yield
    }) : () -> ()
    %run_scoped3A_233 = arith.constant 5 : i32
    "tpu.region"() ({
      %run_scoped3A_365 = tpu.sem_alloc : memref<!tpu.dma_semaphore, #tpu.memory_space<semaphore_mem>>
      %dma_start3A_366 = arith.constant 0 : i32
      %dma_start3A_367 = arith.constant 0 : i32
      %dma_start3A_368 = tpu.memref_slice %arg5[%arg0, %run_scoped3A_233, %arg1, %dma_start3A_366, %dma_start3A_367] : memref<2x8x16x20x128xi32, #tpu.memory_space<hbm>> -> memref<1x1x1x20x128xi32, #tpu.memory_space<hbm>>
      %dma_start3A_369 = tpu.memref_squeeze %dma_start3A_368 : memref<1x1x1x20x128xi32, #tpu.memory_space<hbm>> -> memref<20x128xi32, #tpu.memory_space<hbm>>
      %dma_start3A_370 = arith.constant 0 : i32
      %dma_start3A_371 = arith.constant 0 : i32
      %dma_start3A_372 = tpu.memref_slice %arg5[%arg0, %run_scoped3A_233, %arg1, %dma_start3A_370, %dma_start3A_371] : memref<2x8x16x20x128xi32, #tpu.memory_space<hbm>> -> memref<1x1x1x20x128xi32, #tpu.memory_space<hbm>>
      %dma_start3A_373 = tpu.memref_squeeze %dma_start3A_372 : memref<1x1x1x20x128xi32, #tpu.memory_space<hbm>> -> memref<20x128xi32, #tpu.memory_space<hbm>>
      tpu.enqueue_dma source(%dma_start3A_373 : memref<20x128xi32, #tpu.memory_space<hbm>>) target(%arg11 : memref<20x128xi32, #tpu.memory_space<vmem>>) target_semaphore(%run_scoped3A_365 : memref<!tpu.dma_semaphore, #tpu.memory_space<semaphore_mem>>)
      %dma_wait3A_374 = arith.constant 0 : i32
      %dma_wait3A_375 = arith.constant 0 : i32
      %dma_wait3A_376 = tpu.memref_slice %arg5[%arg0, %run_scoped3A_233, %arg1, %dma_wait3A_374, %dma_wait3A_375] : memref<2x8x16x20x128xi32, #tpu.memory_space<hbm>> -> memref<1x1x1x20x128xi32, #tpu.memory_space<hbm>>
      %dma_wait3A_377 = tpu.memref_squeeze %dma_wait3A_376 : memref<1x1x1x20x128xi32, #tpu.memory_space<hbm>> -> memref<20x128xi32, #tpu.memory_space<hbm>>
      %dma_wait3A_378 = arith.constant 0 : i32
      %dma_wait3A_379 = arith.constant 0 : i32
      %dma_wait3A_380 = tpu.memref_slice %arg5[%arg0, %run_scoped3A_233, %arg1, %dma_wait3A_378, %dma_wait3A_379] : memref<2x8x16x20x128xi32, #tpu.memory_space<hbm>> -> memref<1x1x1x20x128xi32, #tpu.memory_space<hbm>>
      %dma_wait3A_381 = tpu.memref_squeeze %dma_wait3A_380 : memref<1x1x1x20x128xi32, #tpu.memory_space<hbm>> -> memref<20x128xi32, #tpu.memory_space<hbm>>
      tpu.wait_dma2 semaphore(%run_scoped3A_365 : memref<!tpu.dma_semaphore, #tpu.memory_space<semaphore_mem>>) src(%dma_wait3A_381 : memref<20x128xi32, #tpu.memory_space<hbm>>) dst(%arg11 : memref<20x128xi32, #tpu.memory_space<vmem>>)
      tpu.yield
    }) : () -> ()
    %run_scoped3A_234 = arith.constant 5 : i32
    "tpu.region"() ({
      %run_scoped3A_365 = tpu.sem_alloc : memref<!tpu.dma_semaphore, #tpu.memory_space<semaphore_mem>>
      %dma_start3A_366 = arith.constant 0 : i32
      %dma_start3A_367 = arith.constant 0 : i32
      %dma_start3A_368 = tpu.memref_slice %arg6[%arg0, %run_scoped3A_234, %arg1, %dma_start3A_366, %dma_start3A_367] : memref<2x8x16x20x128xi32, #tpu.memory_space<hbm>> -> memref<1x1x1x20x128xi32, #tpu.memory_space<hbm>>
      %dma_start3A_369 = tpu.memref_squeeze %dma_start3A_368 : memref<1x1x1x20x128xi32, #tpu.memory_space<hbm>> -> memref<20x128xi32, #tpu.memory_space<hbm>>
      %dma_start3A_370 = arith.constant 0 : i32
      %dma_start3A_371 = arith.constant 0 : i32
      %dma_start3A_372 = tpu.memref_slice %arg6[%arg0, %run_scoped3A_234, %arg1, %dma_start3A_370, %dma_start3A_371] : memref<2x8x16x20x128xi32, #tpu.memory_space<hbm>> -> memref<1x1x1x20x128xi32, #tpu.memory_space<hbm>>
      %dma_start3A_373 = tpu.memref_squeeze %dma_start3A_372 : memref<1x1x1x20x128xi32, #tpu.memory_space<hbm>> -> memref<20x128xi32, #tpu.memory_space<hbm>>
      tpu.enqueue_dma source(%dma_start3A_373 : memref<20x128xi32, #tpu.memory_space<hbm>>) target(%arg12 : memref<20x128xi32, #tpu.memory_space<vmem>>) target_semaphore(%run_scoped3A_365 : memref<!tpu.dma_semaphore, #tpu.memory_space<semaphore_mem>>)
      %dma_wait3A_374 = arith.constant 0 : i32
      %dma_wait3A_375 = arith.constant 0 : i32
      %dma_wait3A_376 = tpu.memref_slice %arg6[%arg0, %run_scoped3A_234, %arg1, %dma_wait3A_374, %dma_wait3A_375] : memref<2x8x16x20x128xi32, #tpu.memory_space<hbm>> -> memref<1x1x1x20x128xi32, #tpu.memory_space<hbm>>
      %dma_wait3A_377 = tpu.memref_squeeze %dma_wait3A_376 : memref<1x1x1x20x128xi32, #tpu.memory_space<hbm>> -> memref<20x128xi32, #tpu.memory_space<hbm>>
      %dma_wait3A_378 = arith.constant 0 : i32
      %dma_wait3A_379 = arith.constant 0 : i32
      %dma_wait3A_380 = tpu.memref_slice %arg6[%arg0, %run_scoped3A_234, %arg1, %dma_wait3A_378, %dma_wait3A_379] : memref<2x8x16x20x128xi32, #tpu.memory_space<hbm>> -> memref<1x1x1x20x128xi32, #tpu.memory_space<hbm>>
      %dma_wait3A_381 = tpu.memref_squeeze %dma_wait3A_380 : memref<1x1x1x20x128xi32, #tpu.memory_space<hbm>> -> memref<20x128xi32, #tpu.memory_space<hbm>>
      tpu.wait_dma2 semaphore(%run_scoped3A_365 : memref<!tpu.dma_semaphore, #tpu.memory_space<semaphore_mem>>) src(%dma_wait3A_381 : memref<20x128xi32, #tpu.memory_space<hbm>>) dst(%arg12 : memref<20x128xi32, #tpu.memory_space<vmem>>)
      tpu.yield
    }) : () -> ()
    %dma_start3A_235 = arith.constant 0 : i32
    %dma_start3A_236 = arith.constant 0 : i32
    %dma_start3A_237 = tpu.memref_slice %arg9[%dma_start3A_235, %dma_start3A_236] : memref<20x128xi32, #tpu.memory_space<vmem>> -> memref<1x128xi32, #tpu.memory_space<vmem>>
    %dma_start3A_238 = tpu.memref_squeeze %dma_start3A_237 : memref<1x128xi32, #tpu.memory_space<vmem>> -> memref<128xi32, #tpu.memory_space<vmem>>
    %dma_start3A_239 = arith.constant 0 : i32
    %dma_start3A_240 = arith.constant 0 : i32
    %dma_start3A_241 = tpu.memref_slice %arg2[%dma_start3A_239, %dma_start3A_240] : memref<20480x80xf32, #tpu.memory_space<hbm>> -> memref<20480x80xf32, #tpu.memory_space<hbm>>
    tpu.enqueue_indirect_dma source(%dma_start3A_241 : memref<20480x80xf32, #tpu.memory_space<hbm>>) target(%arg13 : memref<128x80xf32, #tpu.memory_space<vmem>>) offsets(%dma_start3A_238 : memref<128xi32, #tpu.memory_space<vmem>>) semaphore(%arg18 : memref<!tpu.dma_semaphore, #tpu.memory_space<semaphore_mem>>)
    %dma_start3A_242 = arith.constant 0 : i32
    %dma_start3A_243 = arith.constant 0 : i32
    %dma_start3A_244 = tpu.memref_slice %arg10[%dma_start3A_242, %dma_start3A_243] : memref<20x128xi32, #tpu.memory_space<vmem>> -> memref<1x128xi32, #tpu.memory_space<vmem>>
    %dma_start3A_245 = tpu.memref_squeeze %dma_start3A_244 : memref<1x128xi32, #tpu.memory_space<vmem>> -> memref<128xi32, #tpu.memory_space<vmem>>
    %dma_start3A_246 = arith.constant 0 : i32
    %dma_start3A_247 = arith.constant 0 : i32
    %dma_start3A_248 = tpu.memref_slice %arg2[%dma_start3A_246, %dma_start3A_247] : memref<20480x80xf32, #tpu.memory_space<hbm>> -> memref<20480x80xf32, #tpu.memory_space<hbm>>
    tpu.enqueue_indirect_dma source(%dma_start3A_248 : memref<20480x80xf32, #tpu.memory_space<hbm>>) target(%arg14 : memref<128x80xf32, #tpu.memory_space<vmem>>) offsets(%dma_start3A_245 : memref<128xi32, #tpu.memory_space<vmem>>) semaphore(%arg19 : memref<!tpu.dma_semaphore, #tpu.memory_space<semaphore_mem>>)
    %scan3A_249 = arith.constant 0 : i32
    %scan3A_250 = arith.constant 10 : i32
    %scan3A_251 = arith.addi %scan3A_249, %scan3A_250 : i32
    %scan3A_252 = arith.constant 1 : i32
    scf.for %scan3A_365 = %scan3A_249 to %scan3A_251 step %scan3A_252  : i32 {
      %mul3A_366 = arith.constant 1 : i32
      %mul3A_367 = arith.muli %scan3A_365, %mul3A_366 : i32
      %add3A_368 = arith.constant 0 : i32
      %add3A_369 = arith.addi %add3A_368, %mul3A_367 : i32
      %mul3A_370 = arith.constant 2 : i32
      %mul3A_371 = arith.muli %mul3A_370, %add3A_369 : i32
      %mul3A_372 = arith.constant 2 : i32
      %mul3A_373 = arith.muli %mul3A_372, %add3A_369 : i32
      %add3A_374 = arith.constant 1 : i32
      %add3A_375 = arith.addi %mul3A_373, %add3A_374 : i32
      %dma_wait3A_376 = arith.constant 0 : i32
      %dma_wait3A_377 = tpu.memref_slice %arg9[%mul3A_371, %dma_wait3A_376] : memref<20x128xi32, #tpu.memory_space<vmem>> -> memref<1x128xi32, #tpu.memory_space<vmem>>
      %dma_wait3A_378 = tpu.memref_squeeze %dma_wait3A_377 : memref<1x128xi32, #tpu.memory_space<vmem>> -> memref<128xi32, #tpu.memory_space<vmem>>
      %dma_wait3A_379 = arith.constant 0 : i32
      %dma_wait3A_380 = arith.constant 0 : i32
      %dma_wait3A_381 = tpu.memref_slice %arg2[%dma_wait3A_379, %dma_wait3A_380] : memref<20480x80xf32, #tpu.memory_space<hbm>> -> memref<20480x80xf32, #tpu.memory_space<hbm>>
      tpu.wait_indirect_dma semaphore(%arg18 : memref<!tpu.dma_semaphore, #tpu.memory_space<semaphore_mem>>) src(%dma_wait3A_381 : memref<20480x80xf32, #tpu.memory_space<hbm>>) dst(%arg13 : memref<128x80xf32, #tpu.memory_space<vmem>>)
      %dma_wait3A_382 = arith.constant 0 : i32
      %dma_wait3A_383 = tpu.memref_slice %arg10[%mul3A_371, %dma_wait3A_382] : memref<20x128xi32, #tpu.memory_space<vmem>> -> memref<1x128xi32, #tpu.memory_space<vmem>>
      %dma_wait3A_384 = tpu.memref_squeeze %dma_wait3A_383 : memref<1x128xi32, #tpu.memory_space<vmem>> -> memref<128xi32, #tpu.memory_space<vmem>>
      %dma_wait3A_385 = arith.constant 0 : i32
      %dma_wait3A_386 = arith.constant 0 : i32
      %dma_wait3A_387 = tpu.memref_slice %arg2[%dma_wait3A_385, %dma_wait3A_386] : memref<20480x80xf32, #tpu.memory_space<hbm>> -> memref<20480x80xf32, #tpu.memory_space<hbm>>
      tpu.wait_indirect_dma semaphore(%arg19 : memref<!tpu.dma_semaphore, #tpu.memory_space<semaphore_mem>>) src(%dma_wait3A_387 : memref<20480x80xf32, #tpu.memory_space<hbm>>) dst(%arg14 : memref<128x80xf32, #tpu.memory_space<vmem>>)
      %dma_start3A_388 = arith.constant 0 : i32
      %dma_start3A_389 = tpu.memref_slice %arg11[%mul3A_371, %dma_start3A_388] : memref<20x128xi32, #tpu.memory_space<vmem>> -> memref<1x128xi32, #tpu.memory_space<vmem>>
      %dma_start3A_390 = tpu.memref_squeeze %dma_start3A_389 : memref<1x128xi32, #tpu.memory_space<vmem>> -> memref<128xi32, #tpu.memory_space<vmem>>
      %dma_start3A_391 = arith.constant 0 : i32
      %dma_start3A_392 = arith.constant 0 : i32
      %dma_start3A_393 = tpu.memref_slice %arg17[%dma_start3A_391, %dma_start3A_392] : memref<5120x80xf32, #tpu.memory_space<vmem_shared>> -> memref<5120x80xf32, #tpu.memory_space<vmem_shared>>
      tpu.enqueue_indirect_dma source(%arg14 : memref<128x80xf32, #tpu.memory_space<vmem>>) target(%dma_start3A_393 : memref<5120x80xf32, #tpu.memory_space<vmem_shared>>) offsets(%dma_start3A_390 : memref<128xi32, #tpu.memory_space<vmem>>) semaphore(%arg22 : memref<!tpu.dma_semaphore, #tpu.memory_space<semaphore_mem>>) {add = true}
      %dma_start3A_394 = arith.constant 0 : i32
      %dma_start3A_395 = tpu.memref_slice %arg12[%mul3A_371, %dma_start3A_394] : memref<20x128xi32, #tpu.memory_space<vmem>> -> memref<1x128xi32, #tpu.memory_space<vmem>>
      %dma_start3A_396 = tpu.memref_squeeze %dma_start3A_395 : memref<1x128xi32, #tpu.memory_space<vmem>> -> memref<128xi32, #tpu.memory_space<vmem>>
      %dma_start3A_397 = arith.constant 0 : i32
      %dma_start3A_398 = arith.constant 0 : i32
      %dma_start3A_399 = tpu.memref_slice %arg17[%dma_start3A_397, %dma_start3A_398] : memref<5120x80xf32, #tpu.memory_space<vmem_shared>> -> memref<5120x80xf32, #tpu.memory_space<vmem_shared>>
      tpu.enqueue_indirect_dma source(%arg13 : memref<128x80xf32, #tpu.memory_space<vmem>>) target(%dma_start3A_399 : memref<5120x80xf32, #tpu.memory_space<vmem_shared>>) offsets(%dma_start3A_396 : memref<128xi32, #tpu.memory_space<vmem>>) semaphore(%arg23 : memref<!tpu.dma_semaphore, #tpu.memory_space<semaphore_mem>>) {add = true}
      %gt3A = arith.constant 0 : i32
      %gt3A_400 = arith.cmpi sgt, %add3A_369, %gt3A : i32
      %convert_element_type3A = arith.extui %gt3A_400 : i1 to i32
      %cond3A = arith.constant 0 : i32
      %cond3A_401 = arith.cmpi ne, %convert_element_type3A, %cond3A : i32
      scf.if %cond3A_401 {
        %dma_wait3A_454 = arith.constant 0 : i32
        %dma_wait3A_455 = arith.constant 0 : i32
        %dma_wait3A_456 = tpu.memref_slice %arg2[%dma_wait3A_454, %dma_wait3A_455] : memref<20480x80xf32, #tpu.memory_space<hbm>> -> memref<128x80xf32, #tpu.memory_space<hbm>>
        %dma_wait3A_457 = arith.constant 0 : i32
        %dma_wait3A_458 = arith.constant 0 : i32
        %dma_wait3A_459 = tpu.memref_slice %arg2[%dma_wait3A_457, %dma_wait3A_458] : memref<20480x80xf32, #tpu.memory_space<hbm>> -> memref<128x80xf32, #tpu.memory_space<hbm>>
        tpu.wait_dma2 semaphore(%arg24 : memref<!tpu.dma_semaphore, #tpu.memory_space<semaphore_mem>>) src(%dma_wait3A_459 : memref<128x80xf32, #tpu.memory_space<hbm>>) dst(%arg15 : memref<128x80xf32, #tpu.memory_space<vmem>>)
        %dma_wait3A_460 = arith.constant 0 : i32
        %dma_wait3A_461 = arith.constant 0 : i32
        %dma_wait3A_462 = tpu.memref_slice %arg2[%dma_wait3A_460, %dma_wait3A_461] : memref<20480x80xf32, #tpu.memory_space<hbm>> -> memref<128x80xf32, #tpu.memory_space<hbm>>
        %dma_wait3A_463 = arith.constant 0 : i32
        %dma_wait3A_464 = arith.constant 0 : i32
        %dma_wait3A_465 = tpu.memref_slice %arg2[%dma_wait3A_463, %dma_wait3A_464] : memref<20480x80xf32, #tpu.memory_space<hbm>> -> memref<128x80xf32, #tpu.memory_space<hbm>>
        tpu.wait_dma2 semaphore(%arg25 : memref<!tpu.dma_semaphore, #tpu.memory_space<semaphore_mem>>) src(%dma_wait3A_465 : memref<128x80xf32, #tpu.memory_space<hbm>>) dst(%arg16 : memref<128x80xf32, #tpu.memory_space<vmem>>)
      } else {
      }
      %dma_start3A_402 = arith.constant 0 : i32
      %dma_start3A_403 = tpu.memref_slice %arg9[%add3A_375, %dma_start3A_402] : memref<20x128xi32, #tpu.memory_space<vmem>> -> memref<1x128xi32, #tpu.memory_space<vmem>>
      %dma_start3A_404 = tpu.memref_squeeze %dma_start3A_403 : memref<1x128xi32, #tpu.memory_space<vmem>> -> memref<128xi32, #tpu.memory_space<vmem>>
      %dma_start3A_405 = arith.constant 0 : i32
      %dma_start3A_406 = arith.constant 0 : i32
      %dma_start3A_407 = tpu.memref_slice %arg2[%dma_start3A_405, %dma_start3A_406] : memref<20480x80xf32, #tpu.memory_space<hbm>> -> memref<20480x80xf32, #tpu.memory_space<hbm>>
      tpu.enqueue_indirect_dma source(%dma_start3A_407 : memref<20480x80xf32, #tpu.memory_space<hbm>>) target(%arg15 : memref<128x80xf32, #tpu.memory_space<vmem>>) offsets(%dma_start3A_404 : memref<128xi32, #tpu.memory_space<vmem>>) semaphore(%arg20 : memref<!tpu.dma_semaphore, #tpu.memory_space<semaphore_mem>>)
      %dma_start3A_408 = arith.constant 0 : i32
      %dma_start3A_409 = tpu.memref_slice %arg10[%add3A_375, %dma_start3A_408] : memref<20x128xi32, #tpu.memory_space<vmem>> -> memref<1x128xi32, #tpu.memory_space<vmem>>
      %dma_start3A_410 = tpu.memref_squeeze %dma_start3A_409 : memref<1x128xi32, #tpu.memory_space<vmem>> -> memref<128xi32, #tpu.memory_space<vmem>>
      %dma_start3A_411 = arith.constant 0 : i32
      %dma_start3A_412 = arith.constant 0 : i32
      %dma_start3A_413 = tpu.memref_slice %arg2[%dma_start3A_411, %dma_start3A_412] : memref<20480x80xf32, #tpu.memory_space<hbm>> -> memref<20480x80xf32, #tpu.memory_space<hbm>>
      tpu.enqueue_indirect_dma source(%dma_start3A_413 : memref<20480x80xf32, #tpu.memory_space<hbm>>) target(%arg16 : memref<128x80xf32, #tpu.memory_space<vmem>>) offsets(%dma_start3A_410 : memref<128xi32, #tpu.memory_space<vmem>>) semaphore(%arg21 : memref<!tpu.dma_semaphore, #tpu.memory_space<semaphore_mem>>)
      %dma_wait3A_414 = arith.constant 0 : i32
      %dma_wait3A_415 = tpu.memref_slice %arg9[%add3A_375, %dma_wait3A_414] : memref<20x128xi32, #tpu.memory_space<vmem>> -> memref<1x128xi32, #tpu.memory_space<vmem>>
      %dma_wait3A_416 = tpu.memref_squeeze %dma_wait3A_415 : memref<1x128xi32, #tpu.memory_space<vmem>> -> memref<128xi32, #tpu.memory_space<vmem>>
      %dma_wait3A_417 = arith.constant 0 : i32
      %dma_wait3A_418 = arith.constant 0 : i32
      %dma_wait3A_419 = tpu.memref_slice %arg2[%dma_wait3A_417, %dma_wait3A_418] : memref<20480x80xf32, #tpu.memory_space<hbm>> -> memref<20480x80xf32, #tpu.memory_space<hbm>>
      tpu.wait_indirect_dma semaphore(%arg20 : memref<!tpu.dma_semaphore, #tpu.memory_space<semaphore_mem>>) src(%dma_wait3A_419 : memref<20480x80xf32, #tpu.memory_space<hbm>>) dst(%arg15 : memref<128x80xf32, #tpu.memory_space<vmem>>)
      %dma_wait3A_420 = arith.constant 0 : i32
      %dma_wait3A_421 = tpu.memref_slice %arg10[%add3A_375, %dma_wait3A_420] : memref<20x128xi32, #tpu.memory_space<vmem>> -> memref<1x128xi32, #tpu.memory_space<vmem>>
      %dma_wait3A_422 = tpu.memref_squeeze %dma_wait3A_421 : memref<1x128xi32, #tpu.memory_space<vmem>> -> memref<128xi32, #tpu.memory_space<vmem>>
      %dma_wait3A_423 = arith.constant 0 : i32
      %dma_wait3A_424 = arith.constant 0 : i32
      %dma_wait3A_425 = tpu.memref_slice %arg2[%dma_wait3A_423, %dma_wait3A_424] : memref<20480x80xf32, #tpu.memory_space<hbm>> -> memref<20480x80xf32, #tpu.memory_space<hbm>>
      tpu.wait_indirect_dma semaphore(%arg21 : memref<!tpu.dma_semaphore, #tpu.memory_space<semaphore_mem>>) src(%dma_wait3A_425 : memref<20480x80xf32, #tpu.memory_space<hbm>>) dst(%arg16 : memref<128x80xf32, #tpu.memory_space<vmem>>)
      %dma_start3A_426 = arith.constant 0 : i32
      %dma_start3A_427 = tpu.memref_slice %arg11[%add3A_375, %dma_start3A_426] : memref<20x128xi32, #tpu.memory_space<vmem>> -> memref<1x128xi32, #tpu.memory_space<vmem>>
      %dma_start3A_428 = tpu.memref_squeeze %dma_start3A_427 : memref<1x128xi32, #tpu.memory_space<vmem>> -> memref<128xi32, #tpu.memory_space<vmem>>
      %dma_start3A_429 = arith.constant 0 : i32
      %dma_start3A_430 = arith.constant 0 : i32
      %dma_start3A_431 = tpu.memref_slice %arg17[%dma_start3A_429, %dma_start3A_430] : memref<5120x80xf32, #tpu.memory_space<vmem_shared>> -> memref<5120x80xf32, #tpu.memory_space<vmem_shared>>
      tpu.enqueue_indirect_dma source(%arg16 : memref<128x80xf32, #tpu.memory_space<vmem>>) target(%dma_start3A_431 : memref<5120x80xf32, #tpu.memory_space<vmem_shared>>) offsets(%dma_start3A_428 : memref<128xi32, #tpu.memory_space<vmem>>) semaphore(%arg24 : memref<!tpu.dma_semaphore, #tpu.memory_space<semaphore_mem>>) {add = true}
      %dma_start3A_432 = arith.constant 0 : i32
      %dma_start3A_433 = tpu.memref_slice %arg12[%add3A_375, %dma_start3A_432] : memref<20x128xi32, #tpu.memory_space<vmem>> -> memref<1x128xi32, #tpu.memory_space<vmem>>
      %dma_start3A_434 = tpu.memref_squeeze %dma_start3A_433 : memref<1x128xi32, #tpu.memory_space<vmem>> -> memref<128xi32, #tpu.memory_space<vmem>>
      %dma_start3A_435 = arith.constant 0 : i32
      %dma_start3A_436 = arith.constant 0 : i32
      %dma_start3A_437 = tpu.memref_slice %arg17[%dma_start3A_435, %dma_start3A_436] : memref<5120x80xf32, #tpu.memory_space<vmem_shared>> -> memref<5120x80xf32, #tpu.memory_space<vmem_shared>>
      tpu.enqueue_indirect_dma source(%arg15 : memref<128x80xf32, #tpu.memory_space<vmem>>) target(%dma_start3A_437 : memref<5120x80xf32, #tpu.memory_space<vmem_shared>>) offsets(%dma_start3A_434 : memref<128xi32, #tpu.memory_space<vmem>>) semaphore(%arg25 : memref<!tpu.dma_semaphore, #tpu.memory_space<semaphore_mem>>) {add = true}
      %dma_wait3A_438 = arith.constant 0 : i32
      %dma_wait3A_439 = arith.constant 0 : i32
      %dma_wait3A_440 = tpu.memref_slice %arg2[%dma_wait3A_438, %dma_wait3A_439] : memref<20480x80xf32, #tpu.memory_space<hbm>> -> memref<128x80xf32, #tpu.memory_space<hbm>>
      %dma_wait3A_441 = arith.constant 0 : i32
      %dma_wait3A_442 = arith.constant 0 : i32
      %dma_wait3A_443 = tpu.memref_slice %arg2[%dma_wait3A_441, %dma_wait3A_442] : memref<20480x80xf32, #tpu.memory_space<hbm>> -> memref<128x80xf32, #tpu.memory_space<hbm>>
      tpu.wait_dma2 semaphore(%arg22 : memref<!tpu.dma_semaphore, #tpu.memory_space<semaphore_mem>>) src(%dma_wait3A_443 : memref<128x80xf32, #tpu.memory_space<hbm>>) dst(%arg13 : memref<128x80xf32, #tpu.memory_space<vmem>>)
      %dma_wait3A_444 = arith.constant 0 : i32
      %dma_wait3A_445 = arith.constant 0 : i32
      %dma_wait3A_446 = tpu.memref_slice %arg2[%dma_wait3A_444, %dma_wait3A_445] : memref<20480x80xf32, #tpu.memory_space<hbm>> -> memref<128x80xf32, #tpu.memory_space<hbm>>
      %dma_wait3A_447 = arith.constant 0 : i32
      %dma_wait3A_448 = arith.constant 0 : i32
      %dma_wait3A_449 = tpu.memref_slice %arg2[%dma_wait3A_447, %dma_wait3A_448] : memref<20480x80xf32, #tpu.memory_space<hbm>> -> memref<128x80xf32, #tpu.memory_space<hbm>>
      tpu.wait_dma2 semaphore(%arg23 : memref<!tpu.dma_semaphore, #tpu.memory_space<semaphore_mem>>) src(%dma_wait3A_449 : memref<128x80xf32, #tpu.memory_space<hbm>>) dst(%arg14 : memref<128x80xf32, #tpu.memory_space<vmem>>)
      %lt3A = arith.constant 9 : i32
      %lt3A_450 = arith.cmpi slt, %add3A_369, %lt3A : i32
      %convert_element_type3A_451 = arith.extui %lt3A_450 : i1 to i32
      %cond3A_452 = arith.constant 0 : i32
      %cond3A_453 = arith.cmpi ne, %convert_element_type3A_451, %cond3A_452 : i32
      scf.if %cond3A_453 {
        %add3A_454 = arith.constant 2 : i32
        %add3A_455 = arith.addi %mul3A_371, %add3A_454 : i32
        %dma_start3A_456 = arith.constant 0 : i32
        %dma_start3A_457 = tpu.memref_slice %arg9[%add3A_455, %dma_start3A_456] : memref<20x128xi32, #tpu.memory_space<vmem>> -> memref<1x128xi32, #tpu.memory_space<vmem>>
        %dma_start3A_458 = tpu.memref_squeeze %dma_start3A_457 : memref<1x128xi32, #tpu.memory_space<vmem>> -> memref<128xi32, #tpu.memory_space<vmem>>
        %dma_start3A_459 = arith.constant 0 : i32
        %dma_start3A_460 = arith.constant 0 : i32
        %dma_start3A_461 = tpu.memref_slice %arg2[%dma_start3A_459, %dma_start3A_460] : memref<20480x80xf32, #tpu.memory_space<hbm>> -> memref<20480x80xf32, #tpu.memory_space<hbm>>
        tpu.enqueue_indirect_dma source(%dma_start3A_461 : memref<20480x80xf32, #tpu.memory_space<hbm>>) target(%arg13 : memref<128x80xf32, #tpu.memory_space<vmem>>) offsets(%dma_start3A_458 : memref<128xi32, #tpu.memory_space<vmem>>) semaphore(%arg18 : memref<!tpu.dma_semaphore, #tpu.memory_space<semaphore_mem>>)
        %add3A_462 = arith.constant 2 : i32
        %add3A_463 = arith.addi %mul3A_371, %add3A_462 : i32
        %dma_start3A_464 = arith.constant 0 : i32
        %dma_start3A_465 = tpu.memref_slice %arg10[%add3A_463, %dma_start3A_464] : memref<20x128xi32, #tpu.memory_space<vmem>> -> memref<1x128xi32, #tpu.memory_space<vmem>>
        %dma_start3A_466 = tpu.memref_squeeze %dma_start3A_465 : memref<1x128xi32, #tpu.memory_space<vmem>> -> memref<128xi32, #tpu.memory_space<vmem>>
        %dma_start3A_467 = arith.constant 0 : i32
        %dma_start3A_468 = arith.constant 0 : i32
        %dma_start3A_469 = tpu.memref_slice %arg2[%dma_start3A_467, %dma_start3A_468] : memref<20480x80xf32, #tpu.memory_space<hbm>> -> memref<20480x80xf32, #tpu.memory_space<hbm>>
        tpu.enqueue_indirect_dma source(%dma_start3A_469 : memref<20480x80xf32, #tpu.memory_space<hbm>>) target(%arg14 : memref<128x80xf32, #tpu.memory_space<vmem>>) offsets(%dma_start3A_466 : memref<128xi32, #tpu.memory_space<vmem>>) semaphore(%arg19 : memref<!tpu.dma_semaphore, #tpu.memory_space<semaphore_mem>>)
      } else {
      }
    }
    %scan3A_253 = arith.constant 10 : i32
    %dma_wait3A_254 = arith.constant 0 : i32
    %dma_wait3A_255 = arith.constant 0 : i32
    %dma_wait3A_256 = tpu.memref_slice %arg2[%dma_wait3A_254, %dma_wait3A_255] : memref<20480x80xf32, #tpu.memory_space<hbm>> -> memref<128x80xf32, #tpu.memory_space<hbm>>
    %dma_wait3A_257 = arith.constant 0 : i32
    %dma_wait3A_258 = arith.constant 0 : i32
    %dma_wait3A_259 = tpu.memref_slice %arg2[%dma_wait3A_257, %dma_wait3A_258] : memref<20480x80xf32, #tpu.memory_space<hbm>> -> memref<128x80xf32, #tpu.memory_space<hbm>>
    tpu.wait_dma2 semaphore(%arg24 : memref<!tpu.dma_semaphore, #tpu.memory_space<semaphore_mem>>) src(%dma_wait3A_259 : memref<128x80xf32, #tpu.memory_space<hbm>>) dst(%arg15 : memref<128x80xf32, #tpu.memory_space<vmem>>)
    %dma_wait3A_260 = arith.constant 0 : i32
    %dma_wait3A_261 = arith.constant 0 : i32
    %dma_wait3A_262 = tpu.memref_slice %arg2[%dma_wait3A_260, %dma_wait3A_261] : memref<20480x80xf32, #tpu.memory_space<hbm>> -> memref<128x80xf32, #tpu.memory_space<hbm>>
    %dma_wait3A_263 = arith.constant 0 : i32
    %dma_wait3A_264 = arith.constant 0 : i32
    %dma_wait3A_265 = tpu.memref_slice %arg2[%dma_wait3A_263, %dma_wait3A_264] : memref<20480x80xf32, #tpu.memory_space<hbm>> -> memref<128x80xf32, #tpu.memory_space<hbm>>
    tpu.wait_dma2 semaphore(%arg25 : memref<!tpu.dma_semaphore, #tpu.memory_space<semaphore_mem>>) src(%dma_wait3A_265 : memref<128x80xf32, #tpu.memory_space<hbm>>) dst(%arg16 : memref<128x80xf32, #tpu.memory_space<vmem>>)
    %run_scoped3A_266 = arith.constant 6 : i32
    "tpu.region"() ({
      %run_scoped3A_365 = tpu.sem_alloc : memref<!tpu.dma_semaphore, #tpu.memory_space<semaphore_mem>>
      %dma_start3A_366 = arith.constant 0 : i32
      %dma_start3A_367 = arith.constant 0 : i32
      %dma_start3A_368 = tpu.memref_slice %arg3[%arg0, %run_scoped3A_266, %arg1, %dma_start3A_366, %dma_start3A_367] : memref<2x8x16x20x128xi32, #tpu.memory_space<hbm>> -> memref<1x1x1x20x128xi32, #tpu.memory_space<hbm>>
      %dma_start3A_369 = tpu.memref_squeeze %dma_start3A_368 : memref<1x1x1x20x128xi32, #tpu.memory_space<hbm>> -> memref<20x128xi32, #tpu.memory_space<hbm>>
      %dma_start3A_370 = arith.constant 0 : i32
      %dma_start3A_371 = arith.constant 0 : i32
      %dma_start3A_372 = tpu.memref_slice %arg3[%arg0, %run_scoped3A_266, %arg1, %dma_start3A_370, %dma_start3A_371] : memref<2x8x16x20x128xi32, #tpu.memory_space<hbm>> -> memref<1x1x1x20x128xi32, #tpu.memory_space<hbm>>
      %dma_start3A_373 = tpu.memref_squeeze %dma_start3A_372 : memref<1x1x1x20x128xi32, #tpu.memory_space<hbm>> -> memref<20x128xi32, #tpu.memory_space<hbm>>
      tpu.enqueue_dma source(%dma_start3A_373 : memref<20x128xi32, #tpu.memory_space<hbm>>) target(%arg9 : memref<20x128xi32, #tpu.memory_space<vmem>>) target_semaphore(%run_scoped3A_365 : memref<!tpu.dma_semaphore, #tpu.memory_space<semaphore_mem>>)
      %dma_wait3A_374 = arith.constant 0 : i32
      %dma_wait3A_375 = arith.constant 0 : i32
      %dma_wait3A_376 = tpu.memref_slice %arg3[%arg0, %run_scoped3A_266, %arg1, %dma_wait3A_374, %dma_wait3A_375] : memref<2x8x16x20x128xi32, #tpu.memory_space<hbm>> -> memref<1x1x1x20x128xi32, #tpu.memory_space<hbm>>
      %dma_wait3A_377 = tpu.memref_squeeze %dma_wait3A_376 : memref<1x1x1x20x128xi32, #tpu.memory_space<hbm>> -> memref<20x128xi32, #tpu.memory_space<hbm>>
      %dma_wait3A_378 = arith.constant 0 : i32
      %dma_wait3A_379 = arith.constant 0 : i32
      %dma_wait3A_380 = tpu.memref_slice %arg3[%arg0, %run_scoped3A_266, %arg1, %dma_wait3A_378, %dma_wait3A_379] : memref<2x8x16x20x128xi32, #tpu.memory_space<hbm>> -> memref<1x1x1x20x128xi32, #tpu.memory_space<hbm>>
      %dma_wait3A_381 = tpu.memref_squeeze %dma_wait3A_380 : memref<1x1x1x20x128xi32, #tpu.memory_space<hbm>> -> memref<20x128xi32, #tpu.memory_space<hbm>>
      tpu.wait_dma2 semaphore(%run_scoped3A_365 : memref<!tpu.dma_semaphore, #tpu.memory_space<semaphore_mem>>) src(%dma_wait3A_381 : memref<20x128xi32, #tpu.memory_space<hbm>>) dst(%arg9 : memref<20x128xi32, #tpu.memory_space<vmem>>)
      tpu.yield
    }) : () -> ()
    %run_scoped3A_267 = arith.constant 6 : i32
    "tpu.region"() ({
      %run_scoped3A_365 = tpu.sem_alloc : memref<!tpu.dma_semaphore, #tpu.memory_space<semaphore_mem>>
      %dma_start3A_366 = arith.constant 0 : i32
      %dma_start3A_367 = arith.constant 0 : i32
      %dma_start3A_368 = tpu.memref_slice %arg4[%arg0, %run_scoped3A_267, %arg1, %dma_start3A_366, %dma_start3A_367] : memref<2x8x16x20x128xi32, #tpu.memory_space<hbm>> -> memref<1x1x1x20x128xi32, #tpu.memory_space<hbm>>
      %dma_start3A_369 = tpu.memref_squeeze %dma_start3A_368 : memref<1x1x1x20x128xi32, #tpu.memory_space<hbm>> -> memref<20x128xi32, #tpu.memory_space<hbm>>
      %dma_start3A_370 = arith.constant 0 : i32
      %dma_start3A_371 = arith.constant 0 : i32
      %dma_start3A_372 = tpu.memref_slice %arg4[%arg0, %run_scoped3A_267, %arg1, %dma_start3A_370, %dma_start3A_371] : memref<2x8x16x20x128xi32, #tpu.memory_space<hbm>> -> memref<1x1x1x20x128xi32, #tpu.memory_space<hbm>>
      %dma_start3A_373 = tpu.memref_squeeze %dma_start3A_372 : memref<1x1x1x20x128xi32, #tpu.memory_space<hbm>> -> memref<20x128xi32, #tpu.memory_space<hbm>>
      tpu.enqueue_dma source(%dma_start3A_373 : memref<20x128xi32, #tpu.memory_space<hbm>>) target(%arg10 : memref<20x128xi32, #tpu.memory_space<vmem>>) target_semaphore(%run_scoped3A_365 : memref<!tpu.dma_semaphore, #tpu.memory_space<semaphore_mem>>)
      %dma_wait3A_374 = arith.constant 0 : i32
      %dma_wait3A_375 = arith.constant 0 : i32
      %dma_wait3A_376 = tpu.memref_slice %arg4[%arg0, %run_scoped3A_267, %arg1, %dma_wait3A_374, %dma_wait3A_375] : memref<2x8x16x20x128xi32, #tpu.memory_space<hbm>> -> memref<1x1x1x20x128xi32, #tpu.memory_space<hbm>>
      %dma_wait3A_377 = tpu.memref_squeeze %dma_wait3A_376 : memref<1x1x1x20x128xi32, #tpu.memory_space<hbm>> -> memref<20x128xi32, #tpu.memory_space<hbm>>
      %dma_wait3A_378 = arith.constant 0 : i32
      %dma_wait3A_379 = arith.constant 0 : i32
      %dma_wait3A_380 = tpu.memref_slice %arg4[%arg0, %run_scoped3A_267, %arg1, %dma_wait3A_378, %dma_wait3A_379] : memref<2x8x16x20x128xi32, #tpu.memory_space<hbm>> -> memref<1x1x1x20x128xi32, #tpu.memory_space<hbm>>
      %dma_wait3A_381 = tpu.memref_squeeze %dma_wait3A_380 : memref<1x1x1x20x128xi32, #tpu.memory_space<hbm>> -> memref<20x128xi32, #tpu.memory_space<hbm>>
      tpu.wait_dma2 semaphore(%run_scoped3A_365 : memref<!tpu.dma_semaphore, #tpu.memory_space<semaphore_mem>>) src(%dma_wait3A_381 : memref<20x128xi32, #tpu.memory_space<hbm>>) dst(%arg10 : memref<20x128xi32, #tpu.memory_space<vmem>>)
      tpu.yield
    }) : () -> ()
    %run_scoped3A_268 = arith.constant 6 : i32
    "tpu.region"() ({
      %run_scoped3A_365 = tpu.sem_alloc : memref<!tpu.dma_semaphore, #tpu.memory_space<semaphore_mem>>
      %dma_start3A_366 = arith.constant 0 : i32
      %dma_start3A_367 = arith.constant 0 : i32
      %dma_start3A_368 = tpu.memref_slice %arg5[%arg0, %run_scoped3A_268, %arg1, %dma_start3A_366, %dma_start3A_367] : memref<2x8x16x20x128xi32, #tpu.memory_space<hbm>> -> memref<1x1x1x20x128xi32, #tpu.memory_space<hbm>>
      %dma_start3A_369 = tpu.memref_squeeze %dma_start3A_368 : memref<1x1x1x20x128xi32, #tpu.memory_space<hbm>> -> memref<20x128xi32, #tpu.memory_space<hbm>>
      %dma_start3A_370 = arith.constant 0 : i32
      %dma_start3A_371 = arith.constant 0 : i32
      %dma_start3A_372 = tpu.memref_slice %arg5[%arg0, %run_scoped3A_268, %arg1, %dma_start3A_370, %dma_start3A_371] : memref<2x8x16x20x128xi32, #tpu.memory_space<hbm>> -> memref<1x1x1x20x128xi32, #tpu.memory_space<hbm>>
      %dma_start3A_373 = tpu.memref_squeeze %dma_start3A_372 : memref<1x1x1x20x128xi32, #tpu.memory_space<hbm>> -> memref<20x128xi32, #tpu.memory_space<hbm>>
      tpu.enqueue_dma source(%dma_start3A_373 : memref<20x128xi32, #tpu.memory_space<hbm>>) target(%arg11 : memref<20x128xi32, #tpu.memory_space<vmem>>) target_semaphore(%run_scoped3A_365 : memref<!tpu.dma_semaphore, #tpu.memory_space<semaphore_mem>>)
      %dma_wait3A_374 = arith.constant 0 : i32
      %dma_wait3A_375 = arith.constant 0 : i32
      %dma_wait3A_376 = tpu.memref_slice %arg5[%arg0, %run_scoped3A_268, %arg1, %dma_wait3A_374, %dma_wait3A_375] : memref<2x8x16x20x128xi32, #tpu.memory_space<hbm>> -> memref<1x1x1x20x128xi32, #tpu.memory_space<hbm>>
      %dma_wait3A_377 = tpu.memref_squeeze %dma_wait3A_376 : memref<1x1x1x20x128xi32, #tpu.memory_space<hbm>> -> memref<20x128xi32, #tpu.memory_space<hbm>>
      %dma_wait3A_378 = arith.constant 0 : i32
      %dma_wait3A_379 = arith.constant 0 : i32
      %dma_wait3A_380 = tpu.memref_slice %arg5[%arg0, %run_scoped3A_268, %arg1, %dma_wait3A_378, %dma_wait3A_379] : memref<2x8x16x20x128xi32, #tpu.memory_space<hbm>> -> memref<1x1x1x20x128xi32, #tpu.memory_space<hbm>>
      %dma_wait3A_381 = tpu.memref_squeeze %dma_wait3A_380 : memref<1x1x1x20x128xi32, #tpu.memory_space<hbm>> -> memref<20x128xi32, #tpu.memory_space<hbm>>
      tpu.wait_dma2 semaphore(%run_scoped3A_365 : memref<!tpu.dma_semaphore, #tpu.memory_space<semaphore_mem>>) src(%dma_wait3A_381 : memref<20x128xi32, #tpu.memory_space<hbm>>) dst(%arg11 : memref<20x128xi32, #tpu.memory_space<vmem>>)
      tpu.yield
    }) : () -> ()
    %run_scoped3A_269 = arith.constant 6 : i32
    "tpu.region"() ({
      %run_scoped3A_365 = tpu.sem_alloc : memref<!tpu.dma_semaphore, #tpu.memory_space<semaphore_mem>>
      %dma_start3A_366 = arith.constant 0 : i32
      %dma_start3A_367 = arith.constant 0 : i32
      %dma_start3A_368 = tpu.memref_slice %arg6[%arg0, %run_scoped3A_269, %arg1, %dma_start3A_366, %dma_start3A_367] : memref<2x8x16x20x128xi32, #tpu.memory_space<hbm>> -> memref<1x1x1x20x128xi32, #tpu.memory_space<hbm>>
      %dma_start3A_369 = tpu.memref_squeeze %dma_start3A_368 : memref<1x1x1x20x128xi32, #tpu.memory_space<hbm>> -> memref<20x128xi32, #tpu.memory_space<hbm>>
      %dma_start3A_370 = arith.constant 0 : i32
      %dma_start3A_371 = arith.constant 0 : i32
      %dma_start3A_372 = tpu.memref_slice %arg6[%arg0, %run_scoped3A_269, %arg1, %dma_start3A_370, %dma_start3A_371] : memref<2x8x16x20x128xi32, #tpu.memory_space<hbm>> -> memref<1x1x1x20x128xi32, #tpu.memory_space<hbm>>
      %dma_start3A_373 = tpu.memref_squeeze %dma_start3A_372 : memref<1x1x1x20x128xi32, #tpu.memory_space<hbm>> -> memref<20x128xi32, #tpu.memory_space<hbm>>
      tpu.enqueue_dma source(%dma_start3A_373 : memref<20x128xi32, #tpu.memory_space<hbm>>) target(%arg12 : memref<20x128xi32, #tpu.memory_space<vmem>>) target_semaphore(%run_scoped3A_365 : memref<!tpu.dma_semaphore, #tpu.memory_space<semaphore_mem>>)
      %dma_wait3A_374 = arith.constant 0 : i32
      %dma_wait3A_375 = arith.constant 0 : i32
      %dma_wait3A_376 = tpu.memref_slice %arg6[%arg0, %run_scoped3A_269, %arg1, %dma_wait3A_374, %dma_wait3A_375] : memref<2x8x16x20x128xi32, #tpu.memory_space<hbm>> -> memref<1x1x1x20x128xi32, #tpu.memory_space<hbm>>
      %dma_wait3A_377 = tpu.memref_squeeze %dma_wait3A_376 : memref<1x1x1x20x128xi32, #tpu.memory_space<hbm>> -> memref<20x128xi32, #tpu.memory_space<hbm>>
      %dma_wait3A_378 = arith.constant 0 : i32
      %dma_wait3A_379 = arith.constant 0 : i32
      %dma_wait3A_380 = tpu.memref_slice %arg6[%arg0, %run_scoped3A_269, %arg1, %dma_wait3A_378, %dma_wait3A_379] : memref<2x8x16x20x128xi32, #tpu.memory_space<hbm>> -> memref<1x1x1x20x128xi32, #tpu.memory_space<hbm>>
      %dma_wait3A_381 = tpu.memref_squeeze %dma_wait3A_380 : memref<1x1x1x20x128xi32, #tpu.memory_space<hbm>> -> memref<20x128xi32, #tpu.memory_space<hbm>>
      tpu.wait_dma2 semaphore(%run_scoped3A_365 : memref<!tpu.dma_semaphore, #tpu.memory_space<semaphore_mem>>) src(%dma_wait3A_381 : memref<20x128xi32, #tpu.memory_space<hbm>>) dst(%arg12 : memref<20x128xi32, #tpu.memory_space<vmem>>)
      tpu.yield
    }) : () -> ()
    %dma_start3A_270 = arith.constant 0 : i32
    %dma_start3A_271 = arith.constant 0 : i32
    %dma_start3A_272 = tpu.memref_slice %arg9[%dma_start3A_270, %dma_start3A_271] : memref<20x128xi32, #tpu.memory_space<vmem>> -> memref<1x128xi32, #tpu.memory_space<vmem>>
    %dma_start3A_273 = tpu.memref_squeeze %dma_start3A_272 : memref<1x128xi32, #tpu.memory_space<vmem>> -> memref<128xi32, #tpu.memory_space<vmem>>
    %dma_start3A_274 = arith.constant 0 : i32
    %dma_start3A_275 = arith.constant 0 : i32
    %dma_start3A_276 = tpu.memref_slice %arg2[%dma_start3A_274, %dma_start3A_275] : memref<20480x80xf32, #tpu.memory_space<hbm>> -> memref<20480x80xf32, #tpu.memory_space<hbm>>
    tpu.enqueue_indirect_dma source(%dma_start3A_276 : memref<20480x80xf32, #tpu.memory_space<hbm>>) target(%arg13 : memref<128x80xf32, #tpu.memory_space<vmem>>) offsets(%dma_start3A_273 : memref<128xi32, #tpu.memory_space<vmem>>) semaphore(%arg18 : memref<!tpu.dma_semaphore, #tpu.memory_space<semaphore_mem>>)
    %dma_start3A_277 = arith.constant 0 : i32
    %dma_start3A_278 = arith.constant 0 : i32
    %dma_start3A_279 = tpu.memref_slice %arg10[%dma_start3A_277, %dma_start3A_278] : memref<20x128xi32, #tpu.memory_space<vmem>> -> memref<1x128xi32, #tpu.memory_space<vmem>>
    %dma_start3A_280 = tpu.memref_squeeze %dma_start3A_279 : memref<1x128xi32, #tpu.memory_space<vmem>> -> memref<128xi32, #tpu.memory_space<vmem>>
    %dma_start3A_281 = arith.constant 0 : i32
    %dma_start3A_282 = arith.constant 0 : i32
    %dma_start3A_283 = tpu.memref_slice %arg2[%dma_start3A_281, %dma_start3A_282] : memref<20480x80xf32, #tpu.memory_space<hbm>> -> memref<20480x80xf32, #tpu.memory_space<hbm>>
    tpu.enqueue_indirect_dma source(%dma_start3A_283 : memref<20480x80xf32, #tpu.memory_space<hbm>>) target(%arg14 : memref<128x80xf32, #tpu.memory_space<vmem>>) offsets(%dma_start3A_280 : memref<128xi32, #tpu.memory_space<vmem>>) semaphore(%arg19 : memref<!tpu.dma_semaphore, #tpu.memory_space<semaphore_mem>>)
    %scan3A_284 = arith.constant 0 : i32
    %scan3A_285 = arith.constant 10 : i32
    %scan3A_286 = arith.addi %scan3A_284, %scan3A_285 : i32
    %scan3A_287 = arith.constant 1 : i32
    scf.for %scan3A_365 = %scan3A_284 to %scan3A_286 step %scan3A_287  : i32 {
      %mul3A_366 = arith.constant 1 : i32
      %mul3A_367 = arith.muli %scan3A_365, %mul3A_366 : i32
      %add3A_368 = arith.constant 0 : i32
      %add3A_369 = arith.addi %add3A_368, %mul3A_367 : i32
      %mul3A_370 = arith.constant 2 : i32
      %mul3A_371 = arith.muli %mul3A_370, %add3A_369 : i32
      %mul3A_372 = arith.constant 2 : i32
      %mul3A_373 = arith.muli %mul3A_372, %add3A_369 : i32
      %add3A_374 = arith.constant 1 : i32
      %add3A_375 = arith.addi %mul3A_373, %add3A_374 : i32
      %dma_wait3A_376 = arith.constant 0 : i32
      %dma_wait3A_377 = tpu.memref_slice %arg9[%mul3A_371, %dma_wait3A_376] : memref<20x128xi32, #tpu.memory_space<vmem>> -> memref<1x128xi32, #tpu.memory_space<vmem>>
      %dma_wait3A_378 = tpu.memref_squeeze %dma_wait3A_377 : memref<1x128xi32, #tpu.memory_space<vmem>> -> memref<128xi32, #tpu.memory_space<vmem>>
      %dma_wait3A_379 = arith.constant 0 : i32
      %dma_wait3A_380 = arith.constant 0 : i32
      %dma_wait3A_381 = tpu.memref_slice %arg2[%dma_wait3A_379, %dma_wait3A_380] : memref<20480x80xf32, #tpu.memory_space<hbm>> -> memref<20480x80xf32, #tpu.memory_space<hbm>>
      tpu.wait_indirect_dma semaphore(%arg18 : memref<!tpu.dma_semaphore, #tpu.memory_space<semaphore_mem>>) src(%dma_wait3A_381 : memref<20480x80xf32, #tpu.memory_space<hbm>>) dst(%arg13 : memref<128x80xf32, #tpu.memory_space<vmem>>)
      %dma_wait3A_382 = arith.constant 0 : i32
      %dma_wait3A_383 = tpu.memref_slice %arg10[%mul3A_371, %dma_wait3A_382] : memref<20x128xi32, #tpu.memory_space<vmem>> -> memref<1x128xi32, #tpu.memory_space<vmem>>
      %dma_wait3A_384 = tpu.memref_squeeze %dma_wait3A_383 : memref<1x128xi32, #tpu.memory_space<vmem>> -> memref<128xi32, #tpu.memory_space<vmem>>
      %dma_wait3A_385 = arith.constant 0 : i32
      %dma_wait3A_386 = arith.constant 0 : i32
      %dma_wait3A_387 = tpu.memref_slice %arg2[%dma_wait3A_385, %dma_wait3A_386] : memref<20480x80xf32, #tpu.memory_space<hbm>> -> memref<20480x80xf32, #tpu.memory_space<hbm>>
      tpu.wait_indirect_dma semaphore(%arg19 : memref<!tpu.dma_semaphore, #tpu.memory_space<semaphore_mem>>) src(%dma_wait3A_387 : memref<20480x80xf32, #tpu.memory_space<hbm>>) dst(%arg14 : memref<128x80xf32, #tpu.memory_space<vmem>>)
      %dma_start3A_388 = arith.constant 0 : i32
      %dma_start3A_389 = tpu.memref_slice %arg11[%mul3A_371, %dma_start3A_388] : memref<20x128xi32, #tpu.memory_space<vmem>> -> memref<1x128xi32, #tpu.memory_space<vmem>>
      %dma_start3A_390 = tpu.memref_squeeze %dma_start3A_389 : memref<1x128xi32, #tpu.memory_space<vmem>> -> memref<128xi32, #tpu.memory_space<vmem>>
      %dma_start3A_391 = arith.constant 0 : i32
      %dma_start3A_392 = arith.constant 0 : i32
      %dma_start3A_393 = tpu.memref_slice %arg17[%dma_start3A_391, %dma_start3A_392] : memref<5120x80xf32, #tpu.memory_space<vmem_shared>> -> memref<5120x80xf32, #tpu.memory_space<vmem_shared>>
      tpu.enqueue_indirect_dma source(%arg14 : memref<128x80xf32, #tpu.memory_space<vmem>>) target(%dma_start3A_393 : memref<5120x80xf32, #tpu.memory_space<vmem_shared>>) offsets(%dma_start3A_390 : memref<128xi32, #tpu.memory_space<vmem>>) semaphore(%arg22 : memref<!tpu.dma_semaphore, #tpu.memory_space<semaphore_mem>>) {add = true}
      %dma_start3A_394 = arith.constant 0 : i32
      %dma_start3A_395 = tpu.memref_slice %arg12[%mul3A_371, %dma_start3A_394] : memref<20x128xi32, #tpu.memory_space<vmem>> -> memref<1x128xi32, #tpu.memory_space<vmem>>
      %dma_start3A_396 = tpu.memref_squeeze %dma_start3A_395 : memref<1x128xi32, #tpu.memory_space<vmem>> -> memref<128xi32, #tpu.memory_space<vmem>>
      %dma_start3A_397 = arith.constant 0 : i32
      %dma_start3A_398 = arith.constant 0 : i32
      %dma_start3A_399 = tpu.memref_slice %arg17[%dma_start3A_397, %dma_start3A_398] : memref<5120x80xf32, #tpu.memory_space<vmem_shared>> -> memref<5120x80xf32, #tpu.memory_space<vmem_shared>>
      tpu.enqueue_indirect_dma source(%arg13 : memref<128x80xf32, #tpu.memory_space<vmem>>) target(%dma_start3A_399 : memref<5120x80xf32, #tpu.memory_space<vmem_shared>>) offsets(%dma_start3A_396 : memref<128xi32, #tpu.memory_space<vmem>>) semaphore(%arg23 : memref<!tpu.dma_semaphore, #tpu.memory_space<semaphore_mem>>) {add = true}
      %gt3A = arith.constant 0 : i32
      %gt3A_400 = arith.cmpi sgt, %add3A_369, %gt3A : i32
      %convert_element_type3A = arith.extui %gt3A_400 : i1 to i32
      %cond3A = arith.constant 0 : i32
      %cond3A_401 = arith.cmpi ne, %convert_element_type3A, %cond3A : i32
      scf.if %cond3A_401 {
        %dma_wait3A_454 = arith.constant 0 : i32
        %dma_wait3A_455 = arith.constant 0 : i32
        %dma_wait3A_456 = tpu.memref_slice %arg2[%dma_wait3A_454, %dma_wait3A_455] : memref<20480x80xf32, #tpu.memory_space<hbm>> -> memref<128x80xf32, #tpu.memory_space<hbm>>
        %dma_wait3A_457 = arith.constant 0 : i32
        %dma_wait3A_458 = arith.constant 0 : i32
        %dma_wait3A_459 = tpu.memref_slice %arg2[%dma_wait3A_457, %dma_wait3A_458] : memref<20480x80xf32, #tpu.memory_space<hbm>> -> memref<128x80xf32, #tpu.memory_space<hbm>>
        tpu.wait_dma2 semaphore(%arg24 : memref<!tpu.dma_semaphore, #tpu.memory_space<semaphore_mem>>) src(%dma_wait3A_459 : memref<128x80xf32, #tpu.memory_space<hbm>>) dst(%arg15 : memref<128x80xf32, #tpu.memory_space<vmem>>)
        %dma_wait3A_460 = arith.constant 0 : i32
        %dma_wait3A_461 = arith.constant 0 : i32
        %dma_wait3A_462 = tpu.memref_slice %arg2[%dma_wait3A_460, %dma_wait3A_461] : memref<20480x80xf32, #tpu.memory_space<hbm>> -> memref<128x80xf32, #tpu.memory_space<hbm>>
        %dma_wait3A_463 = arith.constant 0 : i32
        %dma_wait3A_464 = arith.constant 0 : i32
        %dma_wait3A_465 = tpu.memref_slice %arg2[%dma_wait3A_463, %dma_wait3A_464] : memref<20480x80xf32, #tpu.memory_space<hbm>> -> memref<128x80xf32, #tpu.memory_space<hbm>>
        tpu.wait_dma2 semaphore(%arg25 : memref<!tpu.dma_semaphore, #tpu.memory_space<semaphore_mem>>) src(%dma_wait3A_465 : memref<128x80xf32, #tpu.memory_space<hbm>>) dst(%arg16 : memref<128x80xf32, #tpu.memory_space<vmem>>)
      } else {
      }
      %dma_start3A_402 = arith.constant 0 : i32
      %dma_start3A_403 = tpu.memref_slice %arg9[%add3A_375, %dma_start3A_402] : memref<20x128xi32, #tpu.memory_space<vmem>> -> memref<1x128xi32, #tpu.memory_space<vmem>>
      %dma_start3A_404 = tpu.memref_squeeze %dma_start3A_403 : memref<1x128xi32, #tpu.memory_space<vmem>> -> memref<128xi32, #tpu.memory_space<vmem>>
      %dma_start3A_405 = arith.constant 0 : i32
      %dma_start3A_406 = arith.constant 0 : i32
      %dma_start3A_407 = tpu.memref_slice %arg2[%dma_start3A_405, %dma_start3A_406] : memref<20480x80xf32, #tpu.memory_space<hbm>> -> memref<20480x80xf32, #tpu.memory_space<hbm>>
      tpu.enqueue_indirect_dma source(%dma_start3A_407 : memref<20480x80xf32, #tpu.memory_space<hbm>>) target(%arg15 : memref<128x80xf32, #tpu.memory_space<vmem>>) offsets(%dma_start3A_404 : memref<128xi32, #tpu.memory_space<vmem>>) semaphore(%arg20 : memref<!tpu.dma_semaphore, #tpu.memory_space<semaphore_mem>>)
      %dma_start3A_408 = arith.constant 0 : i32
      %dma_start3A_409 = tpu.memref_slice %arg10[%add3A_375, %dma_start3A_408] : memref<20x128xi32, #tpu.memory_space<vmem>> -> memref<1x128xi32, #tpu.memory_space<vmem>>
      %dma_start3A_410 = tpu.memref_squeeze %dma_start3A_409 : memref<1x128xi32, #tpu.memory_space<vmem>> -> memref<128xi32, #tpu.memory_space<vmem>>
      %dma_start3A_411 = arith.constant 0 : i32
      %dma_start3A_412 = arith.constant 0 : i32
      %dma_start3A_413 = tpu.memref_slice %arg2[%dma_start3A_411, %dma_start3A_412] : memref<20480x80xf32, #tpu.memory_space<hbm>> -> memref<20480x80xf32, #tpu.memory_space<hbm>>
      tpu.enqueue_indirect_dma source(%dma_start3A_413 : memref<20480x80xf32, #tpu.memory_space<hbm>>) target(%arg16 : memref<128x80xf32, #tpu.memory_space<vmem>>) offsets(%dma_start3A_410 : memref<128xi32, #tpu.memory_space<vmem>>) semaphore(%arg21 : memref<!tpu.dma_semaphore, #tpu.memory_space<semaphore_mem>>)
      %dma_wait3A_414 = arith.constant 0 : i32
      %dma_wait3A_415 = tpu.memref_slice %arg9[%add3A_375, %dma_wait3A_414] : memref<20x128xi32, #tpu.memory_space<vmem>> -> memref<1x128xi32, #tpu.memory_space<vmem>>
      %dma_wait3A_416 = tpu.memref_squeeze %dma_wait3A_415 : memref<1x128xi32, #tpu.memory_space<vmem>> -> memref<128xi32, #tpu.memory_space<vmem>>
      %dma_wait3A_417 = arith.constant 0 : i32
      %dma_wait3A_418 = arith.constant 0 : i32
      %dma_wait3A_419 = tpu.memref_slice %arg2[%dma_wait3A_417, %dma_wait3A_418] : memref<20480x80xf32, #tpu.memory_space<hbm>> -> memref<20480x80xf32, #tpu.memory_space<hbm>>
      tpu.wait_indirect_dma semaphore(%arg20 : memref<!tpu.dma_semaphore, #tpu.memory_space<semaphore_mem>>) src(%dma_wait3A_419 : memref<20480x80xf32, #tpu.memory_space<hbm>>) dst(%arg15 : memref<128x80xf32, #tpu.memory_space<vmem>>)
      %dma_wait3A_420 = arith.constant 0 : i32
      %dma_wait3A_421 = tpu.memref_slice %arg10[%add3A_375, %dma_wait3A_420] : memref<20x128xi32, #tpu.memory_space<vmem>> -> memref<1x128xi32, #tpu.memory_space<vmem>>
      %dma_wait3A_422 = tpu.memref_squeeze %dma_wait3A_421 : memref<1x128xi32, #tpu.memory_space<vmem>> -> memref<128xi32, #tpu.memory_space<vmem>>
      %dma_wait3A_423 = arith.constant 0 : i32
      %dma_wait3A_424 = arith.constant 0 : i32
      %dma_wait3A_425 = tpu.memref_slice %arg2[%dma_wait3A_423, %dma_wait3A_424] : memref<20480x80xf32, #tpu.memory_space<hbm>> -> memref<20480x80xf32, #tpu.memory_space<hbm>>
      tpu.wait_indirect_dma semaphore(%arg21 : memref<!tpu.dma_semaphore, #tpu.memory_space<semaphore_mem>>) src(%dma_wait3A_425 : memref<20480x80xf32, #tpu.memory_space<hbm>>) dst(%arg16 : memref<128x80xf32, #tpu.memory_space<vmem>>)
      %dma_start3A_426 = arith.constant 0 : i32
      %dma_start3A_427 = tpu.memref_slice %arg11[%add3A_375, %dma_start3A_426] : memref<20x128xi32, #tpu.memory_space<vmem>> -> memref<1x128xi32, #tpu.memory_space<vmem>>
      %dma_start3A_428 = tpu.memref_squeeze %dma_start3A_427 : memref<1x128xi32, #tpu.memory_space<vmem>> -> memref<128xi32, #tpu.memory_space<vmem>>
      %dma_start3A_429 = arith.constant 0 : i32
      %dma_start3A_430 = arith.constant 0 : i32
      %dma_start3A_431 = tpu.memref_slice %arg17[%dma_start3A_429, %dma_start3A_430] : memref<5120x80xf32, #tpu.memory_space<vmem_shared>> -> memref<5120x80xf32, #tpu.memory_space<vmem_shared>>
      tpu.enqueue_indirect_dma source(%arg16 : memref<128x80xf32, #tpu.memory_space<vmem>>) target(%dma_start3A_431 : memref<5120x80xf32, #tpu.memory_space<vmem_shared>>) offsets(%dma_start3A_428 : memref<128xi32, #tpu.memory_space<vmem>>) semaphore(%arg24 : memref<!tpu.dma_semaphore, #tpu.memory_space<semaphore_mem>>) {add = true}
      %dma_start3A_432 = arith.constant 0 : i32
      %dma_start3A_433 = tpu.memref_slice %arg12[%add3A_375, %dma_start3A_432] : memref<20x128xi32, #tpu.memory_space<vmem>> -> memref<1x128xi32, #tpu.memory_space<vmem>>
      %dma_start3A_434 = tpu.memref_squeeze %dma_start3A_433 : memref<1x128xi32, #tpu.memory_space<vmem>> -> memref<128xi32, #tpu.memory_space<vmem>>
      %dma_start3A_435 = arith.constant 0 : i32
      %dma_start3A_436 = arith.constant 0 : i32
      %dma_start3A_437 = tpu.memref_slice %arg17[%dma_start3A_435, %dma_start3A_436] : memref<5120x80xf32, #tpu.memory_space<vmem_shared>> -> memref<5120x80xf32, #tpu.memory_space<vmem_shared>>
      tpu.enqueue_indirect_dma source(%arg15 : memref<128x80xf32, #tpu.memory_space<vmem>>) target(%dma_start3A_437 : memref<5120x80xf32, #tpu.memory_space<vmem_shared>>) offsets(%dma_start3A_434 : memref<128xi32, #tpu.memory_space<vmem>>) semaphore(%arg25 : memref<!tpu.dma_semaphore, #tpu.memory_space<semaphore_mem>>) {add = true}
      %dma_wait3A_438 = arith.constant 0 : i32
      %dma_wait3A_439 = arith.constant 0 : i32
      %dma_wait3A_440 = tpu.memref_slice %arg2[%dma_wait3A_438, %dma_wait3A_439] : memref<20480x80xf32, #tpu.memory_space<hbm>> -> memref<128x80xf32, #tpu.memory_space<hbm>>
      %dma_wait3A_441 = arith.constant 0 : i32
      %dma_wait3A_442 = arith.constant 0 : i32
      %dma_wait3A_443 = tpu.memref_slice %arg2[%dma_wait3A_441, %dma_wait3A_442] : memref<20480x80xf32, #tpu.memory_space<hbm>> -> memref<128x80xf32, #tpu.memory_space<hbm>>
      tpu.wait_dma2 semaphore(%arg22 : memref<!tpu.dma_semaphore, #tpu.memory_space<semaphore_mem>>) src(%dma_wait3A_443 : memref<128x80xf32, #tpu.memory_space<hbm>>) dst(%arg13 : memref<128x80xf32, #tpu.memory_space<vmem>>)
      %dma_wait3A_444 = arith.constant 0 : i32
      %dma_wait3A_445 = arith.constant 0 : i32
      %dma_wait3A_446 = tpu.memref_slice %arg2[%dma_wait3A_444, %dma_wait3A_445] : memref<20480x80xf32, #tpu.memory_space<hbm>> -> memref<128x80xf32, #tpu.memory_space<hbm>>
      %dma_wait3A_447 = arith.constant 0 : i32
      %dma_wait3A_448 = arith.constant 0 : i32
      %dma_wait3A_449 = tpu.memref_slice %arg2[%dma_wait3A_447, %dma_wait3A_448] : memref<20480x80xf32, #tpu.memory_space<hbm>> -> memref<128x80xf32, #tpu.memory_space<hbm>>
      tpu.wait_dma2 semaphore(%arg23 : memref<!tpu.dma_semaphore, #tpu.memory_space<semaphore_mem>>) src(%dma_wait3A_449 : memref<128x80xf32, #tpu.memory_space<hbm>>) dst(%arg14 : memref<128x80xf32, #tpu.memory_space<vmem>>)
      %lt3A = arith.constant 9 : i32
      %lt3A_450 = arith.cmpi slt, %add3A_369, %lt3A : i32
      %convert_element_type3A_451 = arith.extui %lt3A_450 : i1 to i32
      %cond3A_452 = arith.constant 0 : i32
      %cond3A_453 = arith.cmpi ne, %convert_element_type3A_451, %cond3A_452 : i32
      scf.if %cond3A_453 {
        %add3A_454 = arith.constant 2 : i32
        %add3A_455 = arith.addi %mul3A_371, %add3A_454 : i32
        %dma_start3A_456 = arith.constant 0 : i32
        %dma_start3A_457 = tpu.memref_slice %arg9[%add3A_455, %dma_start3A_456] : memref<20x128xi32, #tpu.memory_space<vmem>> -> memref<1x128xi32, #tpu.memory_space<vmem>>
        %dma_start3A_458 = tpu.memref_squeeze %dma_start3A_457 : memref<1x128xi32, #tpu.memory_space<vmem>> -> memref<128xi32, #tpu.memory_space<vmem>>
        %dma_start3A_459 = arith.constant 0 : i32
        %dma_start3A_460 = arith.constant 0 : i32
        %dma_start3A_461 = tpu.memref_slice %arg2[%dma_start3A_459, %dma_start3A_460] : memref<20480x80xf32, #tpu.memory_space<hbm>> -> memref<20480x80xf32, #tpu.memory_space<hbm>>
        tpu.enqueue_indirect_dma source(%dma_start3A_461 : memref<20480x80xf32, #tpu.memory_space<hbm>>) target(%arg13 : memref<128x80xf32, #tpu.memory_space<vmem>>) offsets(%dma_start3A_458 : memref<128xi32, #tpu.memory_space<vmem>>) semaphore(%arg18 : memref<!tpu.dma_semaphore, #tpu.memory_space<semaphore_mem>>)
        %add3A_462 = arith.constant 2 : i32
        %add3A_463 = arith.addi %mul3A_371, %add3A_462 : i32
        %dma_start3A_464 = arith.constant 0 : i32
        %dma_start3A_465 = tpu.memref_slice %arg10[%add3A_463, %dma_start3A_464] : memref<20x128xi32, #tpu.memory_space<vmem>> -> memref<1x128xi32, #tpu.memory_space<vmem>>
        %dma_start3A_466 = tpu.memref_squeeze %dma_start3A_465 : memref<1x128xi32, #tpu.memory_space<vmem>> -> memref<128xi32, #tpu.memory_space<vmem>>
        %dma_start3A_467 = arith.constant 0 : i32
        %dma_start3A_468 = arith.constant 0 : i32
        %dma_start3A_469 = tpu.memref_slice %arg2[%dma_start3A_467, %dma_start3A_468] : memref<20480x80xf32, #tpu.memory_space<hbm>> -> memref<20480x80xf32, #tpu.memory_space<hbm>>
        tpu.enqueue_indirect_dma source(%dma_start3A_469 : memref<20480x80xf32, #tpu.memory_space<hbm>>) target(%arg14 : memref<128x80xf32, #tpu.memory_space<vmem>>) offsets(%dma_start3A_466 : memref<128xi32, #tpu.memory_space<vmem>>) semaphore(%arg19 : memref<!tpu.dma_semaphore, #tpu.memory_space<semaphore_mem>>)
      } else {
      }
    }
    %scan3A_288 = arith.constant 10 : i32
    %dma_wait3A_289 = arith.constant 0 : i32
    %dma_wait3A_290 = arith.constant 0 : i32
    %dma_wait3A_291 = tpu.memref_slice %arg2[%dma_wait3A_289, %dma_wait3A_290] : memref<20480x80xf32, #tpu.memory_space<hbm>> -> memref<128x80xf32, #tpu.memory_space<hbm>>
    %dma_wait3A_292 = arith.constant 0 : i32
    %dma_wait3A_293 = arith.constant 0 : i32
    %dma_wait3A_294 = tpu.memref_slice %arg2[%dma_wait3A_292, %dma_wait3A_293] : memref<20480x80xf32, #tpu.memory_space<hbm>> -> memref<128x80xf32, #tpu.memory_space<hbm>>
    tpu.wait_dma2 semaphore(%arg24 : memref<!tpu.dma_semaphore, #tpu.memory_space<semaphore_mem>>) src(%dma_wait3A_294 : memref<128x80xf32, #tpu.memory_space<hbm>>) dst(%arg15 : memref<128x80xf32, #tpu.memory_space<vmem>>)
    %dma_wait3A_295 = arith.constant 0 : i32
    %dma_wait3A_296 = arith.constant 0 : i32
    %dma_wait3A_297 = tpu.memref_slice %arg2[%dma_wait3A_295, %dma_wait3A_296] : memref<20480x80xf32, #tpu.memory_space<hbm>> -> memref<128x80xf32, #tpu.memory_space<hbm>>
    %dma_wait3A_298 = arith.constant 0 : i32
    %dma_wait3A_299 = arith.constant 0 : i32
    %dma_wait3A_300 = tpu.memref_slice %arg2[%dma_wait3A_298, %dma_wait3A_299] : memref<20480x80xf32, #tpu.memory_space<hbm>> -> memref<128x80xf32, #tpu.memory_space<hbm>>
    tpu.wait_dma2 semaphore(%arg25 : memref<!tpu.dma_semaphore, #tpu.memory_space<semaphore_mem>>) src(%dma_wait3A_300 : memref<128x80xf32, #tpu.memory_space<hbm>>) dst(%arg16 : memref<128x80xf32, #tpu.memory_space<vmem>>)
    %run_scoped3A_301 = arith.constant 7 : i32
    "tpu.region"() ({
      %run_scoped3A_365 = tpu.sem_alloc : memref<!tpu.dma_semaphore, #tpu.memory_space<semaphore_mem>>
      %dma_start3A_366 = arith.constant 0 : i32
      %dma_start3A_367 = arith.constant 0 : i32
      %dma_start3A_368 = tpu.memref_slice %arg3[%arg0, %run_scoped3A_301, %arg1, %dma_start3A_366, %dma_start3A_367] : memref<2x8x16x20x128xi32, #tpu.memory_space<hbm>> -> memref<1x1x1x20x128xi32, #tpu.memory_space<hbm>>
      %dma_start3A_369 = tpu.memref_squeeze %dma_start3A_368 : memref<1x1x1x20x128xi32, #tpu.memory_space<hbm>> -> memref<20x128xi32, #tpu.memory_space<hbm>>
      %dma_start3A_370 = arith.constant 0 : i32
      %dma_start3A_371 = arith.constant 0 : i32
      %dma_start3A_372 = tpu.memref_slice %arg3[%arg0, %run_scoped3A_301, %arg1, %dma_start3A_370, %dma_start3A_371] : memref<2x8x16x20x128xi32, #tpu.memory_space<hbm>> -> memref<1x1x1x20x128xi32, #tpu.memory_space<hbm>>
      %dma_start3A_373 = tpu.memref_squeeze %dma_start3A_372 : memref<1x1x1x20x128xi32, #tpu.memory_space<hbm>> -> memref<20x128xi32, #tpu.memory_space<hbm>>
      tpu.enqueue_dma source(%dma_start3A_373 : memref<20x128xi32, #tpu.memory_space<hbm>>) target(%arg9 : memref<20x128xi32, #tpu.memory_space<vmem>>) target_semaphore(%run_scoped3A_365 : memref<!tpu.dma_semaphore, #tpu.memory_space<semaphore_mem>>)
      %dma_wait3A_374 = arith.constant 0 : i32
      %dma_wait3A_375 = arith.constant 0 : i32
      %dma_wait3A_376 = tpu.memref_slice %arg3[%arg0, %run_scoped3A_301, %arg1, %dma_wait3A_374, %dma_wait3A_375] : memref<2x8x16x20x128xi32, #tpu.memory_space<hbm>> -> memref<1x1x1x20x128xi32, #tpu.memory_space<hbm>>
      %dma_wait3A_377 = tpu.memref_squeeze %dma_wait3A_376 : memref<1x1x1x20x128xi32, #tpu.memory_space<hbm>> -> memref<20x128xi32, #tpu.memory_space<hbm>>
      %dma_wait3A_378 = arith.constant 0 : i32
      %dma_wait3A_379 = arith.constant 0 : i32
      %dma_wait3A_380 = tpu.memref_slice %arg3[%arg0, %run_scoped3A_301, %arg1, %dma_wait3A_378, %dma_wait3A_379] : memref<2x8x16x20x128xi32, #tpu.memory_space<hbm>> -> memref<1x1x1x20x128xi32, #tpu.memory_space<hbm>>
      %dma_wait3A_381 = tpu.memref_squeeze %dma_wait3A_380 : memref<1x1x1x20x128xi32, #tpu.memory_space<hbm>> -> memref<20x128xi32, #tpu.memory_space<hbm>>
      tpu.wait_dma2 semaphore(%run_scoped3A_365 : memref<!tpu.dma_semaphore, #tpu.memory_space<semaphore_mem>>) src(%dma_wait3A_381 : memref<20x128xi32, #tpu.memory_space<hbm>>) dst(%arg9 : memref<20x128xi32, #tpu.memory_space<vmem>>)
      tpu.yield
    }) : () -> ()
    %run_scoped3A_302 = arith.constant 7 : i32
    "tpu.region"() ({
      %run_scoped3A_365 = tpu.sem_alloc : memref<!tpu.dma_semaphore, #tpu.memory_space<semaphore_mem>>
      %dma_start3A_366 = arith.constant 0 : i32
      %dma_start3A_367 = arith.constant 0 : i32
      %dma_start3A_368 = tpu.memref_slice %arg4[%arg0, %run_scoped3A_302, %arg1, %dma_start3A_366, %dma_start3A_367] : memref<2x8x16x20x128xi32, #tpu.memory_space<hbm>> -> memref<1x1x1x20x128xi32, #tpu.memory_space<hbm>>
      %dma_start3A_369 = tpu.memref_squeeze %dma_start3A_368 : memref<1x1x1x20x128xi32, #tpu.memory_space<hbm>> -> memref<20x128xi32, #tpu.memory_space<hbm>>
      %dma_start3A_370 = arith.constant 0 : i32
      %dma_start3A_371 = arith.constant 0 : i32
      %dma_start3A_372 = tpu.memref_slice %arg4[%arg0, %run_scoped3A_302, %arg1, %dma_start3A_370, %dma_start3A_371] : memref<2x8x16x20x128xi32, #tpu.memory_space<hbm>> -> memref<1x1x1x20x128xi32, #tpu.memory_space<hbm>>
      %dma_start3A_373 = tpu.memref_squeeze %dma_start3A_372 : memref<1x1x1x20x128xi32, #tpu.memory_space<hbm>> -> memref<20x128xi32, #tpu.memory_space<hbm>>
      tpu.enqueue_dma source(%dma_start3A_373 : memref<20x128xi32, #tpu.memory_space<hbm>>) target(%arg10 : memref<20x128xi32, #tpu.memory_space<vmem>>) target_semaphore(%run_scoped3A_365 : memref<!tpu.dma_semaphore, #tpu.memory_space<semaphore_mem>>)
      %dma_wait3A_374 = arith.constant 0 : i32
      %dma_wait3A_375 = arith.constant 0 : i32
      %dma_wait3A_376 = tpu.memref_slice %arg4[%arg0, %run_scoped3A_302, %arg1, %dma_wait3A_374, %dma_wait3A_375] : memref<2x8x16x20x128xi32, #tpu.memory_space<hbm>> -> memref<1x1x1x20x128xi32, #tpu.memory_space<hbm>>
      %dma_wait3A_377 = tpu.memref_squeeze %dma_wait3A_376 : memref<1x1x1x20x128xi32, #tpu.memory_space<hbm>> -> memref<20x128xi32, #tpu.memory_space<hbm>>
      %dma_wait3A_378 = arith.constant 0 : i32
      %dma_wait3A_379 = arith.constant 0 : i32
      %dma_wait3A_380 = tpu.memref_slice %arg4[%arg0, %run_scoped3A_302, %arg1, %dma_wait3A_378, %dma_wait3A_379] : memref<2x8x16x20x128xi32, #tpu.memory_space<hbm>> -> memref<1x1x1x20x128xi32, #tpu.memory_space<hbm>>
      %dma_wait3A_381 = tpu.memref_squeeze %dma_wait3A_380 : memref<1x1x1x20x128xi32, #tpu.memory_space<hbm>> -> memref<20x128xi32, #tpu.memory_space<hbm>>
      tpu.wait_dma2 semaphore(%run_scoped3A_365 : memref<!tpu.dma_semaphore, #tpu.memory_space<semaphore_mem>>) src(%dma_wait3A_381 : memref<20x128xi32, #tpu.memory_space<hbm>>) dst(%arg10 : memref<20x128xi32, #tpu.memory_space<vmem>>)
      tpu.yield
    }) : () -> ()
    %run_scoped3A_303 = arith.constant 7 : i32
    "tpu.region"() ({
      %run_scoped3A_365 = tpu.sem_alloc : memref<!tpu.dma_semaphore, #tpu.memory_space<semaphore_mem>>
      %dma_start3A_366 = arith.constant 0 : i32
      %dma_start3A_367 = arith.constant 0 : i32
      %dma_start3A_368 = tpu.memref_slice %arg5[%arg0, %run_scoped3A_303, %arg1, %dma_start3A_366, %dma_start3A_367] : memref<2x8x16x20x128xi32, #tpu.memory_space<hbm>> -> memref<1x1x1x20x128xi32, #tpu.memory_space<hbm>>
      %dma_start3A_369 = tpu.memref_squeeze %dma_start3A_368 : memref<1x1x1x20x128xi32, #tpu.memory_space<hbm>> -> memref<20x128xi32, #tpu.memory_space<hbm>>
      %dma_start3A_370 = arith.constant 0 : i32
      %dma_start3A_371 = arith.constant 0 : i32
      %dma_start3A_372 = tpu.memref_slice %arg5[%arg0, %run_scoped3A_303, %arg1, %dma_start3A_370, %dma_start3A_371] : memref<2x8x16x20x128xi32, #tpu.memory_space<hbm>> -> memref<1x1x1x20x128xi32, #tpu.memory_space<hbm>>
      %dma_start3A_373 = tpu.memref_squeeze %dma_start3A_372 : memref<1x1x1x20x128xi32, #tpu.memory_space<hbm>> -> memref<20x128xi32, #tpu.memory_space<hbm>>
      tpu.enqueue_dma source(%dma_start3A_373 : memref<20x128xi32, #tpu.memory_space<hbm>>) target(%arg11 : memref<20x128xi32, #tpu.memory_space<vmem>>) target_semaphore(%run_scoped3A_365 : memref<!tpu.dma_semaphore, #tpu.memory_space<semaphore_mem>>)
      %dma_wait3A_374 = arith.constant 0 : i32
      %dma_wait3A_375 = arith.constant 0 : i32
      %dma_wait3A_376 = tpu.memref_slice %arg5[%arg0, %run_scoped3A_303, %arg1, %dma_wait3A_374, %dma_wait3A_375] : memref<2x8x16x20x128xi32, #tpu.memory_space<hbm>> -> memref<1x1x1x20x128xi32, #tpu.memory_space<hbm>>
      %dma_wait3A_377 = tpu.memref_squeeze %dma_wait3A_376 : memref<1x1x1x20x128xi32, #tpu.memory_space<hbm>> -> memref<20x128xi32, #tpu.memory_space<hbm>>
      %dma_wait3A_378 = arith.constant 0 : i32
      %dma_wait3A_379 = arith.constant 0 : i32
      %dma_wait3A_380 = tpu.memref_slice %arg5[%arg0, %run_scoped3A_303, %arg1, %dma_wait3A_378, %dma_wait3A_379] : memref<2x8x16x20x128xi32, #tpu.memory_space<hbm>> -> memref<1x1x1x20x128xi32, #tpu.memory_space<hbm>>
      %dma_wait3A_381 = tpu.memref_squeeze %dma_wait3A_380 : memref<1x1x1x20x128xi32, #tpu.memory_space<hbm>> -> memref<20x128xi32, #tpu.memory_space<hbm>>
      tpu.wait_dma2 semaphore(%run_scoped3A_365 : memref<!tpu.dma_semaphore, #tpu.memory_space<semaphore_mem>>) src(%dma_wait3A_381 : memref<20x128xi32, #tpu.memory_space<hbm>>) dst(%arg11 : memref<20x128xi32, #tpu.memory_space<vmem>>)
      tpu.yield
    }) : () -> ()
    %run_scoped3A_304 = arith.constant 7 : i32
    "tpu.region"() ({
      %run_scoped3A_365 = tpu.sem_alloc : memref<!tpu.dma_semaphore, #tpu.memory_space<semaphore_mem>>
      %dma_start3A_366 = arith.constant 0 : i32
      %dma_start3A_367 = arith.constant 0 : i32
      %dma_start3A_368 = tpu.memref_slice %arg6[%arg0, %run_scoped3A_304, %arg1, %dma_start3A_366, %dma_start3A_367] : memref<2x8x16x20x128xi32, #tpu.memory_space<hbm>> -> memref<1x1x1x20x128xi32, #tpu.memory_space<hbm>>
      %dma_start3A_369 = tpu.memref_squeeze %dma_start3A_368 : memref<1x1x1x20x128xi32, #tpu.memory_space<hbm>> -> memref<20x128xi32, #tpu.memory_space<hbm>>
      %dma_start3A_370 = arith.constant 0 : i32
      %dma_start3A_371 = arith.constant 0 : i32
      %dma_start3A_372 = tpu.memref_slice %arg6[%arg0, %run_scoped3A_304, %arg1, %dma_start3A_370, %dma_start3A_371] : memref<2x8x16x20x128xi32, #tpu.memory_space<hbm>> -> memref<1x1x1x20x128xi32, #tpu.memory_space<hbm>>
      %dma_start3A_373 = tpu.memref_squeeze %dma_start3A_372 : memref<1x1x1x20x128xi32, #tpu.memory_space<hbm>> -> memref<20x128xi32, #tpu.memory_space<hbm>>
      tpu.enqueue_dma source(%dma_start3A_373 : memref<20x128xi32, #tpu.memory_space<hbm>>) target(%arg12 : memref<20x128xi32, #tpu.memory_space<vmem>>) target_semaphore(%run_scoped3A_365 : memref<!tpu.dma_semaphore, #tpu.memory_space<semaphore_mem>>)
      %dma_wait3A_374 = arith.constant 0 : i32
      %dma_wait3A_375 = arith.constant 0 : i32
      %dma_wait3A_376 = tpu.memref_slice %arg6[%arg0, %run_scoped3A_304, %arg1, %dma_wait3A_374, %dma_wait3A_375] : memref<2x8x16x20x128xi32, #tpu.memory_space<hbm>> -> memref<1x1x1x20x128xi32, #tpu.memory_space<hbm>>
      %dma_wait3A_377 = tpu.memref_squeeze %dma_wait3A_376 : memref<1x1x1x20x128xi32, #tpu.memory_space<hbm>> -> memref<20x128xi32, #tpu.memory_space<hbm>>
      %dma_wait3A_378 = arith.constant 0 : i32
      %dma_wait3A_379 = arith.constant 0 : i32
      %dma_wait3A_380 = tpu.memref_slice %arg6[%arg0, %run_scoped3A_304, %arg1, %dma_wait3A_378, %dma_wait3A_379] : memref<2x8x16x20x128xi32, #tpu.memory_space<hbm>> -> memref<1x1x1x20x128xi32, #tpu.memory_space<hbm>>
      %dma_wait3A_381 = tpu.memref_squeeze %dma_wait3A_380 : memref<1x1x1x20x128xi32, #tpu.memory_space<hbm>> -> memref<20x128xi32, #tpu.memory_space<hbm>>
      tpu.wait_dma2 semaphore(%run_scoped3A_365 : memref<!tpu.dma_semaphore, #tpu.memory_space<semaphore_mem>>) src(%dma_wait3A_381 : memref<20x128xi32, #tpu.memory_space<hbm>>) dst(%arg12 : memref<20x128xi32, #tpu.memory_space<vmem>>)
      tpu.yield
    }) : () -> ()
    %dma_start3A_305 = arith.constant 0 : i32
    %dma_start3A_306 = arith.constant 0 : i32
    %dma_start3A_307 = tpu.memref_slice %arg9[%dma_start3A_305, %dma_start3A_306] : memref<20x128xi32, #tpu.memory_space<vmem>> -> memref<1x128xi32, #tpu.memory_space<vmem>>
    %dma_start3A_308 = tpu.memref_squeeze %dma_start3A_307 : memref<1x128xi32, #tpu.memory_space<vmem>> -> memref<128xi32, #tpu.memory_space<vmem>>
    %dma_start3A_309 = arith.constant 0 : i32
    %dma_start3A_310 = arith.constant 0 : i32
    %dma_start3A_311 = tpu.memref_slice %arg2[%dma_start3A_309, %dma_start3A_310] : memref<20480x80xf32, #tpu.memory_space<hbm>> -> memref<20480x80xf32, #tpu.memory_space<hbm>>
    tpu.enqueue_indirect_dma source(%dma_start3A_311 : memref<20480x80xf32, #tpu.memory_space<hbm>>) target(%arg13 : memref<128x80xf32, #tpu.memory_space<vmem>>) offsets(%dma_start3A_308 : memref<128xi32, #tpu.memory_space<vmem>>) semaphore(%arg18 : memref<!tpu.dma_semaphore, #tpu.memory_space<semaphore_mem>>)
    %dma_start3A_312 = arith.constant 0 : i32
    %dma_start3A_313 = arith.constant 0 : i32
    %dma_start3A_314 = tpu.memref_slice %arg10[%dma_start3A_312, %dma_start3A_313] : memref<20x128xi32, #tpu.memory_space<vmem>> -> memref<1x128xi32, #tpu.memory_space<vmem>>
    %dma_start3A_315 = tpu.memref_squeeze %dma_start3A_314 : memref<1x128xi32, #tpu.memory_space<vmem>> -> memref<128xi32, #tpu.memory_space<vmem>>
    %dma_start3A_316 = arith.constant 0 : i32
    %dma_start3A_317 = arith.constant 0 : i32
    %dma_start3A_318 = tpu.memref_slice %arg2[%dma_start3A_316, %dma_start3A_317] : memref<20480x80xf32, #tpu.memory_space<hbm>> -> memref<20480x80xf32, #tpu.memory_space<hbm>>
    tpu.enqueue_indirect_dma source(%dma_start3A_318 : memref<20480x80xf32, #tpu.memory_space<hbm>>) target(%arg14 : memref<128x80xf32, #tpu.memory_space<vmem>>) offsets(%dma_start3A_315 : memref<128xi32, #tpu.memory_space<vmem>>) semaphore(%arg19 : memref<!tpu.dma_semaphore, #tpu.memory_space<semaphore_mem>>)
    %scan3A_319 = arith.constant 0 : i32
    %scan3A_320 = arith.constant 10 : i32
    %scan3A_321 = arith.addi %scan3A_319, %scan3A_320 : i32
    %scan3A_322 = arith.constant 1 : i32
    scf.for %scan3A_365 = %scan3A_319 to %scan3A_321 step %scan3A_322  : i32 {
      %mul3A_366 = arith.constant 1 : i32
      %mul3A_367 = arith.muli %scan3A_365, %mul3A_366 : i32
      %add3A_368 = arith.constant 0 : i32
      %add3A_369 = arith.addi %add3A_368, %mul3A_367 : i32
      %mul3A_370 = arith.constant 2 : i32
      %mul3A_371 = arith.muli %mul3A_370, %add3A_369 : i32
      %mul3A_372 = arith.constant 2 : i32
      %mul3A_373 = arith.muli %mul3A_372, %add3A_369 : i32
      %add3A_374 = arith.constant 1 : i32
      %add3A_375 = arith.addi %mul3A_373, %add3A_374 : i32
      %dma_wait3A_376 = arith.constant 0 : i32
      %dma_wait3A_377 = tpu.memref_slice %arg9[%mul3A_371, %dma_wait3A_376] : memref<20x128xi32, #tpu.memory_space<vmem>> -> memref<1x128xi32, #tpu.memory_space<vmem>>
      %dma_wait3A_378 = tpu.memref_squeeze %dma_wait3A_377 : memref<1x128xi32, #tpu.memory_space<vmem>> -> memref<128xi32, #tpu.memory_space<vmem>>
      %dma_wait3A_379 = arith.constant 0 : i32
      %dma_wait3A_380 = arith.constant 0 : i32
      %dma_wait3A_381 = tpu.memref_slice %arg2[%dma_wait3A_379, %dma_wait3A_380] : memref<20480x80xf32, #tpu.memory_space<hbm>> -> memref<20480x80xf32, #tpu.memory_space<hbm>>
      tpu.wait_indirect_dma semaphore(%arg18 : memref<!tpu.dma_semaphore, #tpu.memory_space<semaphore_mem>>) src(%dma_wait3A_381 : memref<20480x80xf32, #tpu.memory_space<hbm>>) dst(%arg13 : memref<128x80xf32, #tpu.memory_space<vmem>>)
      %dma_wait3A_382 = arith.constant 0 : i32
      %dma_wait3A_383 = tpu.memref_slice %arg10[%mul3A_371, %dma_wait3A_382] : memref<20x128xi32, #tpu.memory_space<vmem>> -> memref<1x128xi32, #tpu.memory_space<vmem>>
      %dma_wait3A_384 = tpu.memref_squeeze %dma_wait3A_383 : memref<1x128xi32, #tpu.memory_space<vmem>> -> memref<128xi32, #tpu.memory_space<vmem>>
      %dma_wait3A_385 = arith.constant 0 : i32
      %dma_wait3A_386 = arith.constant 0 : i32
      %dma_wait3A_387 = tpu.memref_slice %arg2[%dma_wait3A_385, %dma_wait3A_386] : memref<20480x80xf32, #tpu.memory_space<hbm>> -> memref<20480x80xf32, #tpu.memory_space<hbm>>
      tpu.wait_indirect_dma semaphore(%arg19 : memref<!tpu.dma_semaphore, #tpu.memory_space<semaphore_mem>>) src(%dma_wait3A_387 : memref<20480x80xf32, #tpu.memory_space<hbm>>) dst(%arg14 : memref<128x80xf32, #tpu.memory_space<vmem>>)
      %dma_start3A_388 = arith.constant 0 : i32
      %dma_start3A_389 = tpu.memref_slice %arg11[%mul3A_371, %dma_start3A_388] : memref<20x128xi32, #tpu.memory_space<vmem>> -> memref<1x128xi32, #tpu.memory_space<vmem>>
      %dma_start3A_390 = tpu.memref_squeeze %dma_start3A_389 : memref<1x128xi32, #tpu.memory_space<vmem>> -> memref<128xi32, #tpu.memory_space<vmem>>
      %dma_start3A_391 = arith.constant 0 : i32
      %dma_start3A_392 = arith.constant 0 : i32
      %dma_start3A_393 = tpu.memref_slice %arg17[%dma_start3A_391, %dma_start3A_392] : memref<5120x80xf32, #tpu.memory_space<vmem_shared>> -> memref<5120x80xf32, #tpu.memory_space<vmem_shared>>
      tpu.enqueue_indirect_dma source(%arg14 : memref<128x80xf32, #tpu.memory_space<vmem>>) target(%dma_start3A_393 : memref<5120x80xf32, #tpu.memory_space<vmem_shared>>) offsets(%dma_start3A_390 : memref<128xi32, #tpu.memory_space<vmem>>) semaphore(%arg22 : memref<!tpu.dma_semaphore, #tpu.memory_space<semaphore_mem>>) {add = true}
      %dma_start3A_394 = arith.constant 0 : i32
      %dma_start3A_395 = tpu.memref_slice %arg12[%mul3A_371, %dma_start3A_394] : memref<20x128xi32, #tpu.memory_space<vmem>> -> memref<1x128xi32, #tpu.memory_space<vmem>>
      %dma_start3A_396 = tpu.memref_squeeze %dma_start3A_395 : memref<1x128xi32, #tpu.memory_space<vmem>> -> memref<128xi32, #tpu.memory_space<vmem>>
      %dma_start3A_397 = arith.constant 0 : i32
      %dma_start3A_398 = arith.constant 0 : i32
      %dma_start3A_399 = tpu.memref_slice %arg17[%dma_start3A_397, %dma_start3A_398] : memref<5120x80xf32, #tpu.memory_space<vmem_shared>> -> memref<5120x80xf32, #tpu.memory_space<vmem_shared>>
      tpu.enqueue_indirect_dma source(%arg13 : memref<128x80xf32, #tpu.memory_space<vmem>>) target(%dma_start3A_399 : memref<5120x80xf32, #tpu.memory_space<vmem_shared>>) offsets(%dma_start3A_396 : memref<128xi32, #tpu.memory_space<vmem>>) semaphore(%arg23 : memref<!tpu.dma_semaphore, #tpu.memory_space<semaphore_mem>>) {add = true}
      %gt3A = arith.constant 0 : i32
      %gt3A_400 = arith.cmpi sgt, %add3A_369, %gt3A : i32
      %convert_element_type3A = arith.extui %gt3A_400 : i1 to i32
      %cond3A = arith.constant 0 : i32
      %cond3A_401 = arith.cmpi ne, %convert_element_type3A, %cond3A : i32
      scf.if %cond3A_401 {
        %dma_wait3A_454 = arith.constant 0 : i32
        %dma_wait3A_455 = arith.constant 0 : i32
        %dma_wait3A_456 = tpu.memref_slice %arg2[%dma_wait3A_454, %dma_wait3A_455] : memref<20480x80xf32, #tpu.memory_space<hbm>> -> memref<128x80xf32, #tpu.memory_space<hbm>>
        %dma_wait3A_457 = arith.constant 0 : i32
        %dma_wait3A_458 = arith.constant 0 : i32
        %dma_wait3A_459 = tpu.memref_slice %arg2[%dma_wait3A_457, %dma_wait3A_458] : memref<20480x80xf32, #tpu.memory_space<hbm>> -> memref<128x80xf32, #tpu.memory_space<hbm>>
        tpu.wait_dma2 semaphore(%arg24 : memref<!tpu.dma_semaphore, #tpu.memory_space<semaphore_mem>>) src(%dma_wait3A_459 : memref<128x80xf32, #tpu.memory_space<hbm>>) dst(%arg15 : memref<128x80xf32, #tpu.memory_space<vmem>>)
        %dma_wait3A_460 = arith.constant 0 : i32
        %dma_wait3A_461 = arith.constant 0 : i32
        %dma_wait3A_462 = tpu.memref_slice %arg2[%dma_wait3A_460, %dma_wait3A_461] : memref<20480x80xf32, #tpu.memory_space<hbm>> -> memref<128x80xf32, #tpu.memory_space<hbm>>
        %dma_wait3A_463 = arith.constant 0 : i32
        %dma_wait3A_464 = arith.constant 0 : i32
        %dma_wait3A_465 = tpu.memref_slice %arg2[%dma_wait3A_463, %dma_wait3A_464] : memref<20480x80xf32, #tpu.memory_space<hbm>> -> memref<128x80xf32, #tpu.memory_space<hbm>>
        tpu.wait_dma2 semaphore(%arg25 : memref<!tpu.dma_semaphore, #tpu.memory_space<semaphore_mem>>) src(%dma_wait3A_465 : memref<128x80xf32, #tpu.memory_space<hbm>>) dst(%arg16 : memref<128x80xf32, #tpu.memory_space<vmem>>)
      } else {
      }
      %dma_start3A_402 = arith.constant 0 : i32
      %dma_start3A_403 = tpu.memref_slice %arg9[%add3A_375, %dma_start3A_402] : memref<20x128xi32, #tpu.memory_space<vmem>> -> memref<1x128xi32, #tpu.memory_space<vmem>>
      %dma_start3A_404 = tpu.memref_squeeze %dma_start3A_403 : memref<1x128xi32, #tpu.memory_space<vmem>> -> memref<128xi32, #tpu.memory_space<vmem>>
      %dma_start3A_405 = arith.constant 0 : i32
      %dma_start3A_406 = arith.constant 0 : i32
      %dma_start3A_407 = tpu.memref_slice %arg2[%dma_start3A_405, %dma_start3A_406] : memref<20480x80xf32, #tpu.memory_space<hbm>> -> memref<20480x80xf32, #tpu.memory_space<hbm>>
      tpu.enqueue_indirect_dma source(%dma_start3A_407 : memref<20480x80xf32, #tpu.memory_space<hbm>>) target(%arg15 : memref<128x80xf32, #tpu.memory_space<vmem>>) offsets(%dma_start3A_404 : memref<128xi32, #tpu.memory_space<vmem>>) semaphore(%arg20 : memref<!tpu.dma_semaphore, #tpu.memory_space<semaphore_mem>>)
      %dma_start3A_408 = arith.constant 0 : i32
      %dma_start3A_409 = tpu.memref_slice %arg10[%add3A_375, %dma_start3A_408] : memref<20x128xi32, #tpu.memory_space<vmem>> -> memref<1x128xi32, #tpu.memory_space<vmem>>
      %dma_start3A_410 = tpu.memref_squeeze %dma_start3A_409 : memref<1x128xi32, #tpu.memory_space<vmem>> -> memref<128xi32, #tpu.memory_space<vmem>>
      %dma_start3A_411 = arith.constant 0 : i32
      %dma_start3A_412 = arith.constant 0 : i32
      %dma_start3A_413 = tpu.memref_slice %arg2[%dma_start3A_411, %dma_start3A_412] : memref<20480x80xf32, #tpu.memory_space<hbm>> -> memref<20480x80xf32, #tpu.memory_space<hbm>>
      tpu.enqueue_indirect_dma source(%dma_start3A_413 : memref<20480x80xf32, #tpu.memory_space<hbm>>) target(%arg16 : memref<128x80xf32, #tpu.memory_space<vmem>>) offsets(%dma_start3A_410 : memref<128xi32, #tpu.memory_space<vmem>>) semaphore(%arg21 : memref<!tpu.dma_semaphore, #tpu.memory_space<semaphore_mem>>)
      %dma_wait3A_414 = arith.constant 0 : i32
      %dma_wait3A_415 = tpu.memref_slice %arg9[%add3A_375, %dma_wait3A_414] : memref<20x128xi32, #tpu.memory_space<vmem>> -> memref<1x128xi32, #tpu.memory_space<vmem>>
      %dma_wait3A_416 = tpu.memref_squeeze %dma_wait3A_415 : memref<1x128xi32, #tpu.memory_space<vmem>> -> memref<128xi32, #tpu.memory_space<vmem>>
      %dma_wait3A_417 = arith.constant 0 : i32
      %dma_wait3A_418 = arith.constant 0 : i32
      %dma_wait3A_419 = tpu.memref_slice %arg2[%dma_wait3A_417, %dma_wait3A_418] : memref<20480x80xf32, #tpu.memory_space<hbm>> -> memref<20480x80xf32, #tpu.memory_space<hbm>>
      tpu.wait_indirect_dma semaphore(%arg20 : memref<!tpu.dma_semaphore, #tpu.memory_space<semaphore_mem>>) src(%dma_wait3A_419 : memref<20480x80xf32, #tpu.memory_space<hbm>>) dst(%arg15 : memref<128x80xf32, #tpu.memory_space<vmem>>)
      %dma_wait3A_420 = arith.constant 0 : i32
      %dma_wait3A_421 = tpu.memref_slice %arg10[%add3A_375, %dma_wait3A_420] : memref<20x128xi32, #tpu.memory_space<vmem>> -> memref<1x128xi32, #tpu.memory_space<vmem>>
      %dma_wait3A_422 = tpu.memref_squeeze %dma_wait3A_421 : memref<1x128xi32, #tpu.memory_space<vmem>> -> memref<128xi32, #tpu.memory_space<vmem>>
      %dma_wait3A_423 = arith.constant 0 : i32
      %dma_wait3A_424 = arith.constant 0 : i32
      %dma_wait3A_425 = tpu.memref_slice %arg2[%dma_wait3A_423, %dma_wait3A_424] : memref<20480x80xf32, #tpu.memory_space<hbm>> -> memref<20480x80xf32, #tpu.memory_space<hbm>>
      tpu.wait_indirect_dma semaphore(%arg21 : memref<!tpu.dma_semaphore, #tpu.memory_space<semaphore_mem>>) src(%dma_wait3A_425 : memref<20480x80xf32, #tpu.memory_space<hbm>>) dst(%arg16 : memref<128x80xf32, #tpu.memory_space<vmem>>)
      %dma_start3A_426 = arith.constant 0 : i32
      %dma_start3A_427 = tpu.memref_slice %arg11[%add3A_375, %dma_start3A_426] : memref<20x128xi32, #tpu.memory_space<vmem>> -> memref<1x128xi32, #tpu.memory_space<vmem>>
      %dma_start3A_428 = tpu.memref_squeeze %dma_start3A_427 : memref<1x128xi32, #tpu.memory_space<vmem>> -> memref<128xi32, #tpu.memory_space<vmem>>
      %dma_start3A_429 = arith.constant 0 : i32
      %dma_start3A_430 = arith.constant 0 : i32
      %dma_start3A_431 = tpu.memref_slice %arg17[%dma_start3A_429, %dma_start3A_430] : memref<5120x80xf32, #tpu.memory_space<vmem_shared>> -> memref<5120x80xf32, #tpu.memory_space<vmem_shared>>
      tpu.enqueue_indirect_dma source(%arg16 : memref<128x80xf32, #tpu.memory_space<vmem>>) target(%dma_start3A_431 : memref<5120x80xf32, #tpu.memory_space<vmem_shared>>) offsets(%dma_start3A_428 : memref<128xi32, #tpu.memory_space<vmem>>) semaphore(%arg24 : memref<!tpu.dma_semaphore, #tpu.memory_space<semaphore_mem>>) {add = true}
      %dma_start3A_432 = arith.constant 0 : i32
      %dma_start3A_433 = tpu.memref_slice %arg12[%add3A_375, %dma_start3A_432] : memref<20x128xi32, #tpu.memory_space<vmem>> -> memref<1x128xi32, #tpu.memory_space<vmem>>
      %dma_start3A_434 = tpu.memref_squeeze %dma_start3A_433 : memref<1x128xi32, #tpu.memory_space<vmem>> -> memref<128xi32, #tpu.memory_space<vmem>>
      %dma_start3A_435 = arith.constant 0 : i32
      %dma_start3A_436 = arith.constant 0 : i32
      %dma_start3A_437 = tpu.memref_slice %arg17[%dma_start3A_435, %dma_start3A_436] : memref<5120x80xf32, #tpu.memory_space<vmem_shared>> -> memref<5120x80xf32, #tpu.memory_space<vmem_shared>>
      tpu.enqueue_indirect_dma source(%arg15 : memref<128x80xf32, #tpu.memory_space<vmem>>) target(%dma_start3A_437 : memref<5120x80xf32, #tpu.memory_space<vmem_shared>>) offsets(%dma_start3A_434 : memref<128xi32, #tpu.memory_space<vmem>>) semaphore(%arg25 : memref<!tpu.dma_semaphore, #tpu.memory_space<semaphore_mem>>) {add = true}
      %dma_wait3A_438 = arith.constant 0 : i32
      %dma_wait3A_439 = arith.constant 0 : i32
      %dma_wait3A_440 = tpu.memref_slice %arg2[%dma_wait3A_438, %dma_wait3A_439] : memref<20480x80xf32, #tpu.memory_space<hbm>> -> memref<128x80xf32, #tpu.memory_space<hbm>>
      %dma_wait3A_441 = arith.constant 0 : i32
      %dma_wait3A_442 = arith.constant 0 : i32
      %dma_wait3A_443 = tpu.memref_slice %arg2[%dma_wait3A_441, %dma_wait3A_442] : memref<20480x80xf32, #tpu.memory_space<hbm>> -> memref<128x80xf32, #tpu.memory_space<hbm>>
      tpu.wait_dma2 semaphore(%arg22 : memref<!tpu.dma_semaphore, #tpu.memory_space<semaphore_mem>>) src(%dma_wait3A_443 : memref<128x80xf32, #tpu.memory_space<hbm>>) dst(%arg13 : memref<128x80xf32, #tpu.memory_space<vmem>>)
      %dma_wait3A_444 = arith.constant 0 : i32
      %dma_wait3A_445 = arith.constant 0 : i32
      %dma_wait3A_446 = tpu.memref_slice %arg2[%dma_wait3A_444, %dma_wait3A_445] : memref<20480x80xf32, #tpu.memory_space<hbm>> -> memref<128x80xf32, #tpu.memory_space<hbm>>
      %dma_wait3A_447 = arith.constant 0 : i32
      %dma_wait3A_448 = arith.constant 0 : i32
      %dma_wait3A_449 = tpu.memref_slice %arg2[%dma_wait3A_447, %dma_wait3A_448] : memref<20480x80xf32, #tpu.memory_space<hbm>> -> memref<128x80xf32, #tpu.memory_space<hbm>>
      tpu.wait_dma2 semaphore(%arg23 : memref<!tpu.dma_semaphore, #tpu.memory_space<semaphore_mem>>) src(%dma_wait3A_449 : memref<128x80xf32, #tpu.memory_space<hbm>>) dst(%arg14 : memref<128x80xf32, #tpu.memory_space<vmem>>)
      %lt3A = arith.constant 9 : i32
      %lt3A_450 = arith.cmpi slt, %add3A_369, %lt3A : i32
      %convert_element_type3A_451 = arith.extui %lt3A_450 : i1 to i32
      %cond3A_452 = arith.constant 0 : i32
      %cond3A_453 = arith.cmpi ne, %convert_element_type3A_451, %cond3A_452 : i32
      scf.if %cond3A_453 {
        %add3A_454 = arith.constant 2 : i32
        %add3A_455 = arith.addi %mul3A_371, %add3A_454 : i32
        %dma_start3A_456 = arith.constant 0 : i32
        %dma_start3A_457 = tpu.memref_slice %arg9[%add3A_455, %dma_start3A_456] : memref<20x128xi32, #tpu.memory_space<vmem>> -> memref<1x128xi32, #tpu.memory_space<vmem>>
        %dma_start3A_458 = tpu.memref_squeeze %dma_start3A_457 : memref<1x128xi32, #tpu.memory_space<vmem>> -> memref<128xi32, #tpu.memory_space<vmem>>
        %dma_start3A_459 = arith.constant 0 : i32
        %dma_start3A_460 = arith.constant 0 : i32
        %dma_start3A_461 = tpu.memref_slice %arg2[%dma_start3A_459, %dma_start3A_460] : memref<20480x80xf32, #tpu.memory_space<hbm>> -> memref<20480x80xf32, #tpu.memory_space<hbm>>
        tpu.enqueue_indirect_dma source(%dma_start3A_461 : memref<20480x80xf32, #tpu.memory_space<hbm>>) target(%arg13 : memref<128x80xf32, #tpu.memory_space<vmem>>) offsets(%dma_start3A_458 : memref<128xi32, #tpu.memory_space<vmem>>) semaphore(%arg18 : memref<!tpu.dma_semaphore, #tpu.memory_space<semaphore_mem>>)
        %add3A_462 = arith.constant 2 : i32
        %add3A_463 = arith.addi %mul3A_371, %add3A_462 : i32
        %dma_start3A_464 = arith.constant 0 : i32
        %dma_start3A_465 = tpu.memref_slice %arg10[%add3A_463, %dma_start3A_464] : memref<20x128xi32, #tpu.memory_space<vmem>> -> memref<1x128xi32, #tpu.memory_space<vmem>>
        %dma_start3A_466 = tpu.memref_squeeze %dma_start3A_465 : memref<1x128xi32, #tpu.memory_space<vmem>> -> memref<128xi32, #tpu.memory_space<vmem>>
        %dma_start3A_467 = arith.constant 0 : i32
        %dma_start3A_468 = arith.constant 0 : i32
        %dma_start3A_469 = tpu.memref_slice %arg2[%dma_start3A_467, %dma_start3A_468] : memref<20480x80xf32, #tpu.memory_space<hbm>> -> memref<20480x80xf32, #tpu.memory_space<hbm>>
        tpu.enqueue_indirect_dma source(%dma_start3A_469 : memref<20480x80xf32, #tpu.memory_space<hbm>>) target(%arg14 : memref<128x80xf32, #tpu.memory_space<vmem>>) offsets(%dma_start3A_466 : memref<128xi32, #tpu.memory_space<vmem>>) semaphore(%arg19 : memref<!tpu.dma_semaphore, #tpu.memory_space<semaphore_mem>>)
      } else {
      }
    }
    %scan3A_323 = arith.constant 10 : i32
    %dma_wait3A_324 = arith.constant 0 : i32
    %dma_wait3A_325 = arith.constant 0 : i32
    %dma_wait3A_326 = tpu.memref_slice %arg2[%dma_wait3A_324, %dma_wait3A_325] : memref<20480x80xf32, #tpu.memory_space<hbm>> -> memref<128x80xf32, #tpu.memory_space<hbm>>
    %dma_wait3A_327 = arith.constant 0 : i32
    %dma_wait3A_328 = arith.constant 0 : i32
    %dma_wait3A_329 = tpu.memref_slice %arg2[%dma_wait3A_327, %dma_wait3A_328] : memref<20480x80xf32, #tpu.memory_space<hbm>> -> memref<128x80xf32, #tpu.memory_space<hbm>>
    tpu.wait_dma2 semaphore(%arg24 : memref<!tpu.dma_semaphore, #tpu.memory_space<semaphore_mem>>) src(%dma_wait3A_329 : memref<128x80xf32, #tpu.memory_space<hbm>>) dst(%arg15 : memref<128x80xf32, #tpu.memory_space<vmem>>)
    %dma_wait3A_330 = arith.constant 0 : i32
    %dma_wait3A_331 = arith.constant 0 : i32
    %dma_wait3A_332 = tpu.memref_slice %arg2[%dma_wait3A_330, %dma_wait3A_331] : memref<20480x80xf32, #tpu.memory_space<hbm>> -> memref<128x80xf32, #tpu.memory_space<hbm>>
    %dma_wait3A_333 = arith.constant 0 : i32
    %dma_wait3A_334 = arith.constant 0 : i32
    %dma_wait3A_335 = tpu.memref_slice %arg2[%dma_wait3A_333, %dma_wait3A_334] : memref<20480x80xf32, #tpu.memory_space<hbm>> -> memref<128x80xf32, #tpu.memory_space<hbm>>
    tpu.wait_dma2 semaphore(%arg25 : memref<!tpu.dma_semaphore, #tpu.memory_space<semaphore_mem>>) src(%dma_wait3A_335 : memref<128x80xf32, #tpu.memory_space<hbm>>) dst(%arg16 : memref<128x80xf32, #tpu.memory_space<vmem>>)
    %barrier3A_336 = arith.constant 0 : index
    tpu.barrier barrier_id(%barrier3A_336)
    %mul3A_337 = arith.constant 80 : i32
    %mul3A_338 = arith.muli %arg1, %mul3A_337 : i32
    %add3A_339 = arith.constant 0 : i32
    %add3A_340 = arith.addi %add3A_339, %mul3A_338 : i32
    %mul3A_341 = arith.constant 80 : i32
    %mul3A_342 = arith.muli %arg1, %mul3A_341 : i32
    %run_scoped3A_343 = arith.constant 4 : i32
    "tpu.region"() ({
      %run_scoped3A_365 = tpu.sem_alloc : memref<!tpu.dma_semaphore, #tpu.memory_space<semaphore_mem>>
      %dma_start3A_366 = arith.constant 0 : i32
      %dma_start3A_367 = tpu.memref_slice %arg8[%run_scoped3A_343, %arg0, %mul3A_342, %dma_start3A_366] : memref<8x2x1280x80xf32, #tpu.memory_space<hbm>> -> memref<1x1x80x80xf32, #tpu.memory_space<hbm>>
      %dma_start3A_368 = tpu.memref_squeeze %dma_start3A_367 : memref<1x1x80x80xf32, #tpu.memory_space<hbm>> -> memref<80x80xf32, #tpu.memory_space<hbm>>
      %dma_start3A_369 = arith.constant 0 : i32
      %dma_start3A_370 = tpu.memref_slice %arg17[%add3A_340, %dma_start3A_369] : memref<5120x80xf32, #tpu.memory_space<vmem_shared>> -> memref<80x80xf32, #tpu.memory_space<vmem_shared>>
      tpu.enqueue_dma source(%dma_start3A_370 : memref<80x80xf32, #tpu.memory_space<vmem_shared>>) target(%dma_start3A_368 : memref<80x80xf32, #tpu.memory_space<hbm>>) target_semaphore(%run_scoped3A_365 : memref<!tpu.dma_semaphore, #tpu.memory_space<semaphore_mem>>)
      %dma_wait3A_371 = arith.constant 0 : i32
      %dma_wait3A_372 = tpu.memref_slice %arg8[%run_scoped3A_343, %arg0, %mul3A_342, %dma_wait3A_371] : memref<8x2x1280x80xf32, #tpu.memory_space<hbm>> -> memref<1x1x80x80xf32, #tpu.memory_space<hbm>>
      %dma_wait3A_373 = tpu.memref_squeeze %dma_wait3A_372 : memref<1x1x80x80xf32, #tpu.memory_space<hbm>> -> memref<80x80xf32, #tpu.memory_space<hbm>>
      %dma_wait3A_374 = arith.constant 0 : i32
      %dma_wait3A_375 = tpu.memref_slice %arg17[%add3A_340, %dma_wait3A_374] : memref<5120x80xf32, #tpu.memory_space<vmem_shared>> -> memref<80x80xf32, #tpu.memory_space<vmem_shared>>
      tpu.wait_dma2 semaphore(%run_scoped3A_365 : memref<!tpu.dma_semaphore, #tpu.memory_space<semaphore_mem>>) src(%dma_wait3A_375 : memref<80x80xf32, #tpu.memory_space<vmem_shared>>) dst(%dma_wait3A_373 : memref<80x80xf32, #tpu.memory_space<hbm>>)
      tpu.yield
    }) : () -> ()
    %mul3A_344 = arith.constant 80 : i32
    %mul3A_345 = arith.muli %arg1, %mul3A_344 : i32
    %add3A_346 = arith.constant 1280 : i32
    %add3A_347 = arith.addi %add3A_346, %mul3A_345 : i32
    %mul3A_348 = arith.constant 80 : i32
    %mul3A_349 = arith.muli %arg1, %mul3A_348 : i32
    %run_scoped3A_350 = arith.constant 5 : i32
    "tpu.region"() ({
      %run_scoped3A_365 = tpu.sem_alloc : memref<!tpu.dma_semaphore, #tpu.memory_space<semaphore_mem>>
      %dma_start3A_366 = arith.constant 0 : i32
      %dma_start3A_367 = tpu.memref_slice %arg8[%run_scoped3A_350, %arg0, %mul3A_349, %dma_start3A_366] : memref<8x2x1280x80xf32, #tpu.memory_space<hbm>> -> memref<1x1x80x80xf32, #tpu.memory_space<hbm>>
      %dma_start3A_368 = tpu.memref_squeeze %dma_start3A_367 : memref<1x1x80x80xf32, #tpu.memory_space<hbm>> -> memref<80x80xf32, #tpu.memory_space<hbm>>
      %dma_start3A_369 = arith.constant 0 : i32
      %dma_start3A_370 = tpu.memref_slice %arg17[%add3A_347, %dma_start3A_369] : memref<5120x80xf32, #tpu.memory_space<vmem_shared>> -> memref<80x80xf32, #tpu.memory_space<vmem_shared>>
      tpu.enqueue_dma source(%dma_start3A_370 : memref<80x80xf32, #tpu.memory_space<vmem_shared>>) target(%dma_start3A_368 : memref<80x80xf32, #tpu.memory_space<hbm>>) target_semaphore(%run_scoped3A_365 : memref<!tpu.dma_semaphore, #tpu.memory_space<semaphore_mem>>)
      %dma_wait3A_371 = arith.constant 0 : i32
      %dma_wait3A_372 = tpu.memref_slice %arg8[%run_scoped3A_350, %arg0, %mul3A_349, %dma_wait3A_371] : memref<8x2x1280x80xf32, #tpu.memory_space<hbm>> -> memref<1x1x80x80xf32, #tpu.memory_space<hbm>>
      %dma_wait3A_373 = tpu.memref_squeeze %dma_wait3A_372 : memref<1x1x80x80xf32, #tpu.memory_space<hbm>> -> memref<80x80xf32, #tpu.memory_space<hbm>>
      %dma_wait3A_374 = arith.constant 0 : i32
      %dma_wait3A_375 = tpu.memref_slice %arg17[%add3A_347, %dma_wait3A_374] : memref<5120x80xf32, #tpu.memory_space<vmem_shared>> -> memref<80x80xf32, #tpu.memory_space<vmem_shared>>
      tpu.wait_dma2 semaphore(%run_scoped3A_365 : memref<!tpu.dma_semaphore, #tpu.memory_space<semaphore_mem>>) src(%dma_wait3A_375 : memref<80x80xf32, #tpu.memory_space<vmem_shared>>) dst(%dma_wait3A_373 : memref<80x80xf32, #tpu.memory_space<hbm>>)
      tpu.yield
    }) : () -> ()
    %mul3A_351 = arith.constant 80 : i32
    %mul3A_352 = arith.muli %arg1, %mul3A_351 : i32
    %add3A_353 = arith.constant 2560 : i32
    %add3A_354 = arith.addi %add3A_353, %mul3A_352 : i32
    %mul3A_355 = arith.constant 80 : i32
    %mul3A_356 = arith.muli %arg1, %mul3A_355 : i32
    %run_scoped3A_357 = arith.constant 6 : i32
    "tpu.region"() ({
      %run_scoped3A_365 = tpu.sem_alloc : memref<!tpu.dma_semaphore, #tpu.memory_space<semaphore_mem>>
      %dma_start3A_366 = arith.constant 0 : i32
      %dma_start3A_367 = tpu.memref_slice %arg8[%run_scoped3A_357, %arg0, %mul3A_356, %dma_start3A_366] : memref<8x2x1280x80xf32, #tpu.memory_space<hbm>> -> memref<1x1x80x80xf32, #tpu.memory_space<hbm>>
      %dma_start3A_368 = tpu.memref_squeeze %dma_start3A_367 : memref<1x1x80x80xf32, #tpu.memory_space<hbm>> -> memref<80x80xf32, #tpu.memory_space<hbm>>
      %dma_start3A_369 = arith.constant 0 : i32
      %dma_start3A_370 = tpu.memref_slice %arg17[%add3A_354, %dma_start3A_369] : memref<5120x80xf32, #tpu.memory_space<vmem_shared>> -> memref<80x80xf32, #tpu.memory_space<vmem_shared>>
      tpu.enqueue_dma source(%dma_start3A_370 : memref<80x80xf32, #tpu.memory_space<vmem_shared>>) target(%dma_start3A_368 : memref<80x80xf32, #tpu.memory_space<hbm>>) target_semaphore(%run_scoped3A_365 : memref<!tpu.dma_semaphore, #tpu.memory_space<semaphore_mem>>)
      %dma_wait3A_371 = arith.constant 0 : i32
      %dma_wait3A_372 = tpu.memref_slice %arg8[%run_scoped3A_357, %arg0, %mul3A_356, %dma_wait3A_371] : memref<8x2x1280x80xf32, #tpu.memory_space<hbm>> -> memref<1x1x80x80xf32, #tpu.memory_space<hbm>>
      %dma_wait3A_373 = tpu.memref_squeeze %dma_wait3A_372 : memref<1x1x80x80xf32, #tpu.memory_space<hbm>> -> memref<80x80xf32, #tpu.memory_space<hbm>>
      %dma_wait3A_374 = arith.constant 0 : i32
      %dma_wait3A_375 = tpu.memref_slice %arg17[%add3A_354, %dma_wait3A_374] : memref<5120x80xf32, #tpu.memory_space<vmem_shared>> -> memref<80x80xf32, #tpu.memory_space<vmem_shared>>
      tpu.wait_dma2 semaphore(%run_scoped3A_365 : memref<!tpu.dma_semaphore, #tpu.memory_space<semaphore_mem>>) src(%dma_wait3A_375 : memref<80x80xf32, #tpu.memory_space<vmem_shared>>) dst(%dma_wait3A_373 : memref<80x80xf32, #tpu.memory_space<hbm>>)
      tpu.yield
    }) : () -> ()
    %mul3A_358 = arith.constant 80 : i32
    %mul3A_359 = arith.muli %arg1, %mul3A_358 : i32
    %add3A_360 = arith.constant 3840 : i32
    %add3A_361 = arith.addi %add3A_360, %mul3A_359 : i32
    %mul3A_362 = arith.constant 80 : i32
    %mul3A_363 = arith.muli %arg1, %mul3A_362 : i32
    %run_scoped3A_364 = arith.constant 7 : i32
    "tpu.region"() ({
      %run_scoped3A_365 = tpu.sem_alloc : memref<!tpu.dma_semaphore, #tpu.memory_space<semaphore_mem>>
      %dma_start3A_366 = arith.constant 0 : i32
      %dma_start3A_367 = tpu.memref_slice %arg8[%run_scoped3A_364, %arg0, %mul3A_363, %dma_start3A_366] : memref<8x2x1280x80xf32, #tpu.memory_space<hbm>> -> memref<1x1x80x80xf32, #tpu.memory_space<hbm>>
      %dma_start3A_368 = tpu.memref_squeeze %dma_start3A_367 : memref<1x1x80x80xf32, #tpu.memory_space<hbm>> -> memref<80x80xf32, #tpu.memory_space<hbm>>
      %dma_start3A_369 = arith.constant 0 : i32
      %dma_start3A_370 = tpu.memref_slice %arg17[%add3A_361, %dma_start3A_369] : memref<5120x80xf32, #tpu.memory_space<vmem_shared>> -> memref<80x80xf32, #tpu.memory_space<vmem_shared>>
      tpu.enqueue_dma source(%dma_start3A_370 : memref<80x80xf32, #tpu.memory_space<vmem_shared>>) target(%dma_start3A_368 : memref<80x80xf32, #tpu.memory_space<hbm>>) target_semaphore(%run_scoped3A_365 : memref<!tpu.dma_semaphore, #tpu.memory_space<semaphore_mem>>)
      %dma_wait3A_371 = arith.constant 0 : i32
      %dma_wait3A_372 = tpu.memref_slice %arg8[%run_scoped3A_364, %arg0, %mul3A_363, %dma_wait3A_371] : memref<8x2x1280x80xf32, #tpu.memory_space<hbm>> -> memref<1x1x80x80xf32, #tpu.memory_space<hbm>>
      %dma_wait3A_373 = tpu.memref_squeeze %dma_wait3A_372 : memref<1x1x80x80xf32, #tpu.memory_space<hbm>> -> memref<80x80xf32, #tpu.memory_space<hbm>>
      %dma_wait3A_374 = arith.constant 0 : i32
      %dma_wait3A_375 = tpu.memref_slice %arg17[%add3A_361, %dma_wait3A_374] : memref<5120x80xf32, #tpu.memory_space<vmem_shared>> -> memref<80x80xf32, #tpu.memory_space<vmem_shared>>
      tpu.wait_dma2 semaphore(%run_scoped3A_365 : memref<!tpu.dma_semaphore, #tpu.memory_space<semaphore_mem>>) src(%dma_wait3A_375 : memref<80x80xf32, #tpu.memory_space<vmem_shared>>) dst(%dma_wait3A_373 : memref<80x80xf32, #tpu.memory_space<hbm>>)
      tpu.yield
    }) : () -> ()
    return
  }
}

module attributes {stable_mosaic.version = 14 : i64} {
  func.func @_pre_body(%arg0: i32, %arg1: memref<1x1184x32xf32, #tpu.memory_space<vmem>>, %arg2: memref<1x1184x64xf32, #tpu.memory_space<vmem>>, %arg3: memref<32x64xf32, #tpu.memory_space<vmem>>, %arg4: memref<64xf32, #tpu.memory_space<vmem>>, %arg5: memref<64x64xf32, #tpu.memory_space<vmem>>, %arg6: memref<64xf32, #tpu.memory_space<vmem>>, %arg7: memref<64x64xf32, #tpu.memory_space<vmem>>, %arg8: memref<64xf32, #tpu.memory_space<vmem>>, %arg9: memref<64x64xf32, #tpu.memory_space<vmem>>, %arg10: memref<64xf32, #tpu.memory_space<vmem>>, %arg11: memref<64x64xf32, #tpu.memory_space<vmem>>, %arg12: memref<64xf32, #tpu.memory_space<vmem>>, %arg13: memref<1x2x1280x80xf32, #tpu.memory_space<vmem>>, %arg14: memref<1x1184x64xf32, #tpu.memory_space<vmem>>) attributes {dimension_semantics = [#tpu.dimension_semantics<arbitrary>], iteration_bounds = array<i64: 8>, scalar_prefetch = 0 : i64, scratch_operands = 0 : i64, tpu.core_type = #tpu.core_type<tc>, window_params = [{transform_indices = @transform_0, window_bounds = array<i64: 1, 1184, 32>}, {pipeline_mode = #tpu.pipeline_mode<synchronous>, transform_indices = @transform_1, window_bounds = array<i64: 1, 1184, 64>}, {pipeline_mode = #tpu.pipeline_mode<synchronous>, transform_indices = @transform_2, window_bounds = array<i64: 32, 64>}, {pipeline_mode = #tpu.pipeline_mode<synchronous>, transform_indices = @transform_3, window_bounds = array<i64: 64>}, {pipeline_mode = #tpu.pipeline_mode<synchronous>, transform_indices = @transform_4, window_bounds = array<i64: 64, 64>}, {pipeline_mode = #tpu.pipeline_mode<synchronous>, transform_indices = @transform_5, window_bounds = array<i64: 64>}, {pipeline_mode = #tpu.pipeline_mode<synchronous>, transform_indices = @transform_6, window_bounds = array<i64: 64, 64>}, {pipeline_mode = #tpu.pipeline_mode<synchronous>, transform_indices = @transform_7, window_bounds = array<i64: 64>}, {pipeline_mode = #tpu.pipeline_mode<synchronous>, transform_indices = @transform_8, window_bounds = array<i64: 64, 64>}, {pipeline_mode = #tpu.pipeline_mode<synchronous>, transform_indices = @transform_9, window_bounds = array<i64: 64>}, {pipeline_mode = #tpu.pipeline_mode<synchronous>, transform_indices = @transform_10, window_bounds = array<i64: 64, 64>}, {pipeline_mode = #tpu.pipeline_mode<synchronous>, transform_indices = @transform_11, window_bounds = array<i64: 64>}, {transform_indices = @transform_12, window_bounds = array<i64: 1, 2, 1280, 80>}, {transform_indices = @transform_13, window_bounds = array<i64: 1, 1184, 64>}]} {
    %get3A = arith.constant 0 : index
    %get3A_0 = arith.constant 0 : index
    %get3A_1 = arith.constant 0 : index
    %get3A_2 = vector.load %arg1[%get3A, %get3A_0, %get3A_1] : memref<1x1184x32xf32, #tpu.memory_space<vmem>>, vector<1x1184x32xf32>
    %get3A_3 = vector.shape_cast %get3A_2 : vector<1x1184x32xf32> to vector<1184x32xf32>
    %get3A_4 = arith.constant 0 : index
    %get3A_5 = arith.constant 0 : index
    %get3A_6 = vector.load %arg3[%get3A_4, %get3A_5] : memref<32x64xf32, #tpu.memory_space<vmem>>, vector<32x64xf32>
    %dot_general3A = arith.constant dense<0.000000e+00> : vector<1184x64xf32>
    %dot_general3A_7 = tpu.matmul %get3A_3, %get3A_6, %dot_general3A {dimension_numbers = #tpu.dot_dimension_numbers<[1], [0], [0], [1], [0, 0, 1, 1], [], []>, transpose_lhs_hint = false} : vector<1184x32xf32>, vector<32x64xf32>, vector<1184x64xf32> -> vector<1184x64xf32>
    %get3A_8 = arith.constant 0 : index
    %get3A_9 = vector.load %arg4[%get3A_8] : memref<64xf32, #tpu.memory_space<vmem>>, vector<64xf32>
    %broadcast_in_dim3A = vector.shape_cast %get3A_9 : vector<64xf32> to vector<1x64xf32>
    %add3A = vector.broadcast %broadcast_in_dim3A : vector<1x64xf32> to vector<1184x64xf32>
    %add3A_10 = arith.addf %dot_general3A_7, %add3A : vector<1184x64xf32>
    %tanh3A = math.tanh %add3A_10 : vector<1184x64xf32>
    %get3A_11 = arith.constant 0 : index
    %get3A_12 = arith.constant 0 : index
    %get3A_13 = arith.constant 0 : index
    %get3A_14 = vector.load %arg2[%get3A_11, %get3A_12, %get3A_13] : memref<1x1184x64xf32, #tpu.memory_space<vmem>>, vector<1x1184x64xf32>
    %get3A_15 = vector.shape_cast %get3A_14 : vector<1x1184x64xf32> to vector<1184x64xf32>
    %add3A_16 = arith.addf %tanh3A, %get3A_15 : vector<1184x64xf32>
    %swap3A = arith.constant 0 : index
    %swap3A_17 = arith.constant 0 : index
    %swap3A_18 = arith.constant 0 : index
    %swap3A_19 = vector.load %arg14[%swap3A, %swap3A_17, %swap3A_18] : memref<1x1184x64xf32, #tpu.memory_space<vmem>>, vector<1x1184x64xf32>
    %swap3A_20 = vector.shape_cast %swap3A_19 : vector<1x1184x64xf32> to vector<1184x64xf32>
    %swap3A_21 = vector.shape_cast %add3A_16 : vector<1184x64xf32> to vector<1x1184x64xf32>
    tpu.vector_store %arg14[%swap3A, %swap3A_17, %swap3A_18], %swap3A_21 {strides = array<i32>} : memref<1x1184x64xf32, #tpu.memory_space<vmem>>, vector<1x1184x64xf32>,
    %iota3A = tpu.iota {dimensions = array<i32: 0>} : vector<1184x80xi32>
    %lt3A = arith.constant 1177 : i32
    %lt3A_22 = vector.broadcast %lt3A : i32 to vector<1184x80xi32>
    %lt3A_23 = arith.cmpi slt, %iota3A, %lt3A_22 : vector<1184x80xi32>
    %broadcast_in_dim3A_24 = arith.constant 1.000000e+00 : f32
    %broadcast_in_dim3A_25 = vector.broadcast %broadcast_in_dim3A_24 : f32 to vector<1184x16xf32>
    %get3A_26 = arith.constant 0 : index
    %get3A_27 = arith.constant 0 : index
    %get3A_28 = vector.load %arg5[%get3A_26, %get3A_27] : memref<64x64xf32, #tpu.memory_space<vmem>>, vector<64x64xf32>
    %dot_general3A_29 = arith.constant dense<0.000000e+00> : vector<1184x64xf32>
    %dot_general3A_30 = tpu.matmul %add3A_16, %get3A_28, %dot_general3A_29 {dimension_numbers = #tpu.dot_dimension_numbers<[1], [0], [0], [1], [0, 0, 1, 1], [], []>, transpose_lhs_hint = false} : vector<1184x64xf32>, vector<64x64xf32>, vector<1184x64xf32> -> vector<1184x64xf32>
    %get3A_31 = arith.constant 0 : index
    %get3A_32 = vector.load %arg6[%get3A_31] : memref<64xf32, #tpu.memory_space<vmem>>, vector<64xf32>
    %broadcast_in_dim3A_33 = vector.shape_cast %get3A_32 : vector<64xf32> to vector<1x64xf32>
    %add3A_34 = vector.broadcast %broadcast_in_dim3A_33 : vector<1x64xf32> to vector<1184x64xf32>
    %add3A_35 = arith.addf %dot_general3A_30, %add3A_34 : vector<1184x64xf32>
    %tanh3A_36 = math.tanh %add3A_35 : vector<1184x64xf32>
    %get3A_37 = arith.constant 0 : index
    %get3A_38 = arith.constant 0 : index
    %get3A_39 = vector.load %arg7[%get3A_37, %get3A_38] : memref<64x64xf32, #tpu.memory_space<vmem>>, vector<64x64xf32>
    %dot_general3A_40 = arith.constant dense<0.000000e+00> : vector<1184x64xf32>
    %dot_general3A_41 = tpu.matmul %tanh3A_36, %get3A_39, %dot_general3A_40 {dimension_numbers = #tpu.dot_dimension_numbers<[1], [0], [0], [1], [0, 0, 1, 1], [], []>, transpose_lhs_hint = false} : vector<1184x64xf32>, vector<64x64xf32>, vector<1184x64xf32> -> vector<1184x64xf32>
    %get3A_42 = arith.constant 0 : index
    %get3A_43 = vector.load %arg8[%get3A_42] : memref<64xf32, #tpu.memory_space<vmem>>, vector<64xf32>
    %broadcast_in_dim3A_44 = vector.shape_cast %get3A_43 : vector<64xf32> to vector<1x64xf32>
    %add3A_45 = vector.broadcast %broadcast_in_dim3A_44 : vector<1x64xf32> to vector<1184x64xf32>
    %add3A_46 = arith.addf %dot_general3A_41, %add3A_45 : vector<1184x64xf32>
    %tanh3A_47 = math.tanh %add3A_46 : vector<1184x64xf32>
    %get3A_48 = arith.constant 0 : index
    %get3A_49 = arith.constant 0 : index
    %get3A_50 = vector.load %arg9[%get3A_48, %get3A_49] : memref<64x64xf32, #tpu.memory_space<vmem>>, vector<64x64xf32>
    %dot_general3A_51 = arith.constant dense<0.000000e+00> : vector<1184x64xf32>
    %dot_general3A_52 = tpu.matmul %add3A_16, %get3A_50, %dot_general3A_51 {dimension_numbers = #tpu.dot_dimension_numbers<[1], [0], [0], [1], [0, 0, 1, 1], [], []>, transpose_lhs_hint = false} : vector<1184x64xf32>, vector<64x64xf32>, vector<1184x64xf32> -> vector<1184x64xf32>
    %get3A_53 = arith.constant 0 : index
    %get3A_54 = vector.load %arg10[%get3A_53] : memref<64xf32, #tpu.memory_space<vmem>>, vector<64xf32>
    %broadcast_in_dim3A_55 = vector.shape_cast %get3A_54 : vector<64xf32> to vector<1x64xf32>
    %add3A_56 = vector.broadcast %broadcast_in_dim3A_55 : vector<1x64xf32> to vector<1184x64xf32>
    %add3A_57 = arith.addf %dot_general3A_52, %add3A_56 : vector<1184x64xf32>
    %tanh3A_58 = math.tanh %add3A_57 : vector<1184x64xf32>
    %get3A_59 = arith.constant 0 : index
    %get3A_60 = arith.constant 0 : index
    %get3A_61 = vector.load %arg11[%get3A_59, %get3A_60] : memref<64x64xf32, #tpu.memory_space<vmem>>, vector<64x64xf32>
    %dot_general3A_62 = arith.constant dense<0.000000e+00> : vector<1184x64xf32>
    %dot_general3A_63 = tpu.matmul %tanh3A_58, %get3A_61, %dot_general3A_62 {dimension_numbers = #tpu.dot_dimension_numbers<[1], [0], [0], [1], [0, 0, 1, 1], [], []>, transpose_lhs_hint = false} : vector<1184x64xf32>, vector<64x64xf32>, vector<1184x64xf32> -> vector<1184x64xf32>
    %get3A_64 = arith.constant 0 : index
    %get3A_65 = vector.load %arg12[%get3A_64] : memref<64xf32, #tpu.memory_space<vmem>>, vector<64xf32>
    %broadcast_in_dim3A_66 = vector.shape_cast %get3A_65 : vector<64xf32> to vector<1x64xf32>
    %add3A_67 = vector.broadcast %broadcast_in_dim3A_66 : vector<1x64xf32> to vector<1184x64xf32>
    %add3A_68 = arith.addf %dot_general3A_63, %add3A_67 : vector<1184x64xf32>
    %tanh3A_69 = math.tanh %add3A_68 : vector<1184x64xf32>
    %broadcast_in_dim3A_70 = arith.constant 0.000000e+00 : f32
    %broadcast_in_dim3A_71 = vector.broadcast %broadcast_in_dim3A_70 : f32 to vector<96x80xf32>
    %concatenate3A = tpu.concatenate %tanh3A_47, %broadcast_in_dim3A_25 in 1 : vector<1184x64xf32>, vector<1184x16xf32> -> vector<1184x80xf32>
    %jit3A = arith.constant 0.000000e+00 : f32
    %broadcast_in_dim3A_72 = vector.broadcast %jit3A : f32 to vector<1184x80xf32>
    %select_n3A = arith.select %lt3A_23, %concatenate3A, %broadcast_in_dim3A_72 : vector<1184x80xi1>, vector<1184x80xf32>
    %swap3A_73 = arith.constant 0 : index
    %swap3A_74 = arith.constant 0 : index
    %swap3A_75 = arith.constant 0 : index
    %swap3A_76 = arith.constant 0 : index
    %swap3A_77 = vector.load %arg13[%swap3A_73, %swap3A_74, %swap3A_75, %swap3A_76] : memref<1x2x1280x80xf32, #tpu.memory_space<vmem>>, vector<1x1x1184x80xf32>
    %swap3A_78 = vector.shape_cast %swap3A_77 : vector<1x1x1184x80xf32> to vector<1184x80xf32>
    %swap3A_79 = vector.shape_cast %select_n3A : vector<1184x80xf32> to vector<1x1x1184x80xf32>
    tpu.vector_store %arg13[%swap3A_73, %swap3A_74, %swap3A_75, %swap3A_76], %swap3A_79 {strides = array<i32>} : memref<1x2x1280x80xf32, #tpu.memory_space<vmem>>, vector<1x1x1184x80xf32>,
    %swap3A_80 = arith.constant 0 : index
    %swap3A_81 = arith.constant 0 : index
    %swap3A_82 = arith.constant 1184 : index
    %swap3A_83 = arith.constant 0 : index
    %swap3A_84 = vector.load %arg13[%swap3A_80, %swap3A_81, %swap3A_82, %swap3A_83] : memref<1x2x1280x80xf32, #tpu.memory_space<vmem>>, vector<1x1x96x80xf32>
    %swap3A_85 = vector.shape_cast %swap3A_84 : vector<1x1x96x80xf32> to vector<96x80xf32>
    %swap3A_86 = vector.shape_cast %broadcast_in_dim3A_71 : vector<96x80xf32> to vector<1x1x96x80xf32>
    tpu.vector_store %arg13[%swap3A_80, %swap3A_81, %swap3A_82, %swap3A_83], %swap3A_86 {strides = array<i32>} : memref<1x2x1280x80xf32, #tpu.memory_space<vmem>>, vector<1x1x96x80xf32>,
    %concatenate3A_87 = tpu.concatenate %tanh3A_69, %broadcast_in_dim3A_25 in 1 : vector<1184x64xf32>, vector<1184x16xf32> -> vector<1184x80xf32>
    %jit3A_88 = arith.constant 0.000000e+00 : f32
    %broadcast_in_dim3A_89 = vector.broadcast %jit3A_88 : f32 to vector<1184x80xf32>
    %select_n3A_90 = arith.select %lt3A_23, %concatenate3A_87, %broadcast_in_dim3A_89 : vector<1184x80xi1>, vector<1184x80xf32>
    %swap3A_91 = arith.constant 0 : index
    %swap3A_92 = arith.constant 1 : index
    %swap3A_93 = arith.constant 0 : index
    %swap3A_94 = arith.constant 0 : index
    %swap3A_95 = vector.load %arg13[%swap3A_91, %swap3A_92, %swap3A_93, %swap3A_94] : memref<1x2x1280x80xf32, #tpu.memory_space<vmem>>, vector<1x1x1184x80xf32>
    %swap3A_96 = vector.shape_cast %swap3A_95 : vector<1x1x1184x80xf32> to vector<1184x80xf32>
    %swap3A_97 = vector.shape_cast %select_n3A_90 : vector<1184x80xf32> to vector<1x1x1184x80xf32>
    tpu.vector_store %arg13[%swap3A_91, %swap3A_92, %swap3A_93, %swap3A_94], %swap3A_97 {strides = array<i32>} : memref<1x2x1280x80xf32, #tpu.memory_space<vmem>>, vector<1x1x1184x80xf32>,
    %swap3A_98 = arith.constant 0 : index
    %swap3A_99 = arith.constant 1 : index
    %swap3A_100 = arith.constant 1184 : index
    %swap3A_101 = arith.constant 0 : index
    %swap3A_102 = vector.load %arg13[%swap3A_98, %swap3A_99, %swap3A_100, %swap3A_101] : memref<1x2x1280x80xf32, #tpu.memory_space<vmem>>, vector<1x1x96x80xf32>
    %swap3A_103 = vector.shape_cast %swap3A_102 : vector<1x1x96x80xf32> to vector<96x80xf32>
    %swap3A_104 = vector.shape_cast %broadcast_in_dim3A_71 : vector<96x80xf32> to vector<1x1x96x80xf32>
    tpu.vector_store %arg13[%swap3A_98, %swap3A_99, %swap3A_100, %swap3A_101], %swap3A_104 {strides = array<i32>} : memref<1x2x1280x80xf32, #tpu.memory_space<vmem>>, vector<1x1x96x80xf32>,
    return
  }
  func.func @transform_0(%arg0: i32) -> (i32, i32, i32) {
    %c0_i32 = arith.constant 0 : i32
    %c0_i32_0 = arith.constant 0 : i32
    %c0_i32_1 = arith.constant 0 : i32
    return %arg0, %c0_i32, %c0_i32_0 : i32, i32, i32
  }
  func.func @transform_1(%arg0: i32) -> (i32, i32, i32) {
    %c0_i32 = arith.constant 0 : i32
    %c0_i32_0 = arith.constant 0 : i32
    %c0_i32_1 = arith.constant 0 : i32
    %c0_i32_2 = arith.constant 0 : i32
    return %c0_i32, %c0_i32_0, %c0_i32_1 : i32, i32, i32
  }
  func.func @transform_2(%arg0: i32) -> (i32, i32) {
    %c0_i32 = arith.constant 0 : i32
    %c0_i32_0 = arith.constant 0 : i32
    %c0_i32_1 = arith.constant 0 : i32
    return %c0_i32, %c0_i32_0 : i32, i32
  }
  func.func @transform_3(%arg0: i32) -> i32 {
    %c0_i32 = arith.constant 0 : i32
    %c0_i32_0 = arith.constant 0 : i32
    return %c0_i32 : i32
  }
  func.func @transform_4(%arg0: i32) -> (i32, i32) {
    %c0_i32 = arith.constant 0 : i32
    %c0_i32_0 = arith.constant 0 : i32
    %c0_i32_1 = arith.constant 0 : i32
    return %c0_i32, %c0_i32_0 : i32, i32
  }
  func.func @transform_5(%arg0: i32) -> i32 {
    %c0_i32 = arith.constant 0 : i32
    %c0_i32_0 = arith.constant 0 : i32
    return %c0_i32 : i32
  }
  func.func @transform_6(%arg0: i32) -> (i32, i32) {
    %c0_i32 = arith.constant 0 : i32
    %c0_i32_0 = arith.constant 0 : i32
    %c0_i32_1 = arith.constant 0 : i32
    return %c0_i32, %c0_i32_0 : i32, i32
  }
  func.func @transform_7(%arg0: i32) -> i32 {
    %c0_i32 = arith.constant 0 : i32
    %c0_i32_0 = arith.constant 0 : i32
    return %c0_i32 : i32
  }
  func.func @transform_8(%arg0: i32) -> (i32, i32) {
    %c0_i32 = arith.constant 0 : i32
    %c0_i32_0 = arith.constant 0 : i32
    %c0_i32_1 = arith.constant 0 : i32
    return %c0_i32, %c0_i32_0 : i32, i32
  }
  func.func @transform_9(%arg0: i32) -> i32 {
    %c0_i32 = arith.constant 0 : i32
    %c0_i32_0 = arith.constant 0 : i32
    return %c0_i32 : i32
  }
  func.func @transform_10(%arg0: i32) -> (i32, i32) {
    %c0_i32 = arith.constant 0 : i32
    %c0_i32_0 = arith.constant 0 : i32
    %c0_i32_1 = arith.constant 0 : i32
    return %c0_i32, %c0_i32_0 : i32, i32
  }
  func.func @transform_11(%arg0: i32) -> i32 {
    %c0_i32 = arith.constant 0 : i32
    %c0_i32_0 = arith.constant 0 : i32
    return %c0_i32 : i32
  }
  func.func @transform_12(%arg0: i32) -> (i32, i32, i32, i32) {
    %c0_i32 = arith.constant 0 : i32
    %c0_i32_0 = arith.constant 0 : i32
    %c0_i32_1 = arith.constant 0 : i32
    %c0_i32_2 = arith.constant 0 : i32
    return %arg0, %c0_i32, %c0_i32_0, %c0_i32_1 : i32, i32, i32, i32
  }
  func.func @transform_13(%arg0: i32) -> (i32, i32, i32) {
    %c0_i32 = arith.constant 0 : i32
    %c0_i32_0 = arith.constant 0 : i32
    %c0_i32_1 = arith.constant 0 : i32
    return %arg0, %c0_i32, %c0_i32_0 : i32, i32, i32
  }
}

module attributes {stable_mosaic.version = 14 : i64} {
  func.func @_post_body(%arg0: i32, %arg1: memref<1x2x1184x80xf32, #tpu.memory_space<vmem>>, %arg2: memref<1x1184x64xf32, #tpu.memory_space<vmem>>, %arg3: memref<1x1x64xf32, #tpu.memory_space<vmem>>, %arg4: memref<1x1x2xf32, #tpu.memory_space<vmem>>, %arg5: memref<1184x1xf32, #tpu.memory_space<vmem>>, %arg6: memref<128x64xf32, #tpu.memory_space<vmem>>, %arg7: memref<64xf32, #tpu.memory_space<vmem>>, %arg8: memref<128x64xf32, #tpu.memory_space<vmem>>, %arg9: memref<64xf32, #tpu.memory_space<vmem>>, %arg10: memref<128x64xf32, #tpu.memory_space<vmem>>, %arg11: memref<64xf32, #tpu.memory_space<vmem>>, %arg12: memref<128x64xf32, #tpu.memory_space<vmem>>, %arg13: memref<64xf32, #tpu.memory_space<vmem>>, %arg14: memref<128x64xf32, #tpu.memory_space<vmem>>, %arg15: memref<64xf32, #tpu.memory_space<vmem>>, %arg16: memref<64x64xf32, #tpu.memory_space<vmem>>, %arg17: memref<64xf32, #tpu.memory_space<vmem>>, %arg18: memref<64x64xf32, #tpu.memory_space<vmem>>, %arg19: memref<64xf32, #tpu.memory_space<vmem>>, %arg20: memref<64x64xf32, #tpu.memory_space<vmem>>, %arg21: memref<64xf32, #tpu.memory_space<vmem>>, %arg22: memref<64x64xf32, #tpu.memory_space<vmem>>, %arg23: memref<64xf32, #tpu.memory_space<vmem>>, %arg24: memref<64xf32, #tpu.memory_space<vmem>>, %arg25: memref<64xf32, #tpu.memory_space<vmem>>, %arg26: memref<64x128xf32, #tpu.memory_space<vmem>>, %arg27: memref<128xf32, #tpu.memory_space<vmem>>, %arg28: memref<128x64xf32, #tpu.memory_space<vmem>>, %arg29: memref<64xf32, #tpu.memory_space<vmem>>, %arg30: memref<1x1184x64xf32, #tpu.memory_space<vmem>>, %arg31: memref<1x1x130xf32, #tpu.memory_space<vmem>>) attributes {dimension_semantics = [#tpu.dimension_semantics<arbitrary>], iteration_bounds = array<i64: 8>, scalar_prefetch = 0 : i64, scratch_operands = 0 : i64, tpu.core_type = #tpu.core_type<tc>, window_params = [{transform_indices = @transform_0, window_bounds = array<i64: 1, 2, 1184, 80>}, {transform_indices = @transform_1, window_bounds = array<i64: 1, 1184, 64>}, {transform_indices = @transform_2, window_bounds = array<i64: 1, 1, 64>}, {transform_indices = @transform_3, window_bounds = array<i64: 1, 1, 2>}, {pipeline_mode = #tpu.pipeline_mode<synchronous>, transform_indices = @transform_4, window_bounds = array<i64: 1184, 1>}, {pipeline_mode = #tpu.pipeline_mode<synchronous>, transform_indices = @transform_5, window_bounds = array<i64: 128, 64>}, {pipeline_mode = #tpu.pipeline_mode<synchronous>, transform_indices = @transform_6, window_bounds = array<i64: 64>}, {pipeline_mode = #tpu.pipeline_mode<synchronous>, transform_indices = @transform_7, window_bounds = array<i64: 128, 64>}, {pipeline_mode = #tpu.pipeline_mode<synchronous>, transform_indices = @transform_8, window_bounds = array<i64: 64>}, {pipeline_mode = #tpu.pipeline_mode<synchronous>, transform_indices = @transform_9, window_bounds = array<i64: 128, 64>}, {pipeline_mode = #tpu.pipeline_mode<synchronous>, transform_indices = @transform_10, window_bounds = array<i64: 64>}, {pipeline_mode = #tpu.pipeline_mode<synchronous>, transform_indices = @transform_11, window_bounds = array<i64: 128, 64>}, {pipeline_mode = #tpu.pipeline_mode<synchronous>, transform_indices = @transform_12, window_bounds = array<i64: 64>}, {pipeline_mode = #tpu.pipeline_mode<synchronous>, transform_indices = @transform_13, window_bounds = array<i64: 128, 64>}, {pipeline_mode = #tpu.pipeline_mode<synchronous>, transform_indices = @transform_14, window_bounds = array<i64: 64>}, {pipeline_mode = #tpu.pipeline_mode<synchronous>, transform_indices = @transform_15, window_bounds = array<i64: 64, 64>}, {pipeline_mode = #tpu.pipeline_mode<synchronous>, transform_indices = @transform_16, window_bounds = array<i64: 64>}, {pipeline_mode = #tpu.pipeline_mode<synchronous>, transform_indices = @transform_17, window_bounds = array<i64: 64, 64>}, {pipeline_mode = #tpu.pipeline_mode<synchronous>, transform_indices = @transform_18, window_bounds = array<i64: 64>}, {pipeline_mode = #tpu.pipeline_mode<synchronous>, transform_indices = @transform_19, window_bounds = array<i64: 64, 64>}, {pipeline_mode = #tpu.pipeline_mode<synchronous>, transform_indices = @transform_20, window_bounds = array<i64: 64>}, {pipeline_mode = #tpu.pipeline_mode<synchronous>, transform_indices = @transform_21, window_bounds = array<i64: 64, 64>}, {pipeline_mode = #tpu.pipeline_mode<synchronous>, transform_indices = @transform_22, window_bounds = array<i64: 64>}, {pipeline_mode = #tpu.pipeline_mode<synchronous>, transform_indices = @transform_23, window_bounds = array<i64: 64>}, {pipeline_mode = #tpu.pipeline_mode<synchronous>, transform_indices = @transform_24, window_bounds = array<i64: 64>}, {pipeline_mode = #tpu.pipeline_mode<synchronous>, transform_indices = @transform_25, window_bounds = array<i64: 64, 128>}, {pipeline_mode = #tpu.pipeline_mode<synchronous>, transform_indices = @transform_26, window_bounds = array<i64: 128>}, {pipeline_mode = #tpu.pipeline_mode<synchronous>, transform_indices = @transform_27, window_bounds = array<i64: 128, 64>}, {pipeline_mode = #tpu.pipeline_mode<synchronous>, transform_indices = @transform_28, window_bounds = array<i64: 64>}, {transform_indices = @transform_29, window_bounds = array<i64: 1, 1184, 64>}, {transform_indices = @transform_30, window_bounds = array<i64: 1, 1, 130>}]} {
    %get3A = arith.constant 0 : index
    %get3A_0 = arith.constant 0 : index
    %get3A_1 = arith.constant 0 : index
    %get3A_2 = vector.load %arg3[%get3A, %get3A_0, %get3A_1] : memref<1x1x64xf32, #tpu.memory_space<vmem>>, vector<1x1x64xf32>
    %get3A_3 = vector.shape_cast %get3A_2 : vector<1x1x64xf32> to vector<1x64xf32>
    %get3A_4 = arith.constant 0 : index
    %get3A_5 = arith.constant 0 : index
    %get3A_6 = vector.load %arg26[%get3A_4, %get3A_5] : memref<64x128xf32, #tpu.memory_space<vmem>>, vector<64x128xf32>
    %dot_general3A = arith.constant dense<0.000000e+00> : vector<1x128xf32>
    %dot_general3A_7 = tpu.matmul %get3A_3, %get3A_6, %dot_general3A {dimension_numbers = #tpu.dot_dimension_numbers<[1], [0], [0], [1], [0, 0, 1, 1], [], []>, transpose_lhs_hint = false} : vector<1x64xf32>, vector<64x128xf32>, vector<1x128xf32> -> vector<1x128xf32>
    %get3A_8 = arith.constant 0 : index
    %get3A_9 = vector.load %arg27[%get3A_8] : memref<128xf32, #tpu.memory_space<vmem>>, vector<128xf32>
    %broadcast_in_dim3A = vector.shape_cast %get3A_9 : vector<128xf32> to vector<1x128xf32>
    %add3A = arith.addf %dot_general3A_7, %broadcast_in_dim3A : vector<1x128xf32>
    %tanh3A = math.tanh %add3A : vector<1x128xf32>
    %get3A_10 = arith.constant 0 : index
    %get3A_11 = arith.constant 0 : index
    %get3A_12 = vector.load %arg28[%get3A_10, %get3A_11] : memref<128x64xf32, #tpu.memory_space<vmem>>, vector<128x64xf32>
    %dot_general3A_13 = arith.constant dense<0.000000e+00> : vector<1x64xf32>
    %dot_general3A_14 = tpu.matmul %tanh3A, %get3A_12, %dot_general3A_13 {dimension_numbers = #tpu.dot_dimension_numbers<[1], [0], [0], [1], [0, 0, 1, 1], [], []>, transpose_lhs_hint = false} : vector<1x128xf32>, vector<128x64xf32>, vector<1x64xf32> -> vector<1x64xf32>
    %get3A_15 = arith.constant 0 : index
    %get3A_16 = vector.load %arg29[%get3A_15] : memref<64xf32, #tpu.memory_space<vmem>>, vector<64xf32>
    %broadcast_in_dim3A_17 = vector.shape_cast %get3A_16 : vector<64xf32> to vector<1x64xf32>
    %add3A_18 = arith.addf %dot_general3A_14, %broadcast_in_dim3A_17 : vector<1x64xf32>
    %tanh3A_19 = math.tanh %add3A_18 : vector<1x64xf32>
    %get3A_20 = arith.constant 0 : index
    %get3A_21 = arith.constant 0 : index
    %get3A_22 = arith.constant 0 : index
    %get3A_23 = vector.load %arg2[%get3A_20, %get3A_21, %get3A_22] : memref<1x1184x64xf32, #tpu.memory_space<vmem>>, vector<1x1184x64xf32>
    %get3A_24 = vector.shape_cast %get3A_23 : vector<1x1184x64xf32> to vector<1184x64xf32>
    %get3A_25 = arith.constant 0 : index
    %get3A_26 = arith.constant 0 : index
    %get3A_27 = arith.constant 0 : index
    %get3A_28 = arith.constant 0 : index
    %get3A_29 = vector.load %arg1[%get3A_25, %get3A_26, %get3A_27, %get3A_28] : memref<1x2x1184x80xf32, #tpu.memory_space<vmem>>, vector<1x1x1184x80xf32>
    %get3A_30 = vector.shape_cast %get3A_29 : vector<1x1x1184x80xf32> to vector<1184x80xf32>
    %slice3A = vector.extract_strided_slice %get3A_30 {offsets = [0, 0], sizes = [1184, 64], strides = [1, 1]} : vector<1184x80xf32> to vector<1184x64xf32>
    %slice3A_31 = vector.extract_strided_slice %get3A_30 {offsets = [0, 64], sizes = [1184, 1], strides = [1, 1]} : vector<1184x80xf32> to vector<1184x1xf32>
    %add3A_32 = arith.constant 9.99999997E-7 : f32
    %add3A_33 = vector.broadcast %add3A_32 : f32 to vector<1184x1xf32>
    %add3A_34 = arith.addf %slice3A_31, %add3A_33 : vector<1184x1xf32>
    %div3A = vector.broadcast %add3A_34 : vector<1184x1xf32> to vector<1184x64xf32>
    %div3A_35 = arith.divf %slice3A, %div3A : vector<1184x64xf32>
    %concatenate3A = tpu.concatenate %get3A_24, %div3A_35 in 1 : vector<1184x64xf32>, vector<1184x64xf32> -> vector<1184x128xf32>
    %get3A_36 = arith.constant 0 : index
    %get3A_37 = arith.constant 0 : index
    %get3A_38 = vector.load %arg6[%get3A_36, %get3A_37] : memref<128x64xf32, #tpu.memory_space<vmem>>, vector<128x64xf32>
    %dot_general3A_39 = arith.constant dense<0.000000e+00> : vector<1184x64xf32>
    %dot_general3A_40 = tpu.matmul %concatenate3A, %get3A_38, %dot_general3A_39 {dimension_numbers = #tpu.dot_dimension_numbers<[1], [0], [0], [1], [0, 0, 1, 1], [], []>, transpose_lhs_hint = false} : vector<1184x128xf32>, vector<128x64xf32>, vector<1184x64xf32> -> vector<1184x64xf32>
    %get3A_41 = arith.constant 0 : index
    %get3A_42 = vector.load %arg7[%get3A_41] : memref<64xf32, #tpu.memory_space<vmem>>, vector<64xf32>
    %broadcast_in_dim3A_43 = vector.shape_cast %get3A_42 : vector<64xf32> to vector<1x64xf32>
    %add3A_44 = vector.broadcast %broadcast_in_dim3A_43 : vector<1x64xf32> to vector<1184x64xf32>
    %add3A_45 = arith.addf %dot_general3A_40, %add3A_44 : vector<1184x64xf32>
    %tanh3A_46 = math.tanh %add3A_45 : vector<1184x64xf32>
    %get3A_47 = arith.constant 0 : index
    %get3A_48 = arith.constant 0 : index
    %get3A_49 = vector.load %arg8[%get3A_47, %get3A_48] : memref<128x64xf32, #tpu.memory_space<vmem>>, vector<128x64xf32>
    %dot_general3A_50 = arith.constant dense<0.000000e+00> : vector<1184x64xf32>
    %dot_general3A_51 = tpu.matmul %concatenate3A, %get3A_49, %dot_general3A_50 {dimension_numbers = #tpu.dot_dimension_numbers<[1], [0], [0], [1], [0, 0, 1, 1], [], []>, transpose_lhs_hint = false} : vector<1184x128xf32>, vector<128x64xf32>, vector<1184x64xf32> -> vector<1184x64xf32>
    %get3A_52 = arith.constant 0 : index
    %get3A_53 = vector.load %arg9[%get3A_52] : memref<64xf32, #tpu.memory_space<vmem>>, vector<64xf32>
    %broadcast_in_dim3A_54 = vector.shape_cast %get3A_53 : vector<64xf32> to vector<1x64xf32>
    %add3A_55 = vector.broadcast %broadcast_in_dim3A_54 : vector<1x64xf32> to vector<1184x64xf32>
    %add3A_56 = arith.addf %dot_general3A_51, %add3A_55 : vector<1184x64xf32>
    %tanh3A_57 = math.tanh %add3A_56 : vector<1184x64xf32>
    %mul3A = arith.mulf %tanh3A_46, %tanh3A_57 : vector<1184x64xf32>
    %sub3A = arith.constant 1.000000e+00 : f32
    %sub3A_58 = vector.broadcast %sub3A : f32 to vector<1184x64xf32>
    %sub3A_59 = arith.subf %sub3A_58, %tanh3A_46 : vector<1184x64xf32>
    %mul3A_60 = arith.mulf %sub3A_59, %get3A_24 : vector<1184x64xf32>
    %add3A_61 = arith.addf %mul3A, %mul3A_60 : vector<1184x64xf32>
    %get3A_62 = arith.constant 0 : index
    %get3A_63 = arith.constant 1 : index
    %get3A_64 = arith.constant 0 : index
    %get3A_65 = arith.constant 0 : index
    %get3A_66 = vector.load %arg1[%get3A_62, %get3A_63, %get3A_64, %get3A_65] : memref<1x2x1184x80xf32, #tpu.memory_space<vmem>>, vector<1x1x1184x80xf32>
    %get3A_67 = vector.shape_cast %get3A_66 : vector<1x1x1184x80xf32> to vector<1184x80xf32>
    %slice3A_68 = vector.extract_strided_slice %get3A_67 {offsets = [0, 0], sizes = [1184, 64], strides = [1, 1]} : vector<1184x80xf32> to vector<1184x64xf32>
    %slice3A_69 = vector.extract_strided_slice %get3A_67 {offsets = [0, 64], sizes = [1184, 1], strides = [1, 1]} : vector<1184x80xf32> to vector<1184x1xf32>
    %add3A_70 = arith.constant 9.99999997E-7 : f32
    %add3A_71 = vector.broadcast %add3A_70 : f32 to vector<1184x1xf32>
    %add3A_72 = arith.addf %slice3A_69, %add3A_71 : vector<1184x1xf32>
    %div3A_73 = vector.broadcast %add3A_72 : vector<1184x1xf32> to vector<1184x64xf32>
    %div3A_74 = arith.divf %slice3A_68, %div3A_73 : vector<1184x64xf32>
    %concatenate3A_75 = tpu.concatenate %get3A_24, %div3A_74 in 1 : vector<1184x64xf32>, vector<1184x64xf32> -> vector<1184x128xf32>
    %get3A_76 = arith.constant 0 : index
    %get3A_77 = arith.constant 0 : index
    %get3A_78 = vector.load %arg6[%get3A_76, %get3A_77] : memref<128x64xf32, #tpu.memory_space<vmem>>, vector<128x64xf32>
    %dot_general3A_79 = arith.constant dense<0.000000e+00> : vector<1184x64xf32>
    %dot_general3A_80 = tpu.matmul %concatenate3A_75, %get3A_78, %dot_general3A_79 {dimension_numbers = #tpu.dot_dimension_numbers<[1], [0], [0], [1], [0, 0, 1, 1], [], []>, transpose_lhs_hint = false} : vector<1184x128xf32>, vector<128x64xf32>, vector<1184x64xf32> -> vector<1184x64xf32>
    %get3A_81 = arith.constant 0 : index
    %get3A_82 = vector.load %arg7[%get3A_81] : memref<64xf32, #tpu.memory_space<vmem>>, vector<64xf32>
    %broadcast_in_dim3A_83 = vector.shape_cast %get3A_82 : vector<64xf32> to vector<1x64xf32>
    %add3A_84 = vector.broadcast %broadcast_in_dim3A_83 : vector<1x64xf32> to vector<1184x64xf32>
    %add3A_85 = arith.addf %dot_general3A_80, %add3A_84 : vector<1184x64xf32>
    %tanh3A_86 = math.tanh %add3A_85 : vector<1184x64xf32>
    %get3A_87 = arith.constant 0 : index
    %get3A_88 = arith.constant 0 : index
    %get3A_89 = vector.load %arg8[%get3A_87, %get3A_88] : memref<128x64xf32, #tpu.memory_space<vmem>>, vector<128x64xf32>
    %dot_general3A_90 = arith.constant dense<0.000000e+00> : vector<1184x64xf32>
    %dot_general3A_91 = tpu.matmul %concatenate3A_75, %get3A_89, %dot_general3A_90 {dimension_numbers = #tpu.dot_dimension_numbers<[1], [0], [0], [1], [0, 0, 1, 1], [], []>, transpose_lhs_hint = false} : vector<1184x128xf32>, vector<128x64xf32>, vector<1184x64xf32> -> vector<1184x64xf32>
    %get3A_92 = arith.constant 0 : index
    %get3A_93 = vector.load %arg9[%get3A_92] : memref<64xf32, #tpu.memory_space<vmem>>, vector<64xf32>
    %broadcast_in_dim3A_94 = vector.shape_cast %get3A_93 : vector<64xf32> to vector<1x64xf32>
    %add3A_95 = vector.broadcast %broadcast_in_dim3A_94 : vector<1x64xf32> to vector<1184x64xf32>
    %add3A_96 = arith.addf %dot_general3A_91, %add3A_95 : vector<1184x64xf32>
    %tanh3A_97 = math.tanh %add3A_96 : vector<1184x64xf32>
    %mul3A_98 = arith.mulf %tanh3A_86, %tanh3A_97 : vector<1184x64xf32>
    %sub3A_99 = arith.constant 1.000000e+00 : f32
    %sub3A_100 = vector.broadcast %sub3A_99 : f32 to vector<1184x64xf32>
    %sub3A_101 = arith.subf %sub3A_100, %tanh3A_86 : vector<1184x64xf32>
    %mul3A_102 = arith.mulf %sub3A_101, %get3A_24 : vector<1184x64xf32>
    %add3A_103 = arith.addf %mul3A_98, %mul3A_102 : vector<1184x64xf32>
    %concatenate3A_104 = tpu.concatenate %add3A_61, %add3A_103 in 1 : vector<1184x64xf32>, vector<1184x64xf32> -> vector<1184x128xf32>
    %get3A_105 = arith.constant 0 : index
    %get3A_106 = arith.constant 0 : index
    %get3A_107 = vector.load %arg10[%get3A_105, %get3A_106] : memref<128x64xf32, #tpu.memory_space<vmem>>, vector<128x64xf32>
    %dot_general3A_108 = arith.constant dense<0.000000e+00> : vector<1184x64xf32>
    %dot_general3A_109 = tpu.matmul %concatenate3A_104, %get3A_107, %dot_general3A_108 {dimension_numbers = #tpu.dot_dimension_numbers<[1], [0], [0], [1], [0, 0, 1, 1], [], []>, transpose_lhs_hint = false} : vector<1184x128xf32>, vector<128x64xf32>, vector<1184x64xf32> -> vector<1184x64xf32>
    %get3A_110 = arith.constant 0 : index
    %get3A_111 = vector.load %arg11[%get3A_110] : memref<64xf32, #tpu.memory_space<vmem>>, vector<64xf32>
    %broadcast_in_dim3A_112 = vector.shape_cast %get3A_111 : vector<64xf32> to vector<1x64xf32>
    %add3A_113 = vector.broadcast %broadcast_in_dim3A_112 : vector<1x64xf32> to vector<1184x64xf32>
    %add3A_114 = arith.addf %dot_general3A_109, %add3A_113 : vector<1184x64xf32>
    %get3A_115 = arith.constant 0 : index
    %get3A_116 = arith.constant 0 : index
    %get3A_117 = vector.load %arg12[%get3A_115, %get3A_116] : memref<128x64xf32, #tpu.memory_space<vmem>>, vector<128x64xf32>
    %dot_general3A_118 = arith.constant dense<0.000000e+00> : vector<1184x64xf32>
    %dot_general3A_119 = tpu.matmul %concatenate3A_104, %get3A_117, %dot_general3A_118 {dimension_numbers = #tpu.dot_dimension_numbers<[1], [0], [0], [1], [0, 0, 1, 1], [], []>, transpose_lhs_hint = false} : vector<1184x128xf32>, vector<128x64xf32>, vector<1184x64xf32> -> vector<1184x64xf32>
    %get3A_120 = arith.constant 0 : index
    %get3A_121 = vector.load %arg13[%get3A_120] : memref<64xf32, #tpu.memory_space<vmem>>, vector<64xf32>
    %broadcast_in_dim3A_122 = vector.shape_cast %get3A_121 : vector<64xf32> to vector<1x64xf32>
    %add3A_123 = vector.broadcast %broadcast_in_dim3A_122 : vector<1x64xf32> to vector<1184x64xf32>
    %add3A_124 = arith.addf %dot_general3A_119, %add3A_123 : vector<1184x64xf32>
    %get3A_125 = arith.constant 0 : index
    %get3A_126 = arith.constant 0 : index
    %get3A_127 = vector.load %arg14[%get3A_125, %get3A_126] : memref<128x64xf32, #tpu.memory_space<vmem>>, vector<128x64xf32>
    %dot_general3A_128 = arith.constant dense<0.000000e+00> : vector<1184x64xf32>
    %dot_general3A_129 = tpu.matmul %concatenate3A_104, %get3A_127, %dot_general3A_128 {dimension_numbers = #tpu.dot_dimension_numbers<[1], [0], [0], [1], [0, 0, 1, 1], [], []>, transpose_lhs_hint = false} : vector<1184x128xf32>, vector<128x64xf32>, vector<1184x64xf32> -> vector<1184x64xf32>
    %get3A_130 = arith.constant 0 : index
    %get3A_131 = vector.load %arg15[%get3A_130] : memref<64xf32, #tpu.memory_space<vmem>>, vector<64xf32>
    %broadcast_in_dim3A_132 = vector.shape_cast %get3A_131 : vector<64xf32> to vector<1x64xf32>
    %add3A_133 = vector.broadcast %broadcast_in_dim3A_132 : vector<1x64xf32> to vector<1184x64xf32>
    %add3A_134 = arith.addf %dot_general3A_129, %add3A_133 : vector<1184x64xf32>
    %get3A_135 = arith.constant 0 : index
    %get3A_136 = arith.constant 0 : index
    %get3A_137 = vector.load %arg16[%get3A_135, %get3A_136] : memref<64x64xf32, #tpu.memory_space<vmem>>, vector<64x64xf32>
    %dot_general3A_138 = arith.constant dense<0.000000e+00> : vector<1184x64xf32>
    %dot_general3A_139 = tpu.matmul %add3A_114, %get3A_137, %dot_general3A_138 {dimension_numbers = #tpu.dot_dimension_numbers<[1], [0], [0], [1], [0, 0, 1, 1], [], []>, transpose_lhs_hint = false} : vector<1184x64xf32>, vector<64x64xf32>, vector<1184x64xf32> -> vector<1184x64xf32>
    %get3A_140 = arith.constant 0 : index
    %get3A_141 = vector.load %arg17[%get3A_140] : memref<64xf32, #tpu.memory_space<vmem>>, vector<64xf32>
    %broadcast_in_dim3A_142 = vector.shape_cast %get3A_141 : vector<64xf32> to vector<1x64xf32>
    %add3A_143 = vector.broadcast %broadcast_in_dim3A_142 : vector<1x64xf32> to vector<1184x64xf32>
    %add3A_144 = arith.addf %dot_general3A_139, %add3A_143 : vector<1184x64xf32>
    %get3A_145 = arith.constant 0 : index
    %get3A_146 = arith.constant 0 : index
    %get3A_147 = vector.load %arg18[%get3A_145, %get3A_146] : memref<64x64xf32, #tpu.memory_space<vmem>>, vector<64x64xf32>
    %dot_general3A_148 = arith.constant dense<0.000000e+00> : vector<1184x64xf32>
    %dot_general3A_149 = tpu.matmul %add3A_124, %get3A_147, %dot_general3A_148 {dimension_numbers = #tpu.dot_dimension_numbers<[1], [0], [0], [1], [0, 0, 1, 1], [], []>, transpose_lhs_hint = false} : vector<1184x64xf32>, vector<64x64xf32>, vector<1184x64xf32> -> vector<1184x64xf32>
    %get3A_150 = arith.constant 0 : index
    %get3A_151 = vector.load %arg19[%get3A_150] : memref<64xf32, #tpu.memory_space<vmem>>, vector<64xf32>
    %broadcast_in_dim3A_152 = vector.shape_cast %get3A_151 : vector<64xf32> to vector<1x64xf32>
    %add3A_153 = vector.broadcast %broadcast_in_dim3A_152 : vector<1x64xf32> to vector<1184x64xf32>
    %add3A_154 = arith.addf %dot_general3A_149, %add3A_153 : vector<1184x64xf32>
    %get3A_155 = arith.constant 0 : index
    %get3A_156 = arith.constant 0 : index
    %get3A_157 = vector.load %arg20[%get3A_155, %get3A_156] : memref<64x64xf32, #tpu.memory_space<vmem>>, vector<64x64xf32>
    %dot_general3A_158 = arith.constant dense<0.000000e+00> : vector<1184x64xf32>
    %dot_general3A_159 = tpu.matmul %add3A_134, %get3A_157, %dot_general3A_158 {dimension_numbers = #tpu.dot_dimension_numbers<[1], [0], [0], [1], [0, 0, 1, 1], [], []>, transpose_lhs_hint = false} : vector<1184x64xf32>, vector<64x64xf32>, vector<1184x64xf32> -> vector<1184x64xf32>
    %get3A_160 = arith.constant 0 : index
    %get3A_161 = vector.load %arg21[%get3A_160] : memref<64xf32, #tpu.memory_space<vmem>>, vector<64xf32>
    %broadcast_in_dim3A_162 = vector.shape_cast %get3A_161 : vector<64xf32> to vector<1x64xf32>
    %add3A_163 = vector.broadcast %broadcast_in_dim3A_162 : vector<1x64xf32> to vector<1184x64xf32>
    %add3A_164 = arith.addf %dot_general3A_159, %add3A_163 : vector<1184x64xf32>
    %get3A_165 = arith.constant 0 : index
    %get3A_166 = arith.constant 0 : index
    %get3A_167 = vector.load %arg5[%get3A_165, %get3A_166] : memref<1184x1xf32, #tpu.memory_space<vmem>>, vector<1184x1xf32>
    %gt3A = arith.constant 0.000000e+00 : f32
    %gt3A_168 = vector.broadcast %gt3A : f32 to vector<1184x1xf32>
    %gt3A_169 = arith.cmpf ogt, %get3A_167, %gt3A_168 : vector<1184x1xf32>
    %slice3A_170 = vector.extract_strided_slice %add3A_154 {offsets = [0, 0], sizes = [1184, 8], strides = [1, 1]} : vector<1184x64xf32> to vector<1184x8xf32>
    %slice3A_171 = vector.extract_strided_slice %add3A_144 {offsets = [0, 0], sizes = [1184, 8], strides = [1, 1]} : vector<1184x64xf32> to vector<1184x8xf32>
    %dot_general3A_172 = arith.constant dense<0.000000e+00> : vector<1184x1184xf32>
    %dot_general3A_173 = tpu.matmul %slice3A_170, %slice3A_171, %dot_general3A_172 {dimension_numbers = #tpu.dot_dimension_numbers<[1], [1], [0], [0], [0, 0, 1, 0], [], []>, transpose_lhs_hint = false} : vector<1184x8xf32>, vector<1184x8xf32>, vector<1184x1184xf32> -> vector<1184x1184xf32>
    %mul3A_174 = arith.constant 0.353553385 : f32
    %mul3A_175 = vector.broadcast %mul3A_174 : f32 to vector<1184x1184xf32>
    %mul3A_176 = arith.mulf %dot_general3A_173, %mul3A_175 : vector<1184x1184xf32>
    %jit3A = arith.constant -1.000000e+30 : f32
    %broadcast_in_dim3A_177 = vector.shape_cast %gt3A_169 : vector<1184x1xi1> to vector<1184x1xi1>
    %broadcast_in_dim3A_178 = vector.broadcast %broadcast_in_dim3A_177 : vector<1184x1xi1> to vector<1184x1184xi1>
    %broadcast_in_dim3A_179 = vector.broadcast %jit3A : f32 to vector<1184x1184xf32>
    %select_n3A = arith.select %broadcast_in_dim3A_178, %mul3A_176, %broadcast_in_dim3A_179 : vector<1184x1184xi1>, vector<1184x1184xf32>
    %reduce_max3A = arith.constant dense<0xFF800000> : vector<1184xf32>
    %reduce_max3A_180 = vector.multi_reduction <maximumf>, %select_n3A, %reduce_max3A [0] : vector<1184x1184xf32> to vector<1184xf32>
    %broadcast_in_dim3A_181 = vector.shape_cast %reduce_max3A_180 : vector<1184xf32> to vector<1x1184xf32>
    %sub3A_182 = vector.broadcast %broadcast_in_dim3A_181 : vector<1x1184xf32> to vector<1184x1184xf32>
    %sub3A_183 = arith.subf %select_n3A, %sub3A_182 : vector<1184x1184xf32>
    %exp3A = math.exp %sub3A_183 : vector<1184x1184xf32>
    %reduce_sum3A = arith.constant dense<0.000000e+00> : vector<1184xf32>
    %reduce_sum3A_184 = vector.multi_reduction <add>, %exp3A, %reduce_sum3A [0] : vector<1184x1184xf32> to vector<1184xf32>
    %broadcast_in_dim3A_185 = vector.shape_cast %reduce_sum3A_184 : vector<1184xf32> to vector<1x1184xf32>
    %div3A_186 = vector.broadcast %broadcast_in_dim3A_185 : vector<1x1184xf32> to vector<1184x1184xf32>
    %div3A_187 = arith.divf %exp3A, %div3A_186 : vector<1184x1184xf32>
    %slice3A_188 = vector.extract_strided_slice %add3A_164 {offsets = [0, 0], sizes = [1184, 8], strides = [1, 1]} : vector<1184x64xf32> to vector<1184x8xf32>
    %dot_general3A_189 = arith.constant dense<0.000000e+00> : vector<8x1184xf32>
    %dot_general3A_190 = tpu.matmul %slice3A_188, %div3A_187, %dot_general3A_189 {dimension_numbers = #tpu.dot_dimension_numbers<[0], [0], [1], [1], [0, 1, 1, 1], [], []>, transpose_lhs_hint = false} : vector<1184x8xf32>, vector<1184x1184xf32>, vector<8x1184xf32> -> vector<8x1184xf32>
    %slice3A_191 = vector.extract_strided_slice %add3A_154 {offsets = [0, 8], sizes = [1184, 8], strides = [1, 1]} : vector<1184x64xf32> to vector<1184x8xf32>
    %slice3A_192 = vector.extract_strided_slice %add3A_144 {offsets = [0, 8], sizes = [1184, 8], strides = [1, 1]} : vector<1184x64xf32> to vector<1184x8xf32>
    %dot_general3A_193 = arith.constant dense<0.000000e+00> : vector<1184x1184xf32>
    %dot_general3A_194 = tpu.matmul %slice3A_191, %slice3A_192, %dot_general3A_193 {dimension_numbers = #tpu.dot_dimension_numbers<[1], [1], [0], [0], [0, 0, 1, 0], [], []>, transpose_lhs_hint = false} : vector<1184x8xf32>, vector<1184x8xf32>, vector<1184x1184xf32> -> vector<1184x1184xf32>
    %mul3A_195 = arith.constant 0.353553385 : f32
    %mul3A_196 = vector.broadcast %mul3A_195 : f32 to vector<1184x1184xf32>
    %mul3A_197 = arith.mulf %dot_general3A_194, %mul3A_196 : vector<1184x1184xf32>
    %jit3A_198 = arith.constant -1.000000e+30 : f32
    %broadcast_in_dim3A_199 = vector.shape_cast %gt3A_169 : vector<1184x1xi1> to vector<1184x1xi1>
    %broadcast_in_dim3A_200 = vector.broadcast %broadcast_in_dim3A_199 : vector<1184x1xi1> to vector<1184x1184xi1>
    %broadcast_in_dim3A_201 = vector.broadcast %jit3A_198 : f32 to vector<1184x1184xf32>
    %select_n3A_202 = arith.select %broadcast_in_dim3A_200, %mul3A_197, %broadcast_in_dim3A_201 : vector<1184x1184xi1>, vector<1184x1184xf32>
    %reduce_max3A_203 = arith.constant dense<0xFF800000> : vector<1184xf32>
    %reduce_max3A_204 = vector.multi_reduction <maximumf>, %select_n3A_202, %reduce_max3A_203 [0] : vector<1184x1184xf32> to vector<1184xf32>
    %broadcast_in_dim3A_205 = vector.shape_cast %reduce_max3A_204 : vector<1184xf32> to vector<1x1184xf32>
    %sub3A_206 = vector.broadcast %broadcast_in_dim3A_205 : vector<1x1184xf32> to vector<1184x1184xf32>
    %sub3A_207 = arith.subf %select_n3A_202, %sub3A_206 : vector<1184x1184xf32>
    %exp3A_208 = math.exp %sub3A_207 : vector<1184x1184xf32>
    %reduce_sum3A_209 = arith.constant dense<0.000000e+00> : vector<1184xf32>
    %reduce_sum3A_210 = vector.multi_reduction <add>, %exp3A_208, %reduce_sum3A_209 [0] : vector<1184x1184xf32> to vector<1184xf32>
    %broadcast_in_dim3A_211 = vector.shape_cast %reduce_sum3A_210 : vector<1184xf32> to vector<1x1184xf32>
    %div3A_212 = vector.broadcast %broadcast_in_dim3A_211 : vector<1x1184xf32> to vector<1184x1184xf32>
    %div3A_213 = arith.divf %exp3A_208, %div3A_212 : vector<1184x1184xf32>
    %slice3A_214 = vector.extract_strided_slice %add3A_164 {offsets = [0, 8], sizes = [1184, 8], strides = [1, 1]} : vector<1184x64xf32> to vector<1184x8xf32>
    %dot_general3A_215 = arith.constant dense<0.000000e+00> : vector<8x1184xf32>
    %dot_general3A_216 = tpu.matmul %slice3A_214, %div3A_213, %dot_general3A_215 {dimension_numbers = #tpu.dot_dimension_numbers<[0], [0], [1], [1], [0, 1, 1, 1], [], []>, transpose_lhs_hint = false} : vector<1184x8xf32>, vector<1184x1184xf32>, vector<8x1184xf32> -> vector<8x1184xf32>
    %slice3A_217 = vector.extract_strided_slice %add3A_154 {offsets = [0, 16], sizes = [1184, 8], strides = [1, 1]} : vector<1184x64xf32> to vector<1184x8xf32>
    %slice3A_218 = vector.extract_strided_slice %add3A_144 {offsets = [0, 16], sizes = [1184, 8], strides = [1, 1]} : vector<1184x64xf32> to vector<1184x8xf32>
    %dot_general3A_219 = arith.constant dense<0.000000e+00> : vector<1184x1184xf32>
    %dot_general3A_220 = tpu.matmul %slice3A_217, %slice3A_218, %dot_general3A_219 {dimension_numbers = #tpu.dot_dimension_numbers<[1], [1], [0], [0], [0, 0, 1, 0], [], []>, transpose_lhs_hint = false} : vector<1184x8xf32>, vector<1184x8xf32>, vector<1184x1184xf32> -> vector<1184x1184xf32>
    %mul3A_221 = arith.constant 0.353553385 : f32
    %mul3A_222 = vector.broadcast %mul3A_221 : f32 to vector<1184x1184xf32>
    %mul3A_223 = arith.mulf %dot_general3A_220, %mul3A_222 : vector<1184x1184xf32>
    %jit3A_224 = arith.constant -1.000000e+30 : f32
    %broadcast_in_dim3A_225 = vector.shape_cast %gt3A_169 : vector<1184x1xi1> to vector<1184x1xi1>
    %broadcast_in_dim3A_226 = vector.broadcast %broadcast_in_dim3A_225 : vector<1184x1xi1> to vector<1184x1184xi1>
    %broadcast_in_dim3A_227 = vector.broadcast %jit3A_224 : f32 to vector<1184x1184xf32>
    %select_n3A_228 = arith.select %broadcast_in_dim3A_226, %mul3A_223, %broadcast_in_dim3A_227 : vector<1184x1184xi1>, vector<1184x1184xf32>
    %reduce_max3A_229 = arith.constant dense<0xFF800000> : vector<1184xf32>
    %reduce_max3A_230 = vector.multi_reduction <maximumf>, %select_n3A_228, %reduce_max3A_229 [0] : vector<1184x1184xf32> to vector<1184xf32>
    %broadcast_in_dim3A_231 = vector.shape_cast %reduce_max3A_230 : vector<1184xf32> to vector<1x1184xf32>
    %sub3A_232 = vector.broadcast %broadcast_in_dim3A_231 : vector<1x1184xf32> to vector<1184x1184xf32>
    %sub3A_233 = arith.subf %select_n3A_228, %sub3A_232 : vector<1184x1184xf32>
    %exp3A_234 = math.exp %sub3A_233 : vector<1184x1184xf32>
    %reduce_sum3A_235 = arith.constant dense<0.000000e+00> : vector<1184xf32>
    %reduce_sum3A_236 = vector.multi_reduction <add>, %exp3A_234, %reduce_sum3A_235 [0] : vector<1184x1184xf32> to vector<1184xf32>
    %broadcast_in_dim3A_237 = vector.shape_cast %reduce_sum3A_236 : vector<1184xf32> to vector<1x1184xf32>
    %div3A_238 = vector.broadcast %broadcast_in_dim3A_237 : vector<1x1184xf32> to vector<1184x1184xf32>
    %div3A_239 = arith.divf %exp3A_234, %div3A_238 : vector<1184x1184xf32>
    %slice3A_240 = vector.extract_strided_slice %add3A_164 {offsets = [0, 16], sizes = [1184, 8], strides = [1, 1]} : vector<1184x64xf32> to vector<1184x8xf32>
    %dot_general3A_241 = arith.constant dense<0.000000e+00> : vector<8x1184xf32>
    %dot_general3A_242 = tpu.matmul %slice3A_240, %div3A_239, %dot_general3A_241 {dimension_numbers = #tpu.dot_dimension_numbers<[0], [0], [1], [1], [0, 1, 1, 1], [], []>, transpose_lhs_hint = false} : vector<1184x8xf32>, vector<1184x1184xf32>, vector<8x1184xf32> -> vector<8x1184xf32>
    %slice3A_243 = vector.extract_strided_slice %add3A_154 {offsets = [0, 24], sizes = [1184, 8], strides = [1, 1]} : vector<1184x64xf32> to vector<1184x8xf32>
    %slice3A_244 = vector.extract_strided_slice %add3A_144 {offsets = [0, 24], sizes = [1184, 8], strides = [1, 1]} : vector<1184x64xf32> to vector<1184x8xf32>
    %dot_general3A_245 = arith.constant dense<0.000000e+00> : vector<1184x1184xf32>
    %dot_general3A_246 = tpu.matmul %slice3A_243, %slice3A_244, %dot_general3A_245 {dimension_numbers = #tpu.dot_dimension_numbers<[1], [1], [0], [0], [0, 0, 1, 0], [], []>, transpose_lhs_hint = false} : vector<1184x8xf32>, vector<1184x8xf32>, vector<1184x1184xf32> -> vector<1184x1184xf32>
    %mul3A_247 = arith.constant 0.353553385 : f32
    %mul3A_248 = vector.broadcast %mul3A_247 : f32 to vector<1184x1184xf32>
    %mul3A_249 = arith.mulf %dot_general3A_246, %mul3A_248 : vector<1184x1184xf32>
    %jit3A_250 = arith.constant -1.000000e+30 : f32
    %broadcast_in_dim3A_251 = vector.shape_cast %gt3A_169 : vector<1184x1xi1> to vector<1184x1xi1>
    %broadcast_in_dim3A_252 = vector.broadcast %broadcast_in_dim3A_251 : vector<1184x1xi1> to vector<1184x1184xi1>
    %broadcast_in_dim3A_253 = vector.broadcast %jit3A_250 : f32 to vector<1184x1184xf32>
    %select_n3A_254 = arith.select %broadcast_in_dim3A_252, %mul3A_249, %broadcast_in_dim3A_253 : vector<1184x1184xi1>, vector<1184x1184xf32>
    %reduce_max3A_255 = arith.constant dense<0xFF800000> : vector<1184xf32>
    %reduce_max3A_256 = vector.multi_reduction <maximumf>, %select_n3A_254, %reduce_max3A_255 [0] : vector<1184x1184xf32> to vector<1184xf32>
    %broadcast_in_dim3A_257 = vector.shape_cast %reduce_max3A_256 : vector<1184xf32> to vector<1x1184xf32>
    %sub3A_258 = vector.broadcast %broadcast_in_dim3A_257 : vector<1x1184xf32> to vector<1184x1184xf32>
    %sub3A_259 = arith.subf %select_n3A_254, %sub3A_258 : vector<1184x1184xf32>
    %exp3A_260 = math.exp %sub3A_259 : vector<1184x1184xf32>
    %reduce_sum3A_261 = arith.constant dense<0.000000e+00> : vector<1184xf32>
    %reduce_sum3A_262 = vector.multi_reduction <add>, %exp3A_260, %reduce_sum3A_261 [0] : vector<1184x1184xf32> to vector<1184xf32>
    %broadcast_in_dim3A_263 = vector.shape_cast %reduce_sum3A_262 : vector<1184xf32> to vector<1x1184xf32>
    %div3A_264 = vector.broadcast %broadcast_in_dim3A_263 : vector<1x1184xf32> to vector<1184x1184xf32>
    %div3A_265 = arith.divf %exp3A_260, %div3A_264 : vector<1184x1184xf32>
    %slice3A_266 = vector.extract_strided_slice %add3A_164 {offsets = [0, 24], sizes = [1184, 8], strides = [1, 1]} : vector<1184x64xf32> to vector<1184x8xf32>
    %dot_general3A_267 = arith.constant dense<0.000000e+00> : vector<8x1184xf32>
    %dot_general3A_268 = tpu.matmul %slice3A_266, %div3A_265, %dot_general3A_267 {dimension_numbers = #tpu.dot_dimension_numbers<[0], [0], [1], [1], [0, 1, 1, 1], [], []>, transpose_lhs_hint = false} : vector<1184x8xf32>, vector<1184x1184xf32>, vector<8x1184xf32> -> vector<8x1184xf32>
    %slice3A_269 = vector.extract_strided_slice %add3A_154 {offsets = [0, 32], sizes = [1184, 8], strides = [1, 1]} : vector<1184x64xf32> to vector<1184x8xf32>
    %slice3A_270 = vector.extract_strided_slice %add3A_144 {offsets = [0, 32], sizes = [1184, 8], strides = [1, 1]} : vector<1184x64xf32> to vector<1184x8xf32>
    %dot_general3A_271 = arith.constant dense<0.000000e+00> : vector<1184x1184xf32>
    %dot_general3A_272 = tpu.matmul %slice3A_269, %slice3A_270, %dot_general3A_271 {dimension_numbers = #tpu.dot_dimension_numbers<[1], [1], [0], [0], [0, 0, 1, 0], [], []>, transpose_lhs_hint = false} : vector<1184x8xf32>, vector<1184x8xf32>, vector<1184x1184xf32> -> vector<1184x1184xf32>
    %mul3A_273 = arith.constant 0.353553385 : f32
    %mul3A_274 = vector.broadcast %mul3A_273 : f32 to vector<1184x1184xf32>
    %mul3A_275 = arith.mulf %dot_general3A_272, %mul3A_274 : vector<1184x1184xf32>
    %jit3A_276 = arith.constant -1.000000e+30 : f32
    %broadcast_in_dim3A_277 = vector.shape_cast %gt3A_169 : vector<1184x1xi1> to vector<1184x1xi1>
    %broadcast_in_dim3A_278 = vector.broadcast %broadcast_in_dim3A_277 : vector<1184x1xi1> to vector<1184x1184xi1>
    %broadcast_in_dim3A_279 = vector.broadcast %jit3A_276 : f32 to vector<1184x1184xf32>
    %select_n3A_280 = arith.select %broadcast_in_dim3A_278, %mul3A_275, %broadcast_in_dim3A_279 : vector<1184x1184xi1>, vector<1184x1184xf32>
    %reduce_max3A_281 = arith.constant dense<0xFF800000> : vector<1184xf32>
    %reduce_max3A_282 = vector.multi_reduction <maximumf>, %select_n3A_280, %reduce_max3A_281 [0] : vector<1184x1184xf32> to vector<1184xf32>
    %broadcast_in_dim3A_283 = vector.shape_cast %reduce_max3A_282 : vector<1184xf32> to vector<1x1184xf32>
    %sub3A_284 = vector.broadcast %broadcast_in_dim3A_283 : vector<1x1184xf32> to vector<1184x1184xf32>
    %sub3A_285 = arith.subf %select_n3A_280, %sub3A_284 : vector<1184x1184xf32>
    %exp3A_286 = math.exp %sub3A_285 : vector<1184x1184xf32>
    %reduce_sum3A_287 = arith.constant dense<0.000000e+00> : vector<1184xf32>
    %reduce_sum3A_288 = vector.multi_reduction <add>, %exp3A_286, %reduce_sum3A_287 [0] : vector<1184x1184xf32> to vector<1184xf32>
    %broadcast_in_dim3A_289 = vector.shape_cast %reduce_sum3A_288 : vector<1184xf32> to vector<1x1184xf32>
    %div3A_290 = vector.broadcast %broadcast_in_dim3A_289 : vector<1x1184xf32> to vector<1184x1184xf32>
    %div3A_291 = arith.divf %exp3A_286, %div3A_290 : vector<1184x1184xf32>
    %slice3A_292 = vector.extract_strided_slice %add3A_164 {offsets = [0, 32], sizes = [1184, 8], strides = [1, 1]} : vector<1184x64xf32> to vector<1184x8xf32>
    %dot_general3A_293 = arith.constant dense<0.000000e+00> : vector<8x1184xf32>
    %dot_general3A_294 = tpu.matmul %slice3A_292, %div3A_291, %dot_general3A_293 {dimension_numbers = #tpu.dot_dimension_numbers<[0], [0], [1], [1], [0, 1, 1, 1], [], []>, transpose_lhs_hint = false} : vector<1184x8xf32>, vector<1184x1184xf32>, vector<8x1184xf32> -> vector<8x1184xf32>
    %slice3A_295 = vector.extract_strided_slice %add3A_154 {offsets = [0, 40], sizes = [1184, 8], strides = [1, 1]} : vector<1184x64xf32> to vector<1184x8xf32>
    %slice3A_296 = vector.extract_strided_slice %add3A_144 {offsets = [0, 40], sizes = [1184, 8], strides = [1, 1]} : vector<1184x64xf32> to vector<1184x8xf32>
    %dot_general3A_297 = arith.constant dense<0.000000e+00> : vector<1184x1184xf32>
    %dot_general3A_298 = tpu.matmul %slice3A_295, %slice3A_296, %dot_general3A_297 {dimension_numbers = #tpu.dot_dimension_numbers<[1], [1], [0], [0], [0, 0, 1, 0], [], []>, transpose_lhs_hint = false} : vector<1184x8xf32>, vector<1184x8xf32>, vector<1184x1184xf32> -> vector<1184x1184xf32>
    %mul3A_299 = arith.constant 0.353553385 : f32
    %mul3A_300 = vector.broadcast %mul3A_299 : f32 to vector<1184x1184xf32>
    %mul3A_301 = arith.mulf %dot_general3A_298, %mul3A_300 : vector<1184x1184xf32>
    %jit3A_302 = arith.constant -1.000000e+30 : f32
    %broadcast_in_dim3A_303 = vector.shape_cast %gt3A_169 : vector<1184x1xi1> to vector<1184x1xi1>
    %broadcast_in_dim3A_304 = vector.broadcast %broadcast_in_dim3A_303 : vector<1184x1xi1> to vector<1184x1184xi1>
    %broadcast_in_dim3A_305 = vector.broadcast %jit3A_302 : f32 to vector<1184x1184xf32>
    %select_n3A_306 = arith.select %broadcast_in_dim3A_304, %mul3A_301, %broadcast_in_dim3A_305 : vector<1184x1184xi1>, vector<1184x1184xf32>
    %reduce_max3A_307 = arith.constant dense<0xFF800000> : vector<1184xf32>
    %reduce_max3A_308 = vector.multi_reduction <maximumf>, %select_n3A_306, %reduce_max3A_307 [0] : vector<1184x1184xf32> to vector<1184xf32>
    %broadcast_in_dim3A_309 = vector.shape_cast %reduce_max3A_308 : vector<1184xf32> to vector<1x1184xf32>
    %sub3A_310 = vector.broadcast %broadcast_in_dim3A_309 : vector<1x1184xf32> to vector<1184x1184xf32>
    %sub3A_311 = arith.subf %select_n3A_306, %sub3A_310 : vector<1184x1184xf32>
    %exp3A_312 = math.exp %sub3A_311 : vector<1184x1184xf32>
    %reduce_sum3A_313 = arith.constant dense<0.000000e+00> : vector<1184xf32>
    %reduce_sum3A_314 = vector.multi_reduction <add>, %exp3A_312, %reduce_sum3A_313 [0] : vector<1184x1184xf32> to vector<1184xf32>
    %broadcast_in_dim3A_315 = vector.shape_cast %reduce_sum3A_314 : vector<1184xf32> to vector<1x1184xf32>
    %div3A_316 = vector.broadcast %broadcast_in_dim3A_315 : vector<1x1184xf32> to vector<1184x1184xf32>
    %div3A_317 = arith.divf %exp3A_312, %div3A_316 : vector<1184x1184xf32>
    %slice3A_318 = vector.extract_strided_slice %add3A_164 {offsets = [0, 40], sizes = [1184, 8], strides = [1, 1]} : vector<1184x64xf32> to vector<1184x8xf32>
    %dot_general3A_319 = arith.constant dense<0.000000e+00> : vector<8x1184xf32>
    %dot_general3A_320 = tpu.matmul %slice3A_318, %div3A_317, %dot_general3A_319 {dimension_numbers = #tpu.dot_dimension_numbers<[0], [0], [1], [1], [0, 1, 1, 1], [], []>, transpose_lhs_hint = false} : vector<1184x8xf32>, vector<1184x1184xf32>, vector<8x1184xf32> -> vector<8x1184xf32>
    %slice3A_321 = vector.extract_strided_slice %add3A_154 {offsets = [0, 48], sizes = [1184, 8], strides = [1, 1]} : vector<1184x64xf32> to vector<1184x8xf32>
    %slice3A_322 = vector.extract_strided_slice %add3A_144 {offsets = [0, 48], sizes = [1184, 8], strides = [1, 1]} : vector<1184x64xf32> to vector<1184x8xf32>
    %dot_general3A_323 = arith.constant dense<0.000000e+00> : vector<1184x1184xf32>
    %dot_general3A_324 = tpu.matmul %slice3A_321, %slice3A_322, %dot_general3A_323 {dimension_numbers = #tpu.dot_dimension_numbers<[1], [1], [0], [0], [0, 0, 1, 0], [], []>, transpose_lhs_hint = false} : vector<1184x8xf32>, vector<1184x8xf32>, vector<1184x1184xf32> -> vector<1184x1184xf32>
    %mul3A_325 = arith.constant 0.353553385 : f32
    %mul3A_326 = vector.broadcast %mul3A_325 : f32 to vector<1184x1184xf32>
    %mul3A_327 = arith.mulf %dot_general3A_324, %mul3A_326 : vector<1184x1184xf32>
    %jit3A_328 = arith.constant -1.000000e+30 : f32
    %broadcast_in_dim3A_329 = vector.shape_cast %gt3A_169 : vector<1184x1xi1> to vector<1184x1xi1>
    %broadcast_in_dim3A_330 = vector.broadcast %broadcast_in_dim3A_329 : vector<1184x1xi1> to vector<1184x1184xi1>
    %broadcast_in_dim3A_331 = vector.broadcast %jit3A_328 : f32 to vector<1184x1184xf32>
    %select_n3A_332 = arith.select %broadcast_in_dim3A_330, %mul3A_327, %broadcast_in_dim3A_331 : vector<1184x1184xi1>, vector<1184x1184xf32>
    %reduce_max3A_333 = arith.constant dense<0xFF800000> : vector<1184xf32>
    %reduce_max3A_334 = vector.multi_reduction <maximumf>, %select_n3A_332, %reduce_max3A_333 [0] : vector<1184x1184xf32> to vector<1184xf32>
    %broadcast_in_dim3A_335 = vector.shape_cast %reduce_max3A_334 : vector<1184xf32> to vector<1x1184xf32>
    %sub3A_336 = vector.broadcast %broadcast_in_dim3A_335 : vector<1x1184xf32> to vector<1184x1184xf32>
    %sub3A_337 = arith.subf %select_n3A_332, %sub3A_336 : vector<1184x1184xf32>
    %exp3A_338 = math.exp %sub3A_337 : vector<1184x1184xf32>
    %reduce_sum3A_339 = arith.constant dense<0.000000e+00> : vector<1184xf32>
    %reduce_sum3A_340 = vector.multi_reduction <add>, %exp3A_338, %reduce_sum3A_339 [0] : vector<1184x1184xf32> to vector<1184xf32>
    %broadcast_in_dim3A_341 = vector.shape_cast %reduce_sum3A_340 : vector<1184xf32> to vector<1x1184xf32>
    %div3A_342 = vector.broadcast %broadcast_in_dim3A_341 : vector<1x1184xf32> to vector<1184x1184xf32>
    %div3A_343 = arith.divf %exp3A_338, %div3A_342 : vector<1184x1184xf32>
    %slice3A_344 = vector.extract_strided_slice %add3A_164 {offsets = [0, 48], sizes = [1184, 8], strides = [1, 1]} : vector<1184x64xf32> to vector<1184x8xf32>
    %dot_general3A_345 = arith.constant dense<0.000000e+00> : vector<8x1184xf32>
    %dot_general3A_346 = tpu.matmul %slice3A_344, %div3A_343, %dot_general3A_345 {dimension_numbers = #tpu.dot_dimension_numbers<[0], [0], [1], [1], [0, 1, 1, 1], [], []>, transpose_lhs_hint = false} : vector<1184x8xf32>, vector<1184x1184xf32>, vector<8x1184xf32> -> vector<8x1184xf32>
    %slice3A_347 = vector.extract_strided_slice %add3A_154 {offsets = [0, 56], sizes = [1184, 8], strides = [1, 1]} : vector<1184x64xf32> to vector<1184x8xf32>
    %slice3A_348 = vector.extract_strided_slice %add3A_144 {offsets = [0, 56], sizes = [1184, 8], strides = [1, 1]} : vector<1184x64xf32> to vector<1184x8xf32>
    %dot_general3A_349 = arith.constant dense<0.000000e+00> : vector<1184x1184xf32>
    %dot_general3A_350 = tpu.matmul %slice3A_347, %slice3A_348, %dot_general3A_349 {dimension_numbers = #tpu.dot_dimension_numbers<[1], [1], [0], [0], [0, 0, 1, 0], [], []>, transpose_lhs_hint = false} : vector<1184x8xf32>, vector<1184x8xf32>, vector<1184x1184xf32> -> vector<1184x1184xf32>
    %mul3A_351 = arith.constant 0.353553385 : f32
    %mul3A_352 = vector.broadcast %mul3A_351 : f32 to vector<1184x1184xf32>
    %mul3A_353 = arith.mulf %dot_general3A_350, %mul3A_352 : vector<1184x1184xf32>
    %jit3A_354 = arith.constant -1.000000e+30 : f32
    %broadcast_in_dim3A_355 = vector.shape_cast %gt3A_169 : vector<1184x1xi1> to vector<1184x1xi1>
    %broadcast_in_dim3A_356 = vector.broadcast %broadcast_in_dim3A_355 : vector<1184x1xi1> to vector<1184x1184xi1>
    %broadcast_in_dim3A_357 = vector.broadcast %jit3A_354 : f32 to vector<1184x1184xf32>
    %select_n3A_358 = arith.select %broadcast_in_dim3A_356, %mul3A_353, %broadcast_in_dim3A_357 : vector<1184x1184xi1>, vector<1184x1184xf32>
    %reduce_max3A_359 = arith.constant dense<0xFF800000> : vector<1184xf32>
    %reduce_max3A_360 = vector.multi_reduction <maximumf>, %select_n3A_358, %reduce_max3A_359 [0] : vector<1184x1184xf32> to vector<1184xf32>
    %broadcast_in_dim3A_361 = vector.shape_cast %reduce_max3A_360 : vector<1184xf32> to vector<1x1184xf32>
    %sub3A_362 = vector.broadcast %broadcast_in_dim3A_361 : vector<1x1184xf32> to vector<1184x1184xf32>
    %sub3A_363 = arith.subf %select_n3A_358, %sub3A_362 : vector<1184x1184xf32>
    %exp3A_364 = math.exp %sub3A_363 : vector<1184x1184xf32>
    %reduce_sum3A_365 = arith.constant dense<0.000000e+00> : vector<1184xf32>
    %reduce_sum3A_366 = vector.multi_reduction <add>, %exp3A_364, %reduce_sum3A_365 [0] : vector<1184x1184xf32> to vector<1184xf32>
    %broadcast_in_dim3A_367 = vector.shape_cast %reduce_sum3A_366 : vector<1184xf32> to vector<1x1184xf32>
    %div3A_368 = vector.broadcast %broadcast_in_dim3A_367 : vector<1x1184xf32> to vector<1184x1184xf32>
    %div3A_369 = arith.divf %exp3A_364, %div3A_368 : vector<1184x1184xf32>
    %slice3A_370 = vector.extract_strided_slice %add3A_164 {offsets = [0, 56], sizes = [1184, 8], strides = [1, 1]} : vector<1184x64xf32> to vector<1184x8xf32>
    %dot_general3A_371 = arith.constant dense<0.000000e+00> : vector<8x1184xf32>
    %dot_general3A_372 = tpu.matmul %slice3A_370, %div3A_369, %dot_general3A_371 {dimension_numbers = #tpu.dot_dimension_numbers<[0], [0], [1], [1], [0, 1, 1, 1], [], []>, transpose_lhs_hint = false} : vector<1184x8xf32>, vector<1184x1184xf32>, vector<8x1184xf32> -> vector<8x1184xf32>
    %concatenate3A_373 = tpu.concatenate %dot_general3A_190, %dot_general3A_216, %dot_general3A_242, %dot_general3A_268, %dot_general3A_294, %dot_general3A_320, %dot_general3A_346, %dot_general3A_372 in 0 : vector<8x1184xf32>, vector<8x1184xf32>, vector<8x1184xf32>, vector<8x1184xf32>, vector<8x1184xf32>, vector<8x1184xf32>, vector<8x1184xf32>, vector<8x1184xf32> -> vector<64x1184xf32>
    %get3A_374 = arith.constant 0 : index
    %get3A_375 = arith.constant 0 : index
    %get3A_376 = vector.load %arg22[%get3A_374, %get3A_375] : memref<64x64xf32, #tpu.memory_space<vmem>>, vector<64x64xf32>
    %dot_general3A_377 = arith.constant dense<0.000000e+00> : vector<1184x64xf32>
    %dot_general3A_378 = tpu.matmul %concatenate3A_373, %get3A_376, %dot_general3A_377 {dimension_numbers = #tpu.dot_dimension_numbers<[0], [0], [1], [1], [0, 1, 1, 1], [], []>, transpose_lhs_hint = false} : vector<64x1184xf32>, vector<64x64xf32>, vector<1184x64xf32> -> vector<1184x64xf32>
    %get3A_379 = arith.constant 0 : index
    %get3A_380 = vector.load %arg23[%get3A_379] : memref<64xf32, #tpu.memory_space<vmem>>, vector<64xf32>
    %broadcast_in_dim3A_381 = vector.shape_cast %get3A_380 : vector<64xf32> to vector<1x64xf32>
    %add3A_382 = vector.broadcast %broadcast_in_dim3A_381 : vector<1x64xf32> to vector<1184x64xf32>
    %add3A_383 = arith.addf %dot_general3A_378, %add3A_382 : vector<1184x64xf32>
    %reduce_sum3A_384 = arith.constant dense<0.000000e+00> : vector<1184xf32>
    %reduce_sum3A_385 = vector.multi_reduction <add>, %add3A_383, %reduce_sum3A_384 [1] : vector<1184x64xf32> to vector<1184xf32>
    %broadcast_in_dim3A_386 = vector.shape_cast %reduce_sum3A_385 : vector<1184xf32> to vector<1184x1xf32>
    %div3A_387 = arith.constant 6.400000e+01 : f32
    %div3A_388 = vector.broadcast %div3A_387 : f32 to vector<1184x1xf32>
    %div3A_389 = arith.divf %broadcast_in_dim3A_386, %div3A_388 : vector<1184x1xf32>
    %sub3A_390 = vector.broadcast %div3A_389 : vector<1184x1xf32> to vector<1184x64xf32>
    %sub3A_391 = arith.subf %add3A_383, %sub3A_390 : vector<1184x64xf32>
    %integer_pow3A = arith.mulf %sub3A_391, %sub3A_391 : vector<1184x64xf32>
    %reduce_sum3A_392 = arith.constant dense<0.000000e+00> : vector<1184xf32>
    %reduce_sum3A_393 = vector.multi_reduction <add>, %integer_pow3A, %reduce_sum3A_392 [1] : vector<1184x64xf32> to vector<1184xf32>
    %broadcast_in_dim3A_394 = vector.shape_cast %reduce_sum3A_393 : vector<1184xf32> to vector<1184x1xf32>
    %div3A_395 = arith.constant 6.400000e+01 : f32
    %div3A_396 = vector.broadcast %div3A_395 : f32 to vector<1184x1xf32>
    %div3A_397 = arith.divf %broadcast_in_dim3A_394, %div3A_396 : vector<1184x1xf32>
    %sub3A_398 = vector.broadcast %div3A_389 : vector<1184x1xf32> to vector<1184x64xf32>
    %sub3A_399 = arith.subf %add3A_383, %sub3A_398 : vector<1184x64xf32>
    %add3A_400 = arith.constant 9.99999974E-6 : f32
    %add3A_401 = vector.broadcast %add3A_400 : f32 to vector<1184x1xf32>
    %add3A_402 = arith.addf %div3A_397, %add3A_401 : vector<1184x1xf32>
    %sqrt3A = math.sqrt %add3A_402 : vector<1184x1xf32>
    %div3A_403 = vector.broadcast %sqrt3A : vector<1184x1xf32> to vector<1184x64xf32>
    %div3A_404 = arith.divf %sub3A_399, %div3A_403 : vector<1184x64xf32>
    %get3A_405 = arith.constant 0 : index
    %get3A_406 = vector.load %arg24[%get3A_405] : memref<64xf32, #tpu.memory_space<vmem>>, vector<64xf32>
    %broadcast_in_dim3A_407 = vector.shape_cast %get3A_406 : vector<64xf32> to vector<1x64xf32>
    %mul3A_408 = vector.broadcast %broadcast_in_dim3A_407 : vector<1x64xf32> to vector<1184x64xf32>
    %mul3A_409 = arith.mulf %div3A_404, %mul3A_408 : vector<1184x64xf32>
    %get3A_410 = arith.constant 0 : index
    %get3A_411 = vector.load %arg25[%get3A_410] : memref<64xf32, #tpu.memory_space<vmem>>, vector<64xf32>
    %broadcast_in_dim3A_412 = vector.shape_cast %get3A_411 : vector<64xf32> to vector<1x64xf32>
    %add3A_413 = vector.broadcast %broadcast_in_dim3A_412 : vector<1x64xf32> to vector<1184x64xf32>
    %add3A_414 = arith.addf %mul3A_409, %add3A_413 : vector<1184x64xf32>
    %swap3A = arith.constant 0 : index
    %swap3A_415 = arith.constant 0 : index
    %swap3A_416 = arith.constant 0 : index
    %swap3A_417 = vector.load %arg30[%swap3A, %swap3A_415, %swap3A_416] : memref<1x1184x64xf32, #tpu.memory_space<vmem>>, vector<1x1184x64xf32>
    %swap3A_418 = vector.shape_cast %swap3A_417 : vector<1x1184x64xf32> to vector<1184x64xf32>
    %swap3A_419 = vector.shape_cast %add3A_414 : vector<1184x64xf32> to vector<1x1184x64xf32>
    tpu.vector_store %arg30[%swap3A, %swap3A_415, %swap3A_416], %swap3A_419 {strides = array<i32>} : memref<1x1184x64xf32, #tpu.memory_space<vmem>>, vector<1x1184x64xf32>,
    %iota3A = tpu.iota {dimensions = array<i32: 0>} : vector<1184x64xi32>
    %lt3A = arith.constant 1177 : i32
    %lt3A_420 = vector.broadcast %lt3A : i32 to vector<1184x64xi32>
    %lt3A_421 = arith.cmpi slt, %iota3A, %lt3A_420 : vector<1184x64xi32>
    %jit3A_422 = arith.constant 0.000000e+00 : f32
    %broadcast_in_dim3A_423 = vector.broadcast %jit3A_422 : f32 to vector<1184x64xf32>
    %select_n3A_424 = arith.select %lt3A_421, %add3A_414, %broadcast_in_dim3A_423 : vector<1184x64xi1>, vector<1184x64xf32>
    %reduce_sum3A_425 = arith.constant dense<0.000000e+00> : vector<64xf32>
    %reduce_sum3A_426 = vector.multi_reduction <add>, %select_n3A_424, %reduce_sum3A_425 [0] : vector<1184x64xf32> to vector<64xf32>
    %broadcast_in_dim3A_427 = vector.shape_cast %reduce_sum3A_426 : vector<64xf32> to vector<1x64xf32>
    %div3A_428 = arith.constant 1.177000e+03 : f32
    %div3A_429 = vector.broadcast %div3A_428 : f32 to vector<1x64xf32>
    %div3A_430 = arith.divf %broadcast_in_dim3A_427, %div3A_429 : vector<1x64xf32>
    %squeeze3A = vector.shape_cast %tanh3A_19 : vector<1x64xf32> to vector<64xf32>
    %swap3A_431 = arith.constant 0 : index
    %swap3A_432 = arith.constant 0 : index
    %swap3A_433 = arith.constant 0 : index
    %swap3A_434 = vector.load %arg31[%swap3A_431, %swap3A_432, %swap3A_433] : memref<1x1x130xf32, #tpu.memory_space<vmem>>, vector<1x1x64xf32>
    %swap3A_435 = vector.shape_cast %swap3A_434 : vector<1x1x64xf32> to vector<64xf32>
    %swap3A_436 = vector.shape_cast %squeeze3A : vector<64xf32> to vector<1x1x64xf32>
    tpu.vector_store %arg31[%swap3A_431, %swap3A_432, %swap3A_433], %swap3A_436 {strides = array<i32>} : memref<1x1x130xf32, #tpu.memory_space<vmem>>, vector<1x1x64xf32>,
    %squeeze3A_437 = vector.shape_cast %div3A_430 : vector<1x64xf32> to vector<64xf32>
    %swap3A_438 = arith.constant 0 : index
    %swap3A_439 = arith.constant 0 : index
    %swap3A_440 = arith.constant 64 : index
    %swap3A_441 = vector.load %arg31[%swap3A_438, %swap3A_439, %swap3A_440] : memref<1x1x130xf32, #tpu.memory_space<vmem>>, vector<1x1x64xf32>
    %swap3A_442 = vector.shape_cast %swap3A_441 : vector<1x1x64xf32> to vector<64xf32>
    %swap3A_443 = vector.shape_cast %squeeze3A_437 : vector<64xf32> to vector<1x1x64xf32>
    tpu.vector_store %arg31[%swap3A_438, %swap3A_439, %swap3A_440], %swap3A_443 {strides = array<i32>} : memref<1x1x130xf32, #tpu.memory_space<vmem>>, vector<1x1x64xf32>,
    %get3A_444 = arith.constant 0 : index
    %get3A_445 = arith.constant 0 : index
    %get3A_446 = arith.constant 0 : index
    %get3A_447 = vector.load %arg4[%get3A_444, %get3A_445, %get3A_446] : memref<1x1x2xf32, #tpu.memory_space<vmem>>, vector<1x1x2xf32>
    %get3A_448 = vector.shape_cast %get3A_447 : vector<1x1x2xf32> to vector<2xf32>
    %swap3A_449 = arith.constant 0 : index
    %swap3A_450 = arith.constant 0 : index
    %swap3A_451 = arith.constant 128 : index
    %swap3A_452 = vector.load %arg31[%swap3A_449, %swap3A_450, %swap3A_451] : memref<1x1x130xf32, #tpu.memory_space<vmem>>, vector<1x1x2xf32>
    %swap3A_453 = vector.shape_cast %swap3A_452 : vector<1x1x2xf32> to vector<2xf32>
    %swap3A_454 = vector.shape_cast %get3A_448 : vector<2xf32> to vector<1x1x2xf32>
    tpu.vector_store %arg31[%swap3A_449, %swap3A_450, %swap3A_451], %swap3A_454 {strides = array<i32>} : memref<1x1x130xf32, #tpu.memory_space<vmem>>, vector<1x1x2xf32>,
    return
  }
  func.func @transform_0(%arg0: i32) -> (i32, i32, i32, i32) {
    %c0_i32 = arith.constant 0 : i32
    %c0_i32_0 = arith.constant 0 : i32
    %c0_i32_1 = arith.constant 0 : i32
    %c0_i32_2 = arith.constant 0 : i32
    return %arg0, %c0_i32, %c0_i32_0, %c0_i32_1 : i32, i32, i32, i32
  }
  func.func @transform_1(%arg0: i32) -> (i32, i32, i32) {
    %c0_i32 = arith.constant 0 : i32
    %c0_i32_0 = arith.constant 0 : i32
    %c0_i32_1 = arith.constant 0 : i32
    return %arg0, %c0_i32, %c0_i32_0 : i32, i32, i32
  }
  func.func @transform_2(%arg0: i32) -> (i32, i32, i32) {
    %c0_i32 = arith.constant 0 : i32
    %c0_i32_0 = arith.constant 0 : i32
    %c0_i32_1 = arith.constant 0 : i32
    return %arg0, %c0_i32, %c0_i32_0 : i32, i32, i32
  }
  func.func @transform_3(%arg0: i32) -> (i32, i32, i32) {
    %c0_i32 = arith.constant 0 : i32
    %c0_i32_0 = arith.constant 0 : i32
    %c0_i32_1 = arith.constant 0 : i32
    return %arg0, %c0_i32, %c0_i32_0 : i32, i32, i32
  }
  func.func @transform_4(%arg0: i32) -> (i32, i32) {
    %c0_i32 = arith.constant 0 : i32
    %c0_i32_0 = arith.constant 0 : i32
    %c0_i32_1 = arith.constant 0 : i32
    return %c0_i32, %c0_i32_0 : i32, i32
  }
  func.func @transform_5(%arg0: i32) -> (i32, i32) {
    %c0_i32 = arith.constant 0 : i32
    %c0_i32_0 = arith.constant 0 : i32
    %c0_i32_1 = arith.constant 0 : i32
    return %c0_i32, %c0_i32_0 : i32, i32
  }
  func.func @transform_6(%arg0: i32) -> i32 {
    %c0_i32 = arith.constant 0 : i32
    %c0_i32_0 = arith.constant 0 : i32
    return %c0_i32 : i32
  }
  func.func @transform_7(%arg0: i32) -> (i32, i32) {
    %c0_i32 = arith.constant 0 : i32
    %c0_i32_0 = arith.constant 0 : i32
    %c0_i32_1 = arith.constant 0 : i32
    return %c0_i32, %c0_i32_0 : i32, i32
  }
  func.func @transform_8(%arg0: i32) -> i32 {
    %c0_i32 = arith.constant 0 : i32
    %c0_i32_0 = arith.constant 0 : i32
    return %c0_i32 : i32
  }
  func.func @transform_9(%arg0: i32) -> (i32, i32) {
    %c0_i32 = arith.constant 0 : i32
    %c0_i32_0 = arith.constant 0 : i32
    %c0_i32_1 = arith.constant 0 : i32
    return %c0_i32, %c0_i32_0 : i32, i32
  }
  func.func @transform_10(%arg0: i32) -> i32 {
    %c0_i32 = arith.constant 0 : i32
    %c0_i32_0 = arith.constant 0 : i32
    return %c0_i32 : i32
  }
  func.func @transform_11(%arg0: i32) -> (i32, i32) {
    %c0_i32 = arith.constant 0 : i32
    %c0_i32_0 = arith.constant 0 : i32
    %c0_i32_1 = arith.constant 0 : i32
    return %c0_i32, %c0_i32_0 : i32, i32
  }
  func.func @transform_12(%arg0: i32) -> i32 {
    %c0_i32 = arith.constant 0 : i32
    %c0_i32_0 = arith.constant 0 : i32
    return %c0_i32 : i32
  }
  func.func @transform_13(%arg0: i32) -> (i32, i32) {
    %c0_i32 = arith.constant 0 : i32
    %c0_i32_0 = arith.constant 0 : i32
    %c0_i32_1 = arith.constant 0 : i32
    return %c0_i32, %c0_i32_0 : i32, i32
  }
  func.func @transform_14(%arg0: i32) -> i32 {
    %c0_i32 = arith.constant 0 : i32
    %c0_i32_0 = arith.constant 0 : i32
    return %c0_i32 : i32
  }
  func.func @transform_15(%arg0: i32) -> (i32, i32) {
    %c0_i32 = arith.constant 0 : i32
    %c0_i32_0 = arith.constant 0 : i32
    %c0_i32_1 = arith.constant 0 : i32
    return %c0_i32, %c0_i32_0 : i32, i32
  }
  func.func @transform_16(%arg0: i32) -> i32 {
    %c0_i32 = arith.constant 0 : i32
    %c0_i32_0 = arith.constant 0 : i32
    return %c0_i32 : i32
  }
  func.func @transform_17(%arg0: i32) -> (i32, i32) {
    %c0_i32 = arith.constant 0 : i32
    %c0_i32_0 = arith.constant 0 : i32
    %c0_i32_1 = arith.constant 0 : i32
    return %c0_i32, %c0_i32_0 : i32, i32
  }
  func.func @transform_18(%arg0: i32) -> i32 {
    %c0_i32 = arith.constant 0 : i32
    %c0_i32_0 = arith.constant 0 : i32
    return %c0_i32 : i32
  }
  func.func @transform_19(%arg0: i32) -> (i32, i32) {
    %c0_i32 = arith.constant 0 : i32
    %c0_i32_0 = arith.constant 0 : i32
    %c0_i32_1 = arith.constant 0 : i32
    return %c0_i32, %c0_i32_0 : i32, i32
  }
  func.func @transform_20(%arg0: i32) -> i32 {
    %c0_i32 = arith.constant 0 : i32
    %c0_i32_0 = arith.constant 0 : i32
    return %c0_i32 : i32
  }
  func.func @transform_21(%arg0: i32) -> (i32, i32) {
    %c0_i32 = arith.constant 0 : i32
    %c0_i32_0 = arith.constant 0 : i32
    %c0_i32_1 = arith.constant 0 : i32
    return %c0_i32, %c0_i32_0 : i32, i32
  }
  func.func @transform_22(%arg0: i32) -> i32 {
    %c0_i32 = arith.constant 0 : i32
    %c0_i32_0 = arith.constant 0 : i32
    return %c0_i32 : i32
  }
  func.func @transform_23(%arg0: i32) -> i32 {
    %c0_i32 = arith.constant 0 : i32
    %c0_i32_0 = arith.constant 0 : i32
    return %c0_i32 : i32
  }
  func.func @transform_24(%arg0: i32) -> i32 {
    %c0_i32 = arith.constant 0 : i32
    %c0_i32_0 = arith.constant 0 : i32
    return %c0_i32 : i32
  }
  func.func @transform_25(%arg0: i32) -> (i32, i32) {
    %c0_i32 = arith.constant 0 : i32
    %c0_i32_0 = arith.constant 0 : i32
    %c0_i32_1 = arith.constant 0 : i32
    return %c0_i32, %c0_i32_0 : i32, i32
  }
  func.func @transform_26(%arg0: i32) -> i32 {
    %c0_i32 = arith.constant 0 : i32
    %c0_i32_0 = arith.constant 0 : i32
    return %c0_i32 : i32
  }
  func.func @transform_27(%arg0: i32) -> (i32, i32) {
    %c0_i32 = arith.constant 0 : i32
    %c0_i32_0 = arith.constant 0 : i32
    %c0_i32_1 = arith.constant 0 : i32
    return %c0_i32, %c0_i32_0 : i32, i32
  }
  func.func @transform_28(%arg0: i32) -> i32 {
    %c0_i32 = arith.constant 0 : i32
    %c0_i32_0 = arith.constant 0 : i32
    return %c0_i32 : i32
  }
  func.func @transform_29(%arg0: i32) -> (i32, i32, i32) {
    %c0_i32 = arith.constant 0 : i32
    %c0_i32_0 = arith.constant 0 : i32
    %c0_i32_1 = arith.constant 0 : i32
    return %arg0, %c0_i32, %c0_i32_0 : i32, i32, i32
  }
  func.func @transform_30(%arg0: i32) -> (i32, i32, i32) {
    %c0_i32 = arith.constant 0 : i32
    %c0_i32_0 = arith.constant 0 : i32
    %c0_i32_1 = arith.constant 0 : i32
    return %arg0, %c0_i32, %c0_i32_0 : i32, i32, i32
  }
}

</mosaic_0001>

<sc_bundles>
// kernel: kernel.5.cloned.1.call-start
scs
__scs_entry_jumppad:
0x0: {  	(pc) =	sbr.rel $0x88, $3  }
0x1: {  	(tag) =	ssettag $0x0;
	lr =	simm.s32 $0x1  }
0x2: {  	[smem:$0x3F78] =	sst lr;
	_ =	strace $0xD0000000  }
0x3: {  	_ = 	snop  }
0x4: {  	_ = 	snop  }
0x5: {  	_ = 	snop  }
0x6: {  	_ = 	snop  }
0x7: {  	_ = 	snop  }
__scs_overlays_trampoline_lowered:
0x8: {  	[smem:$0x3F87] =	sst s0  }
0x9: {  	[smem:$0x3F88] =	sst s1  }
0xa: {  	[smem:$0x3F89] =	sst s2  }
0xb: {  	[smem:$0x3F8A] =	sst s3  }
0xc: {  	[smem:$0x3F8B] =	sst s4  }
0xd: {  	[smem:$0x3F8C] =	sst s5  }
0xe: {  	[smem:$0x3F8D] =	sst s6  }
0xf: {  	[smem:$0x3F8E] =	sst s7  }
0x10: {  	[smem:$0x3F8F] =	sst s8  }
0x11: {  	[smem:$0x3F90] =	sst s9;
	s0 =	simm.s32 @!p0 $0x0  }
0x12: {  	s1 =	sld [smem:$0x3F76];
	s0 =	simm.s32 @p0 $0x1  }
0x13: {  	[smem:$0x3F91] =	sst s0;
	s0 =	simm.s32 @!p1 $0x0  }
0x14: {  	s2 =	sld [smem:$0x3F75];
	s0 =	simm.s32 @p1 $0x1  }
0x15: {  	[smem:$0x3F92] =	sst s0;
	s0 =	simm.s32 @!p2 $0x0  }
0x16: {  	s3 =	sld [smem:$0x3FDB];
	s0 =	simm.s32 @p2 $0x1  }
0x17: {  	s4 =	simm.s32 $0x1BF5;
	[smem:$0x3F94] =	sst s0  }
0x18: {  	s0 =	sld [smem:$0x3F77];
	_ =	swait.ge [sflag:s4], $0x0  }
0x19: {  	s7 =	sld [smem:$0x3F78]  }
0x1a: {  	s8 =	sadd.s32 $0xFFFFE003, lr  }
0x1b: {  	s9 =	sadd.s32 $0xFFFFFEF7, lr;
	s5 =	simm.s32 $0xFFFFFFFF;
	p2 =	slt.u32 s8, $0xFFFFF086  }
0x1c: {  	p1 =	slt.u32 s9, $0xF7A;
	s5 =	simm.s32 @!p2 $0x0  }
0x1d: {  	s5 =	simm.s32 @p1 $0x1;
	p0 =	seq.s32 s7, s2  }
0x1e: {  	s7 =	smul.u32 @!p0 $0xF7A, s2;
	p2 =	seq.s32 @!p0 s5, $0x0  }
0x1f: {  	s9 =	smul.u32 $0xF7A, s1;
	s8 =	simm.s32 @!p0 $0x1BF5;
	p2 =	por !p2, p0  }
0x20: {  	[sflag:s8] =	ssyncset.s32 @!p0 $0xFFFFF086;
	s6 =	sadd.s32 @!p0 s3, s7;
	s7 =	simm.s32 @!p0 $0x108  }
0x21: {  	s3 =	sadd.s32 s3, s9;
	s6 =	sadd.s32 @!p0 $0x88, s6;
	s7 =	simm.s32 @p2 $0x1082  }
0x22: {  	[simem:s7], [sflag:s8] =	dma.local @!p0 [hbm:s6], $0xF7A  }
0x23: {  	s9 =	sor.u32 $0xD0000000, s2;
	s6 =	simm.s32 $0x108;
	_ =	swait.ge @!p0 [sflag:s8], $0x0  }
0x24: {  	s3 =	sadd.s32 $0x88, s3;
	s6 =	simm.s32 @!p1 $0x1082;
	[sflag:s4] =	ssyncset.s32 $0xFFFFF086  }
0x25: {  	[simem:s6], [sflag:s4] =	dma.local [hbm:s3], $0xF7A  }
0x26: {  	[smem:$0x3F78] =	sst s1;
	(tag) =	ssettag s2;
	_ =	strace s9  }
0x27: {  	s1 =	sld [smem:$0x3F88]  }
0x28: {  	s2 =	sld [smem:$0x3F89]  }
0x29: {  	s4 =	sld [smem:$0x3F8B]  }
0x2a: {  	p0 =	seq.s32 s5, $0x0;
	s5 =	sld [smem:$0x3F8C]  }
0x2b: {  	s6 =	sld [smem:$0x3F8D]  }
0x2c: {  	s7 =	sld [smem:$0x3F8E]  }
0x2d: {  	s3 =	simm.s32 $0x108;
	s8 =	sld [smem:$0x3F8F]  }
0x2e: {  	s3 =	simm.s32 @!p0 $0x1082;
	s9 =	sld [smem:$0x3F90]  }
0x2f: {  	lr =	sadd.s32 s0, s3;
	s0 =	sld [smem:$0x3F87]  }
0x30: {  	s3 =	sld [smem:$0x3F8A]  }
0x31: {  	[smem:$0x3F93] =	sst s10  }
0x32: {  	s10 =	sld [smem:$0x3F91];
	_ =	sdelay $0x3  }
0x33: {  	p0 =	seq.s32 s10, $0x1;
	s10 =	sld [smem:$0x3F93];
	_ =	sdelay $0x3  }
0x34: {  	[smem:$0x3F93] =	sst s10  }
0x35: {  	s10 =	sld [smem:$0x3F92];
	_ =	sdelay $0x3  }
0x36: {  	p1 =	seq.s32 s10, $0x1;
	s10 =	sld [smem:$0x3F93];
	_ =	sdelay $0x3  }
0x37: {  	[smem:$0x3F93] =	sst s10  }
0x38: {  	s10 =	sld [smem:$0x3F94]  }
0x39: {  	_ = 	snop;
	(pc) =	sbr.ind lr, $3  }
0x3a: {  	_ = 	snop  }
0x3b: {  	_ = 	snop  }
0x3c: {  	p2 =	seq.s32 s10, $0x1;
	s10 =	sld [smem:$0x3F93]  }
0x3d: {  	_ =	shalt  }
0x3e: {  	_ =	shalt  }
0x3f: {  	_ =	shalt  }
0x40: {  	_ =	shalt  }
0x41: {  	_ =	shalt  }
0x42: {  	_ =	shalt  }
0x43: {  	_ =	shalt  }
0x44: {  	_ =	shalt  }
0x45: {  	_ =	shalt  }
0x46: {  	_ =	shalt  }
0x47: {  	_ =	shalt  }
0x48: {  	_ =	shalt  }
0x49: {  	_ =	shalt  }
0x4a: {  	_ =	shalt  }
0x4b: {  	_ =	shalt  }
0x4c: {  	_ =	shalt  }
0x4d: {  	_ =	shalt  }
0x4e: {  	_ =	shalt  }
0x4f: {  	_ =	shalt  }
0x50: {  	_ =	shalt  }
0x51: {  	_ =	shalt  }
0x52: {  	_ =	shalt  }
0x53: {  	_ =	shalt  }
0x54: {  	_ =	shalt  }
0x55: {  	_ =	shalt  }
0x56: {  	_ =	shalt  }
0x57: {  	_ =	shalt  }
0x58: {  	_ =	shalt  }
0x59: {  	_ =	shalt  }
0x5a: {  	_ =	shalt  }
0x5b: {  	_ =	shalt  }
0x5c: {  	_ =	shalt  }
0x5d: {  	_ =	shalt  }
0x5e: {  	_ =	shalt  }
0x5f: {  	_ =	shalt  }
0x60: {  	_ =	shalt  }
0x61: {  	_ =	shalt  }
0x62: {  	_ =	shalt  }
0x63: {  	_ =	shalt  }
0x64: {  	_ =	shalt  }
0x65: {  	_ =	shalt  }
0x66: {  	_ =	shalt  }
0x67: {  	_ =	shalt  }
0x68: {  	_ =	shalt  }
0x69: {  	_ =	shalt  }
0x6a: {  	_ =	shalt  }
0x6b: {  	_ =	shalt  }
0x6c: {  	_ =	shalt  }
0x6d: {  	_ =	shalt  }
0x6e: {  	_ =	shalt  }
0x6f: {  	_ =	shalt  }
0x70: {  	_ =	shalt  }
0x71: {  	_ =	shalt  }
0x72: {  	_ =	shalt  }
0x73: {  	_ =	shalt  }
0x74: {  	_ =	shalt  }
0x75: {  	_ =	shalt  }
0x76: {  	_ =	shalt  }
0x77: {  	_ =	shalt  }
0x78: {  	_ =	shalt  }
0x79: {  	_ =	shalt  }
0x7a: {  	_ =	shalt  }
0x7b: {  	_ =	shalt  }
0x7c: {  	_ =	shalt  }
0x7d: {  	_ =	shalt  }
0x7e: {  	_ =	shalt  }
0x7f: {  	_ =	shalt  }
0x80: {  	_ =	shalt  }
0x81: {  	_ =	shalt  }
0x82: {  	_ =	shalt  }
0x83: {  	_ =	shalt  }
0x84: {  	_ =	shalt  }
0x85: {  	_ =	shalt  }
0x86: {  	_ =	shalt  }
0x87: {  	_ =	shalt  }
.Lfunc_end0:
.L_simem_size_0:
called_computation_lowered:
.L_overlay_start_0:
0x88: {  	s2 =	sld [smem:$0x3FD9]  }
0x89: {  	s3 =	sld [smem:$0x3FFE];
	_ =	sdelay $0x1  }
0x8a: {  	s1 =	srdreg.scid  }
0x8b: {  	s0 =	sand.u32 $0x1, s1  }
0x8c: {  	s14 =	sshll.u32 s0, $0xA;
	s2 =	sadd.s32 s3, s2  }
0x8d: {  	s2 =	sadd.s32 s2, s14  }
0x8e: {  	[smem:$0x3F9F] =	sst s2  }
0x8f: {  	_ = 	snop  }
0x90: {  	s2 =	sld [smem:$0x3FD0];
	_ =	sdelay $0x2  }
0x91: {  	s15 =	simm.s32 $0xA;
	s4 =	simm.s32 $0x10  }
0x92: {  	[smem:s4], [sflag:s15] =	dma.local [hbm:s2], $0x1  }
0x93: {  	_ =	swait.eq [sflag:s15], $0x1  }
0x94: {  	[sflag:s15] =	ssyncset.done $0x0  }
0x95: {  	[sflag:s15] =	ssyncadd.s32 $0xFFFFFFFF  }
0x96: {  	s16 =	sld [smem:$0x10];
	(tm) =	ssettm $0x1  }
0x97: {  	s17 =	sld [smem:$0x3FFB];
	_ =	sdelay $0x3  }
0x98: {  	_ =	strace s17  }
0x99: {  	s3 =	sld [smem:$0x3FFC];
	_ =	sdelay $0x3  }
0x9a: {  	_ =	strace s3  }
0x9b: {  	s3 =	sld [smem:$0x3FFD];
	_ =	sdelay $0x3  }
0x9c: {  	_ =	strace s3  }
0x9d: {  	_ =	strace $0x8FFFFFFF  }
0x9e: {  	s18 =	sld [smem:$0x3FDB];
	_ =	sdelay $0x1  }
0x9f: {  	s19 =	simm.s32 $_scs_section_size  }
0xa0: {  	s5 =	simm.s32 $_size__tile_overlayer_lowered;
	s6 =	simm.s32 $_tile_overlayer_lowered  }
0xa1: {  	s22 =	simm.s32 $0x1BFF;
	s21 =	sshll.u32 s6, $0x1;
	s3 =	sadd.s32 s19, s18  }
0xa2: {  	s7 =	simm.s32 $0x0;
	s20 =	sshll.u32 s5, $0x1;
	s5 =	sadd.s32 s21, s3  }
0xa3: {  	[timem:s7], [sflag:s22] =	dma.local [hbm:s5], s20  }
0xa4: {  	_ =	swait.ge [sflag:s22], s20  }
0xa5: {  	s4 =	ssub.s32 $0x0, s20;
	[sflag:s22] =	ssyncset.done $0x0  }
0xa6: {  	[sflag:s22] =	ssyncadd.s32 s4;
	_ =	sdelay $0x1  }
0xa7: {  	s23 =	simm.s32 $0x1B8B  }
0xa8: {  	_ =	swait.ge [sflag:s23], $0x1  }
0xa9: {  	[sflag:s23] =	ssyncset.done $0x0  }
0xaa: {  	s25 =	simm.s32 $0x1B8E;
	s24 =	sld [smem:$0x3FFE];
	[sflag:s23] =	ssyncadd.s32 $0xFFFFFFFF  }
0xab: {  	s26 =	simm.s32 $execute0_lowered;
	[smem:$0x3FD2] =	sst s25  }
0xac: {  	s5 =	sshll.u32 s26, $0x1;
	_ =	strace $0x80000046;
	[dreg:$0x1] =	wrdreg $0xFFFFFFFF  }
0xad: {  	s28 =	simm.s32 $_size_execute0_lowered;
	s3 =	sadd.s32 s3, s5;
	[dreg:$0x0] =	wrdreg $0x0  }
0xae: {  	s5 =	sshll.u32 s28, $0x1;
	[dreg:$0x2] =	wrdreg s3  }
0xaf: {  	[dreg:$0x3] =	wrdreg s5  }
0xb0: {  	[dreg:$0x4] =	wrdreg $0xC0  }
0xb1: {  	_ =	task [dreg:s7], $0x5FFFF  }
0xb2: {  	[dreg:$0x1] =	wrdreg $0xFFFFFFFF  }
0xb3: {  	[dreg:$0x0] =	wrdreg $0x60  }
0xb4: {  	[dreg:$0x2] =	wrdreg s24  }
0xb5: {  	[dreg:$0x3] =	wrdreg s16  }
0xb6: {  	[dreg:$0x4] =	wrdreg $0xC8000  }
0xb7: {  	[dreg:$0x5] =	wrdreg $0x9  }
0xb8: {  	_ =	task.clear_ibuf [dreg:s7], $0x6FFFF;
	_ =	strace $0x90000046  }
0xb9: {  	s29 =	simm.s32 $0x9;
	_ =	strace $0x80000048  }
0xba: {  	_ =	swait.ge [sflag:s29], $0x1  }
0xbb: {  	[sflag:s29] =	ssyncadd.s32 $0xFFFFFFFF  }
0xbc: {  	_ =	strace $0x90000048  }
0xbd: {  	_ =	sfence  }
0xbe: {  	s30 =	sld [smem:$0x0];
	_ =	sdelay $0x2  }
0xbf: {  	s31 =	sshll.u32 s1, $0xD;
	s1 =	sshrl.u32 s1, $0x2  }
0xc0: {  	s3 =	sand.u32 $0x4000, s31;
	s1 =	sadd.s32 s1, s30  }
0xc1: {  	s0 =	sor.u32 s3, s0;
	s1 =	sshll.u32 s1, $0x11  }
0xc2: {  	s0 =	sor.u32 s1, s0  }
0xc3: {  	s0 =	sadd.s32 $0x8F2B, s0  }
0xc4: {  	[sflag:s0] =	ssyncadd.remote.s32 $0x1  }
0xc5: {  	_ =	sfence.sel $0xFFFF  }
0xc6: {  	[dreg:$0x0] =	wrdreg $0xFFFFFFFF;
	(pc) =	sbr.abs _section_cstart, $3  }
0xc7: {  	[dreg:$0x1] =	wrdreg $0xFFFFFFFF  }
0xc8: {  	_ =	task.clear_ibuf [dreg:s7], $0x2FFFF;
	_ =	strace $0x9FFFFFFF  }
0xc9: {  	(tm) =	ssettm $0x7FFFFFFF  }
tec
execute0_lowered:
.L_overlay_start_1:
0x0: {  	(tag) =	ssettag $0x1  }
0x1: {  	s1 =	srdreg.scid;
	s11 =	stileid.u32  }
0x2: {  	s1 =	sand.u32 $0x1, s1;
	s4 =	smul.u32 $0xA00, s11  }
0x3: {  	s2 =	smul.u32 $0x50000, s1;
	_ =	sdelay $0x1  }
0x4: {  	s0 =	rddreg [dreg:$0x0];
	s2 =	sor.u32 s4, s2  }
0x5: {  	s3 =	rddreg [dreg:$0x1];
	s5 =	simm.s32 $0x0;
	s2 =	sshrl.u32 s2, $0x3  }
0x6: {  	[smem:$0x7FF] =	sst s5;
	s10 =	sadd.s32 $0x1400, s2  }
0x7: {  	s5 =	sadd.s32 $0x2CA00, s0;
	s6 =	sadd.s32 $0x4A00, s0;
	s15 =	sadd.s32 s3, s10  }
0x8: {  	s8 =	smul.u32 $0x19000, s1;
	s16 =	sadd.s32 s5, s10;
	[dreg:$0x4] =	wrdreg s15  }
0x9: {  	s4 =	sadd.s32 $0x18A00, s0;
	s17 =	sadd.s32 s6, s10;
	[dreg:$0x5] =	wrdreg s16  }
0xa: {  	s18 =	sadd.s32 $0x2800, s2;
	s10 =	sadd.s32 s4, s10;
	[dreg:$0x6] =	wrdreg s17  }
0xb: {  	s1 =	ssub.s32 $0x2, s1;
	s19 =	sadd.s32 s3, s18;
	[dreg:$0x7] =	wrdreg s10  }
0xc: {  	s9 =	sshrl.u32 s1, $0x1;
	s20 =	sadd.s32 s5, s18;
	[dreg:$0x8] =	wrdreg s19  }
0xd: {  	s1 =	ssub.s32 s1, s9;
	s21 =	sadd.s32 s6, s18;
	[dreg:$0x9] =	wrdreg s20  }
0xe: {  	s22 =	sadd.s32 $0x3C00, s2;
	s9 =	sadd.s32 s4, s18;
	[dreg:$0xa] =	wrdreg s21  }
0xf: {  	s23 =	sadd.s32 s3, s22;
	[dreg:$0xb] =	wrdreg s9  }
0x10: {  	s24 =	sadd.s32 s5, s22;
	[dreg:$0xc] =	wrdreg s23  }
0x11: {  	s25 =	sadd.s32 $0x5000, s2;
	s12 =	sadd.s32 s6, s22;
	[dreg:$0xd] =	wrdreg s24  }
0x12: {  	s26 =	sadd.s32 s3, s25;
	[dreg:$0xe] =	wrdreg s12  }
0x13: {  	s13 =	sadd.s32 s6, s25;
	[dreg:$0x10] =	wrdreg s26  }
0x14: {  	s9 =	sadd.s32 s4, s22;
	[dreg:$0x12] =	wrdreg s13  }
0x15: {  	s12 =	sadd.s32 s5, s25;
	[dreg:$0xf] =	wrdreg s9  }
0x16: {  	s14 =	sadd.s32 $0x6400, s2;
	s10 =	sadd.s32 s4, s25;
	[dreg:$0x11] =	wrdreg s12  }
0x17: {  	s15 =	sadd.s32 s3, s14;
	[dreg:$0x13] =	wrdreg s10  }
0x18: {  	s16 =	sadd.s32 s5, s14;
	[dreg:$0x14] =	wrdreg s15  }
0x19: {  	s18 =	sadd.s32 $0x7800, s2;
	s17 =	sadd.s32 s6, s14;
	[dreg:$0x15] =	wrdreg s16  }
0x1a: {  	s19 =	sadd.s32 s3, s18;
	[dreg:$0x16] =	wrdreg s17  }
0x1b: {  	s20 =	sadd.s32 s5, s18;
	[dreg:$0x18] =	wrdreg s19  }
0x1c: {  	s28 =	simm.s32 $0x5000;
	s21 =	sadd.s32 s6, s18;
	[dreg:$0x19] =	wrdreg s20  }
0x1d: {  	s29 =	simm.s32 $0x1;
	s22 =	sadd.s32 s3, s2;
	[dreg:$0x1a] =	wrdreg s21  }
0x1e: {  	s31 =	simm.s32 $0x2;
	s23 =	sadd.s32 s5, s2;
	[dreg:$0x1c] =	wrdreg s22  }
0x1f: {  	s30 =	simm.s32 $0x7800;
	s24 =	sadd.s32 s6, s2;
	[dreg:$0x1d] =	wrdreg s23  }
0x20: {  	s7 =	smul.u32 $0x1900, s11;
	s25 =	sadd.s32 s4, s2;
	[dreg:$0x1e] =	wrdreg s24  }
0x21: {  	s26 =	sadd.s32 $0x8C00, s2;
	s9 =	sadd.s32 s4, s14;
	[dreg:$0x1f] =	wrdreg s25  }
0x22: {  	s8 =	sadd.s32 s7, s8;
	s2 =	sadd.s32 s3, s26;
	[dreg:$0x17] =	wrdreg s9  }
0x23: {  	s8 =	sshrl.u32 s8, $0x3;
	s5 =	sadd.s32 s5, s26;
	[smem:$0x7ED] =	sst s2  }
0x24: {  	s6 =	sadd.s32 s6, s26;
	s10 =	smul.u32 $0x6400, s11;
	[smem:$0x7EE] =	sst s5  }
0x25: {  	s12 =	sadd.s32 s8, s0;
	s15 =	sshll.u32 s11, $0x6;
	s2 =	rddreg [dreg:$0x2]  }
0x26: {  	s3 =	simm.s32 $0xA000;
	s9 =	sadd.s32 s4, s18;
	[smem:$0x7EF] =	sst s6  }
0x27: {  	s11 =	simm.s32 $0x5;
	s4 =	sadd.s32 s4, s26;
	[dreg:$0x1b] =	wrdreg s9  }
0x28: {  	s5 =	sadd.s32 $0x40A00, s0;
	[smem:$0x7F0] =	sst s4;
	s14 =	sadd.s32 s7, s2  }
0x29: {  	s18 =	sadd.s32 $0x72E00, s12;
	_ =	strace $0x80000047;
	[smem:$0x7F1] =	sst s14  }
0x2a: {  	s6 =	sadd.s32 $0x72A00, s0;
	s19 =	sadd.s32 $0x79200, s12;
	[smem:$0x7F5] =	sst s18  }
0x2b: {  	s8 =	sor.u32 $0x1C09, s15;
	s20 =	sadd.s32 $0x7F600, s12;
	[smem:$0x7F6] =	sst s19  }
0x2c: {  	s21 =	sadd.s32 $0x85A00, s12;
	s22 =	sadd.s32 $0x8BE00, s12;
	[smem:$0x7F7] =	sst s20  }
0x2d: {  	s23 =	sadd.s32 $0x92200, s12;
	s24 =	sadd.s32 $0x98600, s12;
	[smem:$0x7F8] =	sst s21  }
0x2e: {  	s25 =	sadd.s32 $0x9EA00, s12;
	s26 =	smax.u32 s1, $0x1;
	[smem:$0x7F9] =	sst s22  }
0x2f: {  	s12 =	simm.s32 $0x6;
	s15 =	simm.s32 $0x7;
	[smem:$0x7FA] =	sst s23  }
0x30: {  	s13 =	sshrl.u32 s10, $0x2;
	s4 =	simm.s32 $0x3;
	[smem:$0x7FB] =	sst s24  }
0x31: {  	s7 =	simm.s32 $0x4;
	s0 =	sadd.s32 s13, s2;
	[smem:$0x7FC] =	sst s25  }
0x32: {  	[smem:$0x7FD] =	sst s26;
	s21 =	simm.s32 $0x9;
	s22 =	simm.s32 $0xA00  }
.Ltmp0:
0x33: {  	s23 =	simm.s32 $0x1400;
	s24 =	simm.s32 $0x1E00;
	(pc) =	sbr.rel .LBB2_1-.Ltmp0, $4  }
0x34: {  	s25 =	simm.s32 $0x80;
	s26 =	simm.s32 $0x2800;
	s16 =	sadd.s32 $0x19000, s0  }
0x35: {  	s13 =	simm.s32 $0x100;
	s17 =	sadd.s32 $0x32000, s0;
	[smem:$0x7F2] =	sst s16  }
0x36: {  	s14 =	simm.s32 $0xB00;
	s0 =	sadd.s32 $0x4B000, s0;
	[smem:$0x7F3] =	sst s17  }
0x37: {  	[smem:$0x7F4] =	sst s0;
	s16 =	simm.s32 $0x8;
	s17 =	simm.s32 $0x0  }
.LBB2_25:
0x38: {  	_ =	swait.ge [sflag:s15], $0x2800  }
0x39: {  	[sflag:s15] =	ssyncset.done $0x0  }
0x3a: {  	[sflag:s15] =	ssyncadd.s32 $0xFFFFD800  }
0x3b: {  	_ =	swait.ge [sflag:s16], $0x2800  }
0x3c: {  	[sflag:s16] =	ssyncset.done $0x0  }
0x3d: {  	[sflag:s16] =	ssyncadd.s32 $0xFFFFD800  }
0x3e: {  	[bflag:$0x0] =	sbarrier.arrive $0xFFFF  }
0x3f: {  	s0 =	sld [smem:$0x7F9];
	_ =	sdelay $0x2  }
0x40: {  	[hbm:s0], [sflag:s8] =	dma.local [spmem:s18], $0x320  }
0x41: {  	_ =	swait.ge [sflag:s21], $0x320  }
0x42: {  	s10 =	sld [smem:$0x7FA]  }
0x43: {  	[sflag:s21] =	ssyncset.done $0x0  }
0x44: {  	[sflag:s21] =	ssyncadd.s32 $0xFFFFFCE0  }
0x45: {  	[hbm:s10], [sflag:s8] =	dma.local [spmem:s19], $0x320  }
0x46: {  	_ =	swait.ge [sflag:s21], $0x320  }
0x47: {  	s18 =	sld [smem:$0x7FB]  }
0x48: {  	[sflag:s21] =	ssyncset.done $0x0  }
0x49: {  	[sflag:s21] =	ssyncadd.s32 $0xFFFFFCE0  }
0x4a: {  	[hbm:s18], [sflag:s8] =	dma.local [spmem:s20], $0x320  }
0x4b: {  	_ =	swait.ge [sflag:s21], $0x320  }
0x4c: {  	s19 =	sld [smem:$0x7FC]  }
0x4d: {  	[sflag:s21] =	ssyncset.done $0x0  }
0x4e: {  	[sflag:s21] =	ssyncadd.s32 $0xFFFFFCE0  }
0x4f: {  	[hbm:s19], [sflag:s8] =	dma.local [spmem:s1], $0x320  }
0x50: {  	_ =	swait.ge [sflag:s21], $0x320  }
0x51: {  	s20 =	sld [smem:$0x7FD];
	_ =	sdelay $0x1  }
0x52: {  	s17 =	sadd.s32 $0x1, s17  }
0x53: {  	p0 =	sne.s32 s17, s20  }
.Ltmp1:
0x54: {  	_ = 	snop;
	(pc) =	sbr.rel @!p0 .LBB2_26-.Ltmp1, $3  }
0x55: {  	_ =	sdelay $0x1  }
0x56: {  	[sflag:s21] =	ssyncset.done $0x0  }
0x57: {  	[sflag:s21] =	ssyncadd.s32 $0xFFFFFCE0  }
.LBB2_1:
0x58: {  	s0 =	sld [smem:$0x7F1];
	_ =	sdelay $0x2  }
0x59: {  	s18 =	sshrl.u32 s0, $0x3  }
0x5a: {  	[spmem:s18], [sflag:s8] =	dma.local [hbm:s6], $0x320  }
0x5b: {  	_ =	swait.ge [sflag:s21], $0x320  }
0x5c: {  	s20 =	sld [smem:$0x7F2];
	_ =	sdelay $0x1  }
0x5d: {  	[sflag:s21] =	ssyncset.done $0x0  }
0x5e: {  	[sflag:s21] =	ssyncadd.s32 $0xFFFFFCE0;
	s19 =	sshrl.u32 s20, $0x3  }
0x5f: {  	[spmem:s19], [sflag:s8] =	dma.local [hbm:s6], $0x320  }
0x60: {  	_ =	swait.ge [sflag:s21], $0x320  }
0x61: {  	s1 =	sld [smem:$0x7F3];
	_ =	sdelay $0x1  }
0x62: {  	[sflag:s21] =	ssyncset.done $0x0  }
0x63: {  	[sflag:s21] =	ssyncadd.s32 $0xFFFFFCE0;
	s20 =	sshrl.u32 s1, $0x3  }
0x64: {  	[spmem:s20], [sflag:s8] =	dma.local [hbm:s6], $0x320  }
0x65: {  	_ =	swait.ge [sflag:s21], $0x320  }
0x66: {  	s9 =	sld [smem:$0x7F4];
	_ =	sdelay $0x1  }
0x67: {  	[sflag:s21] =	ssyncset.done $0x0  }
0x68: {  	[sflag:s21] =	ssyncadd.s32 $0xFFFFFCE0;
	s1 =	sshrl.u32 s9, $0x3  }
0x69: {  	[spmem:s1], [sflag:s8] =	dma.local [hbm:s6], $0x320  }
0x6a: {  	_ =	swait.ge [sflag:s21], $0x320  }
0x6b: {  	[sflag:s21] =	ssyncset.done $0x0  }
0x6c: {  	[sflag:s21] =	ssyncadd.s32 $0xFFFFFCE0  }
0x6d: {  	[bflag:$0x0] =	sbarrier.arrive $0xFFFF  }
0x6e: {  	s0 =	simm.s32 $0x0;
	s9 =	rddreg [dreg:$0x1c]  }
0x6f: {  	[tilespmem:s0], [sflag:$0x9] =	stream.linear.gather [hbm4b:s9+s0], $0xA00, $0x38;
	[tilespmem:$0x12C00] =	vst v63  }
0x70: {  	_ =	swait.ge [sflag:s21], $0xA00  }
0x71: {  	[sflag:s21] =	ssyncset.done $0x0  }
0x72: {  	s10 =	rddreg [dreg:$0x1d];
	[sflag:s21] =	ssyncadd.s32 $0xFFFFF600  }
0x73: {  	[tilespmem:s22], [sflag:$0x9] =	stream.linear.gather [hbm4b:s10+s0], $0xA00, $0x38;
	[tilespmem:$0x12C00] =	vst v63  }
0x74: {  	_ =	swait.ge [sflag:s21], $0xA00  }
0x75: {  	[sflag:s21] =	ssyncset.done $0x0  }
0x76: {  	s10 =	rddreg [dreg:$0x1e];
	[sflag:s21] =	ssyncadd.s32 $0xFFFFF600  }
0x77: {  	[tilespmem:s23], [sflag:$0x9] =	stream.linear.gather [hbm4b:s10+s0], $0xA00, $0x38;
	[tilespmem:$0x12C00] =	vst v63  }
0x78: {  	_ =	swait.ge [sflag:s21], $0xA00  }
0x79: {  	[sflag:s21] =	ssyncset.done $0x0  }
0x7a: {  	s10 =	rddreg [dreg:$0x1f];
	[sflag:s21] =	ssyncadd.s32 $0xFFFFF600  }
0x7b: {  	[tilespmem:s24], [sflag:$0x9] =	stream.linear.gather [hbm4b:s10+s0], $0xA00, $0x38;
	[tilespmem:$0x12C00] =	vst v63  }
0x7c: {  	_ =	swait.ge [sflag:s21], $0xA00  }
0x7d: {  	[sflag:s21] =	ssyncset.done $0x0  }
0x7e: {  	[sflag:s21] =	ssyncadd.s32 $0xFFFFF600  }
0x7f: {  	[tilespmem:s26], [sflag:$0x1] =	stream.indirect.gather [hbm4b:s5+s25], $0x50, s0, s25, $0xb8;
	[tilespmem:$0x12C00] =	vst v63  }
0x80: {  	_ = 	snop  }
0x81: {  	[tilespmem:s28], [sflag:$0x2] =	stream.indirect.gather [hbm4b:s5+s25], $0x50, s22, s25, $0xb8;
	[tilespmem:$0x12C00] =	vst v63  }
0x82: {  	_ =	swait.ge [sflag:s29], $0x2800  }
0x83: {  	[sflag:s29] =	ssyncset.done $0x0  }
0x84: {  	[sflag:s29] =	ssyncadd.s32 $0xFFFFD800  }
0x85: {  	_ =	swait.ge [sflag:s31], $0x2800  }
0x86: {  	[sflag:s31] =	ssyncset.done $0x0  }
0x87: {  	[sflag:s31] =	ssyncadd.s32 $0xFFFFD800  }
0x88: {  	[spmem:s2] =	stream.indirect.scatter.add.f32 [tilespmem:s28], [sflag:$0x5], $0x50, s23, s25, $0xb8;
	[tilespmem:$0x12C00] =	vst v63  }
0x89: {  	_ = 	snop  }
0x8a: {  	[spmem:s2] =	stream.indirect.scatter.add.f32 [tilespmem:s26], [sflag:$0x6], $0x50, s24, s25, $0xb8;
	[tilespmem:$0x12C00] =	vst v63  }
0x8b: {  	_ = 	snop  }
0x8c: {  	[tilespmem:s30], [sflag:$0x3] =	stream.indirect.gather [hbm4b:s5+s25], $0x50, s25, s25, $0xb8;
	[tilespmem:$0x12C00] =	vst v63  }
0x8d: {  	s10 =	simm.s32 $0xA80  }
0x8e: {  	[tilespmem:s3], [sflag:$0x4] =	stream.indirect.gather [hbm4b:s5+s25], $0x50, s10, s25, $0xb8;
	[tilespmem:$0x12C00] =	vst v63  }
0x8f: {  	_ =	swait.ge [sflag:s4], $0x2800  }
0x90: {  	[sflag:s4] =	ssyncset.done $0x0  }
0x91: {  	[sflag:s4] =	ssyncadd.s32 $0xFFFFD800  }
0x92: {  	_ =	swait.ge [sflag:s7], $0x2800  }
0x93: {  	[sflag:s7] =	ssyncset.done $0x0  }
0x94: {  	s9 =	simm.s32 $0x1480;
	[sflag:s7] =	ssyncadd.s32 $0xFFFFD800  }
0x95: {  	[spmem:s2] =	stream.indirect.scatter.add.f32 [tilespmem:s3], [sflag:$0x7], $0x50, s9, s25, $0xb8;
	[tilespmem:$0x12C00] =	vst v63  }
0x96: {  	s10 =	simm.s32 $0x1E80  }
0x97: {  	[spmem:s2] =	stream.indirect.scatter.add.f32 [tilespmem:s30], [sflag:$0x8], $0x50, s10, s25, $0xb8;
	[tilespmem:$0x12C00] =	vst v63  }
0x98: {  	_ =	swait.ge [sflag:s11], $0x2800  }
0x99: {  	[sflag:s11] =	ssyncset.done $0x0  }
0x9a: {  	[sflag:s11] =	ssyncadd.s32 $0xFFFFD800  }
0x9b: {  	_ =	swait.ge [sflag:s12], $0x2800  }
0x9c: {  	[sflag:s12] =	ssyncset.done $0x0  }
0x9d: {  	[sflag:s12] =	ssyncadd.s32 $0xFFFFD800  }
0x9e: {  	[tilespmem:s26], [sflag:$0x1] =	stream.indirect.gather [hbm4b:s5+s25], $0x50, s13, s25, $0xb8;
	[tilespmem:$0x12C00] =	vst v63  }
0x9f: {  	s0 =	simm.s32 $0x0  }
0xa0: {  	[tilespmem:s28], [sflag:$0x2] =	stream.indirect.gather [hbm4b:s5+s25], $0x50, s14, s25, $0xb8;
	[tilespmem:$0x12C00] =	vst v63  }
.LBB2_2:
0xa1: {  	_ =	swait.ge [sflag:s29], $0x2800  }
0xa2: {  	[sflag:s29] =	ssyncset.done $0x0  }
0xa3: {  	[sflag:s29] =	ssyncadd.s32 $0xFFFFD800  }
0xa4: {  	_ =	swait.ge [sflag:s31], $0x2800  }
0xa5: {  	s9 =	sshra.s32 s0, $0x2;
	[sflag:s31] =	ssyncset.done $0x0  }
0xa6: {  	s10 =	sadd.s32 $0x1500, s9;
	[sflag:s31] =	ssyncadd.s32 $0xFFFFD800  }
0xa7: {  	[spmem:s2] =	stream.indirect.scatter.add.f32 [tilespmem:s28], [sflag:$0x5], $0x50, s10, s25, $0xb8;
	[tilespmem:$0x12C00] =	vst v63  }
0xa8: {  	s10 =	sadd.s32 $0x1F00, s9  }
0xa9: {  	[spmem:s2] =	stream.indirect.scatter.add.f32 [tilespmem:s26], [sflag:$0x6], $0x50, s10, s25, $0xb8;
	[tilespmem:$0x12C00] =	vst v63  }
0xaa: {  	_ =	swait.ge [sflag:s15], $0x2800  }
0xab: {  	[sflag:s15] =	ssyncset.done $0x0  }
0xac: {  	[sflag:s15] =	ssyncadd.s32 $0xFFFFD800  }
0xad: {  	_ =	swait.ge [sflag:s16], $0x2800  }
0xae: {  	[sflag:s16] =	ssyncset.done $0x0  }
0xaf: {  	s10 =	sadd.s32 $0x180, s9;
	[sflag:s16] =	ssyncadd.s32 $0xFFFFD800  }
0xb0: {  	[tilespmem:s30], [sflag:$0x3] =	stream.indirect.gather [hbm4b:s5+s25], $0x50, s10, s25, $0xb8;
	[tilespmem:$0x12C00] =	vst v63  }
0xb1: {  	s10 =	sadd.s32 $0xB80, s9  }
0xb2: {  	[tilespmem:s3], [sflag:$0x4] =	stream.indirect.gather [hbm4b:s5+s25], $0x50, s10, s25, $0xb8;
	[tilespmem:$0x12C00] =	vst v63  }
0xb3: {  	_ =	swait.ge [sflag:s4], $0x2800  }
0xb4: {  	[sflag:s4] =	ssyncset.done $0x0  }
0xb5: {  	[sflag:s4] =	ssyncadd.s32 $0xFFFFD800  }
0xb6: {  	_ =	swait.ge [sflag:s7], $0x2800  }
0xb7: {  	[sflag:s7] =	ssyncset.done $0x0  }
0xb8: {  	s10 =	sadd.s32 $0x1580, s9;
	[sflag:s7] =	ssyncadd.s32 $0xFFFFD800  }
0xb9: {  	[spmem:s2] =	stream.indirect.scatter.add.f32 [tilespmem:s3], [sflag:$0x7], $0x50, s10, s25, $0xb8;
	[tilespmem:$0x12C00] =	vst v63  }
0xba: {  	s10 =	sadd.s32 $0x1F80, s9  }
0xbb: {  	[spmem:s2] =	stream.indirect.scatter.add.f32 [tilespmem:s30], [sflag:$0x8], $0x50, s10, s25, $0xb8;
	[tilespmem:$0x12C00] =	vst v63  }
0xbc: {  	p0 =	seq.s32 s0, $0x2000;
	_ =	swait.ge [sflag:s11], $0x2800  }
.Ltmp2:
0xbd: {  	[sflag:s11] =	ssyncset.done $0x0;
	(pc) =	sbr.rel @p0 .LBB2_4-.Ltmp2, $4  }
0xbe: {  	[sflag:s11] =	ssyncadd.s32 $0xFFFFD800  }
0xbf: {  	_ =	swait.ge [sflag:s12], $0x2800  }
0xc0: {  	[sflag:s12] =	ssyncset.done $0x0  }
0xc1: {  	[sflag:s12] =	ssyncadd.s32 $0xFFFFD800  }
.Ltmp3:
0xc2: {  	(pc) =	sbr.rel .LBB2_2-.Ltmp3, $4  }
0xc3: {  	s10 =	sadd.s32 $0x200, s9  }
0xc4: {  	[tilespmem:s26], [sflag:$0x1] =	stream.indirect.gather [hbm4b:s5+s25], $0x50, s10, s25, $0xb8;
	[tilespmem:$0x12C00] =	vst v63  }
0xc5: {  	s0 =	sadd.s32 $0x400, s0;
	s10 =	sadd.s32 $0xC00, s9  }
0xc6: {  	[tilespmem:s28], [sflag:$0x2] =	stream.indirect.gather [hbm4b:s5+s25], $0x50, s10, s25, $0xb8;
	[tilespmem:$0x12C00] =	vst v63  }
.LBB2_4:
0xc7: {  	_ =	swait.ge [sflag:s15], $0x2800  }
0xc8: {  	[sflag:s15] =	ssyncset.done $0x0  }
0xc9: {  	[sflag:s15] =	ssyncadd.s32 $0xFFFFD800  }
0xca: {  	_ =	swait.ge [sflag:s16], $0x2800  }
0xcb: {  	[sflag:s16] =	ssyncset.done $0x0  }
0xcc: {  	s0 =	simm.s32 $0x0;
	s9 =	rddreg [dreg:$0x4];
	[sflag:s16] =	ssyncadd.s32 $0xFFFFD800  }
0xcd: {  	[tilespmem:s0], [sflag:$0x9] =	stream.linear.gather [hbm4b:s9+s0], $0xA00, $0x38;
	[tilespmem:$0x12C00] =	vst v63  }
0xce: {  	_ =	swait.ge [sflag:s21], $0xA00  }
0xcf: {  	[sflag:s21] =	ssyncset.done $0x0  }
0xd0: {  	s10 =	rddreg [dreg:$0x5];
	[sflag:s21] =	ssyncadd.s32 $0xFFFFF600  }
0xd1: {  	[tilespmem:s22], [sflag:$0x9] =	stream.linear.gather [hbm4b:s10+s0], $0xA00, $0x38;
	[tilespmem:$0x12C00] =	vst v63  }
0xd2: {  	_ =	swait.ge [sflag:s21], $0xA00  }
0xd3: {  	[sflag:s21] =	ssyncset.done $0x0  }
0xd4: {  	s10 =	rddreg [dreg:$0x6];
	[sflag:s21] =	ssyncadd.s32 $0xFFFFF600  }
0xd5: {  	[tilespmem:s23], [sflag:$0x9] =	stream.linear.gather [hbm4b:s10+s0], $0xA00, $0x38;
	[tilespmem:$0x12C00] =	vst v63  }
0xd6: {  	_ =	swait.ge [sflag:s21], $0xA00  }
0xd7: {  	[sflag:s21] =	ssyncset.done $0x0  }
0xd8: {  	s10 =	rddreg [dreg:$0x7];
	[sflag:s21] =	ssyncadd.s32 $0xFFFFF600  }
0xd9: {  	[tilespmem:s24], [sflag:$0x9] =	stream.linear.gather [hbm4b:s10+s0], $0xA00, $0x38;
	[tilespmem:$0x12C00] =	vst v63  }
0xda: {  	_ =	swait.ge [sflag:s21], $0xA00  }
0xdb: {  	[sflag:s21] =	ssyncset.done $0x0  }
0xdc: {  	[sflag:s21] =	ssyncadd.s32 $0xFFFFF600  }
0xdd: {  	[tilespmem:s26], [sflag:$0x1] =	stream.indirect.gather [hbm4b:s5+s25], $0x50, s0, s25, $0xb8;
	[tilespmem:$0x12C00] =	vst v63  }
0xde: {  	_ = 	snop  }
0xdf: {  	[tilespmem:s28], [sflag:$0x2] =	stream.indirect.gather [hbm4b:s5+s25], $0x50, s22, s25, $0xb8;
	[tilespmem:$0x12C00] =	vst v63  }
0xe0: {  	_ =	swait.ge [sflag:s29], $0x2800  }
0xe1: {  	[sflag:s29] =	ssyncset.done $0x0  }
0xe2: {  	[sflag:s29] =	ssyncadd.s32 $0xFFFFD800  }
0xe3: {  	_ =	swait.ge [sflag:s31], $0x2800  }
0xe4: {  	[sflag:s31] =	ssyncset.done $0x0  }
0xe5: {  	[sflag:s31] =	ssyncadd.s32 $0xFFFFD800  }
0xe6: {  	[spmem:s2] =	stream.indirect.scatter.add.f32 [tilespmem:s28], [sflag:$0x5], $0x50, s23, s25, $0xb8;
	[tilespmem:$0x12C00] =	vst v63  }
0xe7: {  	_ = 	snop  }
0xe8: {  	[spmem:s2] =	stream.indirect.scatter.add.f32 [tilespmem:s26], [sflag:$0x6], $0x50, s24, s25, $0xb8;
	[tilespmem:$0x12C00] =	vst v63  }
0xe9: {  	_ = 	snop  }
0xea: {  	[tilespmem:s30], [sflag:$0x3] =	stream.indirect.gather [hbm4b:s5+s25], $0x50, s25, s25, $0xb8;
	[tilespmem:$0x12C00] =	vst v63  }
0xeb: {  	s10 =	simm.s32 $0xA80  }
0xec: {  	[tilespmem:s3], [sflag:$0x4] =	stream.indirect.gather [hbm4b:s5+s25], $0x50, s10, s25, $0xb8;
	[tilespmem:$0x12C00] =	vst v63  }
0xed: {  	_ =	swait.ge [sflag:s4], $0x2800  }
0xee: {  	[sflag:s4] =	ssyncset.done $0x0  }
0xef: {  	[sflag:s4] =	ssyncadd.s32 $0xFFFFD800  }
0xf0: {  	_ =	swait.ge [sflag:s7], $0x2800  }
0xf1: {  	[sflag:s7] =	ssyncset.done $0x0  }
0xf2: {  	s10 =	simm.s32 $0x1480;
	[sflag:s7] =	ssyncadd.s32 $0xFFFFD800  }
0xf3: {  	[spmem:s2] =	stream.indirect.scatter.add.f32 [tilespmem:s3], [sflag:$0x7], $0x50, s10, s25, $0xb8;
	[tilespmem:$0x12C00] =	vst v63  }
0xf4: {  	s10 =	simm.s32 $0x1E80  }
0xf5: {  	[spmem:s2] =	stream.indirect.scatter.add.f32 [tilespmem:s30], [sflag:$0x8], $0x50, s10, s25, $0xb8;
	[tilespmem:$0x12C00] =	vst v63  }
0xf6: {  	_ =	swait.ge [sflag:s11], $0x2800  }
0xf7: {  	[sflag:s11] =	ssyncset.done $0x0  }
0xf8: {  	[sflag:s11] =	ssyncadd.s32 $0xFFFFD800  }
0xf9: {  	_ =	swait.ge [sflag:s12], $0x2800  }
0xfa: {  	[sflag:s12] =	ssyncset.done $0x0  }
0xfb: {  	[sflag:s12] =	ssyncadd.s32 $0xFFFFD800  }
0xfc: {  	[tilespmem:s26], [sflag:$0x1] =	stream.indirect.gather [hbm4b:s5+s25], $0x50, s13, s25, $0xb8;
	[tilespmem:$0x12C00] =	vst v63  }
0xfd: {  	_ = 	snop  }
0xfe: {  	[tilespmem:s28], [sflag:$0x2] =	stream.indirect.gather [hbm4b:s5+s25], $0x50, s14, s25, $0xb8;
	[tilespmem:$0x12C00] =	vst v63  }
.LBB2_5:
0xff: {  	_ =	swait.ge [sflag:s29], $0x2800  }
0x100: {  	[sflag:s29] =	ssyncset.done $0x0  }
0x101: {  	[sflag:s29] =	ssyncadd.s32 $0xFFFFD800  }
0x102: {  	_ =	swait.ge [sflag:s31], $0x2800  }
0x103: {  	s9 =	sshra.s32 s0, $0x2;
	[sflag:s31] =	ssyncset.done $0x0  }
0x104: {  	s10 =	sadd.s32 $0x1500, s9;
	[sflag:s31] =	ssyncadd.s32 $0xFFFFD800  }
0x105: {  	[spmem:s2] =	stream.indirect.scatter.add.f32 [tilespmem:s28], [sflag:$0x5], $0x50, s10, s25, $0xb8;
	[tilespmem:$0x12C00] =	vst v63  }
0x106: {  	s10 =	sadd.s32 $0x1F00, s9  }
0x107: {  	[spmem:s2] =	stream.indirect.scatter.add.f32 [tilespmem:s26], [sflag:$0x6], $0x50, s10, s25, $0xb8;
	[tilespmem:$0x12C00] =	vst v63  }
0x108: {  	_ =	swait.ge [sflag:s15], $0x2800  }
0x109: {  	[sflag:s15] =	ssyncset.done $0x0  }
0x10a: {  	[sflag:s15] =	ssyncadd.s32 $0xFFFFD800  }
0x10b: {  	_ =	swait.ge [sflag:s16], $0x2800  }
0x10c: {  	[sflag:s16] =	ssyncset.done $0x0  }
0x10d: {  	s10 =	sadd.s32 $0x180, s9;
	[sflag:s16] =	ssyncadd.s32 $0xFFFFD800  }
0x10e: {  	[tilespmem:s30], [sflag:$0x3] =	stream.indirect.gather [hbm4b:s5+s25], $0x50, s10, s25, $0xb8;
	[tilespmem:$0x12C00] =	vst v63  }
0x10f: {  	s10 =	sadd.s32 $0xB80, s9  }
0x110: {  	[tilespmem:s3], [sflag:$0x4] =	stream.indirect.gather [hbm4b:s5+s25], $0x50, s10, s25, $0xb8;
	[tilespmem:$0x12C00] =	vst v63  }
0x111: {  	_ =	swait.ge [sflag:s4], $0x2800  }
0x112: {  	[sflag:s4] =	ssyncset.done $0x0  }
0x113: {  	[sflag:s4] =	ssyncadd.s32 $0xFFFFD800  }
0x114: {  	_ =	swait.ge [sflag:s7], $0x2800  }
0x115: {  	[sflag:s7] =	ssyncset.done $0x0  }
0x116: {  	s10 =	sadd.s32 $0x1580, s9;
	[sflag:s7] =	ssyncadd.s32 $0xFFFFD800  }
0x117: {  	[spmem:s2] =	stream.indirect.scatter.add.f32 [tilespmem:s3], [sflag:$0x7], $0x50, s10, s25, $0xb8;
	[tilespmem:$0x12C00] =	vst v63  }
0x118: {  	s10 =	sadd.s32 $0x1F80, s9  }
0x119: {  	[spmem:s2] =	stream.indirect.scatter.add.f32 [tilespmem:s30], [sflag:$0x8], $0x50, s10, s25, $0xb8;
	[tilespmem:$0x12C00] =	vst v63  }
0x11a: {  	p0 =	seq.s32 s0, $0x2000;
	_ =	swait.ge [sflag:s11], $0x2800  }
.Ltmp4:
0x11b: {  	[sflag:s11] =	ssyncset.done $0x0;
	(pc) =	sbr.rel @p0 .LBB2_7-.Ltmp4, $4  }
0x11c: {  	[sflag:s11] =	ssyncadd.s32 $0xFFFFD800  }
0x11d: {  	_ =	swait.ge [sflag:s12], $0x2800  }
0x11e: {  	[sflag:s12] =	ssyncset.done $0x0  }
0x11f: {  	[sflag:s12] =	ssyncadd.s32 $0xFFFFD800  }
.Ltmp5:
0x120: {  	(pc) =	sbr.rel .LBB2_5-.Ltmp5, $4  }
0x121: {  	s10 =	sadd.s32 $0x200, s9  }
0x122: {  	[tilespmem:s26], [sflag:$0x1] =	stream.indirect.gather [hbm4b:s5+s25], $0x50, s10, s25, $0xb8;
	[tilespmem:$0x12C00] =	vst v63  }
0x123: {  	s0 =	sadd.s32 $0x400, s0;
	s10 =	sadd.s32 $0xC00, s9  }
0x124: {  	[tilespmem:s28], [sflag:$0x2] =	stream.indirect.gather [hbm4b:s5+s25], $0x50, s10, s25, $0xb8;
	[tilespmem:$0x12C00] =	vst v63  }
.LBB2_7:
0x125: {  	_ =	swait.ge [sflag:s15], $0x2800  }
0x126: {  	[sflag:s15] =	ssyncset.done $0x0  }
0x127: {  	[sflag:s15] =	ssyncadd.s32 $0xFFFFD800  }
0x128: {  	_ =	swait.ge [sflag:s16], $0x2800  }
0x129: {  	[sflag:s16] =	ssyncset.done $0x0  }
0x12a: {  	s0 =	simm.s32 $0x0;
	s9 =	rddreg [dreg:$0x8];
	[sflag:s16] =	ssyncadd.s32 $0xFFFFD800  }
0x12b: {  	[tilespmem:s0], [sflag:$0x9] =	stream.linear.gather [hbm4b:s9+s0], $0xA00, $0x38;
	[tilespmem:$0x12C00] =	vst v63  }
0x12c: {  	_ =	swait.ge [sflag:s21], $0xA00  }
0x12d: {  	[sflag:s21] =	ssyncset.done $0x0  }
0x12e: {  	s10 =	rddreg [dreg:$0x9];
	[sflag:s21] =	ssyncadd.s32 $0xFFFFF600  }
0x12f: {  	[tilespmem:s22], [sflag:$0x9] =	stream.linear.gather [hbm4b:s10+s0], $0xA00, $0x38;
	[tilespmem:$0x12C00] =	vst v63  }
0x130: {  	_ =	swait.ge [sflag:s21], $0xA00  }
0x131: {  	[sflag:s21] =	ssyncset.done $0x0  }
0x132: {  	s10 =	rddreg [dreg:$0xa];
	[sflag:s21] =	ssyncadd.s32 $0xFFFFF600  }
0x133: {  	[tilespmem:s23], [sflag:$0x9] =	stream.linear.gather [hbm4b:s10+s0], $0xA00, $0x38;
	[tilespmem:$0x12C00] =	vst v63  }
0x134: {  	_ =	swait.ge [sflag:s21], $0xA00  }
0x135: {  	[sflag:s21] =	ssyncset.done $0x0  }
0x136: {  	s10 =	rddreg [dreg:$0xb];
	[sflag:s21] =	ssyncadd.s32 $0xFFFFF600  }
0x137: {  	[tilespmem:s24], [sflag:$0x9] =	stream.linear.gather [hbm4b:s10+s0], $0xA00, $0x38;
	[tilespmem:$0x12C00] =	vst v63  }
0x138: {  	_ =	swait.ge [sflag:s21], $0xA00  }
0x139: {  	[sflag:s21] =	ssyncset.done $0x0  }
0x13a: {  	[sflag:s21] =	ssyncadd.s32 $0xFFFFF600  }
0x13b: {  	[tilespmem:s26], [sflag:$0x1] =	stream.indirect.gather [hbm4b:s5+s25], $0x50, s0, s25, $0xb8;
	[tilespmem:$0x12C00] =	vst v63  }
0x13c: {  	_ = 	snop  }
0x13d: {  	[tilespmem:s28], [sflag:$0x2] =	stream.indirect.gather [hbm4b:s5+s25], $0x50, s22, s25, $0xb8;
	[tilespmem:$0x12C00] =	vst v63  }
0x13e: {  	_ =	swait.ge [sflag:s29], $0x2800  }
0x13f: {  	[sflag:s29] =	ssyncset.done $0x0  }
0x140: {  	[sflag:s29] =	ssyncadd.s32 $0xFFFFD800  }
0x141: {  	_ =	swait.ge [sflag:s31], $0x2800  }
0x142: {  	[sflag:s31] =	ssyncset.done $0x0  }
0x143: {  	[sflag:s31] =	ssyncadd.s32 $0xFFFFD800  }
0x144: {  	[spmem:s2] =	stream.indirect.scatter.add.f32 [tilespmem:s28], [sflag:$0x5], $0x50, s23, s25, $0xb8;
	[tilespmem:$0x12C00] =	vst v63  }
0x145: {  	_ = 	snop  }
0x146: {  	[spmem:s2] =	stream.indirect.scatter.add.f32 [tilespmem:s26], [sflag:$0x6], $0x50, s24, s25, $0xb8;
	[tilespmem:$0x12C00] =	vst v63  }
0x147: {  	_ = 	snop  }
0x148: {  	[tilespmem:s30], [sflag:$0x3] =	stream.indirect.gather [hbm4b:s5+s25], $0x50, s25, s25, $0xb8;
	[tilespmem:$0x12C00] =	vst v63  }
0x149: {  	s10 =	simm.s32 $0xA80  }
0x14a: {  	[tilespmem:s3], [sflag:$0x4] =	stream.indirect.gather [hbm4b:s5+s25], $0x50, s10, s25, $0xb8;
	[tilespmem:$0x12C00] =	vst v63  }
0x14b: {  	_ =	swait.ge [sflag:s4], $0x2800  }
0x14c: {  	[sflag:s4] =	ssyncset.done $0x0  }
0x14d: {  	[sflag:s4] =	ssyncadd.s32 $0xFFFFD800  }
0x14e: {  	_ =	swait.ge [sflag:s7], $0x2800  }
0x14f: {  	[sflag:s7] =	ssyncset.done $0x0  }
0x150: {  	s10 =	simm.s32 $0x1480;
	[sflag:s7] =	ssyncadd.s32 $0xFFFFD800  }
0x151: {  	[spmem:s2] =	stream.indirect.scatter.add.f32 [tilespmem:s3], [sflag:$0x7], $0x50, s10, s25, $0xb8;
	[tilespmem:$0x12C00] =	vst v63  }
0x152: {  	s10 =	simm.s32 $0x1E80  }
0x153: {  	[spmem:s2] =	stream.indirect.scatter.add.f32 [tilespmem:s30], [sflag:$0x8], $0x50, s10, s25, $0xb8;
	[tilespmem:$0x12C00] =	vst v63  }
0x154: {  	_ =	swait.ge [sflag:s11], $0x2800  }
0x155: {  	[sflag:s11] =	ssyncset.done $0x0  }
0x156: {  	[sflag:s11] =	ssyncadd.s32 $0xFFFFD800  }
0x157: {  	_ =	swait.ge [sflag:s12], $0x2800  }
0x158: {  	[sflag:s12] =	ssyncset.done $0x0  }
0x159: {  	[sflag:s12] =	ssyncadd.s32 $0xFFFFD800  }
0x15a: {  	[tilespmem:s26], [sflag:$0x1] =	stream.indirect.gather [hbm4b:s5+s25], $0x50, s13, s25, $0xb8;
	[tilespmem:$0x12C00] =	vst v63  }
0x15b: {  	_ = 	snop  }
0x15c: {  	[tilespmem:s28], [sflag:$0x2] =	stream.indirect.gather [hbm4b:s5+s25], $0x50, s14, s25, $0xb8;
	[tilespmem:$0x12C00] =	vst v63  }
.LBB2_8:
0x15d: {  	_ =	swait.ge [sflag:s29], $0x2800  }
0x15e: {  	[sflag:s29] =	ssyncset.done $0x0  }
0x15f: {  	[sflag:s29] =	ssyncadd.s32 $0xFFFFD800  }
0x160: {  	_ =	swait.ge [sflag:s31], $0x2800  }
0x161: {  	s9 =	sshra.s32 s0, $0x2;
	[sflag:s31] =	ssyncset.done $0x0  }
0x162: {  	s10 =	sadd.s32 $0x1500, s9;
	[sflag:s31] =	ssyncadd.s32 $0xFFFFD800  }
0x163: {  	[spmem:s2] =	stream.indirect.scatter.add.f32 [tilespmem:s28], [sflag:$0x5], $0x50, s10, s25, $0xb8;
	[tilespmem:$0x12C00] =	vst v63  }
0x164: {  	s10 =	sadd.s32 $0x1F00, s9  }
0x165: {  	[spmem:s2] =	stream.indirect.scatter.add.f32 [tilespmem:s26], [sflag:$0x6], $0x50, s10, s25, $0xb8;
	[tilespmem:$0x12C00] =	vst v63  }
0x166: {  	_ =	swait.ge [sflag:s15], $0x2800  }
0x167: {  	[sflag:s15] =	ssyncset.done $0x0  }
0x168: {  	[sflag:s15] =	ssyncadd.s32 $0xFFFFD800  }
0x169: {  	_ =	swait.ge [sflag:s16], $0x2800  }
0x16a: {  	[sflag:s16] =	ssyncset.done $0x0  }
0x16b: {  	s10 =	sadd.s32 $0x180, s9;
	[sflag:s16] =	ssyncadd.s32 $0xFFFFD800  }
0x16c: {  	[tilespmem:s30], [sflag:$0x3] =	stream.indirect.gather [hbm4b:s5+s25], $0x50, s10, s25, $0xb8;
	[tilespmem:$0x12C00] =	vst v63  }
0x16d: {  	s10 =	sadd.s32 $0xB80, s9  }
0x16e: {  	[tilespmem:s3], [sflag:$0x4] =	stream.indirect.gather [hbm4b:s5+s25], $0x50, s10, s25, $0xb8;
	[tilespmem:$0x12C00] =	vst v63  }
0x16f: {  	_ =	swait.ge [sflag:s4], $0x2800  }
0x170: {  	[sflag:s4] =	ssyncset.done $0x0  }
0x171: {  	[sflag:s4] =	ssyncadd.s32 $0xFFFFD800  }
0x172: {  	_ =	swait.ge [sflag:s7], $0x2800  }
0x173: {  	[sflag:s7] =	ssyncset.done $0x0  }
0x174: {  	s10 =	sadd.s32 $0x1580, s9;
	[sflag:s7] =	ssyncadd.s32 $0xFFFFD800  }
0x175: {  	[spmem:s2] =	stream.indirect.scatter.add.f32 [tilespmem:s3], [sflag:$0x7], $0x50, s10, s25, $0xb8;
	[tilespmem:$0x12C00] =	vst v63  }
0x176: {  	s10 =	sadd.s32 $0x1F80, s9  }
0x177: {  	[spmem:s2] =	stream.indirect.scatter.add.f32 [tilespmem:s30], [sflag:$0x8], $0x50, s10, s25, $0xb8;
	[tilespmem:$0x12C00] =	vst v63  }
0x178: {  	p0 =	seq.s32 s0, $0x2000;
	_ =	swait.ge [sflag:s11], $0x2800  }
.Ltmp6:
0x179: {  	[sflag:s11] =	ssyncset.done $0x0;
	(pc) =	sbr.rel @p0 .LBB2_10-.Ltmp6, $4  }
0x17a: {  	[sflag:s11] =	ssyncadd.s32 $0xFFFFD800  }
0x17b: {  	_ =	swait.ge [sflag:s12], $0x2800  }
0x17c: {  	[sflag:s12] =	ssyncset.done $0x0  }
0x17d: {  	[sflag:s12] =	ssyncadd.s32 $0xFFFFD800  }
.Ltmp7:
0x17e: {  	(pc) =	sbr.rel .LBB2_8-.Ltmp7, $4  }
0x17f: {  	s10 =	sadd.s32 $0x200, s9  }
0x180: {  	[tilespmem:s26], [sflag:$0x1] =	stream.indirect.gather [hbm4b:s5+s25], $0x50, s10, s25, $0xb8;
	[tilespmem:$0x12C00] =	vst v63  }
0x181: {  	s0 =	sadd.s32 $0x400, s0;
	s10 =	sadd.s32 $0xC00, s9  }
0x182: {  	[tilespmem:s28], [sflag:$0x2] =	stream.indirect.gather [hbm4b:s5+s25], $0x50, s10, s25, $0xb8;
	[tilespmem:$0x12C00] =	vst v63  }
.LBB2_10:
0x183: {  	_ =	swait.ge [sflag:s15], $0x2800  }
0x184: {  	[sflag:s15] =	ssyncset.done $0x0  }
0x185: {  	[sflag:s15] =	ssyncadd.s32 $0xFFFFD800  }
0x186: {  	_ =	swait.ge [sflag:s16], $0x2800  }
0x187: {  	[sflag:s16] =	ssyncset.done $0x0  }
0x188: {  	s0 =	simm.s32 $0x0;
	s9 =	rddreg [dreg:$0xc];
	[sflag:s16] =	ssyncadd.s32 $0xFFFFD800  }
0x189: {  	[tilespmem:s0], [sflag:$0x9] =	stream.linear.gather [hbm4b:s9+s0], $0xA00, $0x38;
	[tilespmem:$0x12C00] =	vst v63  }
0x18a: {  	_ =	swait.ge [sflag:s21], $0xA00  }
0x18b: {  	[sflag:s21] =	ssyncset.done $0x0  }
0x18c: {  	s10 =	rddreg [dreg:$0xd];
	[sflag:s21] =	ssyncadd.s32 $0xFFFFF600  }
0x18d: {  	[tilespmem:s22], [sflag:$0x9] =	stream.linear.gather [hbm4b:s10+s0], $0xA00, $0x38;
	[tilespmem:$0x12C00] =	vst v63  }
0x18e: {  	_ =	swait.ge [sflag:s21], $0xA00  }
0x18f: {  	[sflag:s21] =	ssyncset.done $0x0  }
0x190: {  	s10 =	rddreg [dreg:$0xe];
	[sflag:s21] =	ssyncadd.s32 $0xFFFFF600  }
0x191: {  	[tilespmem:s23], [sflag:$0x9] =	stream.linear.gather [hbm4b:s10+s0], $0xA00, $0x38;
	[tilespmem:$0x12C00] =	vst v63  }
0x192: {  	_ =	swait.ge [sflag:s21], $0xA00  }
0x193: {  	[sflag:s21] =	ssyncset.done $0x0  }
0x194: {  	s10 =	rddreg [dreg:$0xf];
	[sflag:s21] =	ssyncadd.s32 $0xFFFFF600  }
0x195: {  	[tilespmem:s24], [sflag:$0x9] =	stream.linear.gather [hbm4b:s10+s0], $0xA00, $0x38;
	[tilespmem:$0x12C00] =	vst v63  }
0x196: {  	_ =	swait.ge [sflag:s21], $0xA00  }
0x197: {  	[sflag:s21] =	ssyncset.done $0x0  }
0x198: {  	[sflag:s21] =	ssyncadd.s32 $0xFFFFF600  }
0x199: {  	[tilespmem:s26], [sflag:$0x1] =	stream.indirect.gather [hbm4b:s5+s25], $0x50, s0, s25, $0xb8;
	[tilespmem:$0x12C00] =	vst v63  }
0x19a: {  	_ = 	snop  }
0x19b: {  	[tilespmem:s28], [sflag:$0x2] =	stream.indirect.gather [hbm4b:s5+s25], $0x50, s22, s25, $0xb8;
	[tilespmem:$0x12C00] =	vst v63  }
0x19c: {  	_ =	swait.ge [sflag:s29], $0x2800  }
0x19d: {  	[sflag:s29] =	ssyncset.done $0x0  }
0x19e: {  	[sflag:s29] =	ssyncadd.s32 $0xFFFFD800  }
0x19f: {  	_ =	swait.ge [sflag:s31], $0x2800  }
0x1a0: {  	[sflag:s31] =	ssyncset.done $0x0  }
0x1a1: {  	[sflag:s31] =	ssyncadd.s32 $0xFFFFD800  }
0x1a2: {  	[spmem:s2] =	stream.indirect.scatter.add.f32 [tilespmem:s28], [sflag:$0x5], $0x50, s23, s25, $0xb8;
	[tilespmem:$0x12C00] =	vst v63  }
0x1a3: {  	_ = 	snop  }
0x1a4: {  	[spmem:s2] =	stream.indirect.scatter.add.f32 [tilespmem:s26], [sflag:$0x6], $0x50, s24, s25, $0xb8;
	[tilespmem:$0x12C00] =	vst v63  }
0x1a5: {  	_ = 	snop  }
0x1a6: {  	[tilespmem:s30], [sflag:$0x3] =	stream.indirect.gather [hbm4b:s5+s25], $0x50, s25, s25, $0xb8;
	[tilespmem:$0x12C00] =	vst v63  }
0x1a7: {  	s10 =	simm.s32 $0xA80  }
0x1a8: {  	[tilespmem:s3], [sflag:$0x4] =	stream.indirect.gather [hbm4b:s5+s25], $0x50, s10, s25, $0xb8;
	[tilespmem:$0x12C00] =	vst v63  }
0x1a9: {  	_ =	swait.ge [sflag:s4], $0x2800  }
0x1aa: {  	[sflag:s4] =	ssyncset.done $0x0  }
0x1ab: {  	[sflag:s4] =	ssyncadd.s32 $0xFFFFD800  }
0x1ac: {  	_ =	swait.ge [sflag:s7], $0x2800  }
0x1ad: {  	[sflag:s7] =	ssyncset.done $0x0  }
0x1ae: {  	s10 =	simm.s32 $0x1480;
	[sflag:s7] =	ssyncadd.s32 $0xFFFFD800  }
0x1af: {  	[spmem:s2] =	stream.indirect.scatter.add.f32 [tilespmem:s3], [sflag:$0x7], $0x50, s10, s25, $0xb8;
	[tilespmem:$0x12C00] =	vst v63  }
0x1b0: {  	s10 =	simm.s32 $0x1E80  }
0x1b1: {  	[spmem:s2] =	stream.indirect.scatter.add.f32 [tilespmem:s30], [sflag:$0x8], $0x50, s10, s25, $0xb8;
	[tilespmem:$0x12C00] =	vst v63  }
0x1b2: {  	_ =	swait.ge [sflag:s11], $0x2800  }
0x1b3: {  	[sflag:s11] =	ssyncset.done $0x0  }
0x1b4: {  	[sflag:s11] =	ssyncadd.s32 $0xFFFFD800  }
0x1b5: {  	_ =	swait.ge [sflag:s12], $0x2800  }
0x1b6: {  	[sflag:s12] =	ssyncset.done $0x0  }
0x1b7: {  	[sflag:s12] =	ssyncadd.s32 $0xFFFFD800  }
0x1b8: {  	[tilespmem:s26], [sflag:$0x1] =	stream.indirect.gather [hbm4b:s5+s25], $0x50, s13, s25, $0xb8;
	[tilespmem:$0x12C00] =	vst v63  }
0x1b9: {  	_ = 	snop  }
0x1ba: {  	[tilespmem:s28], [sflag:$0x2] =	stream.indirect.gather [hbm4b:s5+s25], $0x50, s14, s25, $0xb8;
	[tilespmem:$0x12C00] =	vst v63  }
.LBB2_11:
0x1bb: {  	_ =	swait.ge [sflag:s29], $0x2800  }
0x1bc: {  	[sflag:s29] =	ssyncset.done $0x0  }
0x1bd: {  	[sflag:s29] =	ssyncadd.s32 $0xFFFFD800  }
0x1be: {  	_ =	swait.ge [sflag:s31], $0x2800  }
0x1bf: {  	s9 =	sshra.s32 s0, $0x2;
	[sflag:s31] =	ssyncset.done $0x0  }
0x1c0: {  	s10 =	sadd.s32 $0x1500, s9;
	[sflag:s31] =	ssyncadd.s32 $0xFFFFD800  }
0x1c1: {  	[spmem:s2] =	stream.indirect.scatter.add.f32 [tilespmem:s28], [sflag:$0x5], $0x50, s10, s25, $0xb8;
	[tilespmem:$0x12C00] =	vst v63  }
0x1c2: {  	s10 =	sadd.s32 $0x1F00, s9  }
0x1c3: {  	[spmem:s2] =	stream.indirect.scatter.add.f32 [tilespmem:s26], [sflag:$0x6], $0x50, s10, s25, $0xb8;
	[tilespmem:$0x12C00] =	vst v63  }
0x1c4: {  	_ =	swait.ge [sflag:s15], $0x2800  }
0x1c5: {  	[sflag:s15] =	ssyncset.done $0x0  }
0x1c6: {  	[sflag:s15] =	ssyncadd.s32 $0xFFFFD800  }
0x1c7: {  	_ =	swait.ge [sflag:s16], $0x2800  }
0x1c8: {  	[sflag:s16] =	ssyncset.done $0x0  }
0x1c9: {  	s10 =	sadd.s32 $0x180, s9;
	[sflag:s16] =	ssyncadd.s32 $0xFFFFD800  }
0x1ca: {  	[tilespmem:s30], [sflag:$0x3] =	stream.indirect.gather [hbm4b:s5+s25], $0x50, s10, s25, $0xb8;
	[tilespmem:$0x12C00] =	vst v63  }
0x1cb: {  	s10 =	sadd.s32 $0xB80, s9  }
0x1cc: {  	[tilespmem:s3], [sflag:$0x4] =	stream.indirect.gather [hbm4b:s5+s25], $0x50, s10, s25, $0xb8;
	[tilespmem:$0x12C00] =	vst v63  }
0x1cd: {  	_ =	swait.ge [sflag:s4], $0x2800  }
0x1ce: {  	[sflag:s4] =	ssyncset.done $0x0  }
0x1cf: {  	[sflag:s4] =	ssyncadd.s32 $0xFFFFD800  }
0x1d0: {  	_ =	swait.ge [sflag:s7], $0x2800  }
0x1d1: {  	[sflag:s7] =	ssyncset.done $0x0  }
0x1d2: {  	s10 =	sadd.s32 $0x1580, s9;
	[sflag:s7] =	ssyncadd.s32 $0xFFFFD800  }
0x1d3: {  	[spmem:s2] =	stream.indirect.scatter.add.f32 [tilespmem:s3], [sflag:$0x7], $0x50, s10, s25, $0xb8;
	[tilespmem:$0x12C00] =	vst v63  }
0x1d4: {  	s10 =	sadd.s32 $0x1F80, s9  }
0x1d5: {  	[spmem:s2] =	stream.indirect.scatter.add.f32 [tilespmem:s30], [sflag:$0x8], $0x50, s10, s25, $0xb8;
	[tilespmem:$0x12C00] =	vst v63  }
0x1d6: {  	p0 =	seq.s32 s0, $0x2000;
	_ =	swait.ge [sflag:s11], $0x2800  }
.Ltmp8:
0x1d7: {  	[sflag:s11] =	ssyncset.done $0x0;
	(pc) =	sbr.rel @p0 .LBB2_13-.Ltmp8, $4  }
0x1d8: {  	[sflag:s11] =	ssyncadd.s32 $0xFFFFD800  }
0x1d9: {  	_ =	swait.ge [sflag:s12], $0x2800  }
0x1da: {  	[sflag:s12] =	ssyncset.done $0x0  }
0x1db: {  	[sflag:s12] =	ssyncadd.s32 $0xFFFFD800  }
.Ltmp9:
0x1dc: {  	(pc) =	sbr.rel .LBB2_11-.Ltmp9, $4  }
0x1dd: {  	s10 =	sadd.s32 $0x200, s9  }
0x1de: {  	[tilespmem:s26], [sflag:$0x1] =	stream.indirect.gather [hbm4b:s5+s25], $0x50, s10, s25, $0xb8;
	[tilespmem:$0x12C00] =	vst v63  }
0x1df: {  	s0 =	sadd.s32 $0x400, s0;
	s10 =	sadd.s32 $0xC00, s9  }
0x1e0: {  	[tilespmem:s28], [sflag:$0x2] =	stream.indirect.gather [hbm4b:s5+s25], $0x50, s10, s25, $0xb8;
	[tilespmem:$0x12C00] =	vst v63  }
.LBB2_13:
0x1e1: {  	_ =	swait.ge [sflag:s15], $0x2800  }
0x1e2: {  	[sflag:s15] =	ssyncset.done $0x0  }
0x1e3: {  	[sflag:s15] =	ssyncadd.s32 $0xFFFFD800  }
0x1e4: {  	_ =	swait.ge [sflag:s16], $0x2800  }
0x1e5: {  	[sflag:s16] =	ssyncset.done $0x0  }
0x1e6: {  	[sflag:s16] =	ssyncadd.s32 $0xFFFFD800  }
0x1e7: {  	[bflag:$0x0] =	sbarrier.arrive $0xFFFF  }
0x1e8: {  	s0 =	sld [smem:$0x7F5];
	_ =	sdelay $0x2  }
0x1e9: {  	[hbm:s0], [sflag:s8] =	dma.local [spmem:s18], $0x320  }
0x1ea: {  	_ =	swait.ge [sflag:s21], $0x320  }
0x1eb: {  	s9 =	sld [smem:$0x7F6]  }
0x1ec: {  	[sflag:s21] =	ssyncset.done $0x0  }
0x1ed: {  	[sflag:s21] =	ssyncadd.s32 $0xFFFFFCE0  }
0x1ee: {  	[hbm:s9], [sflag:s8] =	dma.local [spmem:s19], $0x320  }
0x1ef: {  	_ =	swait.ge [sflag:s21], $0x320  }
0x1f0: {  	s10 =	sld [smem:$0x7F7]  }
0x1f1: {  	[sflag:s21] =	ssyncset.done $0x0  }
0x1f2: {  	[sflag:s21] =	ssyncadd.s32 $0xFFFFFCE0  }
0x1f3: {  	[hbm:s10], [sflag:s8] =	dma.local [spmem:s20], $0x320  }
0x1f4: {  	_ =	swait.ge [sflag:s21], $0x320  }
0x1f5: {  	s9 =	sld [smem:$0x7F8]  }
0x1f6: {  	[sflag:s21] =	ssyncset.done $0x0  }
0x1f7: {  	[sflag:s21] =	ssyncadd.s32 $0xFFFFFCE0  }
0x1f8: {  	[hbm:s9], [sflag:s8] =	dma.local [spmem:s1], $0x320  }
0x1f9: {  	_ =	swait.ge [sflag:s21], $0x320  }
0x1fa: {  	[sflag:s21] =	ssyncset.done $0x0  }
0x1fb: {  	[sflag:s21] =	ssyncadd.s32 $0xFFFFFCE0  }
0x1fc: {  	[spmem:s18], [sflag:s8] =	dma.local [hbm:s6], $0x320  }
0x1fd: {  	_ =	swait.ge [sflag:s21], $0x320  }
0x1fe: {  	[sflag:s21] =	ssyncset.done $0x0  }
0x1ff: {  	[sflag:s21] =	ssyncadd.s32 $0xFFFFFCE0  }
0x200: {  	[spmem:s19], [sflag:s8] =	dma.local [hbm:s6], $0x320  }
0x201: {  	_ =	swait.ge [sflag:s21], $0x320  }
0x202: {  	[sflag:s21] =	ssyncset.done $0x0  }
0x203: {  	[sflag:s21] =	ssyncadd.s32 $0xFFFFFCE0  }
0x204: {  	[spmem:s20], [sflag:s8] =	dma.local [hbm:s6], $0x320  }
0x205: {  	_ =	swait.ge [sflag:s21], $0x320  }
0x206: {  	[sflag:s21] =	ssyncset.done $0x0  }
0x207: {  	[sflag:s21] =	ssyncadd.s32 $0xFFFFFCE0  }
0x208: {  	[spmem:s1], [sflag:s8] =	dma.local [hbm:s6], $0x320  }
0x209: {  	_ =	swait.ge [sflag:s21], $0x320  }
0x20a: {  	[sflag:s21] =	ssyncset.done $0x0  }
0x20b: {  	[sflag:s21] =	ssyncadd.s32 $0xFFFFFCE0  }
0x20c: {  	[bflag:$0x0] =	sbarrier.arrive $0xFFFF  }
0x20d: {  	s0 =	simm.s32 $0x0;
	s9 =	rddreg [dreg:$0x10]  }
0x20e: {  	[tilespmem:s0], [sflag:$0x9] =	stream.linear.gather [hbm4b:s9+s0], $0xA00, $0x38;
	[tilespmem:$0x12C00] =	vst v63  }
0x20f: {  	_ =	swait.ge [sflag:s21], $0xA00  }
0x210: {  	[sflag:s21] =	ssyncset.done $0x0  }
0x211: {  	s10 =	rddreg [dreg:$0x11];
	[sflag:s21] =	ssyncadd.s32 $0xFFFFF600  }
0x212: {  	[tilespmem:s22], [sflag:$0x9] =	stream.linear.gather [hbm4b:s10+s0], $0xA00, $0x38;
	[tilespmem:$0x12C00] =	vst v63  }
0x213: {  	_ =	swait.ge [sflag:s21], $0xA00  }
0x214: {  	[sflag:s21] =	ssyncset.done $0x0  }
0x215: {  	s10 =	rddreg [dreg:$0x12];
	[sflag:s21] =	ssyncadd.s32 $0xFFFFF600  }
0x216: {  	[tilespmem:s23], [sflag:$0x9] =	stream.linear.gather [hbm4b:s10+s0], $0xA00, $0x38;
	[tilespmem:$0x12C00] =	vst v63  }
0x217: {  	_ =	swait.ge [sflag:s21], $0xA00  }
0x218: {  	[sflag:s21] =	ssyncset.done $0x0  }
0x219: {  	s10 =	rddreg [dreg:$0x13];
	[sflag:s21] =	ssyncadd.s32 $0xFFFFF600  }
0x21a: {  	[tilespmem:s24], [sflag:$0x9] =	stream.linear.gather [hbm4b:s10+s0], $0xA00, $0x38;
	[tilespmem:$0x12C00] =	vst v63  }
0x21b: {  	_ =	swait.ge [sflag:s21], $0xA00  }
0x21c: {  	[sflag:s21] =	ssyncset.done $0x0  }
0x21d: {  	[sflag:s21] =	ssyncadd.s32 $0xFFFFF600  }
0x21e: {  	[tilespmem:s26], [sflag:$0x1] =	stream.indirect.gather [hbm4b:s5+s25], $0x50, s0, s25, $0xb8;
	[tilespmem:$0x12C00] =	vst v63  }
0x21f: {  	_ = 	snop  }
0x220: {  	[tilespmem:s28], [sflag:$0x2] =	stream.indirect.gather [hbm4b:s5+s25], $0x50, s22, s25, $0xb8;
	[tilespmem:$0x12C00] =	vst v63  }
0x221: {  	_ =	swait.ge [sflag:s29], $0x2800  }
0x222: {  	[sflag:s29] =	ssyncset.done $0x0  }
0x223: {  	[sflag:s29] =	ssyncadd.s32 $0xFFFFD800  }
0x224: {  	_ =	swait.ge [sflag:s31], $0x2800  }
0x225: {  	[sflag:s31] =	ssyncset.done $0x0  }
0x226: {  	[sflag:s31] =	ssyncadd.s32 $0xFFFFD800  }
0x227: {  	[spmem:s2] =	stream.indirect.scatter.add.f32 [tilespmem:s28], [sflag:$0x5], $0x50, s23, s25, $0xb8;
	[tilespmem:$0x12C00] =	vst v63  }
0x228: {  	_ = 	snop  }
0x229: {  	[spmem:s2] =	stream.indirect.scatter.add.f32 [tilespmem:s26], [sflag:$0x6], $0x50, s24, s25, $0xb8;
	[tilespmem:$0x12C00] =	vst v63  }
0x22a: {  	_ = 	snop  }
0x22b: {  	[tilespmem:s30], [sflag:$0x3] =	stream.indirect.gather [hbm4b:s5+s25], $0x50, s25, s25, $0xb8;
	[tilespmem:$0x12C00] =	vst v63  }
0x22c: {  	s10 =	simm.s32 $0xA80  }
0x22d: {  	[tilespmem:s3], [sflag:$0x4] =	stream.indirect.gather [hbm4b:s5+s25], $0x50, s10, s25, $0xb8;
	[tilespmem:$0x12C00] =	vst v63  }
0x22e: {  	_ =	swait.ge [sflag:s4], $0x2800  }
0x22f: {  	[sflag:s4] =	ssyncset.done $0x0  }
0x230: {  	[sflag:s4] =	ssyncadd.s32 $0xFFFFD800  }
0x231: {  	_ =	swait.ge [sflag:s7], $0x2800  }
0x232: {  	[sflag:s7] =	ssyncset.done $0x0  }
0x233: {  	s10 =	simm.s32 $0x1480;
	[sflag:s7] =	ssyncadd.s32 $0xFFFFD800  }
0x234: {  	[spmem:s2] =	stream.indirect.scatter.add.f32 [tilespmem:s3], [sflag:$0x7], $0x50, s10, s25, $0xb8;
	[tilespmem:$0x12C00] =	vst v63  }
0x235: {  	s10 =	simm.s32 $0x1E80  }
0x236: {  	[spmem:s2] =	stream.indirect.scatter.add.f32 [tilespmem:s30], [sflag:$0x8], $0x50, s10, s25, $0xb8;
	[tilespmem:$0x12C00] =	vst v63  }
0x237: {  	_ =	swait.ge [sflag:s11], $0x2800  }
0x238: {  	[sflag:s11] =	ssyncset.done $0x0  }
0x239: {  	[sflag:s11] =	ssyncadd.s32 $0xFFFFD800  }
0x23a: {  	_ =	swait.ge [sflag:s12], $0x2800  }
0x23b: {  	[sflag:s12] =	ssyncset.done $0x0  }
0x23c: {  	[sflag:s12] =	ssyncadd.s32 $0xFFFFD800  }
0x23d: {  	[tilespmem:s26], [sflag:$0x1] =	stream.indirect.gather [hbm4b:s5+s25], $0x50, s13, s25, $0xb8;
	[tilespmem:$0x12C00] =	vst v63  }
0x23e: {  	_ = 	snop  }
0x23f: {  	[tilespmem:s28], [sflag:$0x2] =	stream.indirect.gather [hbm4b:s5+s25], $0x50, s14, s25, $0xb8;
	[tilespmem:$0x12C00] =	vst v63  }
.LBB2_14:
0x240: {  	_ =	swait.ge [sflag:s29], $0x2800  }
0x241: {  	[sflag:s29] =	ssyncset.done $0x0  }
0x242: {  	[sflag:s29] =	ssyncadd.s32 $0xFFFFD800  }
0x243: {  	_ =	swait.ge [sflag:s31], $0x2800  }
0x244: {  	s9 =	sshra.s32 s0, $0x2;
	[sflag:s31] =	ssyncset.done $0x0  }
0x245: {  	s10 =	sadd.s32 $0x1500, s9;
	[sflag:s31] =	ssyncadd.s32 $0xFFFFD800  }
0x246: {  	[spmem:s2] =	stream.indirect.scatter.add.f32 [tilespmem:s28], [sflag:$0x5], $0x50, s10, s25, $0xb8;
	[tilespmem:$0x12C00] =	vst v63  }
0x247: {  	s10 =	sadd.s32 $0x1F00, s9  }
0x248: {  	[spmem:s2] =	stream.indirect.scatter.add.f32 [tilespmem:s26], [sflag:$0x6], $0x50, s10, s25, $0xb8;
	[tilespmem:$0x12C00] =	vst v63  }
0x249: {  	_ =	swait.ge [sflag:s15], $0x2800  }
0x24a: {  	[sflag:s15] =	ssyncset.done $0x0  }
0x24b: {  	[sflag:s15] =	ssyncadd.s32 $0xFFFFD800  }
0x24c: {  	_ =	swait.ge [sflag:s16], $0x2800  }
0x24d: {  	[sflag:s16] =	ssyncset.done $0x0  }
0x24e: {  	s10 =	sadd.s32 $0x180, s9;
	[sflag:s16] =	ssyncadd.s32 $0xFFFFD800  }
0x24f: {  	[tilespmem:s30], [sflag:$0x3] =	stream.indirect.gather [hbm4b:s5+s25], $0x50, s10, s25, $0xb8;
	[tilespmem:$0x12C00] =	vst v63  }
0x250: {  	s10 =	sadd.s32 $0xB80, s9  }
0x251: {  	[tilespmem:s3], [sflag:$0x4] =	stream.indirect.gather [hbm4b:s5+s25], $0x50, s10, s25, $0xb8;
	[tilespmem:$0x12C00] =	vst v63  }
0x252: {  	_ =	swait.ge [sflag:s4], $0x2800  }
0x253: {  	[sflag:s4] =	ssyncset.done $0x0  }
0x254: {  	[sflag:s4] =	ssyncadd.s32 $0xFFFFD800  }
0x255: {  	_ =	swait.ge [sflag:s7], $0x2800  }
0x256: {  	[sflag:s7] =	ssyncset.done $0x0  }
0x257: {  	s10 =	sadd.s32 $0x1580, s9;
	[sflag:s7] =	ssyncadd.s32 $0xFFFFD800  }
0x258: {  	[spmem:s2] =	stream.indirect.scatter.add.f32 [tilespmem:s3], [sflag:$0x7], $0x50, s10, s25, $0xb8;
	[tilespmem:$0x12C00] =	vst v63  }
0x259: {  	s10 =	sadd.s32 $0x1F80, s9  }
0x25a: {  	[spmem:s2] =	stream.indirect.scatter.add.f32 [tilespmem:s30], [sflag:$0x8], $0x50, s10, s25, $0xb8;
	[tilespmem:$0x12C00] =	vst v63  }
0x25b: {  	p0 =	seq.s32 s0, $0x2000;
	_ =	swait.ge [sflag:s11], $0x2800  }
.Ltmp10:
0x25c: {  	[sflag:s11] =	ssyncset.done $0x0;
	(pc) =	sbr.rel @p0 .LBB2_16-.Ltmp10, $4  }
0x25d: {  	[sflag:s11] =	ssyncadd.s32 $0xFFFFD800  }
0x25e: {  	_ =	swait.ge [sflag:s12], $0x2800  }
0x25f: {  	[sflag:s12] =	ssyncset.done $0x0  }
0x260: {  	[sflag:s12] =	ssyncadd.s32 $0xFFFFD800  }
.Ltmp11:
0x261: {  	(pc) =	sbr.rel .LBB2_14-.Ltmp11, $4  }
0x262: {  	s10 =	sadd.s32 $0x200, s9  }
0x263: {  	[tilespmem:s26], [sflag:$0x1] =	stream.indirect.gather [hbm4b:s5+s25], $0x50, s10, s25, $0xb8;
	[tilespmem:$0x12C00] =	vst v63  }
0x264: {  	s0 =	sadd.s32 $0x400, s0;
	s10 =	sadd.s32 $0xC00, s9  }
0x265: {  	[tilespmem:s28], [sflag:$0x2] =	stream.indirect.gather [hbm4b:s5+s25], $0x50, s10, s25, $0xb8;
	[tilespmem:$0x12C00] =	vst v63  }
.LBB2_16:
0x266: {  	_ =	swait.ge [sflag:s15], $0x2800  }
0x267: {  	[sflag:s15] =	ssyncset.done $0x0  }
0x268: {  	[sflag:s15] =	ssyncadd.s32 $0xFFFFD800  }
0x269: {  	_ =	swait.ge [sflag:s16], $0x2800  }
0x26a: {  	[sflag:s16] =	ssyncset.done $0x0  }
0x26b: {  	s0 =	simm.s32 $0x0;
	s9 =	rddreg [dreg:$0x14];
	[sflag:s16] =	ssyncadd.s32 $0xFFFFD800  }
0x26c: {  	[tilespmem:s0], [sflag:$0x9] =	stream.linear.gather [hbm4b:s9+s0], $0xA00, $0x38;
	[tilespmem:$0x12C00] =	vst v63  }
0x26d: {  	_ =	swait.ge [sflag:s21], $0xA00  }
0x26e: {  	[sflag:s21] =	ssyncset.done $0x0  }
0x26f: {  	s10 =	rddreg [dreg:$0x15];
	[sflag:s21] =	ssyncadd.s32 $0xFFFFF600  }
0x270: {  	[tilespmem:s22], [sflag:$0x9] =	stream.linear.gather [hbm4b:s10+s0], $0xA00, $0x38;
	[tilespmem:$0x12C00] =	vst v63  }
0x271: {  	_ =	swait.ge [sflag:s21], $0xA00  }
0x272: {  	[sflag:s21] =	ssyncset.done $0x0  }
0x273: {  	s10 =	rddreg [dreg:$0x16];
	[sflag:s21] =	ssyncadd.s32 $0xFFFFF600  }
0x274: {  	[tilespmem:s23], [sflag:$0x9] =	stream.linear.gather [hbm4b:s10+s0], $0xA00, $0x38;
	[tilespmem:$0x12C00] =	vst v63  }
0x275: {  	_ =	swait.ge [sflag:s21], $0xA00  }
0x276: {  	[sflag:s21] =	ssyncset.done $0x0  }
0x277: {  	s10 =	rddreg [dreg:$0x17];
	[sflag:s21] =	ssyncadd.s32 $0xFFFFF600  }
0x278: {  	[tilespmem:s24], [sflag:$0x9] =	stream.linear.gather [hbm4b:s10+s0], $0xA00, $0x38;
	[tilespmem:$0x12C00] =	vst v63  }
0x279: {  	_ =	swait.ge [sflag:s21], $0xA00  }
0x27a: {  	[sflag:s21] =	ssyncset.done $0x0  }
0x27b: {  	[sflag:s21] =	ssyncadd.s32 $0xFFFFF600  }
0x27c: {  	[tilespmem:s26], [sflag:$0x1] =	stream.indirect.gather [hbm4b:s5+s25], $0x50, s0, s25, $0xb8;
	[tilespmem:$0x12C00] =	vst v63  }
0x27d: {  	_ = 	snop  }
0x27e: {  	[tilespmem:s28], [sflag:$0x2] =	stream.indirect.gather [hbm4b:s5+s25], $0x50, s22, s25, $0xb8;
	[tilespmem:$0x12C00] =	vst v63  }
0x27f: {  	_ =	swait.ge [sflag:s29], $0x2800  }
0x280: {  	[sflag:s29] =	ssyncset.done $0x0  }
0x281: {  	[sflag:s29] =	ssyncadd.s32 $0xFFFFD800  }
0x282: {  	_ =	swait.ge [sflag:s31], $0x2800  }
0x283: {  	[sflag:s31] =	ssyncset.done $0x0  }
0x284: {  	[sflag:s31] =	ssyncadd.s32 $0xFFFFD800  }
0x285: {  	[spmem:s2] =	stream.indirect.scatter.add.f32 [tilespmem:s28], [sflag:$0x5], $0x50, s23, s25, $0xb8;
	[tilespmem:$0x12C00] =	vst v63  }
0x286: {  	_ = 	snop  }
0x287: {  	[spmem:s2] =	stream.indirect.scatter.add.f32 [tilespmem:s26], [sflag:$0x6], $0x50, s24, s25, $0xb8;
	[tilespmem:$0x12C00] =	vst v63  }
0x288: {  	_ = 	snop  }
0x289: {  	[tilespmem:s30], [sflag:$0x3] =	stream.indirect.gather [hbm4b:s5+s25], $0x50, s25, s25, $0xb8;
	[tilespmem:$0x12C00] =	vst v63  }
0x28a: {  	s10 =	simm.s32 $0xA80  }
0x28b: {  	[tilespmem:s3], [sflag:$0x4] =	stream.indirect.gather [hbm4b:s5+s25], $0x50, s10, s25, $0xb8;
	[tilespmem:$0x12C00] =	vst v63  }
0x28c: {  	_ =	swait.ge [sflag:s4], $0x2800  }
0x28d: {  	[sflag:s4] =	ssyncset.done $0x0  }
0x28e: {  	[sflag:s4] =	ssyncadd.s32 $0xFFFFD800  }
0x28f: {  	_ =	swait.ge [sflag:s7], $0x2800  }
0x290: {  	[sflag:s7] =	ssyncset.done $0x0  }
0x291: {  	s10 =	simm.s32 $0x1480;
	[sflag:s7] =	ssyncadd.s32 $0xFFFFD800  }
0x292: {  	[spmem:s2] =	stream.indirect.scatter.add.f32 [tilespmem:s3], [sflag:$0x7], $0x50, s10, s25, $0xb8;
	[tilespmem:$0x12C00] =	vst v63  }
0x293: {  	s10 =	simm.s32 $0x1E80  }
0x294: {  	[spmem:s2] =	stream.indirect.scatter.add.f32 [tilespmem:s30], [sflag:$0x8], $0x50, s10, s25, $0xb8;
	[tilespmem:$0x12C00] =	vst v63  }
0x295: {  	_ =	swait.ge [sflag:s11], $0x2800  }
0x296: {  	[sflag:s11] =	ssyncset.done $0x0  }
0x297: {  	[sflag:s11] =	ssyncadd.s32 $0xFFFFD800  }
0x298: {  	_ =	swait.ge [sflag:s12], $0x2800  }
0x299: {  	[sflag:s12] =	ssyncset.done $0x0  }
0x29a: {  	[sflag:s12] =	ssyncadd.s32 $0xFFFFD800  }
0x29b: {  	[tilespmem:s26], [sflag:$0x1] =	stream.indirect.gather [hbm4b:s5+s25], $0x50, s13, s25, $0xb8;
	[tilespmem:$0x12C00] =	vst v63  }
0x29c: {  	_ = 	snop  }
0x29d: {  	[tilespmem:s28], [sflag:$0x2] =	stream.indirect.gather [hbm4b:s5+s25], $0x50, s14, s25, $0xb8;
	[tilespmem:$0x12C00] =	vst v63  }
.LBB2_17:
0x29e: {  	_ =	swait.ge [sflag:s29], $0x2800  }
0x29f: {  	[sflag:s29] =	ssyncset.done $0x0  }
0x2a0: {  	[sflag:s29] =	ssyncadd.s32 $0xFFFFD800  }
0x2a1: {  	_ =	swait.ge [sflag:s31], $0x2800  }
0x2a2: {  	s9 =	sshra.s32 s0, $0x2;
	[sflag:s31] =	ssyncset.done $0x0  }
0x2a3: {  	s10 =	sadd.s32 $0x1500, s9;
	[sflag:s31] =	ssyncadd.s32 $0xFFFFD800  }
0x2a4: {  	[spmem:s2] =	stream.indirect.scatter.add.f32 [tilespmem:s28], [sflag:$0x5], $0x50, s10, s25, $0xb8;
	[tilespmem:$0x12C00] =	vst v63  }
0x2a5: {  	s10 =	sadd.s32 $0x1F00, s9  }
0x2a6: {  	[spmem:s2] =	stream.indirect.scatter.add.f32 [tilespmem:s26], [sflag:$0x6], $0x50, s10, s25, $0xb8;
	[tilespmem:$0x12C00] =	vst v63  }
0x2a7: {  	_ =	swait.ge [sflag:s15], $0x2800  }
0x2a8: {  	[sflag:s15] =	ssyncset.done $0x0  }
0x2a9: {  	[sflag:s15] =	ssyncadd.s32 $0xFFFFD800  }
0x2aa: {  	_ =	swait.ge [sflag:s16], $0x2800  }
0x2ab: {  	[sflag:s16] =	ssyncset.done $0x0  }
0x2ac: {  	s10 =	sadd.s32 $0x180, s9;
	[sflag:s16] =	ssyncadd.s32 $0xFFFFD800  }
0x2ad: {  	[tilespmem:s30], [sflag:$0x3] =	stream.indirect.gather [hbm4b:s5+s25], $0x50, s10, s25, $0xb8;
	[tilespmem:$0x12C00] =	vst v63  }
0x2ae: {  	s10 =	sadd.s32 $0xB80, s9  }
0x2af: {  	[tilespmem:s3], [sflag:$0x4] =	stream.indirect.gather [hbm4b:s5+s25], $0x50, s10, s25, $0xb8;
	[tilespmem:$0x12C00] =	vst v63  }
0x2b0: {  	_ =	swait.ge [sflag:s4], $0x2800  }
0x2b1: {  	[sflag:s4] =	ssyncset.done $0x0  }
0x2b2: {  	[sflag:s4] =	ssyncadd.s32 $0xFFFFD800  }
0x2b3: {  	_ =	swait.ge [sflag:s7], $0x2800  }
0x2b4: {  	[sflag:s7] =	ssyncset.done $0x0  }
0x2b5: {  	s10 =	sadd.s32 $0x1580, s9;
	[sflag:s7] =	ssyncadd.s32 $0xFFFFD800  }
0x2b6: {  	[spmem:s2] =	stream.indirect.scatter.add.f32 [tilespmem:s3], [sflag:$0x7], $0x50, s10, s25, $0xb8;
	[tilespmem:$0x12C00] =	vst v63  }
0x2b7: {  	s10 =	sadd.s32 $0x1F80, s9  }
0x2b8: {  	[spmem:s2] =	stream.indirect.scatter.add.f32 [tilespmem:s30], [sflag:$0x8], $0x50, s10, s25, $0xb8;
	[tilespmem:$0x12C00] =	vst v63  }
0x2b9: {  	p0 =	seq.s32 s0, $0x2000;
	_ =	swait.ge [sflag:s11], $0x2800  }
.Ltmp12:
0x2ba: {  	[sflag:s11] =	ssyncset.done $0x0;
	(pc) =	sbr.rel @p0 .LBB2_19-.Ltmp12, $4  }
0x2bb: {  	[sflag:s11] =	ssyncadd.s32 $0xFFFFD800  }
0x2bc: {  	_ =	swait.ge [sflag:s12], $0x2800  }
0x2bd: {  	[sflag:s12] =	ssyncset.done $0x0  }
0x2be: {  	[sflag:s12] =	ssyncadd.s32 $0xFFFFD800  }
.Ltmp13:
0x2bf: {  	(pc) =	sbr.rel .LBB2_17-.Ltmp13, $4  }
0x2c0: {  	s10 =	sadd.s32 $0x200, s9  }
0x2c1: {  	[tilespmem:s26], [sflag:$0x1] =	stream.indirect.gather [hbm4b:s5+s25], $0x50, s10, s25, $0xb8;
	[tilespmem:$0x12C00] =	vst v63  }
0x2c2: {  	s0 =	sadd.s32 $0x400, s0;
	s10 =	sadd.s32 $0xC00, s9  }
0x2c3: {  	[tilespmem:s28], [sflag:$0x2] =	stream.indirect.gather [hbm4b:s5+s25], $0x50, s10, s25, $0xb8;
	[tilespmem:$0x12C00] =	vst v63  }
.LBB2_19:
0x2c4: {  	_ =	swait.ge [sflag:s15], $0x2800  }
0x2c5: {  	[sflag:s15] =	ssyncset.done $0x0  }
0x2c6: {  	[sflag:s15] =	ssyncadd.s32 $0xFFFFD800  }
0x2c7: {  	_ =	swait.ge [sflag:s16], $0x2800  }
0x2c8: {  	[sflag:s16] =	ssyncset.done $0x0  }
0x2c9: {  	s0 =	simm.s32 $0x0;
	s9 =	rddreg [dreg:$0x18];
	[sflag:s16] =	ssyncadd.s32 $0xFFFFD800  }
0x2ca: {  	[tilespmem:s0], [sflag:$0x9] =	stream.linear.gather [hbm4b:s9+s0], $0xA00, $0x38;
	[tilespmem:$0x12C00] =	vst v63  }
0x2cb: {  	_ =	swait.ge [sflag:s21], $0xA00  }
0x2cc: {  	[sflag:s21] =	ssyncset.done $0x0  }
0x2cd: {  	s10 =	rddreg [dreg:$0x19];
	[sflag:s21] =	ssyncadd.s32 $0xFFFFF600  }
0x2ce: {  	[tilespmem:s22], [sflag:$0x9] =	stream.linear.gather [hbm4b:s10+s0], $0xA00, $0x38;
	[tilespmem:$0x12C00] =	vst v63  }
0x2cf: {  	_ =	swait.ge [sflag:s21], $0xA00  }
0x2d0: {  	[sflag:s21] =	ssyncset.done $0x0  }
0x2d1: {  	s10 =	rddreg [dreg:$0x1a];
	[sflag:s21] =	ssyncadd.s32 $0xFFFFF600  }
0x2d2: {  	[tilespmem:s23], [sflag:$0x9] =	stream.linear.gather [hbm4b:s10+s0], $0xA00, $0x38;
	[tilespmem:$0x12C00] =	vst v63  }
0x2d3: {  	_ =	swait.ge [sflag:s21], $0xA00  }
0x2d4: {  	[sflag:s21] =	ssyncset.done $0x0  }
0x2d5: {  	s10 =	rddreg [dreg:$0x1b];
	[sflag:s21] =	ssyncadd.s32 $0xFFFFF600  }
0x2d6: {  	[tilespmem:s24], [sflag:$0x9] =	stream.linear.gather [hbm4b:s10+s0], $0xA00, $0x38;
	[tilespmem:$0x12C00] =	vst v63  }
0x2d7: {  	_ =	swait.ge [sflag:s21], $0xA00  }
0x2d8: {  	[sflag:s21] =	ssyncset.done $0x0  }
0x2d9: {  	[sflag:s21] =	ssyncadd.s32 $0xFFFFF600  }
0x2da: {  	[tilespmem:s26], [sflag:$0x1] =	stream.indirect.gather [hbm4b:s5+s25], $0x50, s0, s25, $0xb8;
	[tilespmem:$0x12C00] =	vst v63  }
0x2db: {  	_ = 	snop  }
0x2dc: {  	[tilespmem:s28], [sflag:$0x2] =	stream.indirect.gather [hbm4b:s5+s25], $0x50, s22, s25, $0xb8;
	[tilespmem:$0x12C00] =	vst v63  }
0x2dd: {  	_ =	swait.ge [sflag:s29], $0x2800  }
0x2de: {  	[sflag:s29] =	ssyncset.done $0x0  }
0x2df: {  	[sflag:s29] =	ssyncadd.s32 $0xFFFFD800  }
0x2e0: {  	_ =	swait.ge [sflag:s31], $0x2800  }
0x2e1: {  	[sflag:s31] =	ssyncset.done $0x0  }
0x2e2: {  	[sflag:s31] =	ssyncadd.s32 $0xFFFFD800  }
0x2e3: {  	[spmem:s2] =	stream.indirect.scatter.add.f32 [tilespmem:s28], [sflag:$0x5], $0x50, s23, s25, $0xb8;
	[tilespmem:$0x12C00] =	vst v63  }
0x2e4: {  	_ = 	snop  }
0x2e5: {  	[spmem:s2] =	stream.indirect.scatter.add.f32 [tilespmem:s26], [sflag:$0x6], $0x50, s24, s25, $0xb8;
	[tilespmem:$0x12C00] =	vst v63  }
0x2e6: {  	_ = 	snop  }
0x2e7: {  	[tilespmem:s30], [sflag:$0x3] =	stream.indirect.gather [hbm4b:s5+s25], $0x50, s25, s25, $0xb8;
	[tilespmem:$0x12C00] =	vst v63  }
0x2e8: {  	s10 =	simm.s32 $0xA80  }
0x2e9: {  	[tilespmem:s3], [sflag:$0x4] =	stream.indirect.gather [hbm4b:s5+s25], $0x50, s10, s25, $0xb8;
	[tilespmem:$0x12C00] =	vst v63  }
0x2ea: {  	_ =	swait.ge [sflag:s4], $0x2800  }
0x2eb: {  	[sflag:s4] =	ssyncset.done $0x0  }
0x2ec: {  	[sflag:s4] =	ssyncadd.s32 $0xFFFFD800  }
0x2ed: {  	_ =	swait.ge [sflag:s7], $0x2800  }
0x2ee: {  	[sflag:s7] =	ssyncset.done $0x0  }
0x2ef: {  	s10 =	simm.s32 $0x1480;
	[sflag:s7] =	ssyncadd.s32 $0xFFFFD800  }
0x2f0: {  	[spmem:s2] =	stream.indirect.scatter.add.f32 [tilespmem:s3], [sflag:$0x7], $0x50, s10, s25, $0xb8;
	[tilespmem:$0x12C00] =	vst v63  }
0x2f1: {  	s10 =	simm.s32 $0x1E80  }
0x2f2: {  	[spmem:s2] =	stream.indirect.scatter.add.f32 [tilespmem:s30], [sflag:$0x8], $0x50, s10, s25, $0xb8;
	[tilespmem:$0x12C00] =	vst v63  }
0x2f3: {  	_ =	swait.ge [sflag:s11], $0x2800  }
0x2f4: {  	[sflag:s11] =	ssyncset.done $0x0  }
0x2f5: {  	[sflag:s11] =	ssyncadd.s32 $0xFFFFD800  }
0x2f6: {  	_ =	swait.ge [sflag:s12], $0x2800  }
0x2f7: {  	[sflag:s12] =	ssyncset.done $0x0  }
0x2f8: {  	[sflag:s12] =	ssyncadd.s32 $0xFFFFD800  }
0x2f9: {  	[tilespmem:s26], [sflag:$0x1] =	stream.indirect.gather [hbm4b:s5+s25], $0x50, s13, s25, $0xb8;
	[tilespmem:$0x12C00] =	vst v63  }
0x2fa: {  	_ = 	snop  }
0x2fb: {  	[tilespmem:s28], [sflag:$0x2] =	stream.indirect.gather [hbm4b:s5+s25], $0x50, s14, s25, $0xb8;
	[tilespmem:$0x12C00] =	vst v63  }
.LBB2_20:
0x2fc: {  	_ =	swait.ge [sflag:s29], $0x2800  }
0x2fd: {  	[sflag:s29] =	ssyncset.done $0x0  }
0x2fe: {  	[sflag:s29] =	ssyncadd.s32 $0xFFFFD800  }
0x2ff: {  	_ =	swait.ge [sflag:s31], $0x2800  }
0x300: {  	s9 =	sshra.s32 s0, $0x2;
	[sflag:s31] =	ssyncset.done $0x0  }
0x301: {  	s10 =	sadd.s32 $0x1500, s9;
	[sflag:s31] =	ssyncadd.s32 $0xFFFFD800  }
0x302: {  	[spmem:s2] =	stream.indirect.scatter.add.f32 [tilespmem:s28], [sflag:$0x5], $0x50, s10, s25, $0xb8;
	[tilespmem:$0x12C00] =	vst v63  }
0x303: {  	s10 =	sadd.s32 $0x1F00, s9  }
0x304: {  	[spmem:s2] =	stream.indirect.scatter.add.f32 [tilespmem:s26], [sflag:$0x6], $0x50, s10, s25, $0xb8;
	[tilespmem:$0x12C00] =	vst v63  }
0x305: {  	_ =	swait.ge [sflag:s15], $0x2800  }
0x306: {  	[sflag:s15] =	ssyncset.done $0x0  }
0x307: {  	[sflag:s15] =	ssyncadd.s32 $0xFFFFD800  }
0x308: {  	_ =	swait.ge [sflag:s16], $0x2800  }
0x309: {  	[sflag:s16] =	ssyncset.done $0x0  }
0x30a: {  	s10 =	sadd.s32 $0x180, s9;
	[sflag:s16] =	ssyncadd.s32 $0xFFFFD800  }
0x30b: {  	[tilespmem:s30], [sflag:$0x3] =	stream.indirect.gather [hbm4b:s5+s25], $0x50, s10, s25, $0xb8;
	[tilespmem:$0x12C00] =	vst v63  }
0x30c: {  	s10 =	sadd.s32 $0xB80, s9  }
0x30d: {  	[tilespmem:s3], [sflag:$0x4] =	stream.indirect.gather [hbm4b:s5+s25], $0x50, s10, s25, $0xb8;
	[tilespmem:$0x12C00] =	vst v63  }
0x30e: {  	_ =	swait.ge [sflag:s4], $0x2800  }
0x30f: {  	[sflag:s4] =	ssyncset.done $0x0  }
0x310: {  	[sflag:s4] =	ssyncadd.s32 $0xFFFFD800  }
0x311: {  	_ =	swait.ge [sflag:s7], $0x2800  }
0x312: {  	[sflag:s7] =	ssyncset.done $0x0  }
0x313: {  	s10 =	sadd.s32 $0x1580, s9;
	[sflag:s7] =	ssyncadd.s32 $0xFFFFD800  }
0x314: {  	[spmem:s2] =	stream.indirect.scatter.add.f32 [tilespmem:s3], [sflag:$0x7], $0x50, s10, s25, $0xb8;
	[tilespmem:$0x12C00] =	vst v63  }
0x315: {  	s10 =	sadd.s32 $0x1F80, s9  }
0x316: {  	[spmem:s2] =	stream.indirect.scatter.add.f32 [tilespmem:s30], [sflag:$0x8], $0x50, s10, s25, $0xb8;
	[tilespmem:$0x12C00] =	vst v63  }
0x317: {  	p0 =	seq.s32 s0, $0x2000;
	_ =	swait.ge [sflag:s11], $0x2800  }
.Ltmp14:
0x318: {  	[sflag:s11] =	ssyncset.done $0x0;
	(pc) =	sbr.rel @p0 .LBB2_22-.Ltmp14, $4  }
0x319: {  	[sflag:s11] =	ssyncadd.s32 $0xFFFFD800  }
0x31a: {  	_ =	swait.ge [sflag:s12], $0x2800  }
0x31b: {  	[sflag:s12] =	ssyncset.done $0x0  }
0x31c: {  	[sflag:s12] =	ssyncadd.s32 $0xFFFFD800  }
.Ltmp15:
0x31d: {  	(pc) =	sbr.rel .LBB2_20-.Ltmp15, $4  }
0x31e: {  	s10 =	sadd.s32 $0x200, s9  }
0x31f: {  	[tilespmem:s26], [sflag:$0x1] =	stream.indirect.gather [hbm4b:s5+s25], $0x50, s10, s25, $0xb8;
	[tilespmem:$0x12C00] =	vst v63  }
0x320: {  	s0 =	sadd.s32 $0x400, s0;
	s10 =	sadd.s32 $0xC00, s9  }
0x321: {  	[tilespmem:s28], [sflag:$0x2] =	stream.indirect.gather [hbm4b:s5+s25], $0x50, s10, s25, $0xb8;
	[tilespmem:$0x12C00] =	vst v63  }
.LBB2_22:
0x322: {  	_ =	swait.ge [sflag:s15], $0x2800  }
0x323: {  	[sflag:s15] =	ssyncset.done $0x0  }
0x324: {  	[sflag:s15] =	ssyncadd.s32 $0xFFFFD800  }
0x325: {  	_ =	swait.ge [sflag:s16], $0x2800  }
0x326: {  	s9 =	sld [smem:$0x7ED]  }
0x327: {  	[sflag:s16] =	ssyncset.done $0x0  }
0x328: {  	s0 =	simm.s32 $0x0;
	[sflag:s16] =	ssyncadd.s32 $0xFFFFD800  }
0x329: {  	[tilespmem:s0], [sflag:$0x9] =	stream.linear.gather [hbm4b:s9+s0], $0xA00, $0x38;
	[tilespmem:$0x12C00] =	vst v63  }
0x32a: {  	_ =	swait.ge [sflag:s21], $0xA00  }
0x32b: {  	s10 =	sld [smem:$0x7EE]  }
0x32c: {  	[sflag:s21] =	ssyncset.done $0x0  }
0x32d: {  	[sflag:s21] =	ssyncadd.s32 $0xFFFFF600  }
0x32e: {  	[tilespmem:s22], [sflag:$0x9] =	stream.linear.gather [hbm4b:s10+s0], $0xA00, $0x38;
	[tilespmem:$0x12C00] =	vst v63  }
0x32f: {  	_ =	swait.ge [sflag:s21], $0xA00  }
0x330: {  	s10 =	sld [smem:$0x7EF]  }
0x331: {  	[sflag:s21] =	ssyncset.done $0x0  }
0x332: {  	[sflag:s21] =	ssyncadd.s32 $0xFFFFF600  }
0x333: {  	[tilespmem:s23], [sflag:$0x9] =	stream.linear.gather [hbm4b:s10+s0], $0xA00, $0x38;
	[tilespmem:$0x12C00] =	vst v63  }
0x334: {  	_ =	swait.ge [sflag:s21], $0xA00  }
0x335: {  	s10 =	sld [smem:$0x7F0]  }
0x336: {  	[sflag:s21] =	ssyncset.done $0x0  }
0x337: {  	[sflag:s21] =	ssyncadd.s32 $0xFFFFF600  }
0x338: {  	[tilespmem:s24], [sflag:$0x9] =	stream.linear.gather [hbm4b:s10+s0], $0xA00, $0x38;
	[tilespmem:$0x12C00] =	vst v63  }
0x339: {  	_ =	swait.ge [sflag:s21], $0xA00  }
0x33a: {  	[sflag:s21] =	ssyncset.done $0x0  }
0x33b: {  	[sflag:s21] =	ssyncadd.s32 $0xFFFFF600  }
0x33c: {  	[tilespmem:s26], [sflag:$0x1] =	stream.indirect.gather [hbm4b:s5+s25], $0x50, s0, s25, $0xb8;
	[tilespmem:$0x12C00] =	vst v63  }
0x33d: {  	_ = 	snop  }
0x33e: {  	[tilespmem:s28], [sflag:$0x2] =	stream.indirect.gather [hbm4b:s5+s25], $0x50, s22, s25, $0xb8;
	[tilespmem:$0x12C00] =	vst v63  }
0x33f: {  	_ =	swait.ge [sflag:s29], $0x2800  }
0x340: {  	[sflag:s29] =	ssyncset.done $0x0  }
0x341: {  	[sflag:s29] =	ssyncadd.s32 $0xFFFFD800  }
0x342: {  	_ =	swait.ge [sflag:s31], $0x2800  }
0x343: {  	[sflag:s31] =	ssyncset.done $0x0  }
0x344: {  	[sflag:s31] =	ssyncadd.s32 $0xFFFFD800  }
0x345: {  	[spmem:s2] =	stream.indirect.scatter.add.f32 [tilespmem:s28], [sflag:$0x5], $0x50, s23, s25, $0xb8;
	[tilespmem:$0x12C00] =	vst v63  }
0x346: {  	_ = 	snop  }
0x347: {  	[spmem:s2] =	stream.indirect.scatter.add.f32 [tilespmem:s26], [sflag:$0x6], $0x50, s24, s25, $0xb8;
	[tilespmem:$0x12C00] =	vst v63  }
0x348: {  	_ = 	snop  }
0x349: {  	[tilespmem:s30], [sflag:$0x3] =	stream.indirect.gather [hbm4b:s5+s25], $0x50, s25, s25, $0xb8;
	[tilespmem:$0x12C00] =	vst v63  }
0x34a: {  	s10 =	simm.s32 $0xA80  }
0x34b: {  	[tilespmem:s3], [sflag:$0x4] =	stream.indirect.gather [hbm4b:s5+s25], $0x50, s10, s25, $0xb8;
	[tilespmem:$0x12C00] =	vst v63  }
0x34c: {  	_ =	swait.ge [sflag:s4], $0x2800  }
0x34d: {  	[sflag:s4] =	ssyncset.done $0x0  }
0x34e: {  	[sflag:s4] =	ssyncadd.s32 $0xFFFFD800  }
0x34f: {  	_ =	swait.ge [sflag:s7], $0x2800  }
0x350: {  	[sflag:s7] =	ssyncset.done $0x0  }
0x351: {  	s10 =	simm.s32 $0x1480;
	[sflag:s7] =	ssyncadd.s32 $0xFFFFD800  }
0x352: {  	[spmem:s2] =	stream.indirect.scatter.add.f32 [tilespmem:s3], [sflag:$0x7], $0x50, s10, s25, $0xb8;
	[tilespmem:$0x12C00] =	vst v63  }
0x353: {  	s10 =	simm.s32 $0x1E80  }
0x354: {  	[spmem:s2] =	stream.indirect.scatter.add.f32 [tilespmem:s30], [sflag:$0x8], $0x50, s10, s25, $0xb8;
	[tilespmem:$0x12C00] =	vst v63  }
0x355: {  	_ =	swait.ge [sflag:s11], $0x2800  }
0x356: {  	[sflag:s11] =	ssyncset.done $0x0  }
0x357: {  	[sflag:s11] =	ssyncadd.s32 $0xFFFFD800  }
0x358: {  	_ =	swait.ge [sflag:s12], $0x2800  }
0x359: {  	[sflag:s12] =	ssyncset.done $0x0  }
0x35a: {  	[sflag:s12] =	ssyncadd.s32 $0xFFFFD800  }
0x35b: {  	[tilespmem:s26], [sflag:$0x1] =	stream.indirect.gather [hbm4b:s5+s25], $0x50, s13, s25, $0xb8;
	[tilespmem:$0x12C00] =	vst v63  }
0x35c: {  	_ = 	snop  }
0x35d: {  	[tilespmem:s28], [sflag:$0x2] =	stream.indirect.gather [hbm4b:s5+s25], $0x50, s14, s25, $0xb8;
	[tilespmem:$0x12C00] =	vst v63  }
.LBB2_23:
0x35e: {  	_ =	swait.ge [sflag:s29], $0x2800  }
0x35f: {  	[sflag:s29] =	ssyncset.done $0x0  }
0x360: {  	[sflag:s29] =	ssyncadd.s32 $0xFFFFD800  }
0x361: {  	_ =	swait.ge [sflag:s31], $0x2800  }
0x362: {  	s9 =	sshra.s32 s0, $0x2;
	[sflag:s31] =	ssyncset.done $0x0  }
0x363: {  	s10 =	sadd.s32 $0x1500, s9;
	[sflag:s31] =	ssyncadd.s32 $0xFFFFD800  }
0x364: {  	[spmem:s2] =	stream.indirect.scatter.add.f32 [tilespmem:s28], [sflag:$0x5], $0x50, s10, s25, $0xb8;
	[tilespmem:$0x12C00] =	vst v63  }
0x365: {  	s10 =	sadd.s32 $0x1F00, s9  }
0x366: {  	[spmem:s2] =	stream.indirect.scatter.add.f32 [tilespmem:s26], [sflag:$0x6], $0x50, s10, s25, $0xb8;
	[tilespmem:$0x12C00] =	vst v63  }
0x367: {  	_ =	swait.ge [sflag:s15], $0x2800  }
0x368: {  	[sflag:s15] =	ssyncset.done $0x0  }
0x369: {  	[sflag:s15] =	ssyncadd.s32 $0xFFFFD800  }
0x36a: {  	_ =	swait.ge [sflag:s16], $0x2800  }
0x36b: {  	[sflag:s16] =	ssyncset.done $0x0  }
0x36c: {  	s10 =	sadd.s32 $0x180, s9;
	[sflag:s16] =	ssyncadd.s32 $0xFFFFD800  }
0x36d: {  	[tilespmem:s30], [sflag:$0x3] =	stream.indirect.gather [hbm4b:s5+s25], $0x50, s10, s25, $0xb8;
	[tilespmem:$0x12C00] =	vst v63  }
0x36e: {  	s10 =	sadd.s32 $0xB80, s9  }
0x36f: {  	[tilespmem:s3], [sflag:$0x4] =	stream.indirect.gather [hbm4b:s5+s25], $0x50, s10, s25, $0xb8;
	[tilespmem:$0x12C00] =	vst v63  }
0x370: {  	_ =	swait.ge [sflag:s4], $0x2800  }
0x371: {  	[sflag:s4] =	ssyncset.done $0x0  }
0x372: {  	[sflag:s4] =	ssyncadd.s32 $0xFFFFD800  }
0x373: {  	_ =	swait.ge [sflag:s7], $0x2800  }
0x374: {  	[sflag:s7] =	ssyncset.done $0x0  }
0x375: {  	s10 =	sadd.s32 $0x1580, s9;
	[sflag:s7] =	ssyncadd.s32 $0xFFFFD800  }
0x376: {  	[spmem:s2] =	stream.indirect.scatter.add.f32 [tilespmem:s3], [sflag:$0x7], $0x50, s10, s25, $0xb8;
	[tilespmem:$0x12C00] =	vst v63  }
0x377: {  	s10 =	sadd.s32 $0x1F80, s9  }
0x378: {  	[spmem:s2] =	stream.indirect.scatter.add.f32 [tilespmem:s30], [sflag:$0x8], $0x50, s10, s25, $0xb8;
	[tilespmem:$0x12C00] =	vst v63  }
0x379: {  	p0 =	seq.s32 s0, $0x2000;
	_ =	swait.ge [sflag:s11], $0x2800  }
.Ltmp16:
0x37a: {  	[sflag:s11] =	ssyncset.done $0x0;
	(pc) =	sbr.rel @p0 .LBB2_25-.Ltmp16, $4  }
0x37b: {  	[sflag:s11] =	ssyncadd.s32 $0xFFFFD800  }
0x37c: {  	_ =	swait.ge [sflag:s12], $0x2800  }
0x37d: {  	[sflag:s12] =	ssyncset.done $0x0  }
0x37e: {  	[sflag:s12] =	ssyncadd.s32 $0xFFFFD800  }
.Ltmp17:
0x37f: {  	(pc) =	sbr.rel .LBB2_23-.Ltmp17, $4  }
0x380: {  	s10 =	sadd.s32 $0x200, s9  }
0x381: {  	[tilespmem:s26], [sflag:$0x1] =	stream.indirect.gather [hbm4b:s5+s25], $0x50, s10, s25, $0xb8;
	[tilespmem:$0x12C00] =	vst v63  }
0x382: {  	s0 =	sadd.s32 $0x400, s0;
	s10 =	sadd.s32 $0xC00, s9  }
0x383: {  	[tilespmem:s28], [sflag:$0x2] =	stream.indirect.gather [hbm4b:s5+s25], $0x50, s10, s25, $0xb8;
	[tilespmem:$0x12C00] =	vst v63  }
.LBB2_26:
0x384: {  	_ =	sfence.sel $0x180000  }
0x385: {  	[bflag:$0x0] =	sbarrier.arrive $0xFFFF  }
0x386: {  	_ =	strace $0x90000047  }
0x387: {  	s0 =	stileid.u32;
	[bflag:$0x2] =	sbarrier.arrive $0xFFFF  }
0x388: {  	p0 =	sne.s32 s0, $0x0;
	s0 =	rddreg [dreg:$0x3]  }
0x389: {  	s0 =	sadd.s32 @!p0 $0x100000, s0  }
0x38a: {  	[sflag:s0] =	ssyncadd.tile.s32 @!p0 $0x1;
	_ =	shalt  }
.Lfunc_end2:
_tile_overlayer_lowered:
.L_overlay_start_2:
0x38b: {  	(tag) =	ssettag $0x2  }
0x38c: {  	s0 =	rddreg [dreg:$0x0];
	s2 =	stileid.u32  }
0x38d: {  	s1 =	rddreg [dreg:$0x1];
	p0 =	sne.s32 s2, $0x0  }
0x38e: {  	s3 =	rddreg [dreg:$0x2];
	[bflag:$0x3] =	sbarrier.arrive $0xFFFF;
	s2 =	simm.s32 @!p0 $0x1C09  }
0x38f: {  	[timem:s3], [sflag:s2] =	dma.local @!p0 [hbm:s0], s1  }
0x390: {  	s0 =	simm.s32 @!p0 $0x9  }
0x391: {  	_ =	swait.ge @!p0 [sflag:s0], s1  }
0x392: {  	s1 =	ssub.s32 @!p0 $0x0, s1;
	[sflag:s0] =	ssyncset.done @!p0 $0x0  }
0x393: {  	[sflag:s0] =	ssyncadd.s32 @!p0 s1  }
0x394: {  	[bflag:$0x3] =	sbarrier.arrive $0xFFFF  }
0x395: {  	_ =	shalt  }

</sc_bundles>
